<compile_context>
chip_gen: v7x
topology: tpu7x:2x2x1
jax: 0.10.2.dev20260603
libtpu: 0.0.44.dev20260713+nightly
codegen_flags: <defaults>
</compile_context>

<pallas_src>
import functools

import jax
import jax.numpy as jnp
from jax import lax
from jax.experimental import pallas as pl
from jax.experimental.pallas import tpu as pltpu
from jax.experimental.pallas import tpu_sc as plsc

CLS = 1000
CLSP = 1024
FEAT = 64
NSAMP = 1_000_000
CHUNK = 160
BLOCKS = CHUNK // 16
NCHUNKS = NSAMP // CHUNK
NW = 32
NC = 2

DWORDS = 2 * CHUNK * FEAT
CWORDS = CLS * FEAT
DSLICE = DWORDS - 56
CSLICE = CWORDS - 56


def _sc_partials(data_flat, label, center_flat):
  mesh = plsc.VectorSubcoreMesh(core_axis_name="c", subcore_axis_name="s")

  @functools.partial(
      pl.kernel,
      out_type=(
          jax.ShapeDtypeStruct((NW, CLSP), jnp.float32),
          jax.ShapeDtypeStruct((NW, CLSP), jnp.float32),
      ),
      mesh=mesh,
      compiler_params=pltpu.CompilerParams(
          needs_layout_passes=False, use_tc_tiling_on_sc=False),
      scratch_types=[
          pltpu.VMEM((CWORDS,), jnp.float32),
          pltpu.VMEM((DWORDS,), jnp.float32),
          pltpu.VMEM((2 * CHUNK,), jnp.float32),
          pltpu.VMEM((16, CLSP), jnp.float32),
          pltpu.VMEM((16, CLSP), jnp.float32),
          pltpu.VMEM((CLSP,), jnp.float32),
          pltpu.VMEM((CLSP,), jnp.float32),
          pltpu.SemaphoreType.DMA,
          pltpu.SemaphoreType.DMA,
      ],
  )
  def k(data_hbm, label_hbm, center_hbm, s_out, cnt_out,
        center_v, data_v, lbl_v, s_v, cnt_v, sf_v, cf_v, sem0, sem1):
    wid = lax.axis_index("s") * NC + lax.axis_index("c")

    zero16 = jnp.zeros((16,), jnp.float32)
    ones16 = jnp.ones((16,), jnp.float32)
    iota16 = lax.iota(jnp.int32, 16)

    def zero_body(g, _):
      for j in range(16):
        s_v[j, pl.ds(g * 16, 16)] = zero16
        cnt_v[j, pl.ds(g * 16, 16)] = zero16
      return 0

    lax.fori_loop(0, CLSP // 16, zero_body, 0)

    pltpu.sync_copy(center_hbm, center_v)

    nchunks_w = (NCHUNKS - wid + NW - 1) // NW

    def issue(c, slot, sem):
      pltpu.async_copy(
          data_hbm.at[pl.ds(c * CHUNK * FEAT, CHUNK * FEAT)],
          data_v.at[pl.ds(slot * CHUNK * FEAT, CHUNK * FEAT)], sem)
      pltpu.async_copy(
          label_hbm.at[pl.ds(c * CHUNK, CHUNK)],
          lbl_v.at[pl.ds(slot * CHUNK, CHUNK)], sem)

    def wait(slot, sem):
      pltpu.make_async_copy(
          data_hbm.at[pl.ds(0, CHUNK * FEAT)],
          data_v.at[pl.ds(slot * CHUNK * FEAT, CHUNK * FEAT)], sem).wait()
      pltpu.make_async_copy(
          label_hbm.at[pl.ds(0, CHUNK)],
          lbl_v.at[pl.ds(slot * CHUNK, CHUNK)], sem).wait()

    issue(wid, 0, sem0)

    def chunk_body(kk, _):
      slot = kk % 2

      @pl.when(slot == 0)
      def _():
        wait(0, sem0)

      @pl.when(slot == 1)
      def _():
        wait(1, sem1)

      has_next = kk + 1 < nchunks_w
      c_next = wid + (kk + 1) * NW

      @pl.when(has_next & (slot == 0))
      def _():
        issue(c_next, 1, sem1)

      @pl.when(has_next & (slot == 1))
      def _():
        issue(c_next, 0, sem0)

      def one_block(b):
        lbase = slot * CHUNK + b * 16
        lbl = lbl_v[pl.ds(lbase, 16)].astype(jnp.int32)
        row64 = lax.shift_left(lbase + iota16, 6)
        lbl64 = lax.shift_left(lbl, 6)
        rows = [row64 + r for r in range(8)]
        lbls = [lbl64 + r for r in range(8)]
        accs = [jnp.zeros((16,), jnp.float32) for _ in range(4)]
        for f in range(FEAT):
          g, r = 8 * (f // 8), f % 8
          d = plsc.load_gather(data_v.at[pl.ds(g, DSLICE)], [rows[r]])
          ce = plsc.load_gather(center_v.at[pl.ds(g, CSLICE)], [lbls[r]])
          diff = d - ce
          accs[f % 4] = accs[f % 4] + diff * diff
        acc = (accs[0] + accs[1]) + (accs[2] + accs[3])
        bits = plsc.bitcast(acc, jnp.int32)
        y = plsc.bitcast(
            0x5F3759DF - lax.shift_right_logical(bits, 1), jnp.float32)
        h = 0.5 * acc
        for _ in range(3):
          y = y * (1.5 - (h * y) * y)
        dist = acc * y
        plsc.addupdate_scatter(s_v, [iota16, lbl], dist)
        plsc.addupdate_scatter(cnt_v, [iota16, lbl], ones16)

      def block_body(b, _):
        one_block(2 * b)
        one_block(2 * b + 1)
        return 0

      lax.fori_loop(0, BLOCKS // 2, block_body, 0)
      return 0

    lax.fori_loop(0, nchunks_w, chunk_body, 0)

    def fold_body(g, _):
      s_acc = jnp.zeros((16,), jnp.float32)
      c_acc = jnp.zeros((16,), jnp.float32)
      for j in range(16):
        s_acc = s_acc + s_v[j, pl.ds(g * 16, 16)]
        c_acc = c_acc + cnt_v[j, pl.ds(g * 16, 16)]
      sf_v[pl.ds(g * 16, 16)] = s_acc
      cf_v[pl.ds(g * 16, 16)] = c_acc
      return 0

    lax.fori_loop(0, CLSP // 16, fold_body, 0)

    pltpu.sync_copy(sf_v, s_out.at[wid])
    pltpu.sync_copy(cf_v, cnt_out.at[wid])

  return k(data_flat, label, center_flat)


def _tc_reduce(s_part, cnt_part):
  def body(s_ref, c_ref, o_ref):
    s = jnp.sum(s_ref[...], axis=0)
    c = jnp.sum(c_ref[...], axis=0)
    o_ref[0, 0] = jnp.sum(jnp.where(c > 0.0, s / c, 0.0))

  out = pl.pallas_call(
      body,
      out_shape=jax.ShapeDtypeStruct((1, 1), jnp.float32),
      out_specs=pl.BlockSpec(memory_space=pltpu.SMEM),
  )(s_part, cnt_part)
  return out[0, 0]


def kernel(data, label, center):
  s_part, cnt_part = _sc_partials(
      data.reshape(-1), label, center.reshape(-1))
  return _tc_reduce(s_part, cnt_part)

# --- scband reference (transcript-rebuilt; emitter-appended) ---
"""Pipeline reference for scband-my-center-loss-31550829756575 (READ-ONLY COPY).

The authoritative reference and input builder live on the scoring server;
editing this copy changes nothing except your own understanding.
"""

import jax, jax.numpy as jnp
import numpy as np

CLS_NUM = 1000
FEAT = 64
N = 1000000


def setup_inputs(seed: int = 0) -> dict:
    key = jax.random.key(seed)
    k1, k2, k3 = jax.random.split(key, 3)
    data = jax.random.normal(k1, (N, FEAT), dtype=jnp.float32)
    # torch.histc requires float labels; values are integers in [0, CLS_NUM)
    label = jax.random.randint(k2, (N,), 0, CLS_NUM).astype(jnp.float32)
    # nn.Parameter(torch.randn(cls_num, feature_num))
    center = jax.random.normal(k3, (CLS_NUM, FEAT), dtype=jnp.float32)
    return {"data": data, "label": label, "center": center}


def reference(data, label, center):
    idx = label.astype(jnp.int32)
    # center_exp = torch.index_select(center, 0, label.long())
    center_exp = jnp.take(center, idx, axis=0)
    # count = torch.histc(label, bins=cls_num, min=0, max=cls_num-1)
    # integer labels in [0, cls_num) map exactly to bincount
    count = jnp.bincount(idx, length=CLS_NUM).astype(jnp.float32)
    # count_exp = torch.index_select(count, 0, label.long())
    count_exp = jnp.take(count, idx, axis=0)
    # sum( sqrt(sum((data - center_exp)^2, dim=1)) / count_exp )
    dist = jnp.sqrt(jnp.sum(jnp.power(data - center_exp, 2), axis=1))
    loss = jnp.sum(dist / count_exp)
    return loss

if __name__ == "__main__":
    import jax
    _d = setup_inputs()
    print(jax.jit(kernel)(*tuple(_d.values())))

</pallas_src>

<mosaic_0001>
#map = affine_map<(d0, d1) -> (0)>
#map1 = affine_map<(d0, d1) -> (0, 0)>
module attributes {stable_mosaic.version = 14 : i64} {
  func.func @k(%arg0: i32, %arg1: i32, %arg2: memref<64000000xf32, #tpu.memory_space<hbm>>, %arg3: memref<1000000xf32, #tpu.memory_space<hbm>>, %arg4: memref<64000xf32, #tpu.memory_space<hbm>>, %arg5: memref<32x1024xf32, #tpu.memory_space<hbm>>, %arg6: memref<32x1024xf32, #tpu.memory_space<hbm>>, %arg7: memref<64000xf32, #tpu.memory_space<vmem>>, %arg8: memref<20480xf32, #tpu.memory_space<vmem>>, %arg9: memref<320xf32, #tpu.memory_space<vmem>>, %arg10: memref<16x1024xf32, #tpu.memory_space<vmem>>, %arg11: memref<16x1024xf32, #tpu.memory_space<vmem>>, %arg12: memref<1024xf32, #tpu.memory_space<vmem>>, %arg13: memref<1024xf32, #tpu.memory_space<vmem>>, %arg14: memref<!tpu.dma_semaphore, #tpu.memory_space<semaphore_mem>>, %arg15: memref<!tpu.dma_semaphore, #tpu.memory_space<semaphore_mem>>) attributes {dimension_semantics = [#tpu.dimension_semantics<core_parallel>, #tpu.dimension_semantics<subcore_parallel>], iteration_bounds = array<i64: 2, 16>, scalar_prefetch = 0 : i64, scratch_operands = 9 : i64, tpu.core_type = #tpu.core_type<sc_vector_subcore>, window_params = [{transform_indices = #map}, {transform_indices = #map}, {transform_indices = #map}, {transform_indices = #map1}, {transform_indices = #map1}]} {
    %mul3A = arith.constant 2 : i32
    %mul3A_0 = arith.muli %arg1, %mul3A : i32
    %add3A = arith.addi %mul3A_0, %arg0 : i32
    %broadcast_in_dim3A = arith.constant 0.000000e+00 : f32
    %broadcast_in_dim3A_1 = vector.broadcast %broadcast_in_dim3A : f32 to vector<16xf32>
    %broadcast_in_dim3A_2 = arith.constant 1.000000e+00 : f32
    %broadcast_in_dim3A_3 = vector.broadcast %broadcast_in_dim3A_2 : f32 to vector<16xf32>
    %iota3A = tpu.iota {dimensions = array<i32: 0>} : vector<16xi32>
    %scan3A = arith.constant 0 : i32
    %scan3A_4 = arith.constant 0 : i32
    %scan3A_5 = arith.constant 64 : i32
    %scan3A_6 = arith.addi %scan3A_4, %scan3A_5 : i32
    %scan3A_7 = arith.constant 1 : i32
    %scan3A_8 = scf.for %scan3A_67 = %scan3A_4 to %scan3A_6 step %scan3A_7 iter_args(%scan3A_68 = %scan3A) -> (i32)  : i32 {
      %mul3A_69 = arith.constant 16 : i32
      %mul3A_70 = arith.muli %scan3A_67, %mul3A_69 : i32
      %swap3A = arith.constant 0 : i32
      %swap3A_71 = arith.index_cast %swap3A : i32 to index
      %swap3A_72 = arith.index_cast %mul3A_70 : i32 to index
      %swap3A_73 = tpu.vector_load %arg10[%swap3A_71, %swap3A_72] {strides = array<i32>} : memref<16x1024xf32, #tpu.memory_space<vmem>>, vector<16xf32>,
      tpu.vector_store %arg10[%swap3A_71, %swap3A_72], %broadcast_in_dim3A_1 {strides = array<i32>} : memref<16x1024xf32, #tpu.memory_space<vmem>>, vector<16xf32>,
      %mul3A_74 = arith.constant 16 : i32
      %mul3A_75 = arith.muli %scan3A_67, %mul3A_74 : i32
      %swap3A_76 = arith.constant 0 : i32
      %swap3A_77 = arith.index_cast %swap3A_76 : i32 to index
      %swap3A_78 = arith.index_cast %mul3A_75 : i32 to index
      %swap3A_79 = tpu.vector_load %arg11[%swap3A_77, %swap3A_78] {strides = array<i32>} : memref<16x1024xf32, #tpu.memory_space<vmem>>, vector<16xf32>,
      tpu.vector_store %arg11[%swap3A_77, %swap3A_78], %broadcast_in_dim3A_1 {strides = array<i32>} : memref<16x1024xf32, #tpu.memory_space<vmem>>, vector<16xf32>,
      %mul3A_80 = arith.constant 16 : i32
      %mul3A_81 = arith.muli %scan3A_67, %mul3A_80 : i32
      %swap3A_82 = arith.constant 1 : i32
      %swap3A_83 = arith.index_cast %swap3A_82 : i32 to index
      %swap3A_84 = arith.index_cast %mul3A_81 : i32 to index
      %swap3A_85 = tpu.vector_load %arg10[%swap3A_83, %swap3A_84] {strides = array<i32>} : memref<16x1024xf32, #tpu.memory_space<vmem>>, vector<16xf32>,
      tpu.vector_store %arg10[%swap3A_83, %swap3A_84], %broadcast_in_dim3A_1 {strides = array<i32>} : memref<16x1024xf32, #tpu.memory_space<vmem>>, vector<16xf32>,
      %mul3A_86 = arith.constant 16 : i32
      %mul3A_87 = arith.muli %scan3A_67, %mul3A_86 : i32
      %swap3A_88 = arith.constant 1 : i32
      %swap3A_89 = arith.index_cast %swap3A_88 : i32 to index
      %swap3A_90 = arith.index_cast %mul3A_87 : i32 to index
      %swap3A_91 = tpu.vector_load %arg11[%swap3A_89, %swap3A_90] {strides = array<i32>} : memref<16x1024xf32, #tpu.memory_space<vmem>>, vector<16xf32>,
      tpu.vector_store %arg11[%swap3A_89, %swap3A_90], %broadcast_in_dim3A_1 {strides = array<i32>} : memref<16x1024xf32, #tpu.memory_space<vmem>>, vector<16xf32>,
      %mul3A_92 = arith.constant 16 : i32
      %mul3A_93 = arith.muli %scan3A_67, %mul3A_92 : i32
      %swap3A_94 = arith.constant 2 : i32
      %swap3A_95 = arith.index_cast %swap3A_94 : i32 to index
      %swap3A_96 = arith.index_cast %mul3A_93 : i32 to index
      %swap3A_97 = tpu.vector_load %arg10[%swap3A_95, %swap3A_96] {strides = array<i32>} : memref<16x1024xf32, #tpu.memory_space<vmem>>, vector<16xf32>,
      tpu.vector_store %arg10[%swap3A_95, %swap3A_96], %broadcast_in_dim3A_1 {strides = array<i32>} : memref<16x1024xf32, #tpu.memory_space<vmem>>, vector<16xf32>,
      %mul3A_98 = arith.constant 16 : i32
      %mul3A_99 = arith.muli %scan3A_67, %mul3A_98 : i32
      %swap3A_100 = arith.constant 2 : i32
      %swap3A_101 = arith.index_cast %swap3A_100 : i32 to index
      %swap3A_102 = arith.index_cast %mul3A_99 : i32 to index
      %swap3A_103 = tpu.vector_load %arg11[%swap3A_101, %swap3A_102] {strides = array<i32>} : memref<16x1024xf32, #tpu.memory_space<vmem>>, vector<16xf32>,
      tpu.vector_store %arg11[%swap3A_101, %swap3A_102], %broadcast_in_dim3A_1 {strides = array<i32>} : memref<16x1024xf32, #tpu.memory_space<vmem>>, vector<16xf32>,
      %mul3A_104 = arith.constant 16 : i32
      %mul3A_105 = arith.muli %scan3A_67, %mul3A_104 : i32
      %swap3A_106 = arith.constant 3 : i32
      %swap3A_107 = arith.index_cast %swap3A_106 : i32 to index
      %swap3A_108 = arith.index_cast %mul3A_105 : i32 to index
      %swap3A_109 = tpu.vector_load %arg10[%swap3A_107, %swap3A_108] {strides = array<i32>} : memref<16x1024xf32, #tpu.memory_space<vmem>>, vector<16xf32>,
      tpu.vector_store %arg10[%swap3A_107, %swap3A_108], %broadcast_in_dim3A_1 {strides = array<i32>} : memref<16x1024xf32, #tpu.memory_space<vmem>>, vector<16xf32>,
      %mul3A_110 = arith.constant 16 : i32
      %mul3A_111 = arith.muli %scan3A_67, %mul3A_110 : i32
      %swap3A_112 = arith.constant 3 : i32
      %swap3A_113 = arith.index_cast %swap3A_112 : i32 to index
      %swap3A_114 = arith.index_cast %mul3A_111 : i32 to index
      %swap3A_115 = tpu.vector_load %arg11[%swap3A_113, %swap3A_114] {strides = array<i32>} : memref<16x1024xf32, #tpu.memory_space<vmem>>, vector<16xf32>,
      tpu.vector_store %arg11[%swap3A_113, %swap3A_114], %broadcast_in_dim3A_1 {strides = array<i32>} : memref<16x1024xf32, #tpu.memory_space<vmem>>, vector<16xf32>,
      %mul3A_116 = arith.constant 16 : i32
      %mul3A_117 = arith.muli %scan3A_67, %mul3A_116 : i32
      %swap3A_118 = arith.constant 4 : i32
      %swap3A_119 = arith.index_cast %swap3A_118 : i32 to index
      %swap3A_120 = arith.index_cast %mul3A_117 : i32 to index
      %swap3A_121 = tpu.vector_load %arg10[%swap3A_119, %swap3A_120] {strides = array<i32>} : memref<16x1024xf32, #tpu.memory_space<vmem>>, vector<16xf32>,
      tpu.vector_store %arg10[%swap3A_119, %swap3A_120], %broadcast_in_dim3A_1 {strides = array<i32>} : memref<16x1024xf32, #tpu.memory_space<vmem>>, vector<16xf32>,
      %mul3A_122 = arith.constant 16 : i32
      %mul3A_123 = arith.muli %scan3A_67, %mul3A_122 : i32
      %swap3A_124 = arith.constant 4 : i32
      %swap3A_125 = arith.index_cast %swap3A_124 : i32 to index
      %swap3A_126 = arith.index_cast %mul3A_123 : i32 to index
      %swap3A_127 = tpu.vector_load %arg11[%swap3A_125, %swap3A_126] {strides = array<i32>} : memref<16x1024xf32, #tpu.memory_space<vmem>>, vector<16xf32>,
      tpu.vector_store %arg11[%swap3A_125, %swap3A_126], %broadcast_in_dim3A_1 {strides = array<i32>} : memref<16x1024xf32, #tpu.memory_space<vmem>>, vector<16xf32>,
      %mul3A_128 = arith.constant 16 : i32
      %mul3A_129 = arith.muli %scan3A_67, %mul3A_128 : i32
      %swap3A_130 = arith.constant 5 : i32
      %swap3A_131 = arith.index_cast %swap3A_130 : i32 to index
      %swap3A_132 = arith.index_cast %mul3A_129 : i32 to index
      %swap3A_133 = tpu.vector_load %arg10[%swap3A_131, %swap3A_132] {strides = array<i32>} : memref<16x1024xf32, #tpu.memory_space<vmem>>, vector<16xf32>,
      tpu.vector_store %arg10[%swap3A_131, %swap3A_132], %broadcast_in_dim3A_1 {strides = array<i32>} : memref<16x1024xf32, #tpu.memory_space<vmem>>, vector<16xf32>,
      %mul3A_134 = arith.constant 16 : i32
      %mul3A_135 = arith.muli %scan3A_67, %mul3A_134 : i32
      %swap3A_136 = arith.constant 5 : i32
      %swap3A_137 = arith.index_cast %swap3A_136 : i32 to index
      %swap3A_138 = arith.index_cast %mul3A_135 : i32 to index
      %swap3A_139 = tpu.vector_load %arg11[%swap3A_137, %swap3A_138] {strides = array<i32>} : memref<16x1024xf32, #tpu.memory_space<vmem>>, vector<16xf32>,
      tpu.vector_store %arg11[%swap3A_137, %swap3A_138], %broadcast_in_dim3A_1 {strides = array<i32>} : memref<16x1024xf32, #tpu.memory_space<vmem>>, vector<16xf32>,
      %mul3A_140 = arith.constant 16 : i32
      %mul3A_141 = arith.muli %scan3A_67, %mul3A_140 : i32
      %swap3A_142 = arith.constant 6 : i32
      %swap3A_143 = arith.index_cast %swap3A_142 : i32 to index
      %swap3A_144 = arith.index_cast %mul3A_141 : i32 to index
      %swap3A_145 = tpu.vector_load %arg10[%swap3A_143, %swap3A_144] {strides = array<i32>} : memref<16x1024xf32, #tpu.memory_space<vmem>>, vector<16xf32>,
      tpu.vector_store %arg10[%swap3A_143, %swap3A_144], %broadcast_in_dim3A_1 {strides = array<i32>} : memref<16x1024xf32, #tpu.memory_space<vmem>>, vector<16xf32>,
      %mul3A_146 = arith.constant 16 : i32
      %mul3A_147 = arith.muli %scan3A_67, %mul3A_146 : i32
      %swap3A_148 = arith.constant 6 : i32
      %swap3A_149 = arith.index_cast %swap3A_148 : i32 to index
      %swap3A_150 = arith.index_cast %mul3A_147 : i32 to index
      %swap3A_151 = tpu.vector_load %arg11[%swap3A_149, %swap3A_150] {strides = array<i32>} : memref<16x1024xf32, #tpu.memory_space<vmem>>, vector<16xf32>,
      tpu.vector_store %arg11[%swap3A_149, %swap3A_150], %broadcast_in_dim3A_1 {strides = array<i32>} : memref<16x1024xf32, #tpu.memory_space<vmem>>, vector<16xf32>,
      %mul3A_152 = arith.constant 16 : i32
      %mul3A_153 = arith.muli %scan3A_67, %mul3A_152 : i32
      %swap3A_154 = arith.constant 7 : i32
      %swap3A_155 = arith.index_cast %swap3A_154 : i32 to index
      %swap3A_156 = arith.index_cast %mul3A_153 : i32 to index
      %swap3A_157 = tpu.vector_load %arg10[%swap3A_155, %swap3A_156] {strides = array<i32>} : memref<16x1024xf32, #tpu.memory_space<vmem>>, vector<16xf32>,
      tpu.vector_store %arg10[%swap3A_155, %swap3A_156], %broadcast_in_dim3A_1 {strides = array<i32>} : memref<16x1024xf32, #tpu.memory_space<vmem>>, vector<16xf32>,
      %mul3A_158 = arith.constant 16 : i32
      %mul3A_159 = arith.muli %scan3A_67, %mul3A_158 : i32
      %swap3A_160 = arith.constant 7 : i32
      %swap3A_161 = arith.index_cast %swap3A_160 : i32 to index
      %swap3A_162 = arith.index_cast %mul3A_159 : i32 to index
      %swap3A_163 = tpu.vector_load %arg11[%swap3A_161, %swap3A_162] {strides = array<i32>} : memref<16x1024xf32, #tpu.memory_space<vmem>>, vector<16xf32>,
      tpu.vector_store %arg11[%swap3A_161, %swap3A_162], %broadcast_in_dim3A_1 {strides = array<i32>} : memref<16x1024xf32, #tpu.memory_space<vmem>>, vector<16xf32>,
      %mul3A_164 = arith.constant 16 : i32
      %mul3A_165 = arith.muli %scan3A_67, %mul3A_164 : i32
      %swap3A_166 = arith.constant 8 : i32
      %swap3A_167 = arith.index_cast %swap3A_166 : i32 to index
      %swap3A_168 = arith.index_cast %mul3A_165 : i32 to index
      %swap3A_169 = tpu.vector_load %arg10[%swap3A_167, %swap3A_168] {strides = array<i32>} : memref<16x1024xf32, #tpu.memory_space<vmem>>, vector<16xf32>,
      tpu.vector_store %arg10[%swap3A_167, %swap3A_168], %broadcast_in_dim3A_1 {strides = array<i32>} : memref<16x1024xf32, #tpu.memory_space<vmem>>, vector<16xf32>,
      %mul3A_170 = arith.constant 16 : i32
      %mul3A_171 = arith.muli %scan3A_67, %mul3A_170 : i32
      %swap3A_172 = arith.constant 8 : i32
      %swap3A_173 = arith.index_cast %swap3A_172 : i32 to index
      %swap3A_174 = arith.index_cast %mul3A_171 : i32 to index
      %swap3A_175 = tpu.vector_load %arg11[%swap3A_173, %swap3A_174] {strides = array<i32>} : memref<16x1024xf32, #tpu.memory_space<vmem>>, vector<16xf32>,
      tpu.vector_store %arg11[%swap3A_173, %swap3A_174], %broadcast_in_dim3A_1 {strides = array<i32>} : memref<16x1024xf32, #tpu.memory_space<vmem>>, vector<16xf32>,
      %mul3A_176 = arith.constant 16 : i32
      %mul3A_177 = arith.muli %scan3A_67, %mul3A_176 : i32
      %swap3A_178 = arith.constant 9 : i32
      %swap3A_179 = arith.index_cast %swap3A_178 : i32 to index
      %swap3A_180 = arith.index_cast %mul3A_177 : i32 to index
      %swap3A_181 = tpu.vector_load %arg10[%swap3A_179, %swap3A_180] {strides = array<i32>} : memref<16x1024xf32, #tpu.memory_space<vmem>>, vector<16xf32>,
      tpu.vector_store %arg10[%swap3A_179, %swap3A_180], %broadcast_in_dim3A_1 {strides = array<i32>} : memref<16x1024xf32, #tpu.memory_space<vmem>>, vector<16xf32>,
      %mul3A_182 = arith.constant 16 : i32
      %mul3A_183 = arith.muli %scan3A_67, %mul3A_182 : i32
      %swap3A_184 = arith.constant 9 : i32
      %swap3A_185 = arith.index_cast %swap3A_184 : i32 to index
      %swap3A_186 = arith.index_cast %mul3A_183 : i32 to index
      %swap3A_187 = tpu.vector_load %arg11[%swap3A_185, %swap3A_186] {strides = array<i32>} : memref<16x1024xf32, #tpu.memory_space<vmem>>, vector<16xf32>,
      tpu.vector_store %arg11[%swap3A_185, %swap3A_186], %broadcast_in_dim3A_1 {strides = array<i32>} : memref<16x1024xf32, #tpu.memory_space<vmem>>, vector<16xf32>,
      %mul3A_188 = arith.constant 16 : i32
      %mul3A_189 = arith.muli %scan3A_67, %mul3A_188 : i32
      %swap3A_190 = arith.constant 10 : i32
      %swap3A_191 = arith.index_cast %swap3A_190 : i32 to index
      %swap3A_192 = arith.index_cast %mul3A_189 : i32 to index
      %swap3A_193 = tpu.vector_load %arg10[%swap3A_191, %swap3A_192] {strides = array<i32>} : memref<16x1024xf32, #tpu.memory_space<vmem>>, vector<16xf32>,
      tpu.vector_store %arg10[%swap3A_191, %swap3A_192], %broadcast_in_dim3A_1 {strides = array<i32>} : memref<16x1024xf32, #tpu.memory_space<vmem>>, vector<16xf32>,
      %mul3A_194 = arith.constant 16 : i32
      %mul3A_195 = arith.muli %scan3A_67, %mul3A_194 : i32
      %swap3A_196 = arith.constant 10 : i32
      %swap3A_197 = arith.index_cast %swap3A_196 : i32 to index
      %swap3A_198 = arith.index_cast %mul3A_195 : i32 to index
      %swap3A_199 = tpu.vector_load %arg11[%swap3A_197, %swap3A_198] {strides = array<i32>} : memref<16x1024xf32, #tpu.memory_space<vmem>>, vector<16xf32>,
      tpu.vector_store %arg11[%swap3A_197, %swap3A_198], %broadcast_in_dim3A_1 {strides = array<i32>} : memref<16x1024xf32, #tpu.memory_space<vmem>>, vector<16xf32>,
      %mul3A_200 = arith.constant 16 : i32
      %mul3A_201 = arith.muli %scan3A_67, %mul3A_200 : i32
      %swap3A_202 = arith.constant 11 : i32
      %swap3A_203 = arith.index_cast %swap3A_202 : i32 to index
      %swap3A_204 = arith.index_cast %mul3A_201 : i32 to index
      %swap3A_205 = tpu.vector_load %arg10[%swap3A_203, %swap3A_204] {strides = array<i32>} : memref<16x1024xf32, #tpu.memory_space<vmem>>, vector<16xf32>,
      tpu.vector_store %arg10[%swap3A_203, %swap3A_204], %broadcast_in_dim3A_1 {strides = array<i32>} : memref<16x1024xf32, #tpu.memory_space<vmem>>, vector<16xf32>,
      %mul3A_206 = arith.constant 16 : i32
      %mul3A_207 = arith.muli %scan3A_67, %mul3A_206 : i32
      %swap3A_208 = arith.constant 11 : i32
      %swap3A_209 = arith.index_cast %swap3A_208 : i32 to index
      %swap3A_210 = arith.index_cast %mul3A_207 : i32 to index
      %swap3A_211 = tpu.vector_load %arg11[%swap3A_209, %swap3A_210] {strides = array<i32>} : memref<16x1024xf32, #tpu.memory_space<vmem>>, vector<16xf32>,
      tpu.vector_store %arg11[%swap3A_209, %swap3A_210], %broadcast_in_dim3A_1 {strides = array<i32>} : memref<16x1024xf32, #tpu.memory_space<vmem>>, vector<16xf32>,
      %mul3A_212 = arith.constant 16 : i32
      %mul3A_213 = arith.muli %scan3A_67, %mul3A_212 : i32
      %swap3A_214 = arith.constant 12 : i32
      %swap3A_215 = arith.index_cast %swap3A_214 : i32 to index
      %swap3A_216 = arith.index_cast %mul3A_213 : i32 to index
      %swap3A_217 = tpu.vector_load %arg10[%swap3A_215, %swap3A_216] {strides = array<i32>} : memref<16x1024xf32, #tpu.memory_space<vmem>>, vector<16xf32>,
      tpu.vector_store %arg10[%swap3A_215, %swap3A_216], %broadcast_in_dim3A_1 {strides = array<i32>} : memref<16x1024xf32, #tpu.memory_space<vmem>>, vector<16xf32>,
      %mul3A_218 = arith.constant 16 : i32
      %mul3A_219 = arith.muli %scan3A_67, %mul3A_218 : i32
      %swap3A_220 = arith.constant 12 : i32
      %swap3A_221 = arith.index_cast %swap3A_220 : i32 to index
      %swap3A_222 = arith.index_cast %mul3A_219 : i32 to index
      %swap3A_223 = tpu.vector_load %arg11[%swap3A_221, %swap3A_222] {strides = array<i32>} : memref<16x1024xf32, #tpu.memory_space<vmem>>, vector<16xf32>,
      tpu.vector_store %arg11[%swap3A_221, %swap3A_222], %broadcast_in_dim3A_1 {strides = array<i32>} : memref<16x1024xf32, #tpu.memory_space<vmem>>, vector<16xf32>,
      %mul3A_224 = arith.constant 16 : i32
      %mul3A_225 = arith.muli %scan3A_67, %mul3A_224 : i32
      %swap3A_226 = arith.constant 13 : i32
      %swap3A_227 = arith.index_cast %swap3A_226 : i32 to index
      %swap3A_228 = arith.index_cast %mul3A_225 : i32 to index
      %swap3A_229 = tpu.vector_load %arg10[%swap3A_227, %swap3A_228] {strides = array<i32>} : memref<16x1024xf32, #tpu.memory_space<vmem>>, vector<16xf32>,
      tpu.vector_store %arg10[%swap3A_227, %swap3A_228], %broadcast_in_dim3A_1 {strides = array<i32>} : memref<16x1024xf32, #tpu.memory_space<vmem>>, vector<16xf32>,
      %mul3A_230 = arith.constant 16 : i32
      %mul3A_231 = arith.muli %scan3A_67, %mul3A_230 : i32
      %swap3A_232 = arith.constant 13 : i32
      %swap3A_233 = arith.index_cast %swap3A_232 : i32 to index
      %swap3A_234 = arith.index_cast %mul3A_231 : i32 to index
      %swap3A_235 = tpu.vector_load %arg11[%swap3A_233, %swap3A_234] {strides = array<i32>} : memref<16x1024xf32, #tpu.memory_space<vmem>>, vector<16xf32>,
      tpu.vector_store %arg11[%swap3A_233, %swap3A_234], %broadcast_in_dim3A_1 {strides = array<i32>} : memref<16x1024xf32, #tpu.memory_space<vmem>>, vector<16xf32>,
      %mul3A_236 = arith.constant 16 : i32
      %mul3A_237 = arith.muli %scan3A_67, %mul3A_236 : i32
      %swap3A_238 = arith.constant 14 : i32
      %swap3A_239 = arith.index_cast %swap3A_238 : i32 to index
      %swap3A_240 = arith.index_cast %mul3A_237 : i32 to index
      %swap3A_241 = tpu.vector_load %arg10[%swap3A_239, %swap3A_240] {strides = array<i32>} : memref<16x1024xf32, #tpu.memory_space<vmem>>, vector<16xf32>,
      tpu.vector_store %arg10[%swap3A_239, %swap3A_240], %broadcast_in_dim3A_1 {strides = array<i32>} : memref<16x1024xf32, #tpu.memory_space<vmem>>, vector<16xf32>,
      %mul3A_242 = arith.constant 16 : i32
      %mul3A_243 = arith.muli %scan3A_67, %mul3A_242 : i32
      %swap3A_244 = arith.constant 14 : i32
      %swap3A_245 = arith.index_cast %swap3A_244 : i32 to index
      %swap3A_246 = arith.index_cast %mul3A_243 : i32 to index
      %swap3A_247 = tpu.vector_load %arg11[%swap3A_245, %swap3A_246] {strides = array<i32>} : memref<16x1024xf32, #tpu.memory_space<vmem>>, vector<16xf32>,
      tpu.vector_store %arg11[%swap3A_245, %swap3A_246], %broadcast_in_dim3A_1 {strides = array<i32>} : memref<16x1024xf32, #tpu.memory_space<vmem>>, vector<16xf32>,
      %mul3A_248 = arith.constant 16 : i32
      %mul3A_249 = arith.muli %scan3A_67, %mul3A_248 : i32
      %swap3A_250 = arith.constant 15 : i32
      %swap3A_251 = arith.index_cast %swap3A_250 : i32 to index
      %swap3A_252 = arith.index_cast %mul3A_249 : i32 to index
      %swap3A_253 = tpu.vector_load %arg10[%swap3A_251, %swap3A_252] {strides = array<i32>} : memref<16x1024xf32, #tpu.memory_space<vmem>>, vector<16xf32>,
      tpu.vector_store %arg10[%swap3A_251, %swap3A_252], %broadcast_in_dim3A_1 {strides = array<i32>} : memref<16x1024xf32, #tpu.memory_space<vmem>>, vector<16xf32>,
      %mul3A_254 = arith.constant 16 : i32
      %mul3A_255 = arith.muli %scan3A_67, %mul3A_254 : i32
      %swap3A_256 = arith.constant 15 : i32
      %swap3A_257 = arith.index_cast %swap3A_256 : i32 to index
      %swap3A_258 = arith.index_cast %mul3A_255 : i32 to index
      %swap3A_259 = tpu.vector_load %arg11[%swap3A_257, %swap3A_258] {strides = array<i32>} : memref<16x1024xf32, #tpu.memory_space<vmem>>, vector<16xf32>,
      tpu.vector_store %arg11[%swap3A_257, %swap3A_258], %broadcast_in_dim3A_1 {strides = array<i32>} : memref<16x1024xf32, #tpu.memory_space<vmem>>, vector<16xf32>,
      %scan3A_260 = arith.constant 0 : i32
      scf.yield %scan3A_260 : i32
    }
    %scan3A_9 = arith.constant 64 : i32
    "tpu.region"() ({
      %run_scoped3A = tpu.sem_alloc : memref<!tpu.dma_semaphore, #tpu.memory_space<semaphore_mem>>
      tpu.enqueue_dma source(%arg4 : memref<64000xf32, #tpu.memory_space<hbm>>) target(%arg7 : memref<64000xf32, #tpu.memory_space<vmem>>) target_semaphore(%run_scoped3A : memref<!tpu.dma_semaphore, #tpu.memory_space<semaphore_mem>>)
      tpu.wait_dma2 semaphore(%run_scoped3A : memref<!tpu.dma_semaphore, #tpu.memory_space<semaphore_mem>>) src(%arg4 : memref<64000xf32, #tpu.memory_space<hbm>>) dst(%arg7 : memref<64000xf32, #tpu.memory_space<vmem>>)
      tpu.yield
    }) : () -> ()
    %sub3A = arith.constant 6250 : i32
    %sub3A_10 = arith.subi %sub3A, %add3A : i32
    %add3A_11 = arith.constant 32 : i32
    %add3A_12 = arith.addi %sub3A_10, %add3A_11 : i32
    %sub3A_13 = arith.constant 1 : i32
    %sub3A_14 = arith.subi %add3A_12, %sub3A_13 : i32
    %jit3A = arith.constant 32 : i32
    %div3A = arith.divsi %sub3A_14, %jit3A : i32
    %sign3A = arith.constant 0 : i32
    %sign3A_15 = arith.cmpi sgt, %sub3A_14, %sign3A : i32
    %sign3A_16 = arith.extui %sign3A_15 : i1 to i32
    %sign3A_17 = arith.constant 0 : i32
    %sign3A_18 = arith.cmpi slt, %sub3A_14, %sign3A_17 : i32
    %sign3A_19 = arith.extui %sign3A_18 : i1 to i32
    %sign3A_20 = arith.subi %sign3A_16, %sign3A_19 : i32
    %sign3A_21 = arith.constant 0 : i32
    %sign3A_22 = arith.cmpi sgt, %jit3A, %sign3A_21 : i32
    %sign3A_23 = arith.extui %sign3A_22 : i1 to i32
    %sign3A_24 = arith.constant 0 : i32
    %sign3A_25 = arith.cmpi slt, %jit3A, %sign3A_24 : i32
    %sign3A_26 = arith.extui %sign3A_25 : i1 to i32
    %sign3A_27 = arith.subi %sign3A_23, %sign3A_26 : i32
    %ne3A = arith.cmpi ne, %sign3A_20, %sign3A_27 : i32
    %rem3A = arith.remsi %sub3A_14, %jit3A : i32
    %ne3A_28 = arith.constant 0 : i32
    %ne3A_29 = arith.cmpi ne, %rem3A, %ne3A_28 : i32
    %and3A = arith.andi %ne3A, %ne3A_29 : i1
    %sub3A_30 = arith.constant 1 : i32
    %sub3A_31 = arith.subi %div3A, %sub3A_30 : i32
    %select_n3A = arith.select %and3A, %sub3A_31, %div3A : i32
    %mul3A_32 = arith.constant 160 : i32
    %mul3A_33 = arith.muli %add3A, %mul3A_32 : i32
    %mul3A_34 = arith.constant 64 : i32
    %mul3A_35 = arith.muli %mul3A_33, %mul3A_34 : i32
    %dma_start3A = arith.constant 0 : i32
    %dma_start3A_36 = tpu.memref_slice %arg8[%dma_start3A] : memref<20480xf32, #tpu.memory_space<vmem>> -> memref<10240xf32, #tpu.memory_space<vmem>>
    %dma_start3A_37 = tpu.memref_slice %arg2[%mul3A_35] : memref<64000000xf32, #tpu.memory_space<hbm>> -> memref<10240xf32, #tpu.memory_space<hbm>>
    %dma_start3A_38 = arith.constant 0 : i32
    %dma_start3A_39 = tpu.memref_slice %arg8[%dma_start3A_38] : memref<20480xf32, #tpu.memory_space<vmem>> -> memref<10240xf32, #tpu.memory_space<vmem>>
    %dma_start3A_40 = tpu.memref_slice %arg2[%mul3A_35] : memref<64000000xf32, #tpu.memory_space<hbm>> -> memref<10240xf32, #tpu.memory_space<hbm>>
    tpu.enqueue_dma source(%dma_start3A_40 : memref<10240xf32, #tpu.memory_space<hbm>>) target(%dma_start3A_39 : memref<10240xf32, #tpu.memory_space<vmem>>) target_semaphore(%arg14 : memref<!tpu.dma_semaphore, #tpu.memory_space<semaphore_mem>>)
    %mul3A_41 = arith.constant 160 : i32
    %mul3A_42 = arith.muli %add3A, %mul3A_41 : i32
    %dma_start3A_43 = arith.constant 0 : i32
    %dma_start3A_44 = tpu.memref_slice %arg9[%dma_start3A_43] : memref<320xf32, #tpu.memory_space<vmem>> -> memref<160xf32, #tpu.memory_space<vmem>>
    %dma_start3A_45 = tpu.memref_slice %arg3[%mul3A_42] : memref<1000000xf32, #tpu.memory_space<hbm>> -> memref<160xf32, #tpu.memory_space<hbm>>
    %dma_start3A_46 = arith.constant 0 : i32
    %dma_start3A_47 = tpu.memref_slice %arg9[%dma_start3A_46] : memref<320xf32, #tpu.memory_space<vmem>> -> memref<160xf32, #tpu.memory_space<vmem>>
    %dma_start3A_48 = tpu.memref_slice %arg3[%mul3A_42] : memref<1000000xf32, #tpu.memory_space<hbm>> -> memref<160xf32, #tpu.memory_space<hbm>>
    tpu.enqueue_dma source(%dma_start3A_48 : memref<160xf32, #tpu.memory_space<hbm>>) target(%dma_start3A_47 : memref<160xf32, #tpu.memory_space<vmem>>) target_semaphore(%arg14 : memref<!tpu.dma_semaphore, #tpu.memory_space<semaphore_mem>>)
    %while3A = arith.constant 0 : i32
    %while3A_49 = arith.constant 0 : i32
    %while3A_50 = arith.subi %select_n3A, %while3A : i32
    %while3A_51 = arith.addi %while3A, %while3A_50 : i32
    %while3A_52 = arith.constant 1 : i32
    %while3A_53 = arith.divsi %while3A_50, %while3A_52 : i32
    %while3A_54 = arith.muli %while3A_53, %while3A_52 : i32
    %while3A_55 = arith.addi %while3A, %while3A_54 : i32
    %while3A_56 = arith.constant 1 : i32
    %while3A_57 = scf.for %while3A_67 = %while3A to %while3A_55 step %while3A_56 iter_args(%while3A_68 = %while3A_49) -> (i32)  : i32 {
      %jit3A_69 = arith.constant 2 : i32
      %eq3A = arith.constant 0 : i32
      %eq3A_70 = arith.cmpi eq, %jit3A_69, %eq3A : i32
      %jit3A_71 = arith.constant 1 : i32
      %select_n3A_72 = arith.select %eq3A_70, %jit3A_71, %jit3A_69 : i32
      %rem3A_73 = arith.remsi %while3A_67, %select_n3A_72 : i32
      %ne3A_74 = arith.constant 0 : i32
      %ne3A_75 = arith.cmpi ne, %rem3A_73, %ne3A_74 : i32
      %lt3A = arith.constant 0 : i32
      %lt3A_76 = arith.cmpi slt, %rem3A_73, %lt3A : i32
      %lt3A_77 = arith.constant 0 : i32
      %lt3A_78 = arith.cmpi slt, %select_n3A_72, %lt3A_77 : i32
      %ne3A_79 = arith.xori %lt3A_76, %lt3A_78 : i1
      %and3A_80 = arith.andi %ne3A_79, %ne3A_75 : i1
      %add3A_81 = arith.addi %rem3A_73, %select_n3A_72 : i32
      %select_n3A_82 = arith.select %and3A_80, %add3A_81, %rem3A_73 : i32
      %eq3A_83 = arith.constant 0 : i32
      %eq3A_84 = arith.cmpi eq, %select_n3A_82, %eq3A_83 : i32
      %convert_element_type3A = arith.extui %eq3A_84 : i1 to i32
      %cond3A = arith.constant 0 : i32
      %cond3A_85 = arith.cmpi ne, %convert_element_type3A, %cond3A : i32
      scf.if %cond3A_85 {
        %dma_wait3A = arith.constant 0 : i32
        %dma_wait3A_119 = tpu.memref_slice %arg8[%dma_wait3A] : memref<20480xf32, #tpu.memory_space<vmem>> -> memref<10240xf32, #tpu.memory_space<vmem>>
        %dma_wait3A_120 = arith.constant 0 : i32
        %dma_wait3A_121 = tpu.memref_slice %arg2[%dma_wait3A_120] : memref<64000000xf32, #tpu.memory_space<hbm>> -> memref<10240xf32, #tpu.memory_space<hbm>>
        %dma_wait3A_122 = arith.constant 0 : i32
        %dma_wait3A_123 = tpu.memref_slice %arg8[%dma_wait3A_122] : memref<20480xf32, #tpu.memory_space<vmem>> -> memref<10240xf32, #tpu.memory_space<vmem>>
        %dma_wait3A_124 = arith.constant 0 : i32
        %dma_wait3A_125 = tpu.memref_slice %arg2[%dma_wait3A_124] : memref<64000000xf32, #tpu.memory_space<hbm>> -> memref<10240xf32, #tpu.memory_space<hbm>>
        tpu.wait_dma2 semaphore(%arg14 : memref<!tpu.dma_semaphore, #tpu.memory_space<semaphore_mem>>) src(%dma_wait3A_125 : memref<10240xf32, #tpu.memory_space<hbm>>) dst(%dma_wait3A_123 : memref<10240xf32, #tpu.memory_space<vmem>>)
        %dma_wait3A_126 = arith.constant 0 : i32
        %dma_wait3A_127 = tpu.memref_slice %arg9[%dma_wait3A_126] : memref<320xf32, #tpu.memory_space<vmem>> -> memref<160xf32, #tpu.memory_space<vmem>>
        %dma_wait3A_128 = arith.constant 0 : i32
        %dma_wait3A_129 = tpu.memref_slice %arg3[%dma_wait3A_128] : memref<1000000xf32, #tpu.memory_space<hbm>> -> memref<160xf32, #tpu.memory_space<hbm>>
        %dma_wait3A_130 = arith.constant 0 : i32
        %dma_wait3A_131 = tpu.memref_slice %arg9[%dma_wait3A_130] : memref<320xf32, #tpu.memory_space<vmem>> -> memref<160xf32, #tpu.memory_space<vmem>>
        %dma_wait3A_132 = arith.constant 0 : i32
        %dma_wait3A_133 = tpu.memref_slice %arg3[%dma_wait3A_132] : memref<1000000xf32, #tpu.memory_space<hbm>> -> memref<160xf32, #tpu.memory_space<hbm>>
        tpu.wait_dma2 semaphore(%arg14 : memref<!tpu.dma_semaphore, #tpu.memory_space<semaphore_mem>>) src(%dma_wait3A_133 : memref<160xf32, #tpu.memory_space<hbm>>) dst(%dma_wait3A_131 : memref<160xf32, #tpu.memory_space<vmem>>)
      } else {
      }
      %eq3A_86 = arith.constant 1 : i32
      %eq3A_87 = arith.cmpi eq, %select_n3A_82, %eq3A_86 : i32
      %convert_element_type3A_88 = arith.extui %eq3A_87 : i1 to i32
      %cond3A_89 = arith.constant 0 : i32
      %cond3A_90 = arith.cmpi ne, %convert_element_type3A_88, %cond3A_89 : i32
      scf.if %cond3A_90 {
        %dma_wait3A = arith.constant 10240 : i32
        %dma_wait3A_119 = tpu.memref_slice %arg8[%dma_wait3A] : memref<20480xf32, #tpu.memory_space<vmem>> -> memref<10240xf32, #tpu.memory_space<vmem>>
        %dma_wait3A_120 = arith.constant 0 : i32
        %dma_wait3A_121 = tpu.memref_slice %arg2[%dma_wait3A_120] : memref<64000000xf32, #tpu.memory_space<hbm>> -> memref<10240xf32, #tpu.memory_space<hbm>>
        %dma_wait3A_122 = arith.constant 10240 : i32
        %dma_wait3A_123 = tpu.memref_slice %arg8[%dma_wait3A_122] : memref<20480xf32, #tpu.memory_space<vmem>> -> memref<10240xf32, #tpu.memory_space<vmem>>
        %dma_wait3A_124 = arith.constant 0 : i32
        %dma_wait3A_125 = tpu.memref_slice %arg2[%dma_wait3A_124] : memref<64000000xf32, #tpu.memory_space<hbm>> -> memref<10240xf32, #tpu.memory_space<hbm>>
        tpu.wait_dma2 semaphore(%arg15 : memref<!tpu.dma_semaphore, #tpu.memory_space<semaphore_mem>>) src(%dma_wait3A_125 : memref<10240xf32, #tpu.memory_space<hbm>>) dst(%dma_wait3A_123 : memref<10240xf32, #tpu.memory_space<vmem>>)
        %dma_wait3A_126 = arith.constant 160 : i32
        %dma_wait3A_127 = tpu.memref_slice %arg9[%dma_wait3A_126] : memref<320xf32, #tpu.memory_space<vmem>> -> memref<160xf32, #tpu.memory_space<vmem>>
        %dma_wait3A_128 = arith.constant 0 : i32
        %dma_wait3A_129 = tpu.memref_slice %arg3[%dma_wait3A_128] : memref<1000000xf32, #tpu.memory_space<hbm>> -> memref<160xf32, #tpu.memory_space<hbm>>
        %dma_wait3A_130 = arith.constant 160 : i32
        %dma_wait3A_131 = tpu.memref_slice %arg9[%dma_wait3A_130] : memref<320xf32, #tpu.memory_space<vmem>> -> memref<160xf32, #tpu.memory_space<vmem>>
        %dma_wait3A_132 = arith.constant 0 : i32
        %dma_wait3A_133 = tpu.memref_slice %arg3[%dma_wait3A_132] : memref<1000000xf32, #tpu.memory_space<hbm>> -> memref<160xf32, #tpu.memory_space<hbm>>
        tpu.wait_dma2 semaphore(%arg15 : memref<!tpu.dma_semaphore, #tpu.memory_space<semaphore_mem>>) src(%dma_wait3A_133 : memref<160xf32, #tpu.memory_space<hbm>>) dst(%dma_wait3A_131 : memref<160xf32, #tpu.memory_space<vmem>>)
      } else {
      }
      %add3A_91 = arith.constant 1 : i32
      %add3A_92 = arith.addi %while3A_67, %add3A_91 : i32
      %lt3A_93 = arith.cmpi slt, %add3A_92, %select_n3A : i32
      %add3A_94 = arith.constant 1 : i32
      %add3A_95 = arith.addi %while3A_67, %add3A_94 : i32
      %mul3A_96 = arith.constant 32 : i32
      %mul3A_97 = arith.muli %add3A_95, %mul3A_96 : i32
      %add3A_98 = arith.addi %add3A, %mul3A_97 : i32
      %eq3A_99 = arith.constant 0 : i32
      %eq3A_100 = arith.cmpi eq, %select_n3A_82, %eq3A_99 : i32
      %and3A_101 = arith.andi %lt3A_93, %eq3A_100 : i1
      %convert_element_type3A_102 = arith.extui %and3A_101 : i1 to i32
      %cond3A_103 = arith.constant 0 : i32
      %cond3A_104 = arith.cmpi ne, %convert_element_type3A_102, %cond3A_103 : i32
      scf.if %cond3A_104 {
        %mul3A_119 = arith.constant 160 : i32
        %mul3A_120 = arith.muli %add3A_98, %mul3A_119 : i32
        %mul3A_121 = arith.constant 64 : i32
        %mul3A_122 = arith.muli %mul3A_120, %mul3A_121 : i32
        %dma_start3A_123 = arith.constant 10240 : i32
        %dma_start3A_124 = tpu.memref_slice %arg8[%dma_start3A_123] : memref<20480xf32, #tpu.memory_space<vmem>> -> memref<10240xf32, #tpu.memory_space<vmem>>
        %dma_start3A_125 = tpu.memref_slice %arg2[%mul3A_122] : memref<64000000xf32, #tpu.memory_space<hbm>> -> memref<10240xf32, #tpu.memory_space<hbm>>
        %dma_start3A_126 = arith.constant 10240 : i32
        %dma_start3A_127 = tpu.memref_slice %arg8[%dma_start3A_126] : memref<20480xf32, #tpu.memory_space<vmem>> -> memref<10240xf32, #tpu.memory_space<vmem>>
        %dma_start3A_128 = tpu.memref_slice %arg2[%mul3A_122] : memref<64000000xf32, #tpu.memory_space<hbm>> -> memref<10240xf32, #tpu.memory_space<hbm>>
        tpu.enqueue_dma source(%dma_start3A_128 : memref<10240xf32, #tpu.memory_space<hbm>>) target(%dma_start3A_127 : memref<10240xf32, #tpu.memory_space<vmem>>) target_semaphore(%arg15 : memref<!tpu.dma_semaphore, #tpu.memory_space<semaphore_mem>>)
        %mul3A_129 = arith.constant 160 : i32
        %mul3A_130 = arith.muli %add3A_98, %mul3A_129 : i32
        %dma_start3A_131 = arith.constant 160 : i32
        %dma_start3A_132 = tpu.memref_slice %arg9[%dma_start3A_131] : memref<320xf32, #tpu.memory_space<vmem>> -> memref<160xf32, #tpu.memory_space<vmem>>
        %dma_start3A_133 = tpu.memref_slice %arg3[%mul3A_130] : memref<1000000xf32, #tpu.memory_space<hbm>> -> memref<160xf32, #tpu.memory_space<hbm>>
        %dma_start3A_134 = arith.constant 160 : i32
        %dma_start3A_135 = tpu.memref_slice %arg9[%dma_start3A_134] : memref<320xf32, #tpu.memory_space<vmem>> -> memref<160xf32, #tpu.memory_space<vmem>>
        %dma_start3A_136 = tpu.memref_slice %arg3[%mul3A_130] : memref<1000000xf32, #tpu.memory_space<hbm>> -> memref<160xf32, #tpu.memory_space<hbm>>
        tpu.enqueue_dma source(%dma_start3A_136 : memref<160xf32, #tpu.memory_space<hbm>>) target(%dma_start3A_135 : memref<160xf32, #tpu.memory_space<vmem>>) target_semaphore(%arg15 : memref<!tpu.dma_semaphore, #tpu.memory_space<semaphore_mem>>)
      } else {
      }
      %eq3A_105 = arith.constant 1 : i32
      %eq3A_106 = arith.cmpi eq, %select_n3A_82, %eq3A_105 : i32
      %and3A_107 = arith.andi %lt3A_93, %eq3A_106 : i1
      %convert_element_type3A_108 = arith.extui %and3A_107 : i1 to i32
      %cond3A_109 = arith.constant 0 : i32
      %cond3A_110 = arith.cmpi ne, %convert_element_type3A_108, %cond3A_109 : i32
      scf.if %cond3A_110 {
        %mul3A_119 = arith.constant 160 : i32
        %mul3A_120 = arith.muli %add3A_98, %mul3A_119 : i32
        %mul3A_121 = arith.constant 64 : i32
        %mul3A_122 = arith.muli %mul3A_120, %mul3A_121 : i32
        %dma_start3A_123 = arith.constant 0 : i32
        %dma_start3A_124 = tpu.memref_slice %arg8[%dma_start3A_123] : memref<20480xf32, #tpu.memory_space<vmem>> -> memref<10240xf32, #tpu.memory_space<vmem>>
        %dma_start3A_125 = tpu.memref_slice %arg2[%mul3A_122] : memref<64000000xf32, #tpu.memory_space<hbm>> -> memref<10240xf32, #tpu.memory_space<hbm>>
        %dma_start3A_126 = arith.constant 0 : i32
        %dma_start3A_127 = tpu.memref_slice %arg8[%dma_start3A_126] : memref<20480xf32, #tpu.memory_space<vmem>> -> memref<10240xf32, #tpu.memory_space<vmem>>
        %dma_start3A_128 = tpu.memref_slice %arg2[%mul3A_122] : memref<64000000xf32, #tpu.memory_space<hbm>> -> memref<10240xf32, #tpu.memory_space<hbm>>
        tpu.enqueue_dma source(%dma_start3A_128 : memref<10240xf32, #tpu.memory_space<hbm>>) target(%dma_start3A_127 : memref<10240xf32, #tpu.memory_space<vmem>>) target_semaphore(%arg14 : memref<!tpu.dma_semaphore, #tpu.memory_space<semaphore_mem>>)
        %mul3A_129 = arith.constant 160 : i32
        %mul3A_130 = arith.muli %add3A_98, %mul3A_129 : i32
        %dma_start3A_131 = arith.constant 0 : i32
        %dma_start3A_132 = tpu.memref_slice %arg9[%dma_start3A_131] : memref<320xf32, #tpu.memory_space<vmem>> -> memref<160xf32, #tpu.memory_space<vmem>>
        %dma_start3A_133 = tpu.memref_slice %arg3[%mul3A_130] : memref<1000000xf32, #tpu.memory_space<hbm>> -> memref<160xf32, #tpu.memory_space<hbm>>
        %dma_start3A_134 = arith.constant 0 : i32
        %dma_start3A_135 = tpu.memref_slice %arg9[%dma_start3A_134] : memref<320xf32, #tpu.memory_space<vmem>> -> memref<160xf32, #tpu.memory_space<vmem>>
        %dma_start3A_136 = tpu.memref_slice %arg3[%mul3A_130] : memref<1000000xf32, #tpu.memory_space<hbm>> -> memref<160xf32, #tpu.memory_space<hbm>>
        tpu.enqueue_dma source(%dma_start3A_136 : memref<160xf32, #tpu.memory_space<hbm>>) target(%dma_start3A_135 : memref<160xf32, #tpu.memory_space<vmem>>) target_semaphore(%arg14 : memref<!tpu.dma_semaphore, #tpu.memory_space<semaphore_mem>>)
      } else {
      }
      %scan3A_111 = arith.constant 0 : i32
      %scan3A_112 = arith.constant 0 : i32
      %scan3A_113 = arith.constant 5 : i32
      %scan3A_114 = arith.addi %scan3A_112, %scan3A_113 : i32
      %scan3A_115 = arith.constant 1 : i32
      %scan3A_116 = scf.for %scan3A_119 = %scan3A_112 to %scan3A_114 step %scan3A_115 iter_args(%scan3A_120 = %scan3A_111) -> (i32)  : i32 {
        %mul3A_121 = arith.constant 2 : i32
        %mul3A_122 = arith.muli %mul3A_121, %scan3A_119 : i32
        %mul3A_123 = arith.constant 160 : i32
        %mul3A_124 = arith.muli %select_n3A_82, %mul3A_123 : i32
        %mul3A_125 = arith.constant 16 : i32
        %mul3A_126 = arith.muli %mul3A_122, %mul3A_125 : i32
        %add3A_127 = arith.addi %mul3A_124, %mul3A_126 : i32
        %get3A = arith.index_cast %add3A_127 : i32 to index
        %get3A_128 = tpu.vector_load %arg9[%get3A] {strides = array<i32>} : memref<320xf32, #tpu.memory_space<vmem>>, vector<16xf32>,
        %convert_element_type3A_129 = arith.fptosi %get3A_128 : vector<16xf32> to vector<16xi32>
        %add3A_130 = vector.broadcast %add3A_127 : i32 to vector<16xi32>
        %add3A_131 = arith.addi %add3A_130, %iota3A : vector<16xi32>
        %shift_left3A = arith.constant 6 : i32
        %shift_left3A_132 = vector.broadcast %shift_left3A : i32 to vector<16xi32>
        %shift_left3A_133 = arith.shli %add3A_131, %shift_left3A_132 : vector<16xi32>
        %shift_left3A_134 = arith.constant 6 : i32
        %shift_left3A_135 = vector.broadcast %shift_left3A_134 : i32 to vector<16xi32>
        %shift_left3A_136 = arith.shli %convert_element_type3A_129, %shift_left3A_135 : vector<16xi32>
        %add3A_137 = arith.constant 0 : i32
        %add3A_138 = vector.broadcast %add3A_137 : i32 to vector<16xi32>
        %add3A_139 = arith.addi %shift_left3A_133, %add3A_138 : vector<16xi32>
        %add3A_140 = arith.constant 1 : i32
        %add3A_141 = vector.broadcast %add3A_140 : i32 to vector<16xi32>
        %add3A_142 = arith.addi %shift_left3A_133, %add3A_141 : vector<16xi32>
        %add3A_143 = arith.constant 2 : i32
        %add3A_144 = vector.broadcast %add3A_143 : i32 to vector<16xi32>
        %add3A_145 = arith.addi %shift_left3A_133, %add3A_144 : vector<16xi32>
        %add3A_146 = arith.constant 3 : i32
        %add3A_147 = vector.broadcast %add3A_146 : i32 to vector<16xi32>
        %add3A_148 = arith.addi %shift_left3A_133, %add3A_147 : vector<16xi32>
        %add3A_149 = arith.constant 4 : i32
        %add3A_150 = vector.broadcast %add3A_149 : i32 to vector<16xi32>
        %add3A_151 = arith.addi %shift_left3A_133, %add3A_150 : vector<16xi32>
        %add3A_152 = arith.constant 5 : i32
        %add3A_153 = vector.broadcast %add3A_152 : i32 to vector<16xi32>
        %add3A_154 = arith.addi %shift_left3A_133, %add3A_153 : vector<16xi32>
        %add3A_155 = arith.constant 6 : i32
        %add3A_156 = vector.broadcast %add3A_155 : i32 to vector<16xi32>
        %add3A_157 = arith.addi %shift_left3A_133, %add3A_156 : vector<16xi32>
        %add3A_158 = arith.constant 7 : i32
        %add3A_159 = vector.broadcast %add3A_158 : i32 to vector<16xi32>
        %add3A_160 = arith.addi %shift_left3A_133, %add3A_159 : vector<16xi32>
        %add3A_161 = arith.constant 0 : i32
        %add3A_162 = vector.broadcast %add3A_161 : i32 to vector<16xi32>
        %add3A_163 = arith.addi %shift_left3A_136, %add3A_162 : vector<16xi32>
        %add3A_164 = arith.constant 1 : i32
        %add3A_165 = vector.broadcast %add3A_164 : i32 to vector<16xi32>
        %add3A_166 = arith.addi %shift_left3A_136, %add3A_165 : vector<16xi32>
        %add3A_167 = arith.constant 2 : i32
        %add3A_168 = vector.broadcast %add3A_167 : i32 to vector<16xi32>
        %add3A_169 = arith.addi %shift_left3A_136, %add3A_168 : vector<16xi32>
        %add3A_170 = arith.constant 3 : i32
        %add3A_171 = vector.broadcast %add3A_170 : i32 to vector<16xi32>
        %add3A_172 = arith.addi %shift_left3A_136, %add3A_171 : vector<16xi32>
        %add3A_173 = arith.constant 4 : i32
        %add3A_174 = vector.broadcast %add3A_173 : i32 to vector<16xi32>
        %add3A_175 = arith.addi %shift_left3A_136, %add3A_174 : vector<16xi32>
        %add3A_176 = arith.constant 5 : i32
        %add3A_177 = vector.broadcast %add3A_176 : i32 to vector<16xi32>
        %add3A_178 = arith.addi %shift_left3A_136, %add3A_177 : vector<16xi32>
        %add3A_179 = arith.constant 6 : i32
        %add3A_180 = vector.broadcast %add3A_179 : i32 to vector<16xi32>
        %add3A_181 = arith.addi %shift_left3A_136, %add3A_180 : vector<16xi32>
        %add3A_182 = arith.constant 7 : i32
        %add3A_183 = vector.broadcast %add3A_182 : i32 to vector<16xi32>
        %add3A_184 = arith.addi %shift_left3A_136, %add3A_183 : vector<16xi32>
        %broadcast_in_dim3A_185 = arith.constant 0.000000e+00 : f32
        %broadcast_in_dim3A_186 = vector.broadcast %broadcast_in_dim3A_185 : f32 to vector<16xf32>
        %broadcast_in_dim3A_187 = arith.constant 0.000000e+00 : f32
        %broadcast_in_dim3A_188 = vector.broadcast %broadcast_in_dim3A_187 : f32 to vector<16xf32>
        %broadcast_in_dim3A_189 = arith.constant 0.000000e+00 : f32
        %broadcast_in_dim3A_190 = vector.broadcast %broadcast_in_dim3A_189 : f32 to vector<16xf32>
        %broadcast_in_dim3A_191 = arith.constant 0.000000e+00 : f32
        %broadcast_in_dim3A_192 = vector.broadcast %broadcast_in_dim3A_191 : f32 to vector<16xf32>
        %gather3A = arith.constant 0 : i32
        %gather3A_193 = tpu.memref_slice %arg8[%gather3A] : memref<20480xf32, #tpu.memory_space<vmem>> -> memref<20424xf32, #tpu.memory_space<vmem>>
        %gather3A_194 = tpu.vector_load_idx %gather3A_193[%add3A_139] : memref<20424xf32, #tpu.memory_space<vmem>>[vector<16xi32>], vector<16xf32>,
        %gather3A_195 = arith.constant 0 : i32
        %gather3A_196 = tpu.memref_slice %arg7[%gather3A_195] : memref<64000xf32, #tpu.memory_space<vmem>> -> memref<63944xf32, #tpu.memory_space<vmem>>
        %gather3A_197 = tpu.vector_load_idx %gather3A_196[%add3A_163] : memref<63944xf32, #tpu.memory_space<vmem>>[vector<16xi32>], vector<16xf32>,
        %sub3A_198 = arith.subf %gather3A_194, %gather3A_197 : vector<16xf32>
        %mul3A_199 = arith.mulf %sub3A_198, %sub3A_198 : vector<16xf32>
        %add3A_200 = arith.addf %broadcast_in_dim3A_186, %mul3A_199 : vector<16xf32>
        %gather3A_201 = arith.constant 0 : i32
        %gather3A_202 = tpu.memref_slice %arg8[%gather3A_201] : memref<20480xf32, #tpu.memory_space<vmem>> -> memref<20424xf32, #tpu.memory_space<vmem>>
        %gather3A_203 = tpu.vector_load_idx %gather3A_202[%add3A_142] : memref<20424xf32, #tpu.memory_space<vmem>>[vector<16xi32>], vector<16xf32>,
        %gather3A_204 = arith.constant 0 : i32
        %gather3A_205 = tpu.memref_slice %arg7[%gather3A_204] : memref<64000xf32, #tpu.memory_space<vmem>> -> memref<63944xf32, #tpu.memory_space<vmem>>
        %gather3A_206 = tpu.vector_load_idx %gather3A_205[%add3A_166] : memref<63944xf32, #tpu.memory_space<vmem>>[vector<16xi32>], vector<16xf32>,
        %sub3A_207 = arith.subf %gather3A_203, %gather3A_206 : vector<16xf32>
        %mul3A_208 = arith.mulf %sub3A_207, %sub3A_207 : vector<16xf32>
        %add3A_209 = arith.addf %broadcast_in_dim3A_188, %mul3A_208 : vector<16xf32>
        %gather3A_210 = arith.constant 0 : i32
        %gather3A_211 = tpu.memref_slice %arg8[%gather3A_210] : memref<20480xf32, #tpu.memory_space<vmem>> -> memref<20424xf32, #tpu.memory_space<vmem>>
        %gather3A_212 = tpu.vector_load_idx %gather3A_211[%add3A_145] : memref<20424xf32, #tpu.memory_space<vmem>>[vector<16xi32>], vector<16xf32>,
        %gather3A_213 = arith.constant 0 : i32
        %gather3A_214 = tpu.memref_slice %arg7[%gather3A_213] : memref<64000xf32, #tpu.memory_space<vmem>> -> memref<63944xf32, #tpu.memory_space<vmem>>
        %gather3A_215 = tpu.vector_load_idx %gather3A_214[%add3A_169] : memref<63944xf32, #tpu.memory_space<vmem>>[vector<16xi32>], vector<16xf32>,
        %sub3A_216 = arith.subf %gather3A_212, %gather3A_215 : vector<16xf32>
        %mul3A_217 = arith.mulf %sub3A_216, %sub3A_216 : vector<16xf32>
        %add3A_218 = arith.addf %broadcast_in_dim3A_190, %mul3A_217 : vector<16xf32>
        %gather3A_219 = arith.constant 0 : i32
        %gather3A_220 = tpu.memref_slice %arg8[%gather3A_219] : memref<20480xf32, #tpu.memory_space<vmem>> -> memref<20424xf32, #tpu.memory_space<vmem>>
        %gather3A_221 = tpu.vector_load_idx %gather3A_220[%add3A_148] : memref<20424xf32, #tpu.memory_space<vmem>>[vector<16xi32>], vector<16xf32>,
        %gather3A_222 = arith.constant 0 : i32
        %gather3A_223 = tpu.memref_slice %arg7[%gather3A_222] : memref<64000xf32, #tpu.memory_space<vmem>> -> memref<63944xf32, #tpu.memory_space<vmem>>
        %gather3A_224 = tpu.vector_load_idx %gather3A_223[%add3A_172] : memref<63944xf32, #tpu.memory_space<vmem>>[vector<16xi32>], vector<16xf32>,
        %sub3A_225 = arith.subf %gather3A_221, %gather3A_224 : vector<16xf32>
        %mul3A_226 = arith.mulf %sub3A_225, %sub3A_225 : vector<16xf32>
        %add3A_227 = arith.addf %broadcast_in_dim3A_192, %mul3A_226 : vector<16xf32>
        %gather3A_228 = arith.constant 0 : i32
        %gather3A_229 = tpu.memref_slice %arg8[%gather3A_228] : memref<20480xf32, #tpu.memory_space<vmem>> -> memref<20424xf32, #tpu.memory_space<vmem>>
        %gather3A_230 = tpu.vector_load_idx %gather3A_229[%add3A_151] : memref<20424xf32, #tpu.memory_space<vmem>>[vector<16xi32>], vector<16xf32>,
        %gather3A_231 = arith.constant 0 : i32
        %gather3A_232 = tpu.memref_slice %arg7[%gather3A_231] : memref<64000xf32, #tpu.memory_space<vmem>> -> memref<63944xf32, #tpu.memory_space<vmem>>
        %gather3A_233 = tpu.vector_load_idx %gather3A_232[%add3A_175] : memref<63944xf32, #tpu.memory_space<vmem>>[vector<16xi32>], vector<16xf32>,
        %sub3A_234 = arith.subf %gather3A_230, %gather3A_233 : vector<16xf32>
        %mul3A_235 = arith.mulf %sub3A_234, %sub3A_234 : vector<16xf32>
        %add3A_236 = arith.addf %add3A_200, %mul3A_235 : vector<16xf32>
        %gather3A_237 = arith.constant 0 : i32
        %gather3A_238 = tpu.memref_slice %arg8[%gather3A_237] : memref<20480xf32, #tpu.memory_space<vmem>> -> memref<20424xf32, #tpu.memory_space<vmem>>
        %gather3A_239 = tpu.vector_load_idx %gather3A_238[%add3A_154] : memref<20424xf32, #tpu.memory_space<vmem>>[vector<16xi32>], vector<16xf32>,
        %gather3A_240 = arith.constant 0 : i32
        %gather3A_241 = tpu.memref_slice %arg7[%gather3A_240] : memref<64000xf32, #tpu.memory_space<vmem>> -> memref<63944xf32, #tpu.memory_space<vmem>>
        %gather3A_242 = tpu.vector_load_idx %gather3A_241[%add3A_178] : memref<63944xf32, #tpu.memory_space<vmem>>[vector<16xi32>], vector<16xf32>,
        %sub3A_243 = arith.subf %gather3A_239, %gather3A_242 : vector<16xf32>
        %mul3A_244 = arith.mulf %sub3A_243, %sub3A_243 : vector<16xf32>
        %add3A_245 = arith.addf %add3A_209, %mul3A_244 : vector<16xf32>
        %gather3A_246 = arith.constant 0 : i32
        %gather3A_247 = tpu.memref_slice %arg8[%gather3A_246] : memref<20480xf32, #tpu.memory_space<vmem>> -> memref<20424xf32, #tpu.memory_space<vmem>>
        %gather3A_248 = tpu.vector_load_idx %gather3A_247[%add3A_157] : memref<20424xf32, #tpu.memory_space<vmem>>[vector<16xi32>], vector<16xf32>,
        %gather3A_249 = arith.constant 0 : i32
        %gather3A_250 = tpu.memref_slice %arg7[%gather3A_249] : memref<64000xf32, #tpu.memory_space<vmem>> -> memref<63944xf32, #tpu.memory_space<vmem>>
        %gather3A_251 = tpu.vector_load_idx %gather3A_250[%add3A_181] : memref<63944xf32, #tpu.memory_space<vmem>>[vector<16xi32>], vector<16xf32>,
        %sub3A_252 = arith.subf %gather3A_248, %gather3A_251 : vector<16xf32>
        %mul3A_253 = arith.mulf %sub3A_252, %sub3A_252 : vector<16xf32>
        %add3A_254 = arith.addf %add3A_218, %mul3A_253 : vector<16xf32>
        %gather3A_255 = arith.constant 0 : i32
        %gather3A_256 = tpu.memref_slice %arg8[%gather3A_255] : memref<20480xf32, #tpu.memory_space<vmem>> -> memref<20424xf32, #tpu.memory_space<vmem>>
        %gather3A_257 = tpu.vector_load_idx %gather3A_256[%add3A_160] : memref<20424xf32, #tpu.memory_space<vmem>>[vector<16xi32>], vector<16xf32>,
        %gather3A_258 = arith.constant 0 : i32
        %gather3A_259 = tpu.memref_slice %arg7[%gather3A_258] : memref<64000xf32, #tpu.memory_space<vmem>> -> memref<63944xf32, #tpu.memory_space<vmem>>
        %gather3A_260 = tpu.vector_load_idx %gather3A_259[%add3A_184] : memref<63944xf32, #tpu.memory_space<vmem>>[vector<16xi32>], vector<16xf32>,
        %sub3A_261 = arith.subf %gather3A_257, %gather3A_260 : vector<16xf32>
        %mul3A_262 = arith.mulf %sub3A_261, %sub3A_261 : vector<16xf32>
        %add3A_263 = arith.addf %add3A_227, %mul3A_262 : vector<16xf32>
        %gather3A_264 = arith.constant 8 : i32
        %gather3A_265 = tpu.memref_slice %arg8[%gather3A_264] : memref<20480xf32, #tpu.memory_space<vmem>> -> memref<20424xf32, #tpu.memory_space<vmem>>
        %gather3A_266 = tpu.vector_load_idx %gather3A_265[%add3A_139] : memref<20424xf32, #tpu.memory_space<vmem>>[vector<16xi32>], vector<16xf32>,
        %gather3A_267 = arith.constant 8 : i32
        %gather3A_268 = tpu.memref_slice %arg7[%gather3A_267] : memref<64000xf32, #tpu.memory_space<vmem>> -> memref<63944xf32, #tpu.memory_space<vmem>>
        %gather3A_269 = tpu.vector_load_idx %gather3A_268[%add3A_163] : memref<63944xf32, #tpu.memory_space<vmem>>[vector<16xi32>], vector<16xf32>,
        %sub3A_270 = arith.subf %gather3A_266, %gather3A_269 : vector<16xf32>
        %mul3A_271 = arith.mulf %sub3A_270, %sub3A_270 : vector<16xf32>
        %add3A_272 = arith.addf %add3A_236, %mul3A_271 : vector<16xf32>
        %gather3A_273 = arith.constant 8 : i32
        %gather3A_274 = tpu.memref_slice %arg8[%gather3A_273] : memref<20480xf32, #tpu.memory_space<vmem>> -> memref<20424xf32, #tpu.memory_space<vmem>>
        %gather3A_275 = tpu.vector_load_idx %gather3A_274[%add3A_142] : memref<20424xf32, #tpu.memory_space<vmem>>[vector<16xi32>], vector<16xf32>,
        %gather3A_276 = arith.constant 8 : i32
        %gather3A_277 = tpu.memref_slice %arg7[%gather3A_276] : memref<64000xf32, #tpu.memory_space<vmem>> -> memref<63944xf32, #tpu.memory_space<vmem>>
        %gather3A_278 = tpu.vector_load_idx %gather3A_277[%add3A_166] : memref<63944xf32, #tpu.memory_space<vmem>>[vector<16xi32>], vector<16xf32>,
        %sub3A_279 = arith.subf %gather3A_275, %gather3A_278 : vector<16xf32>
        %mul3A_280 = arith.mulf %sub3A_279, %sub3A_279 : vector<16xf32>
        %add3A_281 = arith.addf %add3A_245, %mul3A_280 : vector<16xf32>
        %gather3A_282 = arith.constant 8 : i32
        %gather3A_283 = tpu.memref_slice %arg8[%gather3A_282] : memref<20480xf32, #tpu.memory_space<vmem>> -> memref<20424xf32, #tpu.memory_space<vmem>>
        %gather3A_284 = tpu.vector_load_idx %gather3A_283[%add3A_145] : memref<20424xf32, #tpu.memory_space<vmem>>[vector<16xi32>], vector<16xf32>,
        %gather3A_285 = arith.constant 8 : i32
        %gather3A_286 = tpu.memref_slice %arg7[%gather3A_285] : memref<64000xf32, #tpu.memory_space<vmem>> -> memref<63944xf32, #tpu.memory_space<vmem>>
        %gather3A_287 = tpu.vector_load_idx %gather3A_286[%add3A_169] : memref<63944xf32, #tpu.memory_space<vmem>>[vector<16xi32>], vector<16xf32>,
        %sub3A_288 = arith.subf %gather3A_284, %gather3A_287 : vector<16xf32>
        %mul3A_289 = arith.mulf %sub3A_288, %sub3A_288 : vector<16xf32>
        %add3A_290 = arith.addf %add3A_254, %mul3A_289 : vector<16xf32>
        %gather3A_291 = arith.constant 8 : i32
        %gather3A_292 = tpu.memref_slice %arg8[%gather3A_291] : memref<20480xf32, #tpu.memory_space<vmem>> -> memref<20424xf32, #tpu.memory_space<vmem>>
        %gather3A_293 = tpu.vector_load_idx %gather3A_292[%add3A_148] : memref<20424xf32, #tpu.memory_space<vmem>>[vector<16xi32>], vector<16xf32>,
        %gather3A_294 = arith.constant 8 : i32
        %gather3A_295 = tpu.memref_slice %arg7[%gather3A_294] : memref<64000xf32, #tpu.memory_space<vmem>> -> memref<63944xf32, #tpu.memory_space<vmem>>
        %gather3A_296 = tpu.vector_load_idx %gather3A_295[%add3A_172] : memref<63944xf32, #tpu.memory_space<vmem>>[vector<16xi32>], vector<16xf32>,
        %sub3A_297 = arith.subf %gather3A_293, %gather3A_296 : vector<16xf32>
        %mul3A_298 = arith.mulf %sub3A_297, %sub3A_297 : vector<16xf32>
        %add3A_299 = arith.addf %add3A_263, %mul3A_298 : vector<16xf32>
        %gather3A_300 = arith.constant 8 : i32
        %gather3A_301 = tpu.memref_slice %arg8[%gather3A_300] : memref<20480xf32, #tpu.memory_space<vmem>> -> memref<20424xf32, #tpu.memory_space<vmem>>
        %gather3A_302 = tpu.vector_load_idx %gather3A_301[%add3A_151] : memref<20424xf32, #tpu.memory_space<vmem>>[vector<16xi32>], vector<16xf32>,
        %gather3A_303 = arith.constant 8 : i32
        %gather3A_304 = tpu.memref_slice %arg7[%gather3A_303] : memref<64000xf32, #tpu.memory_space<vmem>> -> memref<63944xf32, #tpu.memory_space<vmem>>
        %gather3A_305 = tpu.vector_load_idx %gather3A_304[%add3A_175] : memref<63944xf32, #tpu.memory_space<vmem>>[vector<16xi32>], vector<16xf32>,
        %sub3A_306 = arith.subf %gather3A_302, %gather3A_305 : vector<16xf32>
        %mul3A_307 = arith.mulf %sub3A_306, %sub3A_306 : vector<16xf32>
        %add3A_308 = arith.addf %add3A_272, %mul3A_307 : vector<16xf32>
        %gather3A_309 = arith.constant 8 : i32
        %gather3A_310 = tpu.memref_slice %arg8[%gather3A_309] : memref<20480xf32, #tpu.memory_space<vmem>> -> memref<20424xf32, #tpu.memory_space<vmem>>
        %gather3A_311 = tpu.vector_load_idx %gather3A_310[%add3A_154] : memref<20424xf32, #tpu.memory_space<vmem>>[vector<16xi32>], vector<16xf32>,
        %gather3A_312 = arith.constant 8 : i32
        %gather3A_313 = tpu.memref_slice %arg7[%gather3A_312] : memref<64000xf32, #tpu.memory_space<vmem>> -> memref<63944xf32, #tpu.memory_space<vmem>>
        %gather3A_314 = tpu.vector_load_idx %gather3A_313[%add3A_178] : memref<63944xf32, #tpu.memory_space<vmem>>[vector<16xi32>], vector<16xf32>,
        %sub3A_315 = arith.subf %gather3A_311, %gather3A_314 : vector<16xf32>
        %mul3A_316 = arith.mulf %sub3A_315, %sub3A_315 : vector<16xf32>
        %add3A_317 = arith.addf %add3A_281, %mul3A_316 : vector<16xf32>
        %gather3A_318 = arith.constant 8 : i32
        %gather3A_319 = tpu.memref_slice %arg8[%gather3A_318] : memref<20480xf32, #tpu.memory_space<vmem>> -> memref<20424xf32, #tpu.memory_space<vmem>>
        %gather3A_320 = tpu.vector_load_idx %gather3A_319[%add3A_157] : memref<20424xf32, #tpu.memory_space<vmem>>[vector<16xi32>], vector<16xf32>,
        %gather3A_321 = arith.constant 8 : i32
        %gather3A_322 = tpu.memref_slice %arg7[%gather3A_321] : memref<64000xf32, #tpu.memory_space<vmem>> -> memref<63944xf32, #tpu.memory_space<vmem>>
        %gather3A_323 = tpu.vector_load_idx %gather3A_322[%add3A_181] : memref<63944xf32, #tpu.memory_space<vmem>>[vector<16xi32>], vector<16xf32>,
        %sub3A_324 = arith.subf %gather3A_320, %gather3A_323 : vector<16xf32>
        %mul3A_325 = arith.mulf %sub3A_324, %sub3A_324 : vector<16xf32>
        %add3A_326 = arith.addf %add3A_290, %mul3A_325 : vector<16xf32>
        %gather3A_327 = arith.constant 8 : i32
        %gather3A_328 = tpu.memref_slice %arg8[%gather3A_327] : memref<20480xf32, #tpu.memory_space<vmem>> -> memref<20424xf32, #tpu.memory_space<vmem>>
        %gather3A_329 = tpu.vector_load_idx %gather3A_328[%add3A_160] : memref<20424xf32, #tpu.memory_space<vmem>>[vector<16xi32>], vector<16xf32>,
        %gather3A_330 = arith.constant 8 : i32
        %gather3A_331 = tpu.memref_slice %arg7[%gather3A_330] : memref<64000xf32, #tpu.memory_space<vmem>> -> memref<63944xf32, #tpu.memory_space<vmem>>
        %gather3A_332 = tpu.vector_load_idx %gather3A_331[%add3A_184] : memref<63944xf32, #tpu.memory_space<vmem>>[vector<16xi32>], vector<16xf32>,
        %sub3A_333 = arith.subf %gather3A_329, %gather3A_332 : vector<16xf32>
        %mul3A_334 = arith.mulf %sub3A_333, %sub3A_333 : vector<16xf32>
        %add3A_335 = arith.addf %add3A_299, %mul3A_334 : vector<16xf32>
        %gather3A_336 = arith.constant 16 : i32
        %gather3A_337 = tpu.memref_slice %arg8[%gather3A_336] : memref<20480xf32, #tpu.memory_space<vmem>> -> memref<20424xf32, #tpu.memory_space<vmem>>
        %gather3A_338 = tpu.vector_load_idx %gather3A_337[%add3A_139] : memref<20424xf32, #tpu.memory_space<vmem>>[vector<16xi32>], vector<16xf32>,
        %gather3A_339 = arith.constant 16 : i32
        %gather3A_340 = tpu.memref_slice %arg7[%gather3A_339] : memref<64000xf32, #tpu.memory_space<vmem>> -> memref<63944xf32, #tpu.memory_space<vmem>>
        %gather3A_341 = tpu.vector_load_idx %gather3A_340[%add3A_163] : memref<63944xf32, #tpu.memory_space<vmem>>[vector<16xi32>], vector<16xf32>,
        %sub3A_342 = arith.subf %gather3A_338, %gather3A_341 : vector<16xf32>
        %mul3A_343 = arith.mulf %sub3A_342, %sub3A_342 : vector<16xf32>
        %add3A_344 = arith.addf %add3A_308, %mul3A_343 : vector<16xf32>
        %gather3A_345 = arith.constant 16 : i32
        %gather3A_346 = tpu.memref_slice %arg8[%gather3A_345] : memref<20480xf32, #tpu.memory_space<vmem>> -> memref<20424xf32, #tpu.memory_space<vmem>>
        %gather3A_347 = tpu.vector_load_idx %gather3A_346[%add3A_142] : memref<20424xf32, #tpu.memory_space<vmem>>[vector<16xi32>], vector<16xf32>,
        %gather3A_348 = arith.constant 16 : i32
        %gather3A_349 = tpu.memref_slice %arg7[%gather3A_348] : memref<64000xf32, #tpu.memory_space<vmem>> -> memref<63944xf32, #tpu.memory_space<vmem>>
        %gather3A_350 = tpu.vector_load_idx %gather3A_349[%add3A_166] : memref<63944xf32, #tpu.memory_space<vmem>>[vector<16xi32>], vector<16xf32>,
        %sub3A_351 = arith.subf %gather3A_347, %gather3A_350 : vector<16xf32>
        %mul3A_352 = arith.mulf %sub3A_351, %sub3A_351 : vector<16xf32>
        %add3A_353 = arith.addf %add3A_317, %mul3A_352 : vector<16xf32>
        %gather3A_354 = arith.constant 16 : i32
        %gather3A_355 = tpu.memref_slice %arg8[%gather3A_354] : memref<20480xf32, #tpu.memory_space<vmem>> -> memref<20424xf32, #tpu.memory_space<vmem>>
        %gather3A_356 = tpu.vector_load_idx %gather3A_355[%add3A_145] : memref<20424xf32, #tpu.memory_space<vmem>>[vector<16xi32>], vector<16xf32>,
        %gather3A_357 = arith.constant 16 : i32
        %gather3A_358 = tpu.memref_slice %arg7[%gather3A_357] : memref<64000xf32, #tpu.memory_space<vmem>> -> memref<63944xf32, #tpu.memory_space<vmem>>
        %gather3A_359 = tpu.vector_load_idx %gather3A_358[%add3A_169] : memref<63944xf32, #tpu.memory_space<vmem>>[vector<16xi32>], vector<16xf32>,
        %sub3A_360 = arith.subf %gather3A_356, %gather3A_359 : vector<16xf32>
        %mul3A_361 = arith.mulf %sub3A_360, %sub3A_360 : vector<16xf32>
        %add3A_362 = arith.addf %add3A_326, %mul3A_361 : vector<16xf32>
        %gather3A_363 = arith.constant 16 : i32
        %gather3A_364 = tpu.memref_slice %arg8[%gather3A_363] : memref<20480xf32, #tpu.memory_space<vmem>> -> memref<20424xf32, #tpu.memory_space<vmem>>
        %gather3A_365 = tpu.vector_load_idx %gather3A_364[%add3A_148] : memref<20424xf32, #tpu.memory_space<vmem>>[vector<16xi32>], vector<16xf32>,
        %gather3A_366 = arith.constant 16 : i32
        %gather3A_367 = tpu.memref_slice %arg7[%gather3A_366] : memref<64000xf32, #tpu.memory_space<vmem>> -> memref<63944xf32, #tpu.memory_space<vmem>>
        %gather3A_368 = tpu.vector_load_idx %gather3A_367[%add3A_172] : memref<63944xf32, #tpu.memory_space<vmem>>[vector<16xi32>], vector<16xf32>,
        %sub3A_369 = arith.subf %gather3A_365, %gather3A_368 : vector<16xf32>
        %mul3A_370 = arith.mulf %sub3A_369, %sub3A_369 : vector<16xf32>
        %add3A_371 = arith.addf %add3A_335, %mul3A_370 : vector<16xf32>
        %gather3A_372 = arith.constant 16 : i32
        %gather3A_373 = tpu.memref_slice %arg8[%gather3A_372] : memref<20480xf32, #tpu.memory_space<vmem>> -> memref<20424xf32, #tpu.memory_space<vmem>>
        %gather3A_374 = tpu.vector_load_idx %gather3A_373[%add3A_151] : memref<20424xf32, #tpu.memory_space<vmem>>[vector<16xi32>], vector<16xf32>,
        %gather3A_375 = arith.constant 16 : i32
        %gather3A_376 = tpu.memref_slice %arg7[%gather3A_375] : memref<64000xf32, #tpu.memory_space<vmem>> -> memref<63944xf32, #tpu.memory_space<vmem>>
        %gather3A_377 = tpu.vector_load_idx %gather3A_376[%add3A_175] : memref<63944xf32, #tpu.memory_space<vmem>>[vector<16xi32>], vector<16xf32>,
        %sub3A_378 = arith.subf %gather3A_374, %gather3A_377 : vector<16xf32>
        %mul3A_379 = arith.mulf %sub3A_378, %sub3A_378 : vector<16xf32>
        %add3A_380 = arith.addf %add3A_344, %mul3A_379 : vector<16xf32>
        %gather3A_381 = arith.constant 16 : i32
        %gather3A_382 = tpu.memref_slice %arg8[%gather3A_381] : memref<20480xf32, #tpu.memory_space<vmem>> -> memref<20424xf32, #tpu.memory_space<vmem>>
        %gather3A_383 = tpu.vector_load_idx %gather3A_382[%add3A_154] : memref<20424xf32, #tpu.memory_space<vmem>>[vector<16xi32>], vector<16xf32>,
        %gather3A_384 = arith.constant 16 : i32
        %gather3A_385 = tpu.memref_slice %arg7[%gather3A_384] : memref<64000xf32, #tpu.memory_space<vmem>> -> memref<63944xf32, #tpu.memory_space<vmem>>
        %gather3A_386 = tpu.vector_load_idx %gather3A_385[%add3A_178] : memref<63944xf32, #tpu.memory_space<vmem>>[vector<16xi32>], vector<16xf32>,
        %sub3A_387 = arith.subf %gather3A_383, %gather3A_386 : vector<16xf32>
        %mul3A_388 = arith.mulf %sub3A_387, %sub3A_387 : vector<16xf32>
        %add3A_389 = arith.addf %add3A_353, %mul3A_388 : vector<16xf32>
        %gather3A_390 = arith.constant 16 : i32
        %gather3A_391 = tpu.memref_slice %arg8[%gather3A_390] : memref<20480xf32, #tpu.memory_space<vmem>> -> memref<20424xf32, #tpu.memory_space<vmem>>
        %gather3A_392 = tpu.vector_load_idx %gather3A_391[%add3A_157] : memref<20424xf32, #tpu.memory_space<vmem>>[vector<16xi32>], vector<16xf32>,
        %gather3A_393 = arith.constant 16 : i32
        %gather3A_394 = tpu.memref_slice %arg7[%gather3A_393] : memref<64000xf32, #tpu.memory_space<vmem>> -> memref<63944xf32, #tpu.memory_space<vmem>>
        %gather3A_395 = tpu.vector_load_idx %gather3A_394[%add3A_181] : memref<63944xf32, #tpu.memory_space<vmem>>[vector<16xi32>], vector<16xf32>,
        %sub3A_396 = arith.subf %gather3A_392, %gather3A_395 : vector<16xf32>
        %mul3A_397 = arith.mulf %sub3A_396, %sub3A_396 : vector<16xf32>
        %add3A_398 = arith.addf %add3A_362, %mul3A_397 : vector<16xf32>
        %gather3A_399 = arith.constant 16 : i32
        %gather3A_400 = tpu.memref_slice %arg8[%gather3A_399] : memref<20480xf32, #tpu.memory_space<vmem>> -> memref<20424xf32, #tpu.memory_space<vmem>>
        %gather3A_401 = tpu.vector_load_idx %gather3A_400[%add3A_160] : memref<20424xf32, #tpu.memory_space<vmem>>[vector<16xi32>], vector<16xf32>,
        %gather3A_402 = arith.constant 16 : i32
        %gather3A_403 = tpu.memref_slice %arg7[%gather3A_402] : memref<64000xf32, #tpu.memory_space<vmem>> -> memref<63944xf32, #tpu.memory_space<vmem>>
        %gather3A_404 = tpu.vector_load_idx %gather3A_403[%add3A_184] : memref<63944xf32, #tpu.memory_space<vmem>>[vector<16xi32>], vector<16xf32>,
        %sub3A_405 = arith.subf %gather3A_401, %gather3A_404 : vector<16xf32>
        %mul3A_406 = arith.mulf %sub3A_405, %sub3A_405 : vector<16xf32>
        %add3A_407 = arith.addf %add3A_371, %mul3A_406 : vector<16xf32>
        %gather3A_408 = arith.constant 24 : i32
        %gather3A_409 = tpu.memref_slice %arg8[%gather3A_408] : memref<20480xf32, #tpu.memory_space<vmem>> -> memref<20424xf32, #tpu.memory_space<vmem>>
        %gather3A_410 = tpu.vector_load_idx %gather3A_409[%add3A_139] : memref<20424xf32, #tpu.memory_space<vmem>>[vector<16xi32>], vector<16xf32>,
        %gather3A_411 = arith.constant 24 : i32
        %gather3A_412 = tpu.memref_slice %arg7[%gather3A_411] : memref<64000xf32, #tpu.memory_space<vmem>> -> memref<63944xf32, #tpu.memory_space<vmem>>
        %gather3A_413 = tpu.vector_load_idx %gather3A_412[%add3A_163] : memref<63944xf32, #tpu.memory_space<vmem>>[vector<16xi32>], vector<16xf32>,
        %sub3A_414 = arith.subf %gather3A_410, %gather3A_413 : vector<16xf32>
        %mul3A_415 = arith.mulf %sub3A_414, %sub3A_414 : vector<16xf32>
        %add3A_416 = arith.addf %add3A_380, %mul3A_415 : vector<16xf32>
        %gather3A_417 = arith.constant 24 : i32
        %gather3A_418 = tpu.memref_slice %arg8[%gather3A_417] : memref<20480xf32, #tpu.memory_space<vmem>> -> memref<20424xf32, #tpu.memory_space<vmem>>
        %gather3A_419 = tpu.vector_load_idx %gather3A_418[%add3A_142] : memref<20424xf32, #tpu.memory_space<vmem>>[vector<16xi32>], vector<16xf32>,
        %gather3A_420 = arith.constant 24 : i32
        %gather3A_421 = tpu.memref_slice %arg7[%gather3A_420] : memref<64000xf32, #tpu.memory_space<vmem>> -> memref<63944xf32, #tpu.memory_space<vmem>>
        %gather3A_422 = tpu.vector_load_idx %gather3A_421[%add3A_166] : memref<63944xf32, #tpu.memory_space<vmem>>[vector<16xi32>], vector<16xf32>,
        %sub3A_423 = arith.subf %gather3A_419, %gather3A_422 : vector<16xf32>
        %mul3A_424 = arith.mulf %sub3A_423, %sub3A_423 : vector<16xf32>
        %add3A_425 = arith.addf %add3A_389, %mul3A_424 : vector<16xf32>
        %gather3A_426 = arith.constant 24 : i32
        %gather3A_427 = tpu.memref_slice %arg8[%gather3A_426] : memref<20480xf32, #tpu.memory_space<vmem>> -> memref<20424xf32, #tpu.memory_space<vmem>>
        %gather3A_428 = tpu.vector_load_idx %gather3A_427[%add3A_145] : memref<20424xf32, #tpu.memory_space<vmem>>[vector<16xi32>], vector<16xf32>,
        %gather3A_429 = arith.constant 24 : i32
        %gather3A_430 = tpu.memref_slice %arg7[%gather3A_429] : memref<64000xf32, #tpu.memory_space<vmem>> -> memref<63944xf32, #tpu.memory_space<vmem>>
        %gather3A_431 = tpu.vector_load_idx %gather3A_430[%add3A_169] : memref<63944xf32, #tpu.memory_space<vmem>>[vector<16xi32>], vector<16xf32>,
        %sub3A_432 = arith.subf %gather3A_428, %gather3A_431 : vector<16xf32>
        %mul3A_433 = arith.mulf %sub3A_432, %sub3A_432 : vector<16xf32>
        %add3A_434 = arith.addf %add3A_398, %mul3A_433 : vector<16xf32>
        %gather3A_435 = arith.constant 24 : i32
        %gather3A_436 = tpu.memref_slice %arg8[%gather3A_435] : memref<20480xf32, #tpu.memory_space<vmem>> -> memref<20424xf32, #tpu.memory_space<vmem>>
        %gather3A_437 = tpu.vector_load_idx %gather3A_436[%add3A_148] : memref<20424xf32, #tpu.memory_space<vmem>>[vector<16xi32>], vector<16xf32>,
        %gather3A_438 = arith.constant 24 : i32
        %gather3A_439 = tpu.memref_slice %arg7[%gather3A_438] : memref<64000xf32, #tpu.memory_space<vmem>> -> memref<63944xf32, #tpu.memory_space<vmem>>
        %gather3A_440 = tpu.vector_load_idx %gather3A_439[%add3A_172] : memref<63944xf32, #tpu.memory_space<vmem>>[vector<16xi32>], vector<16xf32>,
        %sub3A_441 = arith.subf %gather3A_437, %gather3A_440 : vector<16xf32>
        %mul3A_442 = arith.mulf %sub3A_441, %sub3A_441 : vector<16xf32>
        %add3A_443 = arith.addf %add3A_407, %mul3A_442 : vector<16xf32>
        %gather3A_444 = arith.constant 24 : i32
        %gather3A_445 = tpu.memref_slice %arg8[%gather3A_444] : memref<20480xf32, #tpu.memory_space<vmem>> -> memref<20424xf32, #tpu.memory_space<vmem>>
        %gather3A_446 = tpu.vector_load_idx %gather3A_445[%add3A_151] : memref<20424xf32, #tpu.memory_space<vmem>>[vector<16xi32>], vector<16xf32>,
        %gather3A_447 = arith.constant 24 : i32
        %gather3A_448 = tpu.memref_slice %arg7[%gather3A_447] : memref<64000xf32, #tpu.memory_space<vmem>> -> memref<63944xf32, #tpu.memory_space<vmem>>
        %gather3A_449 = tpu.vector_load_idx %gather3A_448[%add3A_175] : memref<63944xf32, #tpu.memory_space<vmem>>[vector<16xi32>], vector<16xf32>,
        %sub3A_450 = arith.subf %gather3A_446, %gather3A_449 : vector<16xf32>
        %mul3A_451 = arith.mulf %sub3A_450, %sub3A_450 : vector<16xf32>
        %add3A_452 = arith.addf %add3A_416, %mul3A_451 : vector<16xf32>
        %gather3A_453 = arith.constant 24 : i32
        %gather3A_454 = tpu.memref_slice %arg8[%gather3A_453] : memref<20480xf32, #tpu.memory_space<vmem>> -> memref<20424xf32, #tpu.memory_space<vmem>>
        %gather3A_455 = tpu.vector_load_idx %gather3A_454[%add3A_154] : memref<20424xf32, #tpu.memory_space<vmem>>[vector<16xi32>], vector<16xf32>,
        %gather3A_456 = arith.constant 24 : i32
        %gather3A_457 = tpu.memref_slice %arg7[%gather3A_456] : memref<64000xf32, #tpu.memory_space<vmem>> -> memref<63944xf32, #tpu.memory_space<vmem>>
        %gather3A_458 = tpu.vector_load_idx %gather3A_457[%add3A_178] : memref<63944xf32, #tpu.memory_space<vmem>>[vector<16xi32>], vector<16xf32>,
        %sub3A_459 = arith.subf %gather3A_455, %gather3A_458 : vector<16xf32>
        %mul3A_460 = arith.mulf %sub3A_459, %sub3A_459 : vector<16xf32>
        %add3A_461 = arith.addf %add3A_425, %mul3A_460 : vector<16xf32>
        %gather3A_462 = arith.constant 24 : i32
        %gather3A_463 = tpu.memref_slice %arg8[%gather3A_462] : memref<20480xf32, #tpu.memory_space<vmem>> -> memref<20424xf32, #tpu.memory_space<vmem>>
        %gather3A_464 = tpu.vector_load_idx %gather3A_463[%add3A_157] : memref<20424xf32, #tpu.memory_space<vmem>>[vector<16xi32>], vector<16xf32>,
        %gather3A_465 = arith.constant 24 : i32
        %gather3A_466 = tpu.memref_slice %arg7[%gather3A_465] : memref<64000xf32, #tpu.memory_space<vmem>> -> memref<63944xf32, #tpu.memory_space<vmem>>
        %gather3A_467 = tpu.vector_load_idx %gather3A_466[%add3A_181] : memref<63944xf32, #tpu.memory_space<vmem>>[vector<16xi32>], vector<16xf32>,
        %sub3A_468 = arith.subf %gather3A_464, %gather3A_467 : vector<16xf32>
        %mul3A_469 = arith.mulf %sub3A_468, %sub3A_468 : vector<16xf32>
        %add3A_470 = arith.addf %add3A_434, %mul3A_469 : vector<16xf32>
        %gather3A_471 = arith.constant 24 : i32
        %gather3A_472 = tpu.memref_slice %arg8[%gather3A_471] : memref<20480xf32, #tpu.memory_space<vmem>> -> memref<20424xf32, #tpu.memory_space<vmem>>
        %gather3A_473 = tpu.vector_load_idx %gather3A_472[%add3A_160] : memref<20424xf32, #tpu.memory_space<vmem>>[vector<16xi32>], vector<16xf32>,
        %gather3A_474 = arith.constant 24 : i32
        %gather3A_475 = tpu.memref_slice %arg7[%gather3A_474] : memref<64000xf32, #tpu.memory_space<vmem>> -> memref<63944xf32, #tpu.memory_space<vmem>>
        %gather3A_476 = tpu.vector_load_idx %gather3A_475[%add3A_184] : memref<63944xf32, #tpu.memory_space<vmem>>[vector<16xi32>], vector<16xf32>,
        %sub3A_477 = arith.subf %gather3A_473, %gather3A_476 : vector<16xf32>
        %mul3A_478 = arith.mulf %sub3A_477, %sub3A_477 : vector<16xf32>
        %add3A_479 = arith.addf %add3A_443, %mul3A_478 : vector<16xf32>
        %gather3A_480 = arith.constant 32 : i32
        %gather3A_481 = tpu.memref_slice %arg8[%gather3A_480] : memref<20480xf32, #tpu.memory_space<vmem>> -> memref<20424xf32, #tpu.memory_space<vmem>>
        %gather3A_482 = tpu.vector_load_idx %gather3A_481[%add3A_139] : memref<20424xf32, #tpu.memory_space<vmem>>[vector<16xi32>], vector<16xf32>,
        %gather3A_483 = arith.constant 32 : i32
        %gather3A_484 = tpu.memref_slice %arg7[%gather3A_483] : memref<64000xf32, #tpu.memory_space<vmem>> -> memref<63944xf32, #tpu.memory_space<vmem>>
        %gather3A_485 = tpu.vector_load_idx %gather3A_484[%add3A_163] : memref<63944xf32, #tpu.memory_space<vmem>>[vector<16xi32>], vector<16xf32>,
        %sub3A_486 = arith.subf %gather3A_482, %gather3A_485 : vector<16xf32>
        %mul3A_487 = arith.mulf %sub3A_486, %sub3A_486 : vector<16xf32>
        %add3A_488 = arith.addf %add3A_452, %mul3A_487 : vector<16xf32>
        %gather3A_489 = arith.constant 32 : i32
        %gather3A_490 = tpu.memref_slice %arg8[%gather3A_489] : memref<20480xf32, #tpu.memory_space<vmem>> -> memref<20424xf32, #tpu.memory_space<vmem>>
        %gather3A_491 = tpu.vector_load_idx %gather3A_490[%add3A_142] : memref<20424xf32, #tpu.memory_space<vmem>>[vector<16xi32>], vector<16xf32>,
        %gather3A_492 = arith.constant 32 : i32
        %gather3A_493 = tpu.memref_slice %arg7[%gather3A_492] : memref<64000xf32, #tpu.memory_space<vmem>> -> memref<63944xf32, #tpu.memory_space<vmem>>
        %gather3A_494 = tpu.vector_load_idx %gather3A_493[%add3A_166] : memref<63944xf32, #tpu.memory_space<vmem>>[vector<16xi32>], vector<16xf32>,
        %sub3A_495 = arith.subf %gather3A_491, %gather3A_494 : vector<16xf32>
        %mul3A_496 = arith.mulf %sub3A_495, %sub3A_495 : vector<16xf32>
        %add3A_497 = arith.addf %add3A_461, %mul3A_496 : vector<16xf32>
        %gather3A_498 = arith.constant 32 : i32
        %gather3A_499 = tpu.memref_slice %arg8[%gather3A_498] : memref<20480xf32, #tpu.memory_space<vmem>> -> memref<20424xf32, #tpu.memory_space<vmem>>
        %gather3A_500 = tpu.vector_load_idx %gather3A_499[%add3A_145] : memref<20424xf32, #tpu.memory_space<vmem>>[vector<16xi32>], vector<16xf32>,
        %gather3A_501 = arith.constant 32 : i32
        %gather3A_502 = tpu.memref_slice %arg7[%gather3A_501] : memref<64000xf32, #tpu.memory_space<vmem>> -> memref<63944xf32, #tpu.memory_space<vmem>>
        %gather3A_503 = tpu.vector_load_idx %gather3A_502[%add3A_169] : memref<63944xf32, #tpu.memory_space<vmem>>[vector<16xi32>], vector<16xf32>,
        %sub3A_504 = arith.subf %gather3A_500, %gather3A_503 : vector<16xf32>
        %mul3A_505 = arith.mulf %sub3A_504, %sub3A_504 : vector<16xf32>
        %add3A_506 = arith.addf %add3A_470, %mul3A_505 : vector<16xf32>
        %gather3A_507 = arith.constant 32 : i32
        %gather3A_508 = tpu.memref_slice %arg8[%gather3A_507] : memref<20480xf32, #tpu.memory_space<vmem>> -> memref<20424xf32, #tpu.memory_space<vmem>>
        %gather3A_509 = tpu.vector_load_idx %gather3A_508[%add3A_148] : memref<20424xf32, #tpu.memory_space<vmem>>[vector<16xi32>], vector<16xf32>,
        %gather3A_510 = arith.constant 32 : i32
        %gather3A_511 = tpu.memref_slice %arg7[%gather3A_510] : memref<64000xf32, #tpu.memory_space<vmem>> -> memref<63944xf32, #tpu.memory_space<vmem>>
        %gather3A_512 = tpu.vector_load_idx %gather3A_511[%add3A_172] : memref<63944xf32, #tpu.memory_space<vmem>>[vector<16xi32>], vector<16xf32>,
        %sub3A_513 = arith.subf %gather3A_509, %gather3A_512 : vector<16xf32>
        %mul3A_514 = arith.mulf %sub3A_513, %sub3A_513 : vector<16xf32>
        %add3A_515 = arith.addf %add3A_479, %mul3A_514 : vector<16xf32>
        %gather3A_516 = arith.constant 32 : i32
        %gather3A_517 = tpu.memref_slice %arg8[%gather3A_516] : memref<20480xf32, #tpu.memory_space<vmem>> -> memref<20424xf32, #tpu.memory_space<vmem>>
        %gather3A_518 = tpu.vector_load_idx %gather3A_517[%add3A_151] : memref<20424xf32, #tpu.memory_space<vmem>>[vector<16xi32>], vector<16xf32>,
        %gather3A_519 = arith.constant 32 : i32
        %gather3A_520 = tpu.memref_slice %arg7[%gather3A_519] : memref<64000xf32, #tpu.memory_space<vmem>> -> memref<63944xf32, #tpu.memory_space<vmem>>
        %gather3A_521 = tpu.vector_load_idx %gather3A_520[%add3A_175] : memref<63944xf32, #tpu.memory_space<vmem>>[vector<16xi32>], vector<16xf32>,
        %sub3A_522 = arith.subf %gather3A_518, %gather3A_521 : vector<16xf32>
        %mul3A_523 = arith.mulf %sub3A_522, %sub3A_522 : vector<16xf32>
        %add3A_524 = arith.addf %add3A_488, %mul3A_523 : vector<16xf32>
        %gather3A_525 = arith.constant 32 : i32
        %gather3A_526 = tpu.memref_slice %arg8[%gather3A_525] : memref<20480xf32, #tpu.memory_space<vmem>> -> memref<20424xf32, #tpu.memory_space<vmem>>
        %gather3A_527 = tpu.vector_load_idx %gather3A_526[%add3A_154] : memref<20424xf32, #tpu.memory_space<vmem>>[vector<16xi32>], vector<16xf32>,
        %gather3A_528 = arith.constant 32 : i32
        %gather3A_529 = tpu.memref_slice %arg7[%gather3A_528] : memref<64000xf32, #tpu.memory_space<vmem>> -> memref<63944xf32, #tpu.memory_space<vmem>>
        %gather3A_530 = tpu.vector_load_idx %gather3A_529[%add3A_178] : memref<63944xf32, #tpu.memory_space<vmem>>[vector<16xi32>], vector<16xf32>,
        %sub3A_531 = arith.subf %gather3A_527, %gather3A_530 : vector<16xf32>
        %mul3A_532 = arith.mulf %sub3A_531, %sub3A_531 : vector<16xf32>
        %add3A_533 = arith.addf %add3A_497, %mul3A_532 : vector<16xf32>
        %gather3A_534 = arith.constant 32 : i32
        %gather3A_535 = tpu.memref_slice %arg8[%gather3A_534] : memref<20480xf32, #tpu.memory_space<vmem>> -> memref<20424xf32, #tpu.memory_space<vmem>>
        %gather3A_536 = tpu.vector_load_idx %gather3A_535[%add3A_157] : memref<20424xf32, #tpu.memory_space<vmem>>[vector<16xi32>], vector<16xf32>,
        %gather3A_537 = arith.constant 32 : i32
        %gather3A_538 = tpu.memref_slice %arg7[%gather3A_537] : memref<64000xf32, #tpu.memory_space<vmem>> -> memref<63944xf32, #tpu.memory_space<vmem>>
        %gather3A_539 = tpu.vector_load_idx %gather3A_538[%add3A_181] : memref<63944xf32, #tpu.memory_space<vmem>>[vector<16xi32>], vector<16xf32>,
        %sub3A_540 = arith.subf %gather3A_536, %gather3A_539 : vector<16xf32>
        %mul3A_541 = arith.mulf %sub3A_540, %sub3A_540 : vector<16xf32>
        %add3A_542 = arith.addf %add3A_506, %mul3A_541 : vector<16xf32>
        %gather3A_543 = arith.constant 32 : i32
        %gather3A_544 = tpu.memref_slice %arg8[%gather3A_543] : memref<20480xf32, #tpu.memory_space<vmem>> -> memref<20424xf32, #tpu.memory_space<vmem>>
        %gather3A_545 = tpu.vector_load_idx %gather3A_544[%add3A_160] : memref<20424xf32, #tpu.memory_space<vmem>>[vector<16xi32>], vector<16xf32>,
        %gather3A_546 = arith.constant 32 : i32
        %gather3A_547 = tpu.memref_slice %arg7[%gather3A_546] : memref<64000xf32, #tpu.memory_space<vmem>> -> memref<63944xf32, #tpu.memory_space<vmem>>
        %gather3A_548 = tpu.vector_load_idx %gather3A_547[%add3A_184] : memref<63944xf32, #tpu.memory_space<vmem>>[vector<16xi32>], vector<16xf32>,
        %sub3A_549 = arith.subf %gather3A_545, %gather3A_548 : vector<16xf32>
        %mul3A_550 = arith.mulf %sub3A_549, %sub3A_549 : vector<16xf32>
        %add3A_551 = arith.addf %add3A_515, %mul3A_550 : vector<16xf32>
        %gather3A_552 = arith.constant 40 : i32
        %gather3A_553 = tpu.memref_slice %arg8[%gather3A_552] : memref<20480xf32, #tpu.memory_space<vmem>> -> memref<20424xf32, #tpu.memory_space<vmem>>
        %gather3A_554 = tpu.vector_load_idx %gather3A_553[%add3A_139] : memref<20424xf32, #tpu.memory_space<vmem>>[vector<16xi32>], vector<16xf32>,
        %gather3A_555 = arith.constant 40 : i32
        %gather3A_556 = tpu.memref_slice %arg7[%gather3A_555] : memref<64000xf32, #tpu.memory_space<vmem>> -> memref<63944xf32, #tpu.memory_space<vmem>>
        %gather3A_557 = tpu.vector_load_idx %gather3A_556[%add3A_163] : memref<63944xf32, #tpu.memory_space<vmem>>[vector<16xi32>], vector<16xf32>,
        %sub3A_558 = arith.subf %gather3A_554, %gather3A_557 : vector<16xf32>
        %mul3A_559 = arith.mulf %sub3A_558, %sub3A_558 : vector<16xf32>
        %add3A_560 = arith.addf %add3A_524, %mul3A_559 : vector<16xf32>
        %gather3A_561 = arith.constant 40 : i32
        %gather3A_562 = tpu.memref_slice %arg8[%gather3A_561] : memref<20480xf32, #tpu.memory_space<vmem>> -> memref<20424xf32, #tpu.memory_space<vmem>>
        %gather3A_563 = tpu.vector_load_idx %gather3A_562[%add3A_142] : memref<20424xf32, #tpu.memory_space<vmem>>[vector<16xi32>], vector<16xf32>,
        %gather3A_564 = arith.constant 40 : i32
        %gather3A_565 = tpu.memref_slice %arg7[%gather3A_564] : memref<64000xf32, #tpu.memory_space<vmem>> -> memref<63944xf32, #tpu.memory_space<vmem>>
        %gather3A_566 = tpu.vector_load_idx %gather3A_565[%add3A_166] : memref<63944xf32, #tpu.memory_space<vmem>>[vector<16xi32>], vector<16xf32>,
        %sub3A_567 = arith.subf %gather3A_563, %gather3A_566 : vector<16xf32>
        %mul3A_568 = arith.mulf %sub3A_567, %sub3A_567 : vector<16xf32>
        %add3A_569 = arith.addf %add3A_533, %mul3A_568 : vector<16xf32>
        %gather3A_570 = arith.constant 40 : i32
        %gather3A_571 = tpu.memref_slice %arg8[%gather3A_570] : memref<20480xf32, #tpu.memory_space<vmem>> -> memref<20424xf32, #tpu.memory_space<vmem>>
        %gather3A_572 = tpu.vector_load_idx %gather3A_571[%add3A_145] : memref<20424xf32, #tpu.memory_space<vmem>>[vector<16xi32>], vector<16xf32>,
        %gather3A_573 = arith.constant 40 : i32
        %gather3A_574 = tpu.memref_slice %arg7[%gather3A_573] : memref<64000xf32, #tpu.memory_space<vmem>> -> memref<63944xf32, #tpu.memory_space<vmem>>
        %gather3A_575 = tpu.vector_load_idx %gather3A_574[%add3A_169] : memref<63944xf32, #tpu.memory_space<vmem>>[vector<16xi32>], vector<16xf32>,
        %sub3A_576 = arith.subf %gather3A_572, %gather3A_575 : vector<16xf32>
        %mul3A_577 = arith.mulf %sub3A_576, %sub3A_576 : vector<16xf32>
        %add3A_578 = arith.addf %add3A_542, %mul3A_577 : vector<16xf32>
        %gather3A_579 = arith.constant 40 : i32
        %gather3A_580 = tpu.memref_slice %arg8[%gather3A_579] : memref<20480xf32, #tpu.memory_space<vmem>> -> memref<20424xf32, #tpu.memory_space<vmem>>
        %gather3A_581 = tpu.vector_load_idx %gather3A_580[%add3A_148] : memref<20424xf32, #tpu.memory_space<vmem>>[vector<16xi32>], vector<16xf32>,
        %gather3A_582 = arith.constant 40 : i32
        %gather3A_583 = tpu.memref_slice %arg7[%gather3A_582] : memref<64000xf32, #tpu.memory_space<vmem>> -> memref<63944xf32, #tpu.memory_space<vmem>>
        %gather3A_584 = tpu.vector_load_idx %gather3A_583[%add3A_172] : memref<63944xf32, #tpu.memory_space<vmem>>[vector<16xi32>], vector<16xf32>,
        %sub3A_585 = arith.subf %gather3A_581, %gather3A_584 : vector<16xf32>
        %mul3A_586 = arith.mulf %sub3A_585, %sub3A_585 : vector<16xf32>
        %add3A_587 = arith.addf %add3A_551, %mul3A_586 : vector<16xf32>
        %gather3A_588 = arith.constant 40 : i32
        %gather3A_589 = tpu.memref_slice %arg8[%gather3A_588] : memref<20480xf32, #tpu.memory_space<vmem>> -> memref<20424xf32, #tpu.memory_space<vmem>>
        %gather3A_590 = tpu.vector_load_idx %gather3A_589[%add3A_151] : memref<20424xf32, #tpu.memory_space<vmem>>[vector<16xi32>], vector<16xf32>,
        %gather3A_591 = arith.constant 40 : i32
        %gather3A_592 = tpu.memref_slice %arg7[%gather3A_591] : memref<64000xf32, #tpu.memory_space<vmem>> -> memref<63944xf32, #tpu.memory_space<vmem>>
        %gather3A_593 = tpu.vector_load_idx %gather3A_592[%add3A_175] : memref<63944xf32, #tpu.memory_space<vmem>>[vector<16xi32>], vector<16xf32>,
        %sub3A_594 = arith.subf %gather3A_590, %gather3A_593 : vector<16xf32>
        %mul3A_595 = arith.mulf %sub3A_594, %sub3A_594 : vector<16xf32>
        %add3A_596 = arith.addf %add3A_560, %mul3A_595 : vector<16xf32>
        %gather3A_597 = arith.constant 40 : i32
        %gather3A_598 = tpu.memref_slice %arg8[%gather3A_597] : memref<20480xf32, #tpu.memory_space<vmem>> -> memref<20424xf32, #tpu.memory_space<vmem>>
        %gather3A_599 = tpu.vector_load_idx %gather3A_598[%add3A_154] : memref<20424xf32, #tpu.memory_space<vmem>>[vector<16xi32>], vector<16xf32>,
        %gather3A_600 = arith.constant 40 : i32
        %gather3A_601 = tpu.memref_slice %arg7[%gather3A_600] : memref<64000xf32, #tpu.memory_space<vmem>> -> memref<63944xf32, #tpu.memory_space<vmem>>
        %gather3A_602 = tpu.vector_load_idx %gather3A_601[%add3A_178] : memref<63944xf32, #tpu.memory_space<vmem>>[vector<16xi32>], vector<16xf32>,
        %sub3A_603 = arith.subf %gather3A_599, %gather3A_602 : vector<16xf32>
        %mul3A_604 = arith.mulf %sub3A_603, %sub3A_603 : vector<16xf32>
        %add3A_605 = arith.addf %add3A_569, %mul3A_604 : vector<16xf32>
        %gather3A_606 = arith.constant 40 : i32
        %gather3A_607 = tpu.memref_slice %arg8[%gather3A_606] : memref<20480xf32, #tpu.memory_space<vmem>> -> memref<20424xf32, #tpu.memory_space<vmem>>
        %gather3A_608 = tpu.vector_load_idx %gather3A_607[%add3A_157] : memref<20424xf32, #tpu.memory_space<vmem>>[vector<16xi32>], vector<16xf32>,
        %gather3A_609 = arith.constant 40 : i32
        %gather3A_610 = tpu.memref_slice %arg7[%gather3A_609] : memref<64000xf32, #tpu.memory_space<vmem>> -> memref<63944xf32, #tpu.memory_space<vmem>>
        %gather3A_611 = tpu.vector_load_idx %gather3A_610[%add3A_181] : memref<63944xf32, #tpu.memory_space<vmem>>[vector<16xi32>], vector<16xf32>,
        %sub3A_612 = arith.subf %gather3A_608, %gather3A_611 : vector<16xf32>
        %mul3A_613 = arith.mulf %sub3A_612, %sub3A_612 : vector<16xf32>
        %add3A_614 = arith.addf %add3A_578, %mul3A_613 : vector<16xf32>
        %gather3A_615 = arith.constant 40 : i32
        %gather3A_616 = tpu.memref_slice %arg8[%gather3A_615] : memref<20480xf32, #tpu.memory_space<vmem>> -> memref<20424xf32, #tpu.memory_space<vmem>>
        %gather3A_617 = tpu.vector_load_idx %gather3A_616[%add3A_160] : memref<20424xf32, #tpu.memory_space<vmem>>[vector<16xi32>], vector<16xf32>,
        %gather3A_618 = arith.constant 40 : i32
        %gather3A_619 = tpu.memref_slice %arg7[%gather3A_618] : memref<64000xf32, #tpu.memory_space<vmem>> -> memref<63944xf32, #tpu.memory_space<vmem>>
        %gather3A_620 = tpu.vector_load_idx %gather3A_619[%add3A_184] : memref<63944xf32, #tpu.memory_space<vmem>>[vector<16xi32>], vector<16xf32>,
        %sub3A_621 = arith.subf %gather3A_617, %gather3A_620 : vector<16xf32>
        %mul3A_622 = arith.mulf %sub3A_621, %sub3A_621 : vector<16xf32>
        %add3A_623 = arith.addf %add3A_587, %mul3A_622 : vector<16xf32>
        %gather3A_624 = arith.constant 48 : i32
        %gather3A_625 = tpu.memref_slice %arg8[%gather3A_624] : memref<20480xf32, #tpu.memory_space<vmem>> -> memref<20424xf32, #tpu.memory_space<vmem>>
        %gather3A_626 = tpu.vector_load_idx %gather3A_625[%add3A_139] : memref<20424xf32, #tpu.memory_space<vmem>>[vector<16xi32>], vector<16xf32>,
        %gather3A_627 = arith.constant 48 : i32
        %gather3A_628 = tpu.memref_slice %arg7[%gather3A_627] : memref<64000xf32, #tpu.memory_space<vmem>> -> memref<63944xf32, #tpu.memory_space<vmem>>
        %gather3A_629 = tpu.vector_load_idx %gather3A_628[%add3A_163] : memref<63944xf32, #tpu.memory_space<vmem>>[vector<16xi32>], vector<16xf32>,
        %sub3A_630 = arith.subf %gather3A_626, %gather3A_629 : vector<16xf32>
        %mul3A_631 = arith.mulf %sub3A_630, %sub3A_630 : vector<16xf32>
        %add3A_632 = arith.addf %add3A_596, %mul3A_631 : vector<16xf32>
        %gather3A_633 = arith.constant 48 : i32
        %gather3A_634 = tpu.memref_slice %arg8[%gather3A_633] : memref<20480xf32, #tpu.memory_space<vmem>> -> memref<20424xf32, #tpu.memory_space<vmem>>
        %gather3A_635 = tpu.vector_load_idx %gather3A_634[%add3A_142] : memref<20424xf32, #tpu.memory_space<vmem>>[vector<16xi32>], vector<16xf32>,
        %gather3A_636 = arith.constant 48 : i32
        %gather3A_637 = tpu.memref_slice %arg7[%gather3A_636] : memref<64000xf32, #tpu.memory_space<vmem>> -> memref<63944xf32, #tpu.memory_space<vmem>>
        %gather3A_638 = tpu.vector_load_idx %gather3A_637[%add3A_166] : memref<63944xf32, #tpu.memory_space<vmem>>[vector<16xi32>], vector<16xf32>,
        %sub3A_639 = arith.subf %gather3A_635, %gather3A_638 : vector<16xf32>
        %mul3A_640 = arith.mulf %sub3A_639, %sub3A_639 : vector<16xf32>
        %add3A_641 = arith.addf %add3A_605, %mul3A_640 : vector<16xf32>
        %gather3A_642 = arith.constant 48 : i32
        %gather3A_643 = tpu.memref_slice %arg8[%gather3A_642] : memref<20480xf32, #tpu.memory_space<vmem>> -> memref<20424xf32, #tpu.memory_space<vmem>>
        %gather3A_644 = tpu.vector_load_idx %gather3A_643[%add3A_145] : memref<20424xf32, #tpu.memory_space<vmem>>[vector<16xi32>], vector<16xf32>,
        %gather3A_645 = arith.constant 48 : i32
        %gather3A_646 = tpu.memref_slice %arg7[%gather3A_645] : memref<64000xf32, #tpu.memory_space<vmem>> -> memref<63944xf32, #tpu.memory_space<vmem>>
        %gather3A_647 = tpu.vector_load_idx %gather3A_646[%add3A_169] : memref<63944xf32, #tpu.memory_space<vmem>>[vector<16xi32>], vector<16xf32>,
        %sub3A_648 = arith.subf %gather3A_644, %gather3A_647 : vector<16xf32>
        %mul3A_649 = arith.mulf %sub3A_648, %sub3A_648 : vector<16xf32>
        %add3A_650 = arith.addf %add3A_614, %mul3A_649 : vector<16xf32>
        %gather3A_651 = arith.constant 48 : i32
        %gather3A_652 = tpu.memref_slice %arg8[%gather3A_651] : memref<20480xf32, #tpu.memory_space<vmem>> -> memref<20424xf32, #tpu.memory_space<vmem>>
        %gather3A_653 = tpu.vector_load_idx %gather3A_652[%add3A_148] : memref<20424xf32, #tpu.memory_space<vmem>>[vector<16xi32>], vector<16xf32>,
        %gather3A_654 = arith.constant 48 : i32
        %gather3A_655 = tpu.memref_slice %arg7[%gather3A_654] : memref<64000xf32, #tpu.memory_space<vmem>> -> memref<63944xf32, #tpu.memory_space<vmem>>
        %gather3A_656 = tpu.vector_load_idx %gather3A_655[%add3A_172] : memref<63944xf32, #tpu.memory_space<vmem>>[vector<16xi32>], vector<16xf32>,
        %sub3A_657 = arith.subf %gather3A_653, %gather3A_656 : vector<16xf32>
        %mul3A_658 = arith.mulf %sub3A_657, %sub3A_657 : vector<16xf32>
        %add3A_659 = arith.addf %add3A_623, %mul3A_658 : vector<16xf32>
        %gather3A_660 = arith.constant 48 : i32
        %gather3A_661 = tpu.memref_slice %arg8[%gather3A_660] : memref<20480xf32, #tpu.memory_space<vmem>> -> memref<20424xf32, #tpu.memory_space<vmem>>
        %gather3A_662 = tpu.vector_load_idx %gather3A_661[%add3A_151] : memref<20424xf32, #tpu.memory_space<vmem>>[vector<16xi32>], vector<16xf32>,
        %gather3A_663 = arith.constant 48 : i32
        %gather3A_664 = tpu.memref_slice %arg7[%gather3A_663] : memref<64000xf32, #tpu.memory_space<vmem>> -> memref<63944xf32, #tpu.memory_space<vmem>>
        %gather3A_665 = tpu.vector_load_idx %gather3A_664[%add3A_175] : memref<63944xf32, #tpu.memory_space<vmem>>[vector<16xi32>], vector<16xf32>,
        %sub3A_666 = arith.subf %gather3A_662, %gather3A_665 : vector<16xf32>
        %mul3A_667 = arith.mulf %sub3A_666, %sub3A_666 : vector<16xf32>
        %add3A_668 = arith.addf %add3A_632, %mul3A_667 : vector<16xf32>
        %gather3A_669 = arith.constant 48 : i32
        %gather3A_670 = tpu.memref_slice %arg8[%gather3A_669] : memref<20480xf32, #tpu.memory_space<vmem>> -> memref<20424xf32, #tpu.memory_space<vmem>>
        %gather3A_671 = tpu.vector_load_idx %gather3A_670[%add3A_154] : memref<20424xf32, #tpu.memory_space<vmem>>[vector<16xi32>], vector<16xf32>,
        %gather3A_672 = arith.constant 48 : i32
        %gather3A_673 = tpu.memref_slice %arg7[%gather3A_672] : memref<64000xf32, #tpu.memory_space<vmem>> -> memref<63944xf32, #tpu.memory_space<vmem>>
        %gather3A_674 = tpu.vector_load_idx %gather3A_673[%add3A_178] : memref<63944xf32, #tpu.memory_space<vmem>>[vector<16xi32>], vector<16xf32>,
        %sub3A_675 = arith.subf %gather3A_671, %gather3A_674 : vector<16xf32>
        %mul3A_676 = arith.mulf %sub3A_675, %sub3A_675 : vector<16xf32>
        %add3A_677 = arith.addf %add3A_641, %mul3A_676 : vector<16xf32>
        %gather3A_678 = arith.constant 48 : i32
        %gather3A_679 = tpu.memref_slice %arg8[%gather3A_678] : memref<20480xf32, #tpu.memory_space<vmem>> -> memref<20424xf32, #tpu.memory_space<vmem>>
        %gather3A_680 = tpu.vector_load_idx %gather3A_679[%add3A_157] : memref<20424xf32, #tpu.memory_space<vmem>>[vector<16xi32>], vector<16xf32>,
        %gather3A_681 = arith.constant 48 : i32
        %gather3A_682 = tpu.memref_slice %arg7[%gather3A_681] : memref<64000xf32, #tpu.memory_space<vmem>> -> memref<63944xf32, #tpu.memory_space<vmem>>
        %gather3A_683 = tpu.vector_load_idx %gather3A_682[%add3A_181] : memref<63944xf32, #tpu.memory_space<vmem>>[vector<16xi32>], vector<16xf32>,
        %sub3A_684 = arith.subf %gather3A_680, %gather3A_683 : vector<16xf32>
        %mul3A_685 = arith.mulf %sub3A_684, %sub3A_684 : vector<16xf32>
        %add3A_686 = arith.addf %add3A_650, %mul3A_685 : vector<16xf32>
        %gather3A_687 = arith.constant 48 : i32
        %gather3A_688 = tpu.memref_slice %arg8[%gather3A_687] : memref<20480xf32, #tpu.memory_space<vmem>> -> memref<20424xf32, #tpu.memory_space<vmem>>
        %gather3A_689 = tpu.vector_load_idx %gather3A_688[%add3A_160] : memref<20424xf32, #tpu.memory_space<vmem>>[vector<16xi32>], vector<16xf32>,
        %gather3A_690 = arith.constant 48 : i32
        %gather3A_691 = tpu.memref_slice %arg7[%gather3A_690] : memref<64000xf32, #tpu.memory_space<vmem>> -> memref<63944xf32, #tpu.memory_space<vmem>>
        %gather3A_692 = tpu.vector_load_idx %gather3A_691[%add3A_184] : memref<63944xf32, #tpu.memory_space<vmem>>[vector<16xi32>], vector<16xf32>,
        %sub3A_693 = arith.subf %gather3A_689, %gather3A_692 : vector<16xf32>
        %mul3A_694 = arith.mulf %sub3A_693, %sub3A_693 : vector<16xf32>
        %add3A_695 = arith.addf %add3A_659, %mul3A_694 : vector<16xf32>
        %gather3A_696 = arith.constant 56 : i32
        %gather3A_697 = tpu.memref_slice %arg8[%gather3A_696] : memref<20480xf32, #tpu.memory_space<vmem>> -> memref<20424xf32, #tpu.memory_space<vmem>>
        %gather3A_698 = tpu.vector_load_idx %gather3A_697[%add3A_139] : memref<20424xf32, #tpu.memory_space<vmem>>[vector<16xi32>], vector<16xf32>,
        %gather3A_699 = arith.constant 56 : i32
        %gather3A_700 = tpu.memref_slice %arg7[%gather3A_699] : memref<64000xf32, #tpu.memory_space<vmem>> -> memref<63944xf32, #tpu.memory_space<vmem>>
        %gather3A_701 = tpu.vector_load_idx %gather3A_700[%add3A_163] : memref<63944xf32, #tpu.memory_space<vmem>>[vector<16xi32>], vector<16xf32>,
        %sub3A_702 = arith.subf %gather3A_698, %gather3A_701 : vector<16xf32>
        %mul3A_703 = arith.mulf %sub3A_702, %sub3A_702 : vector<16xf32>
        %add3A_704 = arith.addf %add3A_668, %mul3A_703 : vector<16xf32>
        %gather3A_705 = arith.constant 56 : i32
        %gather3A_706 = tpu.memref_slice %arg8[%gather3A_705] : memref<20480xf32, #tpu.memory_space<vmem>> -> memref<20424xf32, #tpu.memory_space<vmem>>
        %gather3A_707 = tpu.vector_load_idx %gather3A_706[%add3A_142] : memref<20424xf32, #tpu.memory_space<vmem>>[vector<16xi32>], vector<16xf32>,
        %gather3A_708 = arith.constant 56 : i32
        %gather3A_709 = tpu.memref_slice %arg7[%gather3A_708] : memref<64000xf32, #tpu.memory_space<vmem>> -> memref<63944xf32, #tpu.memory_space<vmem>>
        %gather3A_710 = tpu.vector_load_idx %gather3A_709[%add3A_166] : memref<63944xf32, #tpu.memory_space<vmem>>[vector<16xi32>], vector<16xf32>,
        %sub3A_711 = arith.subf %gather3A_707, %gather3A_710 : vector<16xf32>
        %mul3A_712 = arith.mulf %sub3A_711, %sub3A_711 : vector<16xf32>
        %add3A_713 = arith.addf %add3A_677, %mul3A_712 : vector<16xf32>
        %gather3A_714 = arith.constant 56 : i32
        %gather3A_715 = tpu.memref_slice %arg8[%gather3A_714] : memref<20480xf32, #tpu.memory_space<vmem>> -> memref<20424xf32, #tpu.memory_space<vmem>>
        %gather3A_716 = tpu.vector_load_idx %gather3A_715[%add3A_145] : memref<20424xf32, #tpu.memory_space<vmem>>[vector<16xi32>], vector<16xf32>,
        %gather3A_717 = arith.constant 56 : i32
        %gather3A_718 = tpu.memref_slice %arg7[%gather3A_717] : memref<64000xf32, #tpu.memory_space<vmem>> -> memref<63944xf32, #tpu.memory_space<vmem>>
        %gather3A_719 = tpu.vector_load_idx %gather3A_718[%add3A_169] : memref<63944xf32, #tpu.memory_space<vmem>>[vector<16xi32>], vector<16xf32>,
        %sub3A_720 = arith.subf %gather3A_716, %gather3A_719 : vector<16xf32>
        %mul3A_721 = arith.mulf %sub3A_720, %sub3A_720 : vector<16xf32>
        %add3A_722 = arith.addf %add3A_686, %mul3A_721 : vector<16xf32>
        %gather3A_723 = arith.constant 56 : i32
        %gather3A_724 = tpu.memref_slice %arg8[%gather3A_723] : memref<20480xf32, #tpu.memory_space<vmem>> -> memref<20424xf32, #tpu.memory_space<vmem>>
        %gather3A_725 = tpu.vector_load_idx %gather3A_724[%add3A_148] : memref<20424xf32, #tpu.memory_space<vmem>>[vector<16xi32>], vector<16xf32>,
        %gather3A_726 = arith.constant 56 : i32
        %gather3A_727 = tpu.memref_slice %arg7[%gather3A_726] : memref<64000xf32, #tpu.memory_space<vmem>> -> memref<63944xf32, #tpu.memory_space<vmem>>
        %gather3A_728 = tpu.vector_load_idx %gather3A_727[%add3A_172] : memref<63944xf32, #tpu.memory_space<vmem>>[vector<16xi32>], vector<16xf32>,
        %sub3A_729 = arith.subf %gather3A_725, %gather3A_728 : vector<16xf32>
        %mul3A_730 = arith.mulf %sub3A_729, %sub3A_729 : vector<16xf32>
        %add3A_731 = arith.addf %add3A_695, %mul3A_730 : vector<16xf32>
        %gather3A_732 = arith.constant 56 : i32
        %gather3A_733 = tpu.memref_slice %arg8[%gather3A_732] : memref<20480xf32, #tpu.memory_space<vmem>> -> memref<20424xf32, #tpu.memory_space<vmem>>
        %gather3A_734 = tpu.vector_load_idx %gather3A_733[%add3A_151] : memref<20424xf32, #tpu.memory_space<vmem>>[vector<16xi32>], vector<16xf32>,
        %gather3A_735 = arith.constant 56 : i32
        %gather3A_736 = tpu.memref_slice %arg7[%gather3A_735] : memref<64000xf32, #tpu.memory_space<vmem>> -> memref<63944xf32, #tpu.memory_space<vmem>>
        %gather3A_737 = tpu.vector_load_idx %gather3A_736[%add3A_175] : memref<63944xf32, #tpu.memory_space<vmem>>[vector<16xi32>], vector<16xf32>,
        %sub3A_738 = arith.subf %gather3A_734, %gather3A_737 : vector<16xf32>
        %mul3A_739 = arith.mulf %sub3A_738, %sub3A_738 : vector<16xf32>
        %add3A_740 = arith.addf %add3A_704, %mul3A_739 : vector<16xf32>
        %gather3A_741 = arith.constant 56 : i32
        %gather3A_742 = tpu.memref_slice %arg8[%gather3A_741] : memref<20480xf32, #tpu.memory_space<vmem>> -> memref<20424xf32, #tpu.memory_space<vmem>>
        %gather3A_743 = tpu.vector_load_idx %gather3A_742[%add3A_154] : memref<20424xf32, #tpu.memory_space<vmem>>[vector<16xi32>], vector<16xf32>,
        %gather3A_744 = arith.constant 56 : i32
        %gather3A_745 = tpu.memref_slice %arg7[%gather3A_744] : memref<64000xf32, #tpu.memory_space<vmem>> -> memref<63944xf32, #tpu.memory_space<vmem>>
        %gather3A_746 = tpu.vector_load_idx %gather3A_745[%add3A_178] : memref<63944xf32, #tpu.memory_space<vmem>>[vector<16xi32>], vector<16xf32>,
        %sub3A_747 = arith.subf %gather3A_743, %gather3A_746 : vector<16xf32>
        %mul3A_748 = arith.mulf %sub3A_747, %sub3A_747 : vector<16xf32>
        %add3A_749 = arith.addf %add3A_713, %mul3A_748 : vector<16xf32>
        %gather3A_750 = arith.constant 56 : i32
        %gather3A_751 = tpu.memref_slice %arg8[%gather3A_750] : memref<20480xf32, #tpu.memory_space<vmem>> -> memref<20424xf32, #tpu.memory_space<vmem>>
        %gather3A_752 = tpu.vector_load_idx %gather3A_751[%add3A_157] : memref<20424xf32, #tpu.memory_space<vmem>>[vector<16xi32>], vector<16xf32>,
        %gather3A_753 = arith.constant 56 : i32
        %gather3A_754 = tpu.memref_slice %arg7[%gather3A_753] : memref<64000xf32, #tpu.memory_space<vmem>> -> memref<63944xf32, #tpu.memory_space<vmem>>
        %gather3A_755 = tpu.vector_load_idx %gather3A_754[%add3A_181] : memref<63944xf32, #tpu.memory_space<vmem>>[vector<16xi32>], vector<16xf32>,
        %sub3A_756 = arith.subf %gather3A_752, %gather3A_755 : vector<16xf32>
        %mul3A_757 = arith.mulf %sub3A_756, %sub3A_756 : vector<16xf32>
        %add3A_758 = arith.addf %add3A_722, %mul3A_757 : vector<16xf32>
        %gather3A_759 = arith.constant 56 : i32
        %gather3A_760 = tpu.memref_slice %arg8[%gather3A_759] : memref<20480xf32, #tpu.memory_space<vmem>> -> memref<20424xf32, #tpu.memory_space<vmem>>
        %gather3A_761 = tpu.vector_load_idx %gather3A_760[%add3A_160] : memref<20424xf32, #tpu.memory_space<vmem>>[vector<16xi32>], vector<16xf32>,
        %gather3A_762 = arith.constant 56 : i32
        %gather3A_763 = tpu.memref_slice %arg7[%gather3A_762] : memref<64000xf32, #tpu.memory_space<vmem>> -> memref<63944xf32, #tpu.memory_space<vmem>>
        %gather3A_764 = tpu.vector_load_idx %gather3A_763[%add3A_184] : memref<63944xf32, #tpu.memory_space<vmem>>[vector<16xi32>], vector<16xf32>,
        %sub3A_765 = arith.subf %gather3A_761, %gather3A_764 : vector<16xf32>
        %mul3A_766 = arith.mulf %sub3A_765, %sub3A_765 : vector<16xf32>
        %add3A_767 = arith.addf %add3A_731, %mul3A_766 : vector<16xf32>
        %add3A_768 = arith.addf %add3A_740, %add3A_749 : vector<16xf32>
        %add3A_769 = arith.addf %add3A_758, %add3A_767 : vector<16xf32>
        %add3A_770 = arith.addf %add3A_768, %add3A_769 : vector<16xf32>
        %bitcast3A = vector.bitcast %add3A_770 : vector<16xf32> to vector<16xi32>
        %shift_right_logical3A = arith.constant 1 : i32
        %shift_right_logical3A_771 = vector.broadcast %shift_right_logical3A : i32 to vector<16xi32>
        %shift_right_logical3A_772 = arith.shrui %bitcast3A, %shift_right_logical3A_771 : vector<16xi32>
        %sub3A_773 = arith.constant 1597463007 : i32
        %sub3A_774 = vector.broadcast %sub3A_773 : i32 to vector<16xi32>
        %sub3A_775 = arith.subi %sub3A_774, %shift_right_logical3A_772 : vector<16xi32>
        %bitcast3A_776 = vector.bitcast %sub3A_775 : vector<16xi32> to vector<16xf32>
        %mul3A_777 = arith.constant 5.000000e-01 : f32
        %mul3A_778 = vector.broadcast %mul3A_777 : f32 to vector<16xf32>
        %mul3A_779 = arith.mulf %mul3A_778, %add3A_770 : vector<16xf32>
        %mul3A_780 = arith.mulf %mul3A_779, %bitcast3A_776 : vector<16xf32>
        %mul3A_781 = arith.mulf %mul3A_780, %bitcast3A_776 : vector<16xf32>
        %sub3A_782 = arith.constant 1.500000e+00 : f32
        %sub3A_783 = vector.broadcast %sub3A_782 : f32 to vector<16xf32>
        %sub3A_784 = arith.subf %sub3A_783, %mul3A_781 : vector<16xf32>
        %mul3A_785 = arith.mulf %bitcast3A_776, %sub3A_784 : vector<16xf32>
        %mul3A_786 = arith.mulf %mul3A_779, %mul3A_785 : vector<16xf32>
        %mul3A_787 = arith.mulf %mul3A_786, %mul3A_785 : vector<16xf32>
        %sub3A_788 = arith.constant 1.500000e+00 : f32
        %sub3A_789 = vector.broadcast %sub3A_788 : f32 to vector<16xf32>
        %sub3A_790 = arith.subf %sub3A_789, %mul3A_787 : vector<16xf32>
        %mul3A_791 = arith.mulf %mul3A_785, %sub3A_790 : vector<16xf32>
        %mul3A_792 = arith.mulf %mul3A_779, %mul3A_791 : vector<16xf32>
        %mul3A_793 = arith.mulf %mul3A_792, %mul3A_791 : vector<16xf32>
        %sub3A_794 = arith.constant 1.500000e+00 : f32
        %sub3A_795 = vector.broadcast %sub3A_794 : f32 to vector<16xf32>
        %sub3A_796 = arith.subf %sub3A_795, %mul3A_793 : vector<16xf32>
        %mul3A_797 = arith.mulf %mul3A_791, %sub3A_796 : vector<16xf32>
        %mul3A_798 = arith.mulf %add3A_770, %mul3A_797 : vector<16xf32>
        tpu.vector_store_idx %arg10[%iota3A, %convert_element_type3A_129], %mul3A_798 {add = true} : memref<16x1024xf32, #tpu.memory_space<vmem>>[vector<16xi32>, vector<16xi32>], vector<16xf32>,
        tpu.vector_store_idx %arg11[%iota3A, %convert_element_type3A_129], %broadcast_in_dim3A_3 {add = true} : memref<16x1024xf32, #tpu.memory_space<vmem>>[vector<16xi32>, vector<16xi32>], vector<16xf32>,
        %mul3A_799 = arith.constant 2 : i32
        %mul3A_800 = arith.muli %mul3A_799, %scan3A_119 : i32
        %add3A_801 = arith.constant 1 : i32
        %add3A_802 = arith.addi %mul3A_800, %add3A_801 : i32
        %mul3A_803 = arith.constant 160 : i32
        %mul3A_804 = arith.muli %select_n3A_82, %mul3A_803 : i32
        %mul3A_805 = arith.constant 16 : i32
        %mul3A_806 = arith.muli %add3A_802, %mul3A_805 : i32
        %add3A_807 = arith.addi %mul3A_804, %mul3A_806 : i32
        %get3A_808 = arith.index_cast %add3A_807 : i32 to index
        %get3A_809 = tpu.vector_load %arg9[%get3A_808] {strides = array<i32>} : memref<320xf32, #tpu.memory_space<vmem>>, vector<16xf32>,
        %convert_element_type3A_810 = arith.fptosi %get3A_809 : vector<16xf32> to vector<16xi32>
        %add3A_811 = vector.broadcast %add3A_807 : i32 to vector<16xi32>
        %add3A_812 = arith.addi %add3A_811, %iota3A : vector<16xi32>
        %shift_left3A_813 = arith.constant 6 : i32
        %shift_left3A_814 = vector.broadcast %shift_left3A_813 : i32 to vector<16xi32>
        %shift_left3A_815 = arith.shli %add3A_812, %shift_left3A_814 : vector<16xi32>
        %shift_left3A_816 = arith.constant 6 : i32
        %shift_left3A_817 = vector.broadcast %shift_left3A_816 : i32 to vector<16xi32>
        %shift_left3A_818 = arith.shli %convert_element_type3A_810, %shift_left3A_817 : vector<16xi32>
        %add3A_819 = arith.constant 0 : i32
        %add3A_820 = vector.broadcast %add3A_819 : i32 to vector<16xi32>
        %add3A_821 = arith.addi %shift_left3A_815, %add3A_820 : vector<16xi32>
        %add3A_822 = arith.constant 1 : i32
        %add3A_823 = vector.broadcast %add3A_822 : i32 to vector<16xi32>
        %add3A_824 = arith.addi %shift_left3A_815, %add3A_823 : vector<16xi32>
        %add3A_825 = arith.constant 2 : i32
        %add3A_826 = vector.broadcast %add3A_825 : i32 to vector<16xi32>
        %add3A_827 = arith.addi %shift_left3A_815, %add3A_826 : vector<16xi32>
        %add3A_828 = arith.constant 3 : i32
        %add3A_829 = vector.broadcast %add3A_828 : i32 to vector<16xi32>
        %add3A_830 = arith.addi %shift_left3A_815, %add3A_829 : vector<16xi32>
        %add3A_831 = arith.constant 4 : i32
        %add3A_832 = vector.broadcast %add3A_831 : i32 to vector<16xi32>
        %add3A_833 = arith.addi %shift_left3A_815, %add3A_832 : vector<16xi32>
        %add3A_834 = arith.constant 5 : i32
        %add3A_835 = vector.broadcast %add3A_834 : i32 to vector<16xi32>
        %add3A_836 = arith.addi %shift_left3A_815, %add3A_835 : vector<16xi32>
        %add3A_837 = arith.constant 6 : i32
        %add3A_838 = vector.broadcast %add3A_837 : i32 to vector<16xi32>
        %add3A_839 = arith.addi %shift_left3A_815, %add3A_838 : vector<16xi32>
        %add3A_840 = arith.constant 7 : i32
        %add3A_841 = vector.broadcast %add3A_840 : i32 to vector<16xi32>
        %add3A_842 = arith.addi %shift_left3A_815, %add3A_841 : vector<16xi32>
        %add3A_843 = arith.constant 0 : i32
        %add3A_844 = vector.broadcast %add3A_843 : i32 to vector<16xi32>
        %add3A_845 = arith.addi %shift_left3A_818, %add3A_844 : vector<16xi32>
        %add3A_846 = arith.constant 1 : i32
        %add3A_847 = vector.broadcast %add3A_846 : i32 to vector<16xi32>
        %add3A_848 = arith.addi %shift_left3A_818, %add3A_847 : vector<16xi32>
        %add3A_849 = arith.constant 2 : i32
        %add3A_850 = vector.broadcast %add3A_849 : i32 to vector<16xi32>
        %add3A_851 = arith.addi %shift_left3A_818, %add3A_850 : vector<16xi32>
        %add3A_852 = arith.constant 3 : i32
        %add3A_853 = vector.broadcast %add3A_852 : i32 to vector<16xi32>
        %add3A_854 = arith.addi %shift_left3A_818, %add3A_853 : vector<16xi32>
        %add3A_855 = arith.constant 4 : i32
        %add3A_856 = vector.broadcast %add3A_855 : i32 to vector<16xi32>
        %add3A_857 = arith.addi %shift_left3A_818, %add3A_856 : vector<16xi32>
        %add3A_858 = arith.constant 5 : i32
        %add3A_859 = vector.broadcast %add3A_858 : i32 to vector<16xi32>
        %add3A_860 = arith.addi %shift_left3A_818, %add3A_859 : vector<16xi32>
        %add3A_861 = arith.constant 6 : i32
        %add3A_862 = vector.broadcast %add3A_861 : i32 to vector<16xi32>
        %add3A_863 = arith.addi %shift_left3A_818, %add3A_862 : vector<16xi32>
        %add3A_864 = arith.constant 7 : i32
        %add3A_865 = vector.broadcast %add3A_864 : i32 to vector<16xi32>
        %add3A_866 = arith.addi %shift_left3A_818, %add3A_865 : vector<16xi32>
        %broadcast_in_dim3A_867 = arith.constant 0.000000e+00 : f32
        %broadcast_in_dim3A_868 = vector.broadcast %broadcast_in_dim3A_867 : f32 to vector<16xf32>
        %broadcast_in_dim3A_869 = arith.constant 0.000000e+00 : f32
        %broadcast_in_dim3A_870 = vector.broadcast %broadcast_in_dim3A_869 : f32 to vector<16xf32>
        %broadcast_in_dim3A_871 = arith.constant 0.000000e+00 : f32
        %broadcast_in_dim3A_872 = vector.broadcast %broadcast_in_dim3A_871 : f32 to vector<16xf32>
        %broadcast_in_dim3A_873 = arith.constant 0.000000e+00 : f32
        %broadcast_in_dim3A_874 = vector.broadcast %broadcast_in_dim3A_873 : f32 to vector<16xf32>
        %gather3A_875 = arith.constant 0 : i32
        %gather3A_876 = tpu.memref_slice %arg8[%gather3A_875] : memref<20480xf32, #tpu.memory_space<vmem>> -> memref<20424xf32, #tpu.memory_space<vmem>>
        %gather3A_877 = tpu.vector_load_idx %gather3A_876[%add3A_821] : memref<20424xf32, #tpu.memory_space<vmem>>[vector<16xi32>], vector<16xf32>,
        %gather3A_878 = arith.constant 0 : i32
        %gather3A_879 = tpu.memref_slice %arg7[%gather3A_878] : memref<64000xf32, #tpu.memory_space<vmem>> -> memref<63944xf32, #tpu.memory_space<vmem>>
        %gather3A_880 = tpu.vector_load_idx %gather3A_879[%add3A_845] : memref<63944xf32, #tpu.memory_space<vmem>>[vector<16xi32>], vector<16xf32>,
        %sub3A_881 = arith.subf %gather3A_877, %gather3A_880 : vector<16xf32>
        %mul3A_882 = arith.mulf %sub3A_881, %sub3A_881 : vector<16xf32>
        %add3A_883 = arith.addf %broadcast_in_dim3A_868, %mul3A_882 : vector<16xf32>
        %gather3A_884 = arith.constant 0 : i32
        %gather3A_885 = tpu.memref_slice %arg8[%gather3A_884] : memref<20480xf32, #tpu.memory_space<vmem>> -> memref<20424xf32, #tpu.memory_space<vmem>>
        %gather3A_886 = tpu.vector_load_idx %gather3A_885[%add3A_824] : memref<20424xf32, #tpu.memory_space<vmem>>[vector<16xi32>], vector<16xf32>,
        %gather3A_887 = arith.constant 0 : i32
        %gather3A_888 = tpu.memref_slice %arg7[%gather3A_887] : memref<64000xf32, #tpu.memory_space<vmem>> -> memref<63944xf32, #tpu.memory_space<vmem>>
        %gather3A_889 = tpu.vector_load_idx %gather3A_888[%add3A_848] : memref<63944xf32, #tpu.memory_space<vmem>>[vector<16xi32>], vector<16xf32>,
        %sub3A_890 = arith.subf %gather3A_886, %gather3A_889 : vector<16xf32>
        %mul3A_891 = arith.mulf %sub3A_890, %sub3A_890 : vector<16xf32>
        %add3A_892 = arith.addf %broadcast_in_dim3A_870, %mul3A_891 : vector<16xf32>
        %gather3A_893 = arith.constant 0 : i32
        %gather3A_894 = tpu.memref_slice %arg8[%gather3A_893] : memref<20480xf32, #tpu.memory_space<vmem>> -> memref<20424xf32, #tpu.memory_space<vmem>>
        %gather3A_895 = tpu.vector_load_idx %gather3A_894[%add3A_827] : memref<20424xf32, #tpu.memory_space<vmem>>[vector<16xi32>], vector<16xf32>,
        %gather3A_896 = arith.constant 0 : i32
        %gather3A_897 = tpu.memref_slice %arg7[%gather3A_896] : memref<64000xf32, #tpu.memory_space<vmem>> -> memref<63944xf32, #tpu.memory_space<vmem>>
        %gather3A_898 = tpu.vector_load_idx %gather3A_897[%add3A_851] : memref<63944xf32, #tpu.memory_space<vmem>>[vector<16xi32>], vector<16xf32>,
        %sub3A_899 = arith.subf %gather3A_895, %gather3A_898 : vector<16xf32>
        %mul3A_900 = arith.mulf %sub3A_899, %sub3A_899 : vector<16xf32>
        %add3A_901 = arith.addf %broadcast_in_dim3A_872, %mul3A_900 : vector<16xf32>
        %gather3A_902 = arith.constant 0 : i32
        %gather3A_903 = tpu.memref_slice %arg8[%gather3A_902] : memref<20480xf32, #tpu.memory_space<vmem>> -> memref<20424xf32, #tpu.memory_space<vmem>>
        %gather3A_904 = tpu.vector_load_idx %gather3A_903[%add3A_830] : memref<20424xf32, #tpu.memory_space<vmem>>[vector<16xi32>], vector<16xf32>,
        %gather3A_905 = arith.constant 0 : i32
        %gather3A_906 = tpu.memref_slice %arg7[%gather3A_905] : memref<64000xf32, #tpu.memory_space<vmem>> -> memref<63944xf32, #tpu.memory_space<vmem>>
        %gather3A_907 = tpu.vector_load_idx %gather3A_906[%add3A_854] : memref<63944xf32, #tpu.memory_space<vmem>>[vector<16xi32>], vector<16xf32>,
        %sub3A_908 = arith.subf %gather3A_904, %gather3A_907 : vector<16xf32>
        %mul3A_909 = arith.mulf %sub3A_908, %sub3A_908 : vector<16xf32>
        %add3A_910 = arith.addf %broadcast_in_dim3A_874, %mul3A_909 : vector<16xf32>
        %gather3A_911 = arith.constant 0 : i32
        %gather3A_912 = tpu.memref_slice %arg8[%gather3A_911] : memref<20480xf32, #tpu.memory_space<vmem>> -> memref<20424xf32, #tpu.memory_space<vmem>>
        %gather3A_913 = tpu.vector_load_idx %gather3A_912[%add3A_833] : memref<20424xf32, #tpu.memory_space<vmem>>[vector<16xi32>], vector<16xf32>,
        %gather3A_914 = arith.constant 0 : i32
        %gather3A_915 = tpu.memref_slice %arg7[%gather3A_914] : memref<64000xf32, #tpu.memory_space<vmem>> -> memref<63944xf32, #tpu.memory_space<vmem>>
        %gather3A_916 = tpu.vector_load_idx %gather3A_915[%add3A_857] : memref<63944xf32, #tpu.memory_space<vmem>>[vector<16xi32>], vector<16xf32>,
        %sub3A_917 = arith.subf %gather3A_913, %gather3A_916 : vector<16xf32>
        %mul3A_918 = arith.mulf %sub3A_917, %sub3A_917 : vector<16xf32>
        %add3A_919 = arith.addf %add3A_883, %mul3A_918 : vector<16xf32>
        %gather3A_920 = arith.constant 0 : i32
        %gather3A_921 = tpu.memref_slice %arg8[%gather3A_920] : memref<20480xf32, #tpu.memory_space<vmem>> -> memref<20424xf32, #tpu.memory_space<vmem>>
        %gather3A_922 = tpu.vector_load_idx %gather3A_921[%add3A_836] : memref<20424xf32, #tpu.memory_space<vmem>>[vector<16xi32>], vector<16xf32>,
        %gather3A_923 = arith.constant 0 : i32
        %gather3A_924 = tpu.memref_slice %arg7[%gather3A_923] : memref<64000xf32, #tpu.memory_space<vmem>> -> memref<63944xf32, #tpu.memory_space<vmem>>
        %gather3A_925 = tpu.vector_load_idx %gather3A_924[%add3A_860] : memref<63944xf32, #tpu.memory_space<vmem>>[vector<16xi32>], vector<16xf32>,
        %sub3A_926 = arith.subf %gather3A_922, %gather3A_925 : vector<16xf32>
        %mul3A_927 = arith.mulf %sub3A_926, %sub3A_926 : vector<16xf32>
        %add3A_928 = arith.addf %add3A_892, %mul3A_927 : vector<16xf32>
        %gather3A_929 = arith.constant 0 : i32
        %gather3A_930 = tpu.memref_slice %arg8[%gather3A_929] : memref<20480xf32, #tpu.memory_space<vmem>> -> memref<20424xf32, #tpu.memory_space<vmem>>
        %gather3A_931 = tpu.vector_load_idx %gather3A_930[%add3A_839] : memref<20424xf32, #tpu.memory_space<vmem>>[vector<16xi32>], vector<16xf32>,
        %gather3A_932 = arith.constant 0 : i32
        %gather3A_933 = tpu.memref_slice %arg7[%gather3A_932] : memref<64000xf32, #tpu.memory_space<vmem>> -> memref<63944xf32, #tpu.memory_space<vmem>>
        %gather3A_934 = tpu.vector_load_idx %gather3A_933[%add3A_863] : memref<63944xf32, #tpu.memory_space<vmem>>[vector<16xi32>], vector<16xf32>,
        %sub3A_935 = arith.subf %gather3A_931, %gather3A_934 : vector<16xf32>
        %mul3A_936 = arith.mulf %sub3A_935, %sub3A_935 : vector<16xf32>
        %add3A_937 = arith.addf %add3A_901, %mul3A_936 : vector<16xf32>
        %gather3A_938 = arith.constant 0 : i32
        %gather3A_939 = tpu.memref_slice %arg8[%gather3A_938] : memref<20480xf32, #tpu.memory_space<vmem>> -> memref<20424xf32, #tpu.memory_space<vmem>>
        %gather3A_940 = tpu.vector_load_idx %gather3A_939[%add3A_842] : memref<20424xf32, #tpu.memory_space<vmem>>[vector<16xi32>], vector<16xf32>,
        %gather3A_941 = arith.constant 0 : i32
        %gather3A_942 = tpu.memref_slice %arg7[%gather3A_941] : memref<64000xf32, #tpu.memory_space<vmem>> -> memref<63944xf32, #tpu.memory_space<vmem>>
        %gather3A_943 = tpu.vector_load_idx %gather3A_942[%add3A_866] : memref<63944xf32, #tpu.memory_space<vmem>>[vector<16xi32>], vector<16xf32>,
        %sub3A_944 = arith.subf %gather3A_940, %gather3A_943 : vector<16xf32>
        %mul3A_945 = arith.mulf %sub3A_944, %sub3A_944 : vector<16xf32>
        %add3A_946 = arith.addf %add3A_910, %mul3A_945 : vector<16xf32>
        %gather3A_947 = arith.constant 8 : i32
        %gather3A_948 = tpu.memref_slice %arg8[%gather3A_947] : memref<20480xf32, #tpu.memory_space<vmem>> -> memref<20424xf32, #tpu.memory_space<vmem>>
        %gather3A_949 = tpu.vector_load_idx %gather3A_948[%add3A_821] : memref<20424xf32, #tpu.memory_space<vmem>>[vector<16xi32>], vector<16xf32>,
        %gather3A_950 = arith.constant 8 : i32
        %gather3A_951 = tpu.memref_slice %arg7[%gather3A_950] : memref<64000xf32, #tpu.memory_space<vmem>> -> memref<63944xf32, #tpu.memory_space<vmem>>
        %gather3A_952 = tpu.vector_load_idx %gather3A_951[%add3A_845] : memref<63944xf32, #tpu.memory_space<vmem>>[vector<16xi32>], vector<16xf32>,
        %sub3A_953 = arith.subf %gather3A_949, %gather3A_952 : vector<16xf32>
        %mul3A_954 = arith.mulf %sub3A_953, %sub3A_953 : vector<16xf32>
        %add3A_955 = arith.addf %add3A_919, %mul3A_954 : vector<16xf32>
        %gather3A_956 = arith.constant 8 : i32
        %gather3A_957 = tpu.memref_slice %arg8[%gather3A_956] : memref<20480xf32, #tpu.memory_space<vmem>> -> memref<20424xf32, #tpu.memory_space<vmem>>
        %gather3A_958 = tpu.vector_load_idx %gather3A_957[%add3A_824] : memref<20424xf32, #tpu.memory_space<vmem>>[vector<16xi32>], vector<16xf32>,
        %gather3A_959 = arith.constant 8 : i32
        %gather3A_960 = tpu.memref_slice %arg7[%gather3A_959] : memref<64000xf32, #tpu.memory_space<vmem>> -> memref<63944xf32, #tpu.memory_space<vmem>>
        %gather3A_961 = tpu.vector_load_idx %gather3A_960[%add3A_848] : memref<63944xf32, #tpu.memory_space<vmem>>[vector<16xi32>], vector<16xf32>,
        %sub3A_962 = arith.subf %gather3A_958, %gather3A_961 : vector<16xf32>
        %mul3A_963 = arith.mulf %sub3A_962, %sub3A_962 : vector<16xf32>
        %add3A_964 = arith.addf %add3A_928, %mul3A_963 : vector<16xf32>
        %gather3A_965 = arith.constant 8 : i32
        %gather3A_966 = tpu.memref_slice %arg8[%gather3A_965] : memref<20480xf32, #tpu.memory_space<vmem>> -> memref<20424xf32, #tpu.memory_space<vmem>>
        %gather3A_967 = tpu.vector_load_idx %gather3A_966[%add3A_827] : memref<20424xf32, #tpu.memory_space<vmem>>[vector<16xi32>], vector<16xf32>,
        %gather3A_968 = arith.constant 8 : i32
        %gather3A_969 = tpu.memref_slice %arg7[%gather3A_968] : memref<64000xf32, #tpu.memory_space<vmem>> -> memref<63944xf32, #tpu.memory_space<vmem>>
        %gather3A_970 = tpu.vector_load_idx %gather3A_969[%add3A_851] : memref<63944xf32, #tpu.memory_space<vmem>>[vector<16xi32>], vector<16xf32>,
        %sub3A_971 = arith.subf %gather3A_967, %gather3A_970 : vector<16xf32>
        %mul3A_972 = arith.mulf %sub3A_971, %sub3A_971 : vector<16xf32>
        %add3A_973 = arith.addf %add3A_937, %mul3A_972 : vector<16xf32>
        %gather3A_974 = arith.constant 8 : i32
        %gather3A_975 = tpu.memref_slice %arg8[%gather3A_974] : memref<20480xf32, #tpu.memory_space<vmem>> -> memref<20424xf32, #tpu.memory_space<vmem>>
        %gather3A_976 = tpu.vector_load_idx %gather3A_975[%add3A_830] : memref<20424xf32, #tpu.memory_space<vmem>>[vector<16xi32>], vector<16xf32>,
        %gather3A_977 = arith.constant 8 : i32
        %gather3A_978 = tpu.memref_slice %arg7[%gather3A_977] : memref<64000xf32, #tpu.memory_space<vmem>> -> memref<63944xf32, #tpu.memory_space<vmem>>
        %gather3A_979 = tpu.vector_load_idx %gather3A_978[%add3A_854] : memref<63944xf32, #tpu.memory_space<vmem>>[vector<16xi32>], vector<16xf32>,
        %sub3A_980 = arith.subf %gather3A_976, %gather3A_979 : vector<16xf32>
        %mul3A_981 = arith.mulf %sub3A_980, %sub3A_980 : vector<16xf32>
        %add3A_982 = arith.addf %add3A_946, %mul3A_981 : vector<16xf32>
        %gather3A_983 = arith.constant 8 : i32
        %gather3A_984 = tpu.memref_slice %arg8[%gather3A_983] : memref<20480xf32, #tpu.memory_space<vmem>> -> memref<20424xf32, #tpu.memory_space<vmem>>
        %gather3A_985 = tpu.vector_load_idx %gather3A_984[%add3A_833] : memref<20424xf32, #tpu.memory_space<vmem>>[vector<16xi32>], vector<16xf32>,
        %gather3A_986 = arith.constant 8 : i32
        %gather3A_987 = tpu.memref_slice %arg7[%gather3A_986] : memref<64000xf32, #tpu.memory_space<vmem>> -> memref<63944xf32, #tpu.memory_space<vmem>>
        %gather3A_988 = tpu.vector_load_idx %gather3A_987[%add3A_857] : memref<63944xf32, #tpu.memory_space<vmem>>[vector<16xi32>], vector<16xf32>,
        %sub3A_989 = arith.subf %gather3A_985, %gather3A_988 : vector<16xf32>
        %mul3A_990 = arith.mulf %sub3A_989, %sub3A_989 : vector<16xf32>
        %add3A_991 = arith.addf %add3A_955, %mul3A_990 : vector<16xf32>
        %gather3A_992 = arith.constant 8 : i32
        %gather3A_993 = tpu.memref_slice %arg8[%gather3A_992] : memref<20480xf32, #tpu.memory_space<vmem>> -> memref<20424xf32, #tpu.memory_space<vmem>>
        %gather3A_994 = tpu.vector_load_idx %gather3A_993[%add3A_836] : memref<20424xf32, #tpu.memory_space<vmem>>[vector<16xi32>], vector<16xf32>,
        %gather3A_995 = arith.constant 8 : i32
        %gather3A_996 = tpu.memref_slice %arg7[%gather3A_995] : memref<64000xf32, #tpu.memory_space<vmem>> -> memref<63944xf32, #tpu.memory_space<vmem>>
        %gather3A_997 = tpu.vector_load_idx %gather3A_996[%add3A_860] : memref<63944xf32, #tpu.memory_space<vmem>>[vector<16xi32>], vector<16xf32>,
        %sub3A_998 = arith.subf %gather3A_994, %gather3A_997 : vector<16xf32>
        %mul3A_999 = arith.mulf %sub3A_998, %sub3A_998 : vector<16xf32>
        %add3A_1000 = arith.addf %add3A_964, %mul3A_999 : vector<16xf32>
        %gather3A_1001 = arith.constant 8 : i32
        %gather3A_1002 = tpu.memref_slice %arg8[%gather3A_1001] : memref<20480xf32, #tpu.memory_space<vmem>> -> memref<20424xf32, #tpu.memory_space<vmem>>
        %gather3A_1003 = tpu.vector_load_idx %gather3A_1002[%add3A_839] : memref<20424xf32, #tpu.memory_space<vmem>>[vector<16xi32>], vector<16xf32>,
        %gather3A_1004 = arith.constant 8 : i32
        %gather3A_1005 = tpu.memref_slice %arg7[%gather3A_1004] : memref<64000xf32, #tpu.memory_space<vmem>> -> memref<63944xf32, #tpu.memory_space<vmem>>
        %gather3A_1006 = tpu.vector_load_idx %gather3A_1005[%add3A_863] : memref<63944xf32, #tpu.memory_space<vmem>>[vector<16xi32>], vector<16xf32>,
        %sub3A_1007 = arith.subf %gather3A_1003, %gather3A_1006 : vector<16xf32>
        %mul3A_1008 = arith.mulf %sub3A_1007, %sub3A_1007 : vector<16xf32>
        %add3A_1009 = arith.addf %add3A_973, %mul3A_1008 : vector<16xf32>
        %gather3A_1010 = arith.constant 8 : i32
        %gather3A_1011 = tpu.memref_slice %arg8[%gather3A_1010] : memref<20480xf32, #tpu.memory_space<vmem>> -> memref<20424xf32, #tpu.memory_space<vmem>>
        %gather3A_1012 = tpu.vector_load_idx %gather3A_1011[%add3A_842] : memref<20424xf32, #tpu.memory_space<vmem>>[vector<16xi32>], vector<16xf32>,
        %gather3A_1013 = arith.constant 8 : i32
        %gather3A_1014 = tpu.memref_slice %arg7[%gather3A_1013] : memref<64000xf32, #tpu.memory_space<vmem>> -> memref<63944xf32, #tpu.memory_space<vmem>>
        %gather3A_1015 = tpu.vector_load_idx %gather3A_1014[%add3A_866] : memref<63944xf32, #tpu.memory_space<vmem>>[vector<16xi32>], vector<16xf32>,
        %sub3A_1016 = arith.subf %gather3A_1012, %gather3A_1015 : vector<16xf32>
        %mul3A_1017 = arith.mulf %sub3A_1016, %sub3A_1016 : vector<16xf32>
        %add3A_1018 = arith.addf %add3A_982, %mul3A_1017 : vector<16xf32>
        %gather3A_1019 = arith.constant 16 : i32
        %gather3A_1020 = tpu.memref_slice %arg8[%gather3A_1019] : memref<20480xf32, #tpu.memory_space<vmem>> -> memref<20424xf32, #tpu.memory_space<vmem>>
        %gather3A_1021 = tpu.vector_load_idx %gather3A_1020[%add3A_821] : memref<20424xf32, #tpu.memory_space<vmem>>[vector<16xi32>], vector<16xf32>,
        %gather3A_1022 = arith.constant 16 : i32
        %gather3A_1023 = tpu.memref_slice %arg7[%gather3A_1022] : memref<64000xf32, #tpu.memory_space<vmem>> -> memref<63944xf32, #tpu.memory_space<vmem>>
        %gather3A_1024 = tpu.vector_load_idx %gather3A_1023[%add3A_845] : memref<63944xf32, #tpu.memory_space<vmem>>[vector<16xi32>], vector<16xf32>,
        %sub3A_1025 = arith.subf %gather3A_1021, %gather3A_1024 : vector<16xf32>
        %mul3A_1026 = arith.mulf %sub3A_1025, %sub3A_1025 : vector<16xf32>
        %add3A_1027 = arith.addf %add3A_991, %mul3A_1026 : vector<16xf32>
        %gather3A_1028 = arith.constant 16 : i32
        %gather3A_1029 = tpu.memref_slice %arg8[%gather3A_1028] : memref<20480xf32, #tpu.memory_space<vmem>> -> memref<20424xf32, #tpu.memory_space<vmem>>
        %gather3A_1030 = tpu.vector_load_idx %gather3A_1029[%add3A_824] : memref<20424xf32, #tpu.memory_space<vmem>>[vector<16xi32>], vector<16xf32>,
        %gather3A_1031 = arith.constant 16 : i32
        %gather3A_1032 = tpu.memref_slice %arg7[%gather3A_1031] : memref<64000xf32, #tpu.memory_space<vmem>> -> memref<63944xf32, #tpu.memory_space<vmem>>
        %gather3A_1033 = tpu.vector_load_idx %gather3A_1032[%add3A_848] : memref<63944xf32, #tpu.memory_space<vmem>>[vector<16xi32>], vector<16xf32>,
        %sub3A_1034 = arith.subf %gather3A_1030, %gather3A_1033 : vector<16xf32>
        %mul3A_1035 = arith.mulf %sub3A_1034, %sub3A_1034 : vector<16xf32>
        %add3A_1036 = arith.addf %add3A_1000, %mul3A_1035 : vector<16xf32>
        %gather3A_1037 = arith.constant 16 : i32
        %gather3A_1038 = tpu.memref_slice %arg8[%gather3A_1037] : memref<20480xf32, #tpu.memory_space<vmem>> -> memref<20424xf32, #tpu.memory_space<vmem>>
        %gather3A_1039 = tpu.vector_load_idx %gather3A_1038[%add3A_827] : memref<20424xf32, #tpu.memory_space<vmem>>[vector<16xi32>], vector<16xf32>,
        %gather3A_1040 = arith.constant 16 : i32
        %gather3A_1041 = tpu.memref_slice %arg7[%gather3A_1040] : memref<64000xf32, #tpu.memory_space<vmem>> -> memref<63944xf32, #tpu.memory_space<vmem>>
        %gather3A_1042 = tpu.vector_load_idx %gather3A_1041[%add3A_851] : memref<63944xf32, #tpu.memory_space<vmem>>[vector<16xi32>], vector<16xf32>,
        %sub3A_1043 = arith.subf %gather3A_1039, %gather3A_1042 : vector<16xf32>
        %mul3A_1044 = arith.mulf %sub3A_1043, %sub3A_1043 : vector<16xf32>
        %add3A_1045 = arith.addf %add3A_1009, %mul3A_1044 : vector<16xf32>
        %gather3A_1046 = arith.constant 16 : i32
        %gather3A_1047 = tpu.memref_slice %arg8[%gather3A_1046] : memref<20480xf32, #tpu.memory_space<vmem>> -> memref<20424xf32, #tpu.memory_space<vmem>>
        %gather3A_1048 = tpu.vector_load_idx %gather3A_1047[%add3A_830] : memref<20424xf32, #tpu.memory_space<vmem>>[vector<16xi32>], vector<16xf32>,
        %gather3A_1049 = arith.constant 16 : i32
        %gather3A_1050 = tpu.memref_slice %arg7[%gather3A_1049] : memref<64000xf32, #tpu.memory_space<vmem>> -> memref<63944xf32, #tpu.memory_space<vmem>>
        %gather3A_1051 = tpu.vector_load_idx %gather3A_1050[%add3A_854] : memref<63944xf32, #tpu.memory_space<vmem>>[vector<16xi32>], vector<16xf32>,
        %sub3A_1052 = arith.subf %gather3A_1048, %gather3A_1051 : vector<16xf32>
        %mul3A_1053 = arith.mulf %sub3A_1052, %sub3A_1052 : vector<16xf32>
        %add3A_1054 = arith.addf %add3A_1018, %mul3A_1053 : vector<16xf32>
        %gather3A_1055 = arith.constant 16 : i32
        %gather3A_1056 = tpu.memref_slice %arg8[%gather3A_1055] : memref<20480xf32, #tpu.memory_space<vmem>> -> memref<20424xf32, #tpu.memory_space<vmem>>
        %gather3A_1057 = tpu.vector_load_idx %gather3A_1056[%add3A_833] : memref<20424xf32, #tpu.memory_space<vmem>>[vector<16xi32>], vector<16xf32>,
        %gather3A_1058 = arith.constant 16 : i32
        %gather3A_1059 = tpu.memref_slice %arg7[%gather3A_1058] : memref<64000xf32, #tpu.memory_space<vmem>> -> memref<63944xf32, #tpu.memory_space<vmem>>
        %gather3A_1060 = tpu.vector_load_idx %gather3A_1059[%add3A_857] : memref<63944xf32, #tpu.memory_space<vmem>>[vector<16xi32>], vector<16xf32>,
        %sub3A_1061 = arith.subf %gather3A_1057, %gather3A_1060 : vector<16xf32>
        %mul3A_1062 = arith.mulf %sub3A_1061, %sub3A_1061 : vector<16xf32>
        %add3A_1063 = arith.addf %add3A_1027, %mul3A_1062 : vector<16xf32>
        %gather3A_1064 = arith.constant 16 : i32
        %gather3A_1065 = tpu.memref_slice %arg8[%gather3A_1064] : memref<20480xf32, #tpu.memory_space<vmem>> -> memref<20424xf32, #tpu.memory_space<vmem>>
        %gather3A_1066 = tpu.vector_load_idx %gather3A_1065[%add3A_836] : memref<20424xf32, #tpu.memory_space<vmem>>[vector<16xi32>], vector<16xf32>,
        %gather3A_1067 = arith.constant 16 : i32
        %gather3A_1068 = tpu.memref_slice %arg7[%gather3A_1067] : memref<64000xf32, #tpu.memory_space<vmem>> -> memref<63944xf32, #tpu.memory_space<vmem>>
        %gather3A_1069 = tpu.vector_load_idx %gather3A_1068[%add3A_860] : memref<63944xf32, #tpu.memory_space<vmem>>[vector<16xi32>], vector<16xf32>,
        %sub3A_1070 = arith.subf %gather3A_1066, %gather3A_1069 : vector<16xf32>
        %mul3A_1071 = arith.mulf %sub3A_1070, %sub3A_1070 : vector<16xf32>
        %add3A_1072 = arith.addf %add3A_1036, %mul3A_1071 : vector<16xf32>
        %gather3A_1073 = arith.constant 16 : i32
        %gather3A_1074 = tpu.memref_slice %arg8[%gather3A_1073] : memref<20480xf32, #tpu.memory_space<vmem>> -> memref<20424xf32, #tpu.memory_space<vmem>>
        %gather3A_1075 = tpu.vector_load_idx %gather3A_1074[%add3A_839] : memref<20424xf32, #tpu.memory_space<vmem>>[vector<16xi32>], vector<16xf32>,
        %gather3A_1076 = arith.constant 16 : i32
        %gather3A_1077 = tpu.memref_slice %arg7[%gather3A_1076] : memref<64000xf32, #tpu.memory_space<vmem>> -> memref<63944xf32, #tpu.memory_space<vmem>>
        %gather3A_1078 = tpu.vector_load_idx %gather3A_1077[%add3A_863] : memref<63944xf32, #tpu.memory_space<vmem>>[vector<16xi32>], vector<16xf32>,
        %sub3A_1079 = arith.subf %gather3A_1075, %gather3A_1078 : vector<16xf32>
        %mul3A_1080 = arith.mulf %sub3A_1079, %sub3A_1079 : vector<16xf32>
        %add3A_1081 = arith.addf %add3A_1045, %mul3A_1080 : vector<16xf32>
        %gather3A_1082 = arith.constant 16 : i32
        %gather3A_1083 = tpu.memref_slice %arg8[%gather3A_1082] : memref<20480xf32, #tpu.memory_space<vmem>> -> memref<20424xf32, #tpu.memory_space<vmem>>
        %gather3A_1084 = tpu.vector_load_idx %gather3A_1083[%add3A_842] : memref<20424xf32, #tpu.memory_space<vmem>>[vector<16xi32>], vector<16xf32>,
        %gather3A_1085 = arith.constant 16 : i32
        %gather3A_1086 = tpu.memref_slice %arg7[%gather3A_1085] : memref<64000xf32, #tpu.memory_space<vmem>> -> memref<63944xf32, #tpu.memory_space<vmem>>
        %gather3A_1087 = tpu.vector_load_idx %gather3A_1086[%add3A_866] : memref<63944xf32, #tpu.memory_space<vmem>>[vector<16xi32>], vector<16xf32>,
        %sub3A_1088 = arith.subf %gather3A_1084, %gather3A_1087 : vector<16xf32>
        %mul3A_1089 = arith.mulf %sub3A_1088, %sub3A_1088 : vector<16xf32>
        %add3A_1090 = arith.addf %add3A_1054, %mul3A_1089 : vector<16xf32>
        %gather3A_1091 = arith.constant 24 : i32
        %gather3A_1092 = tpu.memref_slice %arg8[%gather3A_1091] : memref<20480xf32, #tpu.memory_space<vmem>> -> memref<20424xf32, #tpu.memory_space<vmem>>
        %gather3A_1093 = tpu.vector_load_idx %gather3A_1092[%add3A_821] : memref<20424xf32, #tpu.memory_space<vmem>>[vector<16xi32>], vector<16xf32>,
        %gather3A_1094 = arith.constant 24 : i32
        %gather3A_1095 = tpu.memref_slice %arg7[%gather3A_1094] : memref<64000xf32, #tpu.memory_space<vmem>> -> memref<63944xf32, #tpu.memory_space<vmem>>
        %gather3A_1096 = tpu.vector_load_idx %gather3A_1095[%add3A_845] : memref<63944xf32, #tpu.memory_space<vmem>>[vector<16xi32>], vector<16xf32>,
        %sub3A_1097 = arith.subf %gather3A_1093, %gather3A_1096 : vector<16xf32>
        %mul3A_1098 = arith.mulf %sub3A_1097, %sub3A_1097 : vector<16xf32>
        %add3A_1099 = arith.addf %add3A_1063, %mul3A_1098 : vector<16xf32>
        %gather3A_1100 = arith.constant 24 : i32
        %gather3A_1101 = tpu.memref_slice %arg8[%gather3A_1100] : memref<20480xf32, #tpu.memory_space<vmem>> -> memref<20424xf32, #tpu.memory_space<vmem>>
        %gather3A_1102 = tpu.vector_load_idx %gather3A_1101[%add3A_824] : memref<20424xf32, #tpu.memory_space<vmem>>[vector<16xi32>], vector<16xf32>,
        %gather3A_1103 = arith.constant 24 : i32
        %gather3A_1104 = tpu.memref_slice %arg7[%gather3A_1103] : memref<64000xf32, #tpu.memory_space<vmem>> -> memref<63944xf32, #tpu.memory_space<vmem>>
        %gather3A_1105 = tpu.vector_load_idx %gather3A_1104[%add3A_848] : memref<63944xf32, #tpu.memory_space<vmem>>[vector<16xi32>], vector<16xf32>,
        %sub3A_1106 = arith.subf %gather3A_1102, %gather3A_1105 : vector<16xf32>
        %mul3A_1107 = arith.mulf %sub3A_1106, %sub3A_1106 : vector<16xf32>
        %add3A_1108 = arith.addf %add3A_1072, %mul3A_1107 : vector<16xf32>
        %gather3A_1109 = arith.constant 24 : i32
        %gather3A_1110 = tpu.memref_slice %arg8[%gather3A_1109] : memref<20480xf32, #tpu.memory_space<vmem>> -> memref<20424xf32, #tpu.memory_space<vmem>>
        %gather3A_1111 = tpu.vector_load_idx %gather3A_1110[%add3A_827] : memref<20424xf32, #tpu.memory_space<vmem>>[vector<16xi32>], vector<16xf32>,
        %gather3A_1112 = arith.constant 24 : i32
        %gather3A_1113 = tpu.memref_slice %arg7[%gather3A_1112] : memref<64000xf32, #tpu.memory_space<vmem>> -> memref<63944xf32, #tpu.memory_space<vmem>>
        %gather3A_1114 = tpu.vector_load_idx %gather3A_1113[%add3A_851] : memref<63944xf32, #tpu.memory_space<vmem>>[vector<16xi32>], vector<16xf32>,
        %sub3A_1115 = arith.subf %gather3A_1111, %gather3A_1114 : vector<16xf32>
        %mul3A_1116 = arith.mulf %sub3A_1115, %sub3A_1115 : vector<16xf32>
        %add3A_1117 = arith.addf %add3A_1081, %mul3A_1116 : vector<16xf32>
        %gather3A_1118 = arith.constant 24 : i32
        %gather3A_1119 = tpu.memref_slice %arg8[%gather3A_1118] : memref<20480xf32, #tpu.memory_space<vmem>> -> memref<20424xf32, #tpu.memory_space<vmem>>
        %gather3A_1120 = tpu.vector_load_idx %gather3A_1119[%add3A_830] : memref<20424xf32, #tpu.memory_space<vmem>>[vector<16xi32>], vector<16xf32>,
        %gather3A_1121 = arith.constant 24 : i32
        %gather3A_1122 = tpu.memref_slice %arg7[%gather3A_1121] : memref<64000xf32, #tpu.memory_space<vmem>> -> memref<63944xf32, #tpu.memory_space<vmem>>
        %gather3A_1123 = tpu.vector_load_idx %gather3A_1122[%add3A_854] : memref<63944xf32, #tpu.memory_space<vmem>>[vector<16xi32>], vector<16xf32>,
        %sub3A_1124 = arith.subf %gather3A_1120, %gather3A_1123 : vector<16xf32>
        %mul3A_1125 = arith.mulf %sub3A_1124, %sub3A_1124 : vector<16xf32>
        %add3A_1126 = arith.addf %add3A_1090, %mul3A_1125 : vector<16xf32>
        %gather3A_1127 = arith.constant 24 : i32
        %gather3A_1128 = tpu.memref_slice %arg8[%gather3A_1127] : memref<20480xf32, #tpu.memory_space<vmem>> -> memref<20424xf32, #tpu.memory_space<vmem>>
        %gather3A_1129 = tpu.vector_load_idx %gather3A_1128[%add3A_833] : memref<20424xf32, #tpu.memory_space<vmem>>[vector<16xi32>], vector<16xf32>,
        %gather3A_1130 = arith.constant 24 : i32
        %gather3A_1131 = tpu.memref_slice %arg7[%gather3A_1130] : memref<64000xf32, #tpu.memory_space<vmem>> -> memref<63944xf32, #tpu.memory_space<vmem>>
        %gather3A_1132 = tpu.vector_load_idx %gather3A_1131[%add3A_857] : memref<63944xf32, #tpu.memory_space<vmem>>[vector<16xi32>], vector<16xf32>,
        %sub3A_1133 = arith.subf %gather3A_1129, %gather3A_1132 : vector<16xf32>
        %mul3A_1134 = arith.mulf %sub3A_1133, %sub3A_1133 : vector<16xf32>
        %add3A_1135 = arith.addf %add3A_1099, %mul3A_1134 : vector<16xf32>
        %gather3A_1136 = arith.constant 24 : i32
        %gather3A_1137 = tpu.memref_slice %arg8[%gather3A_1136] : memref<20480xf32, #tpu.memory_space<vmem>> -> memref<20424xf32, #tpu.memory_space<vmem>>
        %gather3A_1138 = tpu.vector_load_idx %gather3A_1137[%add3A_836] : memref<20424xf32, #tpu.memory_space<vmem>>[vector<16xi32>], vector<16xf32>,
        %gather3A_1139 = arith.constant 24 : i32
        %gather3A_1140 = tpu.memref_slice %arg7[%gather3A_1139] : memref<64000xf32, #tpu.memory_space<vmem>> -> memref<63944xf32, #tpu.memory_space<vmem>>
        %gather3A_1141 = tpu.vector_load_idx %gather3A_1140[%add3A_860] : memref<63944xf32, #tpu.memory_space<vmem>>[vector<16xi32>], vector<16xf32>,
        %sub3A_1142 = arith.subf %gather3A_1138, %gather3A_1141 : vector<16xf32>
        %mul3A_1143 = arith.mulf %sub3A_1142, %sub3A_1142 : vector<16xf32>
        %add3A_1144 = arith.addf %add3A_1108, %mul3A_1143 : vector<16xf32>
        %gather3A_1145 = arith.constant 24 : i32
        %gather3A_1146 = tpu.memref_slice %arg8[%gather3A_1145] : memref<20480xf32, #tpu.memory_space<vmem>> -> memref<20424xf32, #tpu.memory_space<vmem>>
        %gather3A_1147 = tpu.vector_load_idx %gather3A_1146[%add3A_839] : memref<20424xf32, #tpu.memory_space<vmem>>[vector<16xi32>], vector<16xf32>,
        %gather3A_1148 = arith.constant 24 : i32
        %gather3A_1149 = tpu.memref_slice %arg7[%gather3A_1148] : memref<64000xf32, #tpu.memory_space<vmem>> -> memref<63944xf32, #tpu.memory_space<vmem>>
        %gather3A_1150 = tpu.vector_load_idx %gather3A_1149[%add3A_863] : memref<63944xf32, #tpu.memory_space<vmem>>[vector<16xi32>], vector<16xf32>,
        %sub3A_1151 = arith.subf %gather3A_1147, %gather3A_1150 : vector<16xf32>
        %mul3A_1152 = arith.mulf %sub3A_1151, %sub3A_1151 : vector<16xf32>
        %add3A_1153 = arith.addf %add3A_1117, %mul3A_1152 : vector<16xf32>
        %gather3A_1154 = arith.constant 24 : i32
        %gather3A_1155 = tpu.memref_slice %arg8[%gather3A_1154] : memref<20480xf32, #tpu.memory_space<vmem>> -> memref<20424xf32, #tpu.memory_space<vmem>>
        %gather3A_1156 = tpu.vector_load_idx %gather3A_1155[%add3A_842] : memref<20424xf32, #tpu.memory_space<vmem>>[vector<16xi32>], vector<16xf32>,
        %gather3A_1157 = arith.constant 24 : i32
        %gather3A_1158 = tpu.memref_slice %arg7[%gather3A_1157] : memref<64000xf32, #tpu.memory_space<vmem>> -> memref<63944xf32, #tpu.memory_space<vmem>>
        %gather3A_1159 = tpu.vector_load_idx %gather3A_1158[%add3A_866] : memref<63944xf32, #tpu.memory_space<vmem>>[vector<16xi32>], vector<16xf32>,
        %sub3A_1160 = arith.subf %gather3A_1156, %gather3A_1159 : vector<16xf32>
        %mul3A_1161 = arith.mulf %sub3A_1160, %sub3A_1160 : vector<16xf32>
        %add3A_1162 = arith.addf %add3A_1126, %mul3A_1161 : vector<16xf32>
        %gather3A_1163 = arith.constant 32 : i32
        %gather3A_1164 = tpu.memref_slice %arg8[%gather3A_1163] : memref<20480xf32, #tpu.memory_space<vmem>> -> memref<20424xf32, #tpu.memory_space<vmem>>
        %gather3A_1165 = tpu.vector_load_idx %gather3A_1164[%add3A_821] : memref<20424xf32, #tpu.memory_space<vmem>>[vector<16xi32>], vector<16xf32>,
        %gather3A_1166 = arith.constant 32 : i32
        %gather3A_1167 = tpu.memref_slice %arg7[%gather3A_1166] : memref<64000xf32, #tpu.memory_space<vmem>> -> memref<63944xf32, #tpu.memory_space<vmem>>
        %gather3A_1168 = tpu.vector_load_idx %gather3A_1167[%add3A_845] : memref<63944xf32, #tpu.memory_space<vmem>>[vector<16xi32>], vector<16xf32>,
        %sub3A_1169 = arith.subf %gather3A_1165, %gather3A_1168 : vector<16xf32>
        %mul3A_1170 = arith.mulf %sub3A_1169, %sub3A_1169 : vector<16xf32>
        %add3A_1171 = arith.addf %add3A_1135, %mul3A_1170 : vector<16xf32>
        %gather3A_1172 = arith.constant 32 : i32
        %gather3A_1173 = tpu.memref_slice %arg8[%gather3A_1172] : memref<20480xf32, #tpu.memory_space<vmem>> -> memref<20424xf32, #tpu.memory_space<vmem>>
        %gather3A_1174 = tpu.vector_load_idx %gather3A_1173[%add3A_824] : memref<20424xf32, #tpu.memory_space<vmem>>[vector<16xi32>], vector<16xf32>,
        %gather3A_1175 = arith.constant 32 : i32
        %gather3A_1176 = tpu.memref_slice %arg7[%gather3A_1175] : memref<64000xf32, #tpu.memory_space<vmem>> -> memref<63944xf32, #tpu.memory_space<vmem>>
        %gather3A_1177 = tpu.vector_load_idx %gather3A_1176[%add3A_848] : memref<63944xf32, #tpu.memory_space<vmem>>[vector<16xi32>], vector<16xf32>,
        %sub3A_1178 = arith.subf %gather3A_1174, %gather3A_1177 : vector<16xf32>
        %mul3A_1179 = arith.mulf %sub3A_1178, %sub3A_1178 : vector<16xf32>
        %add3A_1180 = arith.addf %add3A_1144, %mul3A_1179 : vector<16xf32>
        %gather3A_1181 = arith.constant 32 : i32
        %gather3A_1182 = tpu.memref_slice %arg8[%gather3A_1181] : memref<20480xf32, #tpu.memory_space<vmem>> -> memref<20424xf32, #tpu.memory_space<vmem>>
        %gather3A_1183 = tpu.vector_load_idx %gather3A_1182[%add3A_827] : memref<20424xf32, #tpu.memory_space<vmem>>[vector<16xi32>], vector<16xf32>,
        %gather3A_1184 = arith.constant 32 : i32
        %gather3A_1185 = tpu.memref_slice %arg7[%gather3A_1184] : memref<64000xf32, #tpu.memory_space<vmem>> -> memref<63944xf32, #tpu.memory_space<vmem>>
        %gather3A_1186 = tpu.vector_load_idx %gather3A_1185[%add3A_851] : memref<63944xf32, #tpu.memory_space<vmem>>[vector<16xi32>], vector<16xf32>,
        %sub3A_1187 = arith.subf %gather3A_1183, %gather3A_1186 : vector<16xf32>
        %mul3A_1188 = arith.mulf %sub3A_1187, %sub3A_1187 : vector<16xf32>
        %add3A_1189 = arith.addf %add3A_1153, %mul3A_1188 : vector<16xf32>
        %gather3A_1190 = arith.constant 32 : i32
        %gather3A_1191 = tpu.memref_slice %arg8[%gather3A_1190] : memref<20480xf32, #tpu.memory_space<vmem>> -> memref<20424xf32, #tpu.memory_space<vmem>>
        %gather3A_1192 = tpu.vector_load_idx %gather3A_1191[%add3A_830] : memref<20424xf32, #tpu.memory_space<vmem>>[vector<16xi32>], vector<16xf32>,
        %gather3A_1193 = arith.constant 32 : i32
        %gather3A_1194 = tpu.memref_slice %arg7[%gather3A_1193] : memref<64000xf32, #tpu.memory_space<vmem>> -> memref<63944xf32, #tpu.memory_space<vmem>>
        %gather3A_1195 = tpu.vector_load_idx %gather3A_1194[%add3A_854] : memref<63944xf32, #tpu.memory_space<vmem>>[vector<16xi32>], vector<16xf32>,
        %sub3A_1196 = arith.subf %gather3A_1192, %gather3A_1195 : vector<16xf32>
        %mul3A_1197 = arith.mulf %sub3A_1196, %sub3A_1196 : vector<16xf32>
        %add3A_1198 = arith.addf %add3A_1162, %mul3A_1197 : vector<16xf32>
        %gather3A_1199 = arith.constant 32 : i32
        %gather3A_1200 = tpu.memref_slice %arg8[%gather3A_1199] : memref<20480xf32, #tpu.memory_space<vmem>> -> memref<20424xf32, #tpu.memory_space<vmem>>
        %gather3A_1201 = tpu.vector_load_idx %gather3A_1200[%add3A_833] : memref<20424xf32, #tpu.memory_space<vmem>>[vector<16xi32>], vector<16xf32>,
        %gather3A_1202 = arith.constant 32 : i32
        %gather3A_1203 = tpu.memref_slice %arg7[%gather3A_1202] : memref<64000xf32, #tpu.memory_space<vmem>> -> memref<63944xf32, #tpu.memory_space<vmem>>
        %gather3A_1204 = tpu.vector_load_idx %gather3A_1203[%add3A_857] : memref<63944xf32, #tpu.memory_space<vmem>>[vector<16xi32>], vector<16xf32>,
        %sub3A_1205 = arith.subf %gather3A_1201, %gather3A_1204 : vector<16xf32>
        %mul3A_1206 = arith.mulf %sub3A_1205, %sub3A_1205 : vector<16xf32>
        %add3A_1207 = arith.addf %add3A_1171, %mul3A_1206 : vector<16xf32>
        %gather3A_1208 = arith.constant 32 : i32
        %gather3A_1209 = tpu.memref_slice %arg8[%gather3A_1208] : memref<20480xf32, #tpu.memory_space<vmem>> -> memref<20424xf32, #tpu.memory_space<vmem>>
        %gather3A_1210 = tpu.vector_load_idx %gather3A_1209[%add3A_836] : memref<20424xf32, #tpu.memory_space<vmem>>[vector<16xi32>], vector<16xf32>,
        %gather3A_1211 = arith.constant 32 : i32
        %gather3A_1212 = tpu.memref_slice %arg7[%gather3A_1211] : memref<64000xf32, #tpu.memory_space<vmem>> -> memref<63944xf32, #tpu.memory_space<vmem>>
        %gather3A_1213 = tpu.vector_load_idx %gather3A_1212[%add3A_860] : memref<63944xf32, #tpu.memory_space<vmem>>[vector<16xi32>], vector<16xf32>,
        %sub3A_1214 = arith.subf %gather3A_1210, %gather3A_1213 : vector<16xf32>
        %mul3A_1215 = arith.mulf %sub3A_1214, %sub3A_1214 : vector<16xf32>
        %add3A_1216 = arith.addf %add3A_1180, %mul3A_1215 : vector<16xf32>
        %gather3A_1217 = arith.constant 32 : i32
        %gather3A_1218 = tpu.memref_slice %arg8[%gather3A_1217] : memref<20480xf32, #tpu.memory_space<vmem>> -> memref<20424xf32, #tpu.memory_space<vmem>>
        %gather3A_1219 = tpu.vector_load_idx %gather3A_1218[%add3A_839] : memref<20424xf32, #tpu.memory_space<vmem>>[vector<16xi32>], vector<16xf32>,
        %gather3A_1220 = arith.constant 32 : i32
        %gather3A_1221 = tpu.memref_slice %arg7[%gather3A_1220] : memref<64000xf32, #tpu.memory_space<vmem>> -> memref<63944xf32, #tpu.memory_space<vmem>>
        %gather3A_1222 = tpu.vector_load_idx %gather3A_1221[%add3A_863] : memref<63944xf32, #tpu.memory_space<vmem>>[vector<16xi32>], vector<16xf32>,
        %sub3A_1223 = arith.subf %gather3A_1219, %gather3A_1222 : vector<16xf32>
        %mul3A_1224 = arith.mulf %sub3A_1223, %sub3A_1223 : vector<16xf32>
        %add3A_1225 = arith.addf %add3A_1189, %mul3A_1224 : vector<16xf32>
        %gather3A_1226 = arith.constant 32 : i32
        %gather3A_1227 = tpu.memref_slice %arg8[%gather3A_1226] : memref<20480xf32, #tpu.memory_space<vmem>> -> memref<20424xf32, #tpu.memory_space<vmem>>
        %gather3A_1228 = tpu.vector_load_idx %gather3A_1227[%add3A_842] : memref<20424xf32, #tpu.memory_space<vmem>>[vector<16xi32>], vector<16xf32>,
        %gather3A_1229 = arith.constant 32 : i32
        %gather3A_1230 = tpu.memref_slice %arg7[%gather3A_1229] : memref<64000xf32, #tpu.memory_space<vmem>> -> memref<63944xf32, #tpu.memory_space<vmem>>
        %gather3A_1231 = tpu.vector_load_idx %gather3A_1230[%add3A_866] : memref<63944xf32, #tpu.memory_space<vmem>>[vector<16xi32>], vector<16xf32>,
        %sub3A_1232 = arith.subf %gather3A_1228, %gather3A_1231 : vector<16xf32>
        %mul3A_1233 = arith.mulf %sub3A_1232, %sub3A_1232 : vector<16xf32>
        %add3A_1234 = arith.addf %add3A_1198, %mul3A_1233 : vector<16xf32>
        %gather3A_1235 = arith.constant 40 : i32
        %gather3A_1236 = tpu.memref_slice %arg8[%gather3A_1235] : memref<20480xf32, #tpu.memory_space<vmem>> -> memref<20424xf32, #tpu.memory_space<vmem>>
        %gather3A_1237 = tpu.vector_load_idx %gather3A_1236[%add3A_821] : memref<20424xf32, #tpu.memory_space<vmem>>[vector<16xi32>], vector<16xf32>,
        %gather3A_1238 = arith.constant 40 : i32
        %gather3A_1239 = tpu.memref_slice %arg7[%gather3A_1238] : memref<64000xf32, #tpu.memory_space<vmem>> -> memref<63944xf32, #tpu.memory_space<vmem>>
        %gather3A_1240 = tpu.vector_load_idx %gather3A_1239[%add3A_845] : memref<63944xf32, #tpu.memory_space<vmem>>[vector<16xi32>], vector<16xf32>,
        %sub3A_1241 = arith.subf %gather3A_1237, %gather3A_1240 : vector<16xf32>
        %mul3A_1242 = arith.mulf %sub3A_1241, %sub3A_1241 : vector<16xf32>
        %add3A_1243 = arith.addf %add3A_1207, %mul3A_1242 : vector<16xf32>
        %gather3A_1244 = arith.constant 40 : i32
        %gather3A_1245 = tpu.memref_slice %arg8[%gather3A_1244] : memref<20480xf32, #tpu.memory_space<vmem>> -> memref<20424xf32, #tpu.memory_space<vmem>>
        %gather3A_1246 = tpu.vector_load_idx %gather3A_1245[%add3A_824] : memref<20424xf32, #tpu.memory_space<vmem>>[vector<16xi32>], vector<16xf32>,
        %gather3A_1247 = arith.constant 40 : i32
        %gather3A_1248 = tpu.memref_slice %arg7[%gather3A_1247] : memref<64000xf32, #tpu.memory_space<vmem>> -> memref<63944xf32, #tpu.memory_space<vmem>>
        %gather3A_1249 = tpu.vector_load_idx %gather3A_1248[%add3A_848] : memref<63944xf32, #tpu.memory_space<vmem>>[vector<16xi32>], vector<16xf32>,
        %sub3A_1250 = arith.subf %gather3A_1246, %gather3A_1249 : vector<16xf32>
        %mul3A_1251 = arith.mulf %sub3A_1250, %sub3A_1250 : vector<16xf32>
        %add3A_1252 = arith.addf %add3A_1216, %mul3A_1251 : vector<16xf32>
        %gather3A_1253 = arith.constant 40 : i32
        %gather3A_1254 = tpu.memref_slice %arg8[%gather3A_1253] : memref<20480xf32, #tpu.memory_space<vmem>> -> memref<20424xf32, #tpu.memory_space<vmem>>
        %gather3A_1255 = tpu.vector_load_idx %gather3A_1254[%add3A_827] : memref<20424xf32, #tpu.memory_space<vmem>>[vector<16xi32>], vector<16xf32>,
        %gather3A_1256 = arith.constant 40 : i32
        %gather3A_1257 = tpu.memref_slice %arg7[%gather3A_1256] : memref<64000xf32, #tpu.memory_space<vmem>> -> memref<63944xf32, #tpu.memory_space<vmem>>
        %gather3A_1258 = tpu.vector_load_idx %gather3A_1257[%add3A_851] : memref<63944xf32, #tpu.memory_space<vmem>>[vector<16xi32>], vector<16xf32>,
        %sub3A_1259 = arith.subf %gather3A_1255, %gather3A_1258 : vector<16xf32>
        %mul3A_1260 = arith.mulf %sub3A_1259, %sub3A_1259 : vector<16xf32>
        %add3A_1261 = arith.addf %add3A_1225, %mul3A_1260 : vector<16xf32>
        %gather3A_1262 = arith.constant 40 : i32
        %gather3A_1263 = tpu.memref_slice %arg8[%gather3A_1262] : memref<20480xf32, #tpu.memory_space<vmem>> -> memref<20424xf32, #tpu.memory_space<vmem>>
        %gather3A_1264 = tpu.vector_load_idx %gather3A_1263[%add3A_830] : memref<20424xf32, #tpu.memory_space<vmem>>[vector<16xi32>], vector<16xf32>,
        %gather3A_1265 = arith.constant 40 : i32
        %gather3A_1266 = tpu.memref_slice %arg7[%gather3A_1265] : memref<64000xf32, #tpu.memory_space<vmem>> -> memref<63944xf32, #tpu.memory_space<vmem>>
        %gather3A_1267 = tpu.vector_load_idx %gather3A_1266[%add3A_854] : memref<63944xf32, #tpu.memory_space<vmem>>[vector<16xi32>], vector<16xf32>,
        %sub3A_1268 = arith.subf %gather3A_1264, %gather3A_1267 : vector<16xf32>
        %mul3A_1269 = arith.mulf %sub3A_1268, %sub3A_1268 : vector<16xf32>
        %add3A_1270 = arith.addf %add3A_1234, %mul3A_1269 : vector<16xf32>
        %gather3A_1271 = arith.constant 40 : i32
        %gather3A_1272 = tpu.memref_slice %arg8[%gather3A_1271] : memref<20480xf32, #tpu.memory_space<vmem>> -> memref<20424xf32, #tpu.memory_space<vmem>>
        %gather3A_1273 = tpu.vector_load_idx %gather3A_1272[%add3A_833] : memref<20424xf32, #tpu.memory_space<vmem>>[vector<16xi32>], vector<16xf32>,
        %gather3A_1274 = arith.constant 40 : i32
        %gather3A_1275 = tpu.memref_slice %arg7[%gather3A_1274] : memref<64000xf32, #tpu.memory_space<vmem>> -> memref<63944xf32, #tpu.memory_space<vmem>>
        %gather3A_1276 = tpu.vector_load_idx %gather3A_1275[%add3A_857] : memref<63944xf32, #tpu.memory_space<vmem>>[vector<16xi32>], vector<16xf32>,
        %sub3A_1277 = arith.subf %gather3A_1273, %gather3A_1276 : vector<16xf32>
        %mul3A_1278 = arith.mulf %sub3A_1277, %sub3A_1277 : vector<16xf32>
        %add3A_1279 = arith.addf %add3A_1243, %mul3A_1278 : vector<16xf32>
        %gather3A_1280 = arith.constant 40 : i32
        %gather3A_1281 = tpu.memref_slice %arg8[%gather3A_1280] : memref<20480xf32, #tpu.memory_space<vmem>> -> memref<20424xf32, #tpu.memory_space<vmem>>
        %gather3A_1282 = tpu.vector_load_idx %gather3A_1281[%add3A_836] : memref<20424xf32, #tpu.memory_space<vmem>>[vector<16xi32>], vector<16xf32>,
        %gather3A_1283 = arith.constant 40 : i32
        %gather3A_1284 = tpu.memref_slice %arg7[%gather3A_1283] : memref<64000xf32, #tpu.memory_space<vmem>> -> memref<63944xf32, #tpu.memory_space<vmem>>
        %gather3A_1285 = tpu.vector_load_idx %gather3A_1284[%add3A_860] : memref<63944xf32, #tpu.memory_space<vmem>>[vector<16xi32>], vector<16xf32>,
        %sub3A_1286 = arith.subf %gather3A_1282, %gather3A_1285 : vector<16xf32>
        %mul3A_1287 = arith.mulf %sub3A_1286, %sub3A_1286 : vector<16xf32>
        %add3A_1288 = arith.addf %add3A_1252, %mul3A_1287 : vector<16xf32>
        %gather3A_1289 = arith.constant 40 : i32
        %gather3A_1290 = tpu.memref_slice %arg8[%gather3A_1289] : memref<20480xf32, #tpu.memory_space<vmem>> -> memref<20424xf32, #tpu.memory_space<vmem>>
        %gather3A_1291 = tpu.vector_load_idx %gather3A_1290[%add3A_839] : memref<20424xf32, #tpu.memory_space<vmem>>[vector<16xi32>], vector<16xf32>,
        %gather3A_1292 = arith.constant 40 : i32
        %gather3A_1293 = tpu.memref_slice %arg7[%gather3A_1292] : memref<64000xf32, #tpu.memory_space<vmem>> -> memref<63944xf32, #tpu.memory_space<vmem>>
        %gather3A_1294 = tpu.vector_load_idx %gather3A_1293[%add3A_863] : memref<63944xf32, #tpu.memory_space<vmem>>[vector<16xi32>], vector<16xf32>,
        %sub3A_1295 = arith.subf %gather3A_1291, %gather3A_1294 : vector<16xf32>
        %mul3A_1296 = arith.mulf %sub3A_1295, %sub3A_1295 : vector<16xf32>
        %add3A_1297 = arith.addf %add3A_1261, %mul3A_1296 : vector<16xf32>
        %gather3A_1298 = arith.constant 40 : i32
        %gather3A_1299 = tpu.memref_slice %arg8[%gather3A_1298] : memref<20480xf32, #tpu.memory_space<vmem>> -> memref<20424xf32, #tpu.memory_space<vmem>>
        %gather3A_1300 = tpu.vector_load_idx %gather3A_1299[%add3A_842] : memref<20424xf32, #tpu.memory_space<vmem>>[vector<16xi32>], vector<16xf32>,
        %gather3A_1301 = arith.constant 40 : i32
        %gather3A_1302 = tpu.memref_slice %arg7[%gather3A_1301] : memref<64000xf32, #tpu.memory_space<vmem>> -> memref<63944xf32, #tpu.memory_space<vmem>>
        %gather3A_1303 = tpu.vector_load_idx %gather3A_1302[%add3A_866] : memref<63944xf32, #tpu.memory_space<vmem>>[vector<16xi32>], vector<16xf32>,
        %sub3A_1304 = arith.subf %gather3A_1300, %gather3A_1303 : vector<16xf32>
        %mul3A_1305 = arith.mulf %sub3A_1304, %sub3A_1304 : vector<16xf32>
        %add3A_1306 = arith.addf %add3A_1270, %mul3A_1305 : vector<16xf32>
        %gather3A_1307 = arith.constant 48 : i32
        %gather3A_1308 = tpu.memref_slice %arg8[%gather3A_1307] : memref<20480xf32, #tpu.memory_space<vmem>> -> memref<20424xf32, #tpu.memory_space<vmem>>
        %gather3A_1309 = tpu.vector_load_idx %gather3A_1308[%add3A_821] : memref<20424xf32, #tpu.memory_space<vmem>>[vector<16xi32>], vector<16xf32>,
        %gather3A_1310 = arith.constant 48 : i32
        %gather3A_1311 = tpu.memref_slice %arg7[%gather3A_1310] : memref<64000xf32, #tpu.memory_space<vmem>> -> memref<63944xf32, #tpu.memory_space<vmem>>
        %gather3A_1312 = tpu.vector_load_idx %gather3A_1311[%add3A_845] : memref<63944xf32, #tpu.memory_space<vmem>>[vector<16xi32>], vector<16xf32>,
        %sub3A_1313 = arith.subf %gather3A_1309, %gather3A_1312 : vector<16xf32>
        %mul3A_1314 = arith.mulf %sub3A_1313, %sub3A_1313 : vector<16xf32>
        %add3A_1315 = arith.addf %add3A_1279, %mul3A_1314 : vector<16xf32>
        %gather3A_1316 = arith.constant 48 : i32
        %gather3A_1317 = tpu.memref_slice %arg8[%gather3A_1316] : memref<20480xf32, #tpu.memory_space<vmem>> -> memref<20424xf32, #tpu.memory_space<vmem>>
        %gather3A_1318 = tpu.vector_load_idx %gather3A_1317[%add3A_824] : memref<20424xf32, #tpu.memory_space<vmem>>[vector<16xi32>], vector<16xf32>,
        %gather3A_1319 = arith.constant 48 : i32
        %gather3A_1320 = tpu.memref_slice %arg7[%gather3A_1319] : memref<64000xf32, #tpu.memory_space<vmem>> -> memref<63944xf32, #tpu.memory_space<vmem>>
        %gather3A_1321 = tpu.vector_load_idx %gather3A_1320[%add3A_848] : memref<63944xf32, #tpu.memory_space<vmem>>[vector<16xi32>], vector<16xf32>,
        %sub3A_1322 = arith.subf %gather3A_1318, %gather3A_1321 : vector<16xf32>
        %mul3A_1323 = arith.mulf %sub3A_1322, %sub3A_1322 : vector<16xf32>
        %add3A_1324 = arith.addf %add3A_1288, %mul3A_1323 : vector<16xf32>
        %gather3A_1325 = arith.constant 48 : i32
        %gather3A_1326 = tpu.memref_slice %arg8[%gather3A_1325] : memref<20480xf32, #tpu.memory_space<vmem>> -> memref<20424xf32, #tpu.memory_space<vmem>>
        %gather3A_1327 = tpu.vector_load_idx %gather3A_1326[%add3A_827] : memref<20424xf32, #tpu.memory_space<vmem>>[vector<16xi32>], vector<16xf32>,
        %gather3A_1328 = arith.constant 48 : i32
        %gather3A_1329 = tpu.memref_slice %arg7[%gather3A_1328] : memref<64000xf32, #tpu.memory_space<vmem>> -> memref<63944xf32, #tpu.memory_space<vmem>>
        %gather3A_1330 = tpu.vector_load_idx %gather3A_1329[%add3A_851] : memref<63944xf32, #tpu.memory_space<vmem>>[vector<16xi32>], vector<16xf32>,
        %sub3A_1331 = arith.subf %gather3A_1327, %gather3A_1330 : vector<16xf32>
        %mul3A_1332 = arith.mulf %sub3A_1331, %sub3A_1331 : vector<16xf32>
        %add3A_1333 = arith.addf %add3A_1297, %mul3A_1332 : vector<16xf32>
        %gather3A_1334 = arith.constant 48 : i32
        %gather3A_1335 = tpu.memref_slice %arg8[%gather3A_1334] : memref<20480xf32, #tpu.memory_space<vmem>> -> memref<20424xf32, #tpu.memory_space<vmem>>
        %gather3A_1336 = tpu.vector_load_idx %gather3A_1335[%add3A_830] : memref<20424xf32, #tpu.memory_space<vmem>>[vector<16xi32>], vector<16xf32>,
        %gather3A_1337 = arith.constant 48 : i32
        %gather3A_1338 = tpu.memref_slice %arg7[%gather3A_1337] : memref<64000xf32, #tpu.memory_space<vmem>> -> memref<63944xf32, #tpu.memory_space<vmem>>
        %gather3A_1339 = tpu.vector_load_idx %gather3A_1338[%add3A_854] : memref<63944xf32, #tpu.memory_space<vmem>>[vector<16xi32>], vector<16xf32>,
        %sub3A_1340 = arith.subf %gather3A_1336, %gather3A_1339 : vector<16xf32>
        %mul3A_1341 = arith.mulf %sub3A_1340, %sub3A_1340 : vector<16xf32>
        %add3A_1342 = arith.addf %add3A_1306, %mul3A_1341 : vector<16xf32>
        %gather3A_1343 = arith.constant 48 : i32
        %gather3A_1344 = tpu.memref_slice %arg8[%gather3A_1343] : memref<20480xf32, #tpu.memory_space<vmem>> -> memref<20424xf32, #tpu.memory_space<vmem>>
        %gather3A_1345 = tpu.vector_load_idx %gather3A_1344[%add3A_833] : memref<20424xf32, #tpu.memory_space<vmem>>[vector<16xi32>], vector<16xf32>,
        %gather3A_1346 = arith.constant 48 : i32
        %gather3A_1347 = tpu.memref_slice %arg7[%gather3A_1346] : memref<64000xf32, #tpu.memory_space<vmem>> -> memref<63944xf32, #tpu.memory_space<vmem>>
        %gather3A_1348 = tpu.vector_load_idx %gather3A_1347[%add3A_857] : memref<63944xf32, #tpu.memory_space<vmem>>[vector<16xi32>], vector<16xf32>,
        %sub3A_1349 = arith.subf %gather3A_1345, %gather3A_1348 : vector<16xf32>
        %mul3A_1350 = arith.mulf %sub3A_1349, %sub3A_1349 : vector<16xf32>
        %add3A_1351 = arith.addf %add3A_1315, %mul3A_1350 : vector<16xf32>
        %gather3A_1352 = arith.constant 48 : i32
        %gather3A_1353 = tpu.memref_slice %arg8[%gather3A_1352] : memref<20480xf32, #tpu.memory_space<vmem>> -> memref<20424xf32, #tpu.memory_space<vmem>>
        %gather3A_1354 = tpu.vector_load_idx %gather3A_1353[%add3A_836] : memref<20424xf32, #tpu.memory_space<vmem>>[vector<16xi32>], vector<16xf32>,
        %gather3A_1355 = arith.constant 48 : i32
        %gather3A_1356 = tpu.memref_slice %arg7[%gather3A_1355] : memref<64000xf32, #tpu.memory_space<vmem>> -> memref<63944xf32, #tpu.memory_space<vmem>>
        %gather3A_1357 = tpu.vector_load_idx %gather3A_1356[%add3A_860] : memref<63944xf32, #tpu.memory_space<vmem>>[vector<16xi32>], vector<16xf32>,
        %sub3A_1358 = arith.subf %gather3A_1354, %gather3A_1357 : vector<16xf32>
        %mul3A_1359 = arith.mulf %sub3A_1358, %sub3A_1358 : vector<16xf32>
        %add3A_1360 = arith.addf %add3A_1324, %mul3A_1359 : vector<16xf32>
        %gather3A_1361 = arith.constant 48 : i32
        %gather3A_1362 = tpu.memref_slice %arg8[%gather3A_1361] : memref<20480xf32, #tpu.memory_space<vmem>> -> memref<20424xf32, #tpu.memory_space<vmem>>
        %gather3A_1363 = tpu.vector_load_idx %gather3A_1362[%add3A_839] : memref<20424xf32, #tpu.memory_space<vmem>>[vector<16xi32>], vector<16xf32>,
        %gather3A_1364 = arith.constant 48 : i32
        %gather3A_1365 = tpu.memref_slice %arg7[%gather3A_1364] : memref<64000xf32, #tpu.memory_space<vmem>> -> memref<63944xf32, #tpu.memory_space<vmem>>
        %gather3A_1366 = tpu.vector_load_idx %gather3A_1365[%add3A_863] : memref<63944xf32, #tpu.memory_space<vmem>>[vector<16xi32>], vector<16xf32>,
        %sub3A_1367 = arith.subf %gather3A_1363, %gather3A_1366 : vector<16xf32>
        %mul3A_1368 = arith.mulf %sub3A_1367, %sub3A_1367 : vector<16xf32>
        %add3A_1369 = arith.addf %add3A_1333, %mul3A_1368 : vector<16xf32>
        %gather3A_1370 = arith.constant 48 : i32
        %gather3A_1371 = tpu.memref_slice %arg8[%gather3A_1370] : memref<20480xf32, #tpu.memory_space<vmem>> -> memref<20424xf32, #tpu.memory_space<vmem>>
        %gather3A_1372 = tpu.vector_load_idx %gather3A_1371[%add3A_842] : memref<20424xf32, #tpu.memory_space<vmem>>[vector<16xi32>], vector<16xf32>,
        %gather3A_1373 = arith.constant 48 : i32
        %gather3A_1374 = tpu.memref_slice %arg7[%gather3A_1373] : memref<64000xf32, #tpu.memory_space<vmem>> -> memref<63944xf32, #tpu.memory_space<vmem>>
        %gather3A_1375 = tpu.vector_load_idx %gather3A_1374[%add3A_866] : memref<63944xf32, #tpu.memory_space<vmem>>[vector<16xi32>], vector<16xf32>,
        %sub3A_1376 = arith.subf %gather3A_1372, %gather3A_1375 : vector<16xf32>
        %mul3A_1377 = arith.mulf %sub3A_1376, %sub3A_1376 : vector<16xf32>
        %add3A_1378 = arith.addf %add3A_1342, %mul3A_1377 : vector<16xf32>
        %gather3A_1379 = arith.constant 56 : i32
        %gather3A_1380 = tpu.memref_slice %arg8[%gather3A_1379] : memref<20480xf32, #tpu.memory_space<vmem>> -> memref<20424xf32, #tpu.memory_space<vmem>>
        %gather3A_1381 = tpu.vector_load_idx %gather3A_1380[%add3A_821] : memref<20424xf32, #tpu.memory_space<vmem>>[vector<16xi32>], vector<16xf32>,
        %gather3A_1382 = arith.constant 56 : i32
        %gather3A_1383 = tpu.memref_slice %arg7[%gather3A_1382] : memref<64000xf32, #tpu.memory_space<vmem>> -> memref<63944xf32, #tpu.memory_space<vmem>>
        %gather3A_1384 = tpu.vector_load_idx %gather3A_1383[%add3A_845] : memref<63944xf32, #tpu.memory_space<vmem>>[vector<16xi32>], vector<16xf32>,
        %sub3A_1385 = arith.subf %gather3A_1381, %gather3A_1384 : vector<16xf32>
        %mul3A_1386 = arith.mulf %sub3A_1385, %sub3A_1385 : vector<16xf32>
        %add3A_1387 = arith.addf %add3A_1351, %mul3A_1386 : vector<16xf32>
        %gather3A_1388 = arith.constant 56 : i32
        %gather3A_1389 = tpu.memref_slice %arg8[%gather3A_1388] : memref<20480xf32, #tpu.memory_space<vmem>> -> memref<20424xf32, #tpu.memory_space<vmem>>
        %gather3A_1390 = tpu.vector_load_idx %gather3A_1389[%add3A_824] : memref<20424xf32, #tpu.memory_space<vmem>>[vector<16xi32>], vector<16xf32>,
        %gather3A_1391 = arith.constant 56 : i32
        %gather3A_1392 = tpu.memref_slice %arg7[%gather3A_1391] : memref<64000xf32, #tpu.memory_space<vmem>> -> memref<63944xf32, #tpu.memory_space<vmem>>
        %gather3A_1393 = tpu.vector_load_idx %gather3A_1392[%add3A_848] : memref<63944xf32, #tpu.memory_space<vmem>>[vector<16xi32>], vector<16xf32>,
        %sub3A_1394 = arith.subf %gather3A_1390, %gather3A_1393 : vector<16xf32>
        %mul3A_1395 = arith.mulf %sub3A_1394, %sub3A_1394 : vector<16xf32>
        %add3A_1396 = arith.addf %add3A_1360, %mul3A_1395 : vector<16xf32>
        %gather3A_1397 = arith.constant 56 : i32
        %gather3A_1398 = tpu.memref_slice %arg8[%gather3A_1397] : memref<20480xf32, #tpu.memory_space<vmem>> -> memref<20424xf32, #tpu.memory_space<vmem>>
        %gather3A_1399 = tpu.vector_load_idx %gather3A_1398[%add3A_827] : memref<20424xf32, #tpu.memory_space<vmem>>[vector<16xi32>], vector<16xf32>,
        %gather3A_1400 = arith.constant 56 : i32
        %gather3A_1401 = tpu.memref_slice %arg7[%gather3A_1400] : memref<64000xf32, #tpu.memory_space<vmem>> -> memref<63944xf32, #tpu.memory_space<vmem>>
        %gather3A_1402 = tpu.vector_load_idx %gather3A_1401[%add3A_851] : memref<63944xf32, #tpu.memory_space<vmem>>[vector<16xi32>], vector<16xf32>,
        %sub3A_1403 = arith.subf %gather3A_1399, %gather3A_1402 : vector<16xf32>
        %mul3A_1404 = arith.mulf %sub3A_1403, %sub3A_1403 : vector<16xf32>
        %add3A_1405 = arith.addf %add3A_1369, %mul3A_1404 : vector<16xf32>
        %gather3A_1406 = arith.constant 56 : i32
        %gather3A_1407 = tpu.memref_slice %arg8[%gather3A_1406] : memref<20480xf32, #tpu.memory_space<vmem>> -> memref<20424xf32, #tpu.memory_space<vmem>>
        %gather3A_1408 = tpu.vector_load_idx %gather3A_1407[%add3A_830] : memref<20424xf32, #tpu.memory_space<vmem>>[vector<16xi32>], vector<16xf32>,
        %gather3A_1409 = arith.constant 56 : i32
        %gather3A_1410 = tpu.memref_slice %arg7[%gather3A_1409] : memref<64000xf32, #tpu.memory_space<vmem>> -> memref<63944xf32, #tpu.memory_space<vmem>>
        %gather3A_1411 = tpu.vector_load_idx %gather3A_1410[%add3A_854] : memref<63944xf32, #tpu.memory_space<vmem>>[vector<16xi32>], vector<16xf32>,
        %sub3A_1412 = arith.subf %gather3A_1408, %gather3A_1411 : vector<16xf32>
        %mul3A_1413 = arith.mulf %sub3A_1412, %sub3A_1412 : vector<16xf32>
        %add3A_1414 = arith.addf %add3A_1378, %mul3A_1413 : vector<16xf32>
        %gather3A_1415 = arith.constant 56 : i32
        %gather3A_1416 = tpu.memref_slice %arg8[%gather3A_1415] : memref<20480xf32, #tpu.memory_space<vmem>> -> memref<20424xf32, #tpu.memory_space<vmem>>
        %gather3A_1417 = tpu.vector_load_idx %gather3A_1416[%add3A_833] : memref<20424xf32, #tpu.memory_space<vmem>>[vector<16xi32>], vector<16xf32>,
        %gather3A_1418 = arith.constant 56 : i32
        %gather3A_1419 = tpu.memref_slice %arg7[%gather3A_1418] : memref<64000xf32, #tpu.memory_space<vmem>> -> memref<63944xf32, #tpu.memory_space<vmem>>
        %gather3A_1420 = tpu.vector_load_idx %gather3A_1419[%add3A_857] : memref<63944xf32, #tpu.memory_space<vmem>>[vector<16xi32>], vector<16xf32>,
        %sub3A_1421 = arith.subf %gather3A_1417, %gather3A_1420 : vector<16xf32>
        %mul3A_1422 = arith.mulf %sub3A_1421, %sub3A_1421 : vector<16xf32>
        %add3A_1423 = arith.addf %add3A_1387, %mul3A_1422 : vector<16xf32>
        %gather3A_1424 = arith.constant 56 : i32
        %gather3A_1425 = tpu.memref_slice %arg8[%gather3A_1424] : memref<20480xf32, #tpu.memory_space<vmem>> -> memref<20424xf32, #tpu.memory_space<vmem>>
        %gather3A_1426 = tpu.vector_load_idx %gather3A_1425[%add3A_836] : memref<20424xf32, #tpu.memory_space<vmem>>[vector<16xi32>], vector<16xf32>,
        %gather3A_1427 = arith.constant 56 : i32
        %gather3A_1428 = tpu.memref_slice %arg7[%gather3A_1427] : memref<64000xf32, #tpu.memory_space<vmem>> -> memref<63944xf32, #tpu.memory_space<vmem>>
        %gather3A_1429 = tpu.vector_load_idx %gather3A_1428[%add3A_860] : memref<63944xf32, #tpu.memory_space<vmem>>[vector<16xi32>], vector<16xf32>,
        %sub3A_1430 = arith.subf %gather3A_1426, %gather3A_1429 : vector<16xf32>
        %mul3A_1431 = arith.mulf %sub3A_1430, %sub3A_1430 : vector<16xf32>
        %add3A_1432 = arith.addf %add3A_1396, %mul3A_1431 : vector<16xf32>
        %gather3A_1433 = arith.constant 56 : i32
        %gather3A_1434 = tpu.memref_slice %arg8[%gather3A_1433] : memref<20480xf32, #tpu.memory_space<vmem>> -> memref<20424xf32, #tpu.memory_space<vmem>>
        %gather3A_1435 = tpu.vector_load_idx %gather3A_1434[%add3A_839] : memref<20424xf32, #tpu.memory_space<vmem>>[vector<16xi32>], vector<16xf32>,
        %gather3A_1436 = arith.constant 56 : i32
        %gather3A_1437 = tpu.memref_slice %arg7[%gather3A_1436] : memref<64000xf32, #tpu.memory_space<vmem>> -> memref<63944xf32, #tpu.memory_space<vmem>>
        %gather3A_1438 = tpu.vector_load_idx %gather3A_1437[%add3A_863] : memref<63944xf32, #tpu.memory_space<vmem>>[vector<16xi32>], vector<16xf32>,
        %sub3A_1439 = arith.subf %gather3A_1435, %gather3A_1438 : vector<16xf32>
        %mul3A_1440 = arith.mulf %sub3A_1439, %sub3A_1439 : vector<16xf32>
        %add3A_1441 = arith.addf %add3A_1405, %mul3A_1440 : vector<16xf32>
        %gather3A_1442 = arith.constant 56 : i32
        %gather3A_1443 = tpu.memref_slice %arg8[%gather3A_1442] : memref<20480xf32, #tpu.memory_space<vmem>> -> memref<20424xf32, #tpu.memory_space<vmem>>
        %gather3A_1444 = tpu.vector_load_idx %gather3A_1443[%add3A_842] : memref<20424xf32, #tpu.memory_space<vmem>>[vector<16xi32>], vector<16xf32>,
        %gather3A_1445 = arith.constant 56 : i32
        %gather3A_1446 = tpu.memref_slice %arg7[%gather3A_1445] : memref<64000xf32, #tpu.memory_space<vmem>> -> memref<63944xf32, #tpu.memory_space<vmem>>
        %gather3A_1447 = tpu.vector_load_idx %gather3A_1446[%add3A_866] : memref<63944xf32, #tpu.memory_space<vmem>>[vector<16xi32>], vector<16xf32>,
        %sub3A_1448 = arith.subf %gather3A_1444, %gather3A_1447 : vector<16xf32>
        %mul3A_1449 = arith.mulf %sub3A_1448, %sub3A_1448 : vector<16xf32>
        %add3A_1450 = arith.addf %add3A_1414, %mul3A_1449 : vector<16xf32>
        %add3A_1451 = arith.addf %add3A_1423, %add3A_1432 : vector<16xf32>
        %add3A_1452 = arith.addf %add3A_1441, %add3A_1450 : vector<16xf32>
        %add3A_1453 = arith.addf %add3A_1451, %add3A_1452 : vector<16xf32>
        %bitcast3A_1454 = vector.bitcast %add3A_1453 : vector<16xf32> to vector<16xi32>
        %shift_right_logical3A_1455 = arith.constant 1 : i32
        %shift_right_logical3A_1456 = vector.broadcast %shift_right_logical3A_1455 : i32 to vector<16xi32>
        %shift_right_logical3A_1457 = arith.shrui %bitcast3A_1454, %shift_right_logical3A_1456 : vector<16xi32>
        %sub3A_1458 = arith.constant 1597463007 : i32
        %sub3A_1459 = vector.broadcast %sub3A_1458 : i32 to vector<16xi32>
        %sub3A_1460 = arith.subi %sub3A_1459, %shift_right_logical3A_1457 : vector<16xi32>
        %bitcast3A_1461 = vector.bitcast %sub3A_1460 : vector<16xi32> to vector<16xf32>
        %mul3A_1462 = arith.constant 5.000000e-01 : f32
        %mul3A_1463 = vector.broadcast %mul3A_1462 : f32 to vector<16xf32>
        %mul3A_1464 = arith.mulf %mul3A_1463, %add3A_1453 : vector<16xf32>
        %mul3A_1465 = arith.mulf %mul3A_1464, %bitcast3A_1461 : vector<16xf32>
        %mul3A_1466 = arith.mulf %mul3A_1465, %bitcast3A_1461 : vector<16xf32>
        %sub3A_1467 = arith.constant 1.500000e+00 : f32
        %sub3A_1468 = vector.broadcast %sub3A_1467 : f32 to vector<16xf32>
        %sub3A_1469 = arith.subf %sub3A_1468, %mul3A_1466 : vector<16xf32>
        %mul3A_1470 = arith.mulf %bitcast3A_1461, %sub3A_1469 : vector<16xf32>
        %mul3A_1471 = arith.mulf %mul3A_1464, %mul3A_1470 : vector<16xf32>
        %mul3A_1472 = arith.mulf %mul3A_1471, %mul3A_1470 : vector<16xf32>
        %sub3A_1473 = arith.constant 1.500000e+00 : f32
        %sub3A_1474 = vector.broadcast %sub3A_1473 : f32 to vector<16xf32>
        %sub3A_1475 = arith.subf %sub3A_1474, %mul3A_1472 : vector<16xf32>
        %mul3A_1476 = arith.mulf %mul3A_1470, %sub3A_1475 : vector<16xf32>
        %mul3A_1477 = arith.mulf %mul3A_1464, %mul3A_1476 : vector<16xf32>
        %mul3A_1478 = arith.mulf %mul3A_1477, %mul3A_1476 : vector<16xf32>
        %sub3A_1479 = arith.constant 1.500000e+00 : f32
        %sub3A_1480 = vector.broadcast %sub3A_1479 : f32 to vector<16xf32>
        %sub3A_1481 = arith.subf %sub3A_1480, %mul3A_1478 : vector<16xf32>
        %mul3A_1482 = arith.mulf %mul3A_1476, %sub3A_1481 : vector<16xf32>
        %mul3A_1483 = arith.mulf %add3A_1453, %mul3A_1482 : vector<16xf32>
        tpu.vector_store_idx %arg10[%iota3A, %convert_element_type3A_810], %mul3A_1483 {add = true} : memref<16x1024xf32, #tpu.memory_space<vmem>>[vector<16xi32>, vector<16xi32>], vector<16xf32>,
        tpu.vector_store_idx %arg11[%iota3A, %convert_element_type3A_810], %broadcast_in_dim3A_3 {add = true} : memref<16x1024xf32, #tpu.memory_space<vmem>>[vector<16xi32>, vector<16xi32>], vector<16xf32>,
        %scan3A_1484 = arith.constant 0 : i32
        scf.yield %scan3A_1484 : i32
      }
      %scan3A_117 = arith.constant 5 : i32
      %while3A_118 = arith.constant 0 : i32
      scf.yield %while3A_118 : i32
    }
    %while3A_58 = arith.constant 1 : i32
    %while3A_59 = scf.for %while3A_67 = %while3A_55 to %while3A_51 step %while3A_58 iter_args(%while3A_68 = %while3A_57) -> (i32)  : i32 {
      %jit3A_69 = arith.constant 2 : i32
      %eq3A = arith.constant 0 : i32
      %eq3A_70 = arith.cmpi eq, %jit3A_69, %eq3A : i32
      %jit3A_71 = arith.constant 1 : i32
      %select_n3A_72 = arith.select %eq3A_70, %jit3A_71, %jit3A_69 : i32
      %rem3A_73 = arith.remsi %while3A_67, %select_n3A_72 : i32
      %ne3A_74 = arith.constant 0 : i32
      %ne3A_75 = arith.cmpi ne, %rem3A_73, %ne3A_74 : i32
      %lt3A = arith.constant 0 : i32
      %lt3A_76 = arith.cmpi slt, %rem3A_73, %lt3A : i32
      %lt3A_77 = arith.constant 0 : i32
      %lt3A_78 = arith.cmpi slt, %select_n3A_72, %lt3A_77 : i32
      %ne3A_79 = arith.xori %lt3A_76, %lt3A_78 : i1
      %and3A_80 = arith.andi %ne3A_79, %ne3A_75 : i1
      %add3A_81 = arith.addi %rem3A_73, %select_n3A_72 : i32
      %select_n3A_82 = arith.select %and3A_80, %add3A_81, %rem3A_73 : i32
      %eq3A_83 = arith.constant 0 : i32
      %eq3A_84 = arith.cmpi eq, %select_n3A_82, %eq3A_83 : i32
      %convert_element_type3A = arith.extui %eq3A_84 : i1 to i32
      %cond3A = arith.constant 0 : i32
      %cond3A_85 = arith.cmpi ne, %convert_element_type3A, %cond3A : i32
      scf.if %cond3A_85 {
        %dma_wait3A = arith.constant 0 : i32
        %dma_wait3A_119 = tpu.memref_slice %arg8[%dma_wait3A] : memref<20480xf32, #tpu.memory_space<vmem>> -> memref<10240xf32, #tpu.memory_space<vmem>>
        %dma_wait3A_120 = arith.constant 0 : i32
        %dma_wait3A_121 = tpu.memref_slice %arg2[%dma_wait3A_120] : memref<64000000xf32, #tpu.memory_space<hbm>> -> memref<10240xf32, #tpu.memory_space<hbm>>
        %dma_wait3A_122 = arith.constant 0 : i32
        %dma_wait3A_123 = tpu.memref_slice %arg8[%dma_wait3A_122] : memref<20480xf32, #tpu.memory_space<vmem>> -> memref<10240xf32, #tpu.memory_space<vmem>>
        %dma_wait3A_124 = arith.constant 0 : i32
        %dma_wait3A_125 = tpu.memref_slice %arg2[%dma_wait3A_124] : memref<64000000xf32, #tpu.memory_space<hbm>> -> memref<10240xf32, #tpu.memory_space<hbm>>
        tpu.wait_dma2 semaphore(%arg14 : memref<!tpu.dma_semaphore, #tpu.memory_space<semaphore_mem>>) src(%dma_wait3A_125 : memref<10240xf32, #tpu.memory_space<hbm>>) dst(%dma_wait3A_123 : memref<10240xf32, #tpu.memory_space<vmem>>)
        %dma_wait3A_126 = arith.constant 0 : i32
        %dma_wait3A_127 = tpu.memref_slice %arg9[%dma_wait3A_126] : memref<320xf32, #tpu.memory_space<vmem>> -> memref<160xf32, #tpu.memory_space<vmem>>
        %dma_wait3A_128 = arith.constant 0 : i32
        %dma_wait3A_129 = tpu.memref_slice %arg3[%dma_wait3A_128] : memref<1000000xf32, #tpu.memory_space<hbm>> -> memref<160xf32, #tpu.memory_space<hbm>>
        %dma_wait3A_130 = arith.constant 0 : i32
        %dma_wait3A_131 = tpu.memref_slice %arg9[%dma_wait3A_130] : memref<320xf32, #tpu.memory_space<vmem>> -> memref<160xf32, #tpu.memory_space<vmem>>
        %dma_wait3A_132 = arith.constant 0 : i32
        %dma_wait3A_133 = tpu.memref_slice %arg3[%dma_wait3A_132] : memref<1000000xf32, #tpu.memory_space<hbm>> -> memref<160xf32, #tpu.memory_space<hbm>>
        tpu.wait_dma2 semaphore(%arg14 : memref<!tpu.dma_semaphore, #tpu.memory_space<semaphore_mem>>) src(%dma_wait3A_133 : memref<160xf32, #tpu.memory_space<hbm>>) dst(%dma_wait3A_131 : memref<160xf32, #tpu.memory_space<vmem>>)
      } else {
      }
      %eq3A_86 = arith.constant 1 : i32
      %eq3A_87 = arith.cmpi eq, %select_n3A_82, %eq3A_86 : i32
      %convert_element_type3A_88 = arith.extui %eq3A_87 : i1 to i32
      %cond3A_89 = arith.constant 0 : i32
      %cond3A_90 = arith.cmpi ne, %convert_element_type3A_88, %cond3A_89 : i32
      scf.if %cond3A_90 {
        %dma_wait3A = arith.constant 10240 : i32
        %dma_wait3A_119 = tpu.memref_slice %arg8[%dma_wait3A] : memref<20480xf32, #tpu.memory_space<vmem>> -> memref<10240xf32, #tpu.memory_space<vmem>>
        %dma_wait3A_120 = arith.constant 0 : i32
        %dma_wait3A_121 = tpu.memref_slice %arg2[%dma_wait3A_120] : memref<64000000xf32, #tpu.memory_space<hbm>> -> memref<10240xf32, #tpu.memory_space<hbm>>
        %dma_wait3A_122 = arith.constant 10240 : i32
        %dma_wait3A_123 = tpu.memref_slice %arg8[%dma_wait3A_122] : memref<20480xf32, #tpu.memory_space<vmem>> -> memref<10240xf32, #tpu.memory_space<vmem>>
        %dma_wait3A_124 = arith.constant 0 : i32
        %dma_wait3A_125 = tpu.memref_slice %arg2[%dma_wait3A_124] : memref<64000000xf32, #tpu.memory_space<hbm>> -> memref<10240xf32, #tpu.memory_space<hbm>>
        tpu.wait_dma2 semaphore(%arg15 : memref<!tpu.dma_semaphore, #tpu.memory_space<semaphore_mem>>) src(%dma_wait3A_125 : memref<10240xf32, #tpu.memory_space<hbm>>) dst(%dma_wait3A_123 : memref<10240xf32, #tpu.memory_space<vmem>>)
        %dma_wait3A_126 = arith.constant 160 : i32
        %dma_wait3A_127 = tpu.memref_slice %arg9[%dma_wait3A_126] : memref<320xf32, #tpu.memory_space<vmem>> -> memref<160xf32, #tpu.memory_space<vmem>>
        %dma_wait3A_128 = arith.constant 0 : i32
        %dma_wait3A_129 = tpu.memref_slice %arg3[%dma_wait3A_128] : memref<1000000xf32, #tpu.memory_space<hbm>> -> memref<160xf32, #tpu.memory_space<hbm>>
        %dma_wait3A_130 = arith.constant 160 : i32
        %dma_wait3A_131 = tpu.memref_slice %arg9[%dma_wait3A_130] : memref<320xf32, #tpu.memory_space<vmem>> -> memref<160xf32, #tpu.memory_space<vmem>>
        %dma_wait3A_132 = arith.constant 0 : i32
        %dma_wait3A_133 = tpu.memref_slice %arg3[%dma_wait3A_132] : memref<1000000xf32, #tpu.memory_space<hbm>> -> memref<160xf32, #tpu.memory_space<hbm>>
        tpu.wait_dma2 semaphore(%arg15 : memref<!tpu.dma_semaphore, #tpu.memory_space<semaphore_mem>>) src(%dma_wait3A_133 : memref<160xf32, #tpu.memory_space<hbm>>) dst(%dma_wait3A_131 : memref<160xf32, #tpu.memory_space<vmem>>)
      } else {
      }
      %add3A_91 = arith.constant 1 : i32
      %add3A_92 = arith.addi %while3A_67, %add3A_91 : i32
      %lt3A_93 = arith.cmpi slt, %add3A_92, %select_n3A : i32
      %add3A_94 = arith.constant 1 : i32
      %add3A_95 = arith.addi %while3A_67, %add3A_94 : i32
      %mul3A_96 = arith.constant 32 : i32
      %mul3A_97 = arith.muli %add3A_95, %mul3A_96 : i32
      %add3A_98 = arith.addi %add3A, %mul3A_97 : i32
      %eq3A_99 = arith.constant 0 : i32
      %eq3A_100 = arith.cmpi eq, %select_n3A_82, %eq3A_99 : i32
      %and3A_101 = arith.andi %lt3A_93, %eq3A_100 : i1
      %convert_element_type3A_102 = arith.extui %and3A_101 : i1 to i32
      %cond3A_103 = arith.constant 0 : i32
      %cond3A_104 = arith.cmpi ne, %convert_element_type3A_102, %cond3A_103 : i32
      scf.if %cond3A_104 {
        %mul3A_119 = arith.constant 160 : i32
        %mul3A_120 = arith.muli %add3A_98, %mul3A_119 : i32
        %mul3A_121 = arith.constant 64 : i32
        %mul3A_122 = arith.muli %mul3A_120, %mul3A_121 : i32
        %dma_start3A_123 = arith.constant 10240 : i32
        %dma_start3A_124 = tpu.memref_slice %arg8[%dma_start3A_123] : memref<20480xf32, #tpu.memory_space<vmem>> -> memref<10240xf32, #tpu.memory_space<vmem>>
        %dma_start3A_125 = tpu.memref_slice %arg2[%mul3A_122] : memref<64000000xf32, #tpu.memory_space<hbm>> -> memref<10240xf32, #tpu.memory_space<hbm>>
        %dma_start3A_126 = arith.constant 10240 : i32
        %dma_start3A_127 = tpu.memref_slice %arg8[%dma_start3A_126] : memref<20480xf32, #tpu.memory_space<vmem>> -> memref<10240xf32, #tpu.memory_space<vmem>>
        %dma_start3A_128 = tpu.memref_slice %arg2[%mul3A_122] : memref<64000000xf32, #tpu.memory_space<hbm>> -> memref<10240xf32, #tpu.memory_space<hbm>>
        tpu.enqueue_dma source(%dma_start3A_128 : memref<10240xf32, #tpu.memory_space<hbm>>) target(%dma_start3A_127 : memref<10240xf32, #tpu.memory_space<vmem>>) target_semaphore(%arg15 : memref<!tpu.dma_semaphore, #tpu.memory_space<semaphore_mem>>)
        %mul3A_129 = arith.constant 160 : i32
        %mul3A_130 = arith.muli %add3A_98, %mul3A_129 : i32
        %dma_start3A_131 = arith.constant 160 : i32
        %dma_start3A_132 = tpu.memref_slice %arg9[%dma_start3A_131] : memref<320xf32, #tpu.memory_space<vmem>> -> memref<160xf32, #tpu.memory_space<vmem>>
        %dma_start3A_133 = tpu.memref_slice %arg3[%mul3A_130] : memref<1000000xf32, #tpu.memory_space<hbm>> -> memref<160xf32, #tpu.memory_space<hbm>>
        %dma_start3A_134 = arith.constant 160 : i32
        %dma_start3A_135 = tpu.memref_slice %arg9[%dma_start3A_134] : memref<320xf32, #tpu.memory_space<vmem>> -> memref<160xf32, #tpu.memory_space<vmem>>
        %dma_start3A_136 = tpu.memref_slice %arg3[%mul3A_130] : memref<1000000xf32, #tpu.memory_space<hbm>> -> memref<160xf32, #tpu.memory_space<hbm>>
        tpu.enqueue_dma source(%dma_start3A_136 : memref<160xf32, #tpu.memory_space<hbm>>) target(%dma_start3A_135 : memref<160xf32, #tpu.memory_space<vmem>>) target_semaphore(%arg15 : memref<!tpu.dma_semaphore, #tpu.memory_space<semaphore_mem>>)
      } else {
      }
      %eq3A_105 = arith.constant 1 : i32
      %eq3A_106 = arith.cmpi eq, %select_n3A_82, %eq3A_105 : i32
      %and3A_107 = arith.andi %lt3A_93, %eq3A_106 : i1
      %convert_element_type3A_108 = arith.extui %and3A_107 : i1 to i32
      %cond3A_109 = arith.constant 0 : i32
      %cond3A_110 = arith.cmpi ne, %convert_element_type3A_108, %cond3A_109 : i32
      scf.if %cond3A_110 {
        %mul3A_119 = arith.constant 160 : i32
        %mul3A_120 = arith.muli %add3A_98, %mul3A_119 : i32
        %mul3A_121 = arith.constant 64 : i32
        %mul3A_122 = arith.muli %mul3A_120, %mul3A_121 : i32
        %dma_start3A_123 = arith.constant 0 : i32
        %dma_start3A_124 = tpu.memref_slice %arg8[%dma_start3A_123] : memref<20480xf32, #tpu.memory_space<vmem>> -> memref<10240xf32, #tpu.memory_space<vmem>>
        %dma_start3A_125 = tpu.memref_slice %arg2[%mul3A_122] : memref<64000000xf32, #tpu.memory_space<hbm>> -> memref<10240xf32, #tpu.memory_space<hbm>>
        %dma_start3A_126 = arith.constant 0 : i32
        %dma_start3A_127 = tpu.memref_slice %arg8[%dma_start3A_126] : memref<20480xf32, #tpu.memory_space<vmem>> -> memref<10240xf32, #tpu.memory_space<vmem>>
        %dma_start3A_128 = tpu.memref_slice %arg2[%mul3A_122] : memref<64000000xf32, #tpu.memory_space<hbm>> -> memref<10240xf32, #tpu.memory_space<hbm>>
        tpu.enqueue_dma source(%dma_start3A_128 : memref<10240xf32, #tpu.memory_space<hbm>>) target(%dma_start3A_127 : memref<10240xf32, #tpu.memory_space<vmem>>) target_semaphore(%arg14 : memref<!tpu.dma_semaphore, #tpu.memory_space<semaphore_mem>>)
        %mul3A_129 = arith.constant 160 : i32
        %mul3A_130 = arith.muli %add3A_98, %mul3A_129 : i32
        %dma_start3A_131 = arith.constant 0 : i32
        %dma_start3A_132 = tpu.memref_slice %arg9[%dma_start3A_131] : memref<320xf32, #tpu.memory_space<vmem>> -> memref<160xf32, #tpu.memory_space<vmem>>
        %dma_start3A_133 = tpu.memref_slice %arg3[%mul3A_130] : memref<1000000xf32, #tpu.memory_space<hbm>> -> memref<160xf32, #tpu.memory_space<hbm>>
        %dma_start3A_134 = arith.constant 0 : i32
        %dma_start3A_135 = tpu.memref_slice %arg9[%dma_start3A_134] : memref<320xf32, #tpu.memory_space<vmem>> -> memref<160xf32, #tpu.memory_space<vmem>>
        %dma_start3A_136 = tpu.memref_slice %arg3[%mul3A_130] : memref<1000000xf32, #tpu.memory_space<hbm>> -> memref<160xf32, #tpu.memory_space<hbm>>
        tpu.enqueue_dma source(%dma_start3A_136 : memref<160xf32, #tpu.memory_space<hbm>>) target(%dma_start3A_135 : memref<160xf32, #tpu.memory_space<vmem>>) target_semaphore(%arg14 : memref<!tpu.dma_semaphore, #tpu.memory_space<semaphore_mem>>)
      } else {
      }
      %scan3A_111 = arith.constant 0 : i32
      %scan3A_112 = arith.constant 0 : i32
      %scan3A_113 = arith.constant 5 : i32
      %scan3A_114 = arith.addi %scan3A_112, %scan3A_113 : i32
      %scan3A_115 = arith.constant 1 : i32
      %scan3A_116 = scf.for %scan3A_119 = %scan3A_112 to %scan3A_114 step %scan3A_115 iter_args(%scan3A_120 = %scan3A_111) -> (i32)  : i32 {
        %mul3A_121 = arith.constant 2 : i32
        %mul3A_122 = arith.muli %mul3A_121, %scan3A_119 : i32
        %mul3A_123 = arith.constant 160 : i32
        %mul3A_124 = arith.muli %select_n3A_82, %mul3A_123 : i32
        %mul3A_125 = arith.constant 16 : i32
        %mul3A_126 = arith.muli %mul3A_122, %mul3A_125 : i32
        %add3A_127 = arith.addi %mul3A_124, %mul3A_126 : i32
        %get3A = arith.index_cast %add3A_127 : i32 to index
        %get3A_128 = tpu.vector_load %arg9[%get3A] {strides = array<i32>} : memref<320xf32, #tpu.memory_space<vmem>>, vector<16xf32>,
        %convert_element_type3A_129 = arith.fptosi %get3A_128 : vector<16xf32> to vector<16xi32>
        %add3A_130 = vector.broadcast %add3A_127 : i32 to vector<16xi32>
        %add3A_131 = arith.addi %add3A_130, %iota3A : vector<16xi32>
        %shift_left3A = arith.constant 6 : i32
        %shift_left3A_132 = vector.broadcast %shift_left3A : i32 to vector<16xi32>
        %shift_left3A_133 = arith.shli %add3A_131, %shift_left3A_132 : vector<16xi32>
        %shift_left3A_134 = arith.constant 6 : i32
        %shift_left3A_135 = vector.broadcast %shift_left3A_134 : i32 to vector<16xi32>
        %shift_left3A_136 = arith.shli %convert_element_type3A_129, %shift_left3A_135 : vector<16xi32>
        %add3A_137 = arith.constant 0 : i32
        %add3A_138 = vector.broadcast %add3A_137 : i32 to vector<16xi32>
        %add3A_139 = arith.addi %shift_left3A_133, %add3A_138 : vector<16xi32>
        %add3A_140 = arith.constant 1 : i32
        %add3A_141 = vector.broadcast %add3A_140 : i32 to vector<16xi32>
        %add3A_142 = arith.addi %shift_left3A_133, %add3A_141 : vector<16xi32>
        %add3A_143 = arith.constant 2 : i32
        %add3A_144 = vector.broadcast %add3A_143 : i32 to vector<16xi32>
        %add3A_145 = arith.addi %shift_left3A_133, %add3A_144 : vector<16xi32>
        %add3A_146 = arith.constant 3 : i32
        %add3A_147 = vector.broadcast %add3A_146 : i32 to vector<16xi32>
        %add3A_148 = arith.addi %shift_left3A_133, %add3A_147 : vector<16xi32>
        %add3A_149 = arith.constant 4 : i32
        %add3A_150 = vector.broadcast %add3A_149 : i32 to vector<16xi32>
        %add3A_151 = arith.addi %shift_left3A_133, %add3A_150 : vector<16xi32>
        %add3A_152 = arith.constant 5 : i32
        %add3A_153 = vector.broadcast %add3A_152 : i32 to vector<16xi32>
        %add3A_154 = arith.addi %shift_left3A_133, %add3A_153 : vector<16xi32>
        %add3A_155 = arith.constant 6 : i32
        %add3A_156 = vector.broadcast %add3A_155 : i32 to vector<16xi32>
        %add3A_157 = arith.addi %shift_left3A_133, %add3A_156 : vector<16xi32>
        %add3A_158 = arith.constant 7 : i32
        %add3A_159 = vector.broadcast %add3A_158 : i32 to vector<16xi32>
        %add3A_160 = arith.addi %shift_left3A_133, %add3A_159 : vector<16xi32>
        %add3A_161 = arith.constant 0 : i32
        %add3A_162 = vector.broadcast %add3A_161 : i32 to vector<16xi32>
        %add3A_163 = arith.addi %shift_left3A_136, %add3A_162 : vector<16xi32>
        %add3A_164 = arith.constant 1 : i32
        %add3A_165 = vector.broadcast %add3A_164 : i32 to vector<16xi32>
        %add3A_166 = arith.addi %shift_left3A_136, %add3A_165 : vector<16xi32>
        %add3A_167 = arith.constant 2 : i32
        %add3A_168 = vector.broadcast %add3A_167 : i32 to vector<16xi32>
        %add3A_169 = arith.addi %shift_left3A_136, %add3A_168 : vector<16xi32>
        %add3A_170 = arith.constant 3 : i32
        %add3A_171 = vector.broadcast %add3A_170 : i32 to vector<16xi32>
        %add3A_172 = arith.addi %shift_left3A_136, %add3A_171 : vector<16xi32>
        %add3A_173 = arith.constant 4 : i32
        %add3A_174 = vector.broadcast %add3A_173 : i32 to vector<16xi32>
        %add3A_175 = arith.addi %shift_left3A_136, %add3A_174 : vector<16xi32>
        %add3A_176 = arith.constant 5 : i32
        %add3A_177 = vector.broadcast %add3A_176 : i32 to vector<16xi32>
        %add3A_178 = arith.addi %shift_left3A_136, %add3A_177 : vector<16xi32>
        %add3A_179 = arith.constant 6 : i32
        %add3A_180 = vector.broadcast %add3A_179 : i32 to vector<16xi32>
        %add3A_181 = arith.addi %shift_left3A_136, %add3A_180 : vector<16xi32>
        %add3A_182 = arith.constant 7 : i32
        %add3A_183 = vector.broadcast %add3A_182 : i32 to vector<16xi32>
        %add3A_184 = arith.addi %shift_left3A_136, %add3A_183 : vector<16xi32>
        %broadcast_in_dim3A_185 = arith.constant 0.000000e+00 : f32
        %broadcast_in_dim3A_186 = vector.broadcast %broadcast_in_dim3A_185 : f32 to vector<16xf32>
        %broadcast_in_dim3A_187 = arith.constant 0.000000e+00 : f32
        %broadcast_in_dim3A_188 = vector.broadcast %broadcast_in_dim3A_187 : f32 to vector<16xf32>
        %broadcast_in_dim3A_189 = arith.constant 0.000000e+00 : f32
        %broadcast_in_dim3A_190 = vector.broadcast %broadcast_in_dim3A_189 : f32 to vector<16xf32>
        %broadcast_in_dim3A_191 = arith.constant 0.000000e+00 : f32
        %broadcast_in_dim3A_192 = vector.broadcast %broadcast_in_dim3A_191 : f32 to vector<16xf32>
        %gather3A = arith.constant 0 : i32
        %gather3A_193 = tpu.memref_slice %arg8[%gather3A] : memref<20480xf32, #tpu.memory_space<vmem>> -> memref<20424xf32, #tpu.memory_space<vmem>>
        %gather3A_194 = tpu.vector_load_idx %gather3A_193[%add3A_139] : memref<20424xf32, #tpu.memory_space<vmem>>[vector<16xi32>], vector<16xf32>,
        %gather3A_195 = arith.constant 0 : i32
        %gather3A_196 = tpu.memref_slice %arg7[%gather3A_195] : memref<64000xf32, #tpu.memory_space<vmem>> -> memref<63944xf32, #tpu.memory_space<vmem>>
        %gather3A_197 = tpu.vector_load_idx %gather3A_196[%add3A_163] : memref<63944xf32, #tpu.memory_space<vmem>>[vector<16xi32>], vector<16xf32>,
        %sub3A_198 = arith.subf %gather3A_194, %gather3A_197 : vector<16xf32>
        %mul3A_199 = arith.mulf %sub3A_198, %sub3A_198 : vector<16xf32>
        %add3A_200 = arith.addf %broadcast_in_dim3A_186, %mul3A_199 : vector<16xf32>
        %gather3A_201 = arith.constant 0 : i32
        %gather3A_202 = tpu.memref_slice %arg8[%gather3A_201] : memref<20480xf32, #tpu.memory_space<vmem>> -> memref<20424xf32, #tpu.memory_space<vmem>>
        %gather3A_203 = tpu.vector_load_idx %gather3A_202[%add3A_142] : memref<20424xf32, #tpu.memory_space<vmem>>[vector<16xi32>], vector<16xf32>,
        %gather3A_204 = arith.constant 0 : i32
        %gather3A_205 = tpu.memref_slice %arg7[%gather3A_204] : memref<64000xf32, #tpu.memory_space<vmem>> -> memref<63944xf32, #tpu.memory_space<vmem>>
        %gather3A_206 = tpu.vector_load_idx %gather3A_205[%add3A_166] : memref<63944xf32, #tpu.memory_space<vmem>>[vector<16xi32>], vector<16xf32>,
        %sub3A_207 = arith.subf %gather3A_203, %gather3A_206 : vector<16xf32>
        %mul3A_208 = arith.mulf %sub3A_207, %sub3A_207 : vector<16xf32>
        %add3A_209 = arith.addf %broadcast_in_dim3A_188, %mul3A_208 : vector<16xf32>
        %gather3A_210 = arith.constant 0 : i32
        %gather3A_211 = tpu.memref_slice %arg8[%gather3A_210] : memref<20480xf32, #tpu.memory_space<vmem>> -> memref<20424xf32, #tpu.memory_space<vmem>>
        %gather3A_212 = tpu.vector_load_idx %gather3A_211[%add3A_145] : memref<20424xf32, #tpu.memory_space<vmem>>[vector<16xi32>], vector<16xf32>,
        %gather3A_213 = arith.constant 0 : i32
        %gather3A_214 = tpu.memref_slice %arg7[%gather3A_213] : memref<64000xf32, #tpu.memory_space<vmem>> -> memref<63944xf32, #tpu.memory_space<vmem>>
        %gather3A_215 = tpu.vector_load_idx %gather3A_214[%add3A_169] : memref<63944xf32, #tpu.memory_space<vmem>>[vector<16xi32>], vector<16xf32>,
        %sub3A_216 = arith.subf %gather3A_212, %gather3A_215 : vector<16xf32>
        %mul3A_217 = arith.mulf %sub3A_216, %sub3A_216 : vector<16xf32>
        %add3A_218 = arith.addf %broadcast_in_dim3A_190, %mul3A_217 : vector<16xf32>
        %gather3A_219 = arith.constant 0 : i32
        %gather3A_220 = tpu.memref_slice %arg8[%gather3A_219] : memref<20480xf32, #tpu.memory_space<vmem>> -> memref<20424xf32, #tpu.memory_space<vmem>>
        %gather3A_221 = tpu.vector_load_idx %gather3A_220[%add3A_148] : memref<20424xf32, #tpu.memory_space<vmem>>[vector<16xi32>], vector<16xf32>,
        %gather3A_222 = arith.constant 0 : i32
        %gather3A_223 = tpu.memref_slice %arg7[%gather3A_222] : memref<64000xf32, #tpu.memory_space<vmem>> -> memref<63944xf32, #tpu.memory_space<vmem>>
        %gather3A_224 = tpu.vector_load_idx %gather3A_223[%add3A_172] : memref<63944xf32, #tpu.memory_space<vmem>>[vector<16xi32>], vector<16xf32>,
        %sub3A_225 = arith.subf %gather3A_221, %gather3A_224 : vector<16xf32>
        %mul3A_226 = arith.mulf %sub3A_225, %sub3A_225 : vector<16xf32>
        %add3A_227 = arith.addf %broadcast_in_dim3A_192, %mul3A_226 : vector<16xf32>
        %gather3A_228 = arith.constant 0 : i32
        %gather3A_229 = tpu.memref_slice %arg8[%gather3A_228] : memref<20480xf32, #tpu.memory_space<vmem>> -> memref<20424xf32, #tpu.memory_space<vmem>>
        %gather3A_230 = tpu.vector_load_idx %gather3A_229[%add3A_151] : memref<20424xf32, #tpu.memory_space<vmem>>[vector<16xi32>], vector<16xf32>,
        %gather3A_231 = arith.constant 0 : i32
        %gather3A_232 = tpu.memref_slice %arg7[%gather3A_231] : memref<64000xf32, #tpu.memory_space<vmem>> -> memref<63944xf32, #tpu.memory_space<vmem>>
        %gather3A_233 = tpu.vector_load_idx %gather3A_232[%add3A_175] : memref<63944xf32, #tpu.memory_space<vmem>>[vector<16xi32>], vector<16xf32>,
        %sub3A_234 = arith.subf %gather3A_230, %gather3A_233 : vector<16xf32>
        %mul3A_235 = arith.mulf %sub3A_234, %sub3A_234 : vector<16xf32>
        %add3A_236 = arith.addf %add3A_200, %mul3A_235 : vector<16xf32>
        %gather3A_237 = arith.constant 0 : i32
        %gather3A_238 = tpu.memref_slice %arg8[%gather3A_237] : memref<20480xf32, #tpu.memory_space<vmem>> -> memref<20424xf32, #tpu.memory_space<vmem>>
        %gather3A_239 = tpu.vector_load_idx %gather3A_238[%add3A_154] : memref<20424xf32, #tpu.memory_space<vmem>>[vector<16xi32>], vector<16xf32>,
        %gather3A_240 = arith.constant 0 : i32
        %gather3A_241 = tpu.memref_slice %arg7[%gather3A_240] : memref<64000xf32, #tpu.memory_space<vmem>> -> memref<63944xf32, #tpu.memory_space<vmem>>
        %gather3A_242 = tpu.vector_load_idx %gather3A_241[%add3A_178] : memref<63944xf32, #tpu.memory_space<vmem>>[vector<16xi32>], vector<16xf32>,
        %sub3A_243 = arith.subf %gather3A_239, %gather3A_242 : vector<16xf32>
        %mul3A_244 = arith.mulf %sub3A_243, %sub3A_243 : vector<16xf32>
        %add3A_245 = arith.addf %add3A_209, %mul3A_244 : vector<16xf32>
        %gather3A_246 = arith.constant 0 : i32
        %gather3A_247 = tpu.memref_slice %arg8[%gather3A_246] : memref<20480xf32, #tpu.memory_space<vmem>> -> memref<20424xf32, #tpu.memory_space<vmem>>
        %gather3A_248 = tpu.vector_load_idx %gather3A_247[%add3A_157] : memref<20424xf32, #tpu.memory_space<vmem>>[vector<16xi32>], vector<16xf32>,
        %gather3A_249 = arith.constant 0 : i32
        %gather3A_250 = tpu.memref_slice %arg7[%gather3A_249] : memref<64000xf32, #tpu.memory_space<vmem>> -> memref<63944xf32, #tpu.memory_space<vmem>>
        %gather3A_251 = tpu.vector_load_idx %gather3A_250[%add3A_181] : memref<63944xf32, #tpu.memory_space<vmem>>[vector<16xi32>], vector<16xf32>,
        %sub3A_252 = arith.subf %gather3A_248, %gather3A_251 : vector<16xf32>
        %mul3A_253 = arith.mulf %sub3A_252, %sub3A_252 : vector<16xf32>
        %add3A_254 = arith.addf %add3A_218, %mul3A_253 : vector<16xf32>
        %gather3A_255 = arith.constant 0 : i32
        %gather3A_256 = tpu.memref_slice %arg8[%gather3A_255] : memref<20480xf32, #tpu.memory_space<vmem>> -> memref<20424xf32, #tpu.memory_space<vmem>>
        %gather3A_257 = tpu.vector_load_idx %gather3A_256[%add3A_160] : memref<20424xf32, #tpu.memory_space<vmem>>[vector<16xi32>], vector<16xf32>,
        %gather3A_258 = arith.constant 0 : i32
        %gather3A_259 = tpu.memref_slice %arg7[%gather3A_258] : memref<64000xf32, #tpu.memory_space<vmem>> -> memref<63944xf32, #tpu.memory_space<vmem>>
        %gather3A_260 = tpu.vector_load_idx %gather3A_259[%add3A_184] : memref<63944xf32, #tpu.memory_space<vmem>>[vector<16xi32>], vector<16xf32>,
        %sub3A_261 = arith.subf %gather3A_257, %gather3A_260 : vector<16xf32>
        %mul3A_262 = arith.mulf %sub3A_261, %sub3A_261 : vector<16xf32>
        %add3A_263 = arith.addf %add3A_227, %mul3A_262 : vector<16xf32>
        %gather3A_264 = arith.constant 8 : i32
        %gather3A_265 = tpu.memref_slice %arg8[%gather3A_264] : memref<20480xf32, #tpu.memory_space<vmem>> -> memref<20424xf32, #tpu.memory_space<vmem>>
        %gather3A_266 = tpu.vector_load_idx %gather3A_265[%add3A_139] : memref<20424xf32, #tpu.memory_space<vmem>>[vector<16xi32>], vector<16xf32>,
        %gather3A_267 = arith.constant 8 : i32
        %gather3A_268 = tpu.memref_slice %arg7[%gather3A_267] : memref<64000xf32, #tpu.memory_space<vmem>> -> memref<63944xf32, #tpu.memory_space<vmem>>
        %gather3A_269 = tpu.vector_load_idx %gather3A_268[%add3A_163] : memref<63944xf32, #tpu.memory_space<vmem>>[vector<16xi32>], vector<16xf32>,
        %sub3A_270 = arith.subf %gather3A_266, %gather3A_269 : vector<16xf32>
        %mul3A_271 = arith.mulf %sub3A_270, %sub3A_270 : vector<16xf32>
        %add3A_272 = arith.addf %add3A_236, %mul3A_271 : vector<16xf32>
        %gather3A_273 = arith.constant 8 : i32
        %gather3A_274 = tpu.memref_slice %arg8[%gather3A_273] : memref<20480xf32, #tpu.memory_space<vmem>> -> memref<20424xf32, #tpu.memory_space<vmem>>
        %gather3A_275 = tpu.vector_load_idx %gather3A_274[%add3A_142] : memref<20424xf32, #tpu.memory_space<vmem>>[vector<16xi32>], vector<16xf32>,
        %gather3A_276 = arith.constant 8 : i32
        %gather3A_277 = tpu.memref_slice %arg7[%gather3A_276] : memref<64000xf32, #tpu.memory_space<vmem>> -> memref<63944xf32, #tpu.memory_space<vmem>>
        %gather3A_278 = tpu.vector_load_idx %gather3A_277[%add3A_166] : memref<63944xf32, #tpu.memory_space<vmem>>[vector<16xi32>], vector<16xf32>,
        %sub3A_279 = arith.subf %gather3A_275, %gather3A_278 : vector<16xf32>
        %mul3A_280 = arith.mulf %sub3A_279, %sub3A_279 : vector<16xf32>
        %add3A_281 = arith.addf %add3A_245, %mul3A_280 : vector<16xf32>
        %gather3A_282 = arith.constant 8 : i32
        %gather3A_283 = tpu.memref_slice %arg8[%gather3A_282] : memref<20480xf32, #tpu.memory_space<vmem>> -> memref<20424xf32, #tpu.memory_space<vmem>>
        %gather3A_284 = tpu.vector_load_idx %gather3A_283[%add3A_145] : memref<20424xf32, #tpu.memory_space<vmem>>[vector<16xi32>], vector<16xf32>,
        %gather3A_285 = arith.constant 8 : i32
        %gather3A_286 = tpu.memref_slice %arg7[%gather3A_285] : memref<64000xf32, #tpu.memory_space<vmem>> -> memref<63944xf32, #tpu.memory_space<vmem>>
        %gather3A_287 = tpu.vector_load_idx %gather3A_286[%add3A_169] : memref<63944xf32, #tpu.memory_space<vmem>>[vector<16xi32>], vector<16xf32>,
        %sub3A_288 = arith.subf %gather3A_284, %gather3A_287 : vector<16xf32>
        %mul3A_289 = arith.mulf %sub3A_288, %sub3A_288 : vector<16xf32>
        %add3A_290 = arith.addf %add3A_254, %mul3A_289 : vector<16xf32>
        %gather3A_291 = arith.constant 8 : i32
        %gather3A_292 = tpu.memref_slice %arg8[%gather3A_291] : memref<20480xf32, #tpu.memory_space<vmem>> -> memref<20424xf32, #tpu.memory_space<vmem>>
        %gather3A_293 = tpu.vector_load_idx %gather3A_292[%add3A_148] : memref<20424xf32, #tpu.memory_space<vmem>>[vector<16xi32>], vector<16xf32>,
        %gather3A_294 = arith.constant 8 : i32
        %gather3A_295 = tpu.memref_slice %arg7[%gather3A_294] : memref<64000xf32, #tpu.memory_space<vmem>> -> memref<63944xf32, #tpu.memory_space<vmem>>
        %gather3A_296 = tpu.vector_load_idx %gather3A_295[%add3A_172] : memref<63944xf32, #tpu.memory_space<vmem>>[vector<16xi32>], vector<16xf32>,
        %sub3A_297 = arith.subf %gather3A_293, %gather3A_296 : vector<16xf32>
        %mul3A_298 = arith.mulf %sub3A_297, %sub3A_297 : vector<16xf32>
        %add3A_299 = arith.addf %add3A_263, %mul3A_298 : vector<16xf32>
        %gather3A_300 = arith.constant 8 : i32
        %gather3A_301 = tpu.memref_slice %arg8[%gather3A_300] : memref<20480xf32, #tpu.memory_space<vmem>> -> memref<20424xf32, #tpu.memory_space<vmem>>
        %gather3A_302 = tpu.vector_load_idx %gather3A_301[%add3A_151] : memref<20424xf32, #tpu.memory_space<vmem>>[vector<16xi32>], vector<16xf32>,
        %gather3A_303 = arith.constant 8 : i32
        %gather3A_304 = tpu.memref_slice %arg7[%gather3A_303] : memref<64000xf32, #tpu.memory_space<vmem>> -> memref<63944xf32, #tpu.memory_space<vmem>>
        %gather3A_305 = tpu.vector_load_idx %gather3A_304[%add3A_175] : memref<63944xf32, #tpu.memory_space<vmem>>[vector<16xi32>], vector<16xf32>,
        %sub3A_306 = arith.subf %gather3A_302, %gather3A_305 : vector<16xf32>
        %mul3A_307 = arith.mulf %sub3A_306, %sub3A_306 : vector<16xf32>
        %add3A_308 = arith.addf %add3A_272, %mul3A_307 : vector<16xf32>
        %gather3A_309 = arith.constant 8 : i32
        %gather3A_310 = tpu.memref_slice %arg8[%gather3A_309] : memref<20480xf32, #tpu.memory_space<vmem>> -> memref<20424xf32, #tpu.memory_space<vmem>>
        %gather3A_311 = tpu.vector_load_idx %gather3A_310[%add3A_154] : memref<20424xf32, #tpu.memory_space<vmem>>[vector<16xi32>], vector<16xf32>,
        %gather3A_312 = arith.constant 8 : i32
        %gather3A_313 = tpu.memref_slice %arg7[%gather3A_312] : memref<64000xf32, #tpu.memory_space<vmem>> -> memref<63944xf32, #tpu.memory_space<vmem>>
        %gather3A_314 = tpu.vector_load_idx %gather3A_313[%add3A_178] : memref<63944xf32, #tpu.memory_space<vmem>>[vector<16xi32>], vector<16xf32>,
        %sub3A_315 = arith.subf %gather3A_311, %gather3A_314 : vector<16xf32>
        %mul3A_316 = arith.mulf %sub3A_315, %sub3A_315 : vector<16xf32>
        %add3A_317 = arith.addf %add3A_281, %mul3A_316 : vector<16xf32>
        %gather3A_318 = arith.constant 8 : i32
        %gather3A_319 = tpu.memref_slice %arg8[%gather3A_318] : memref<20480xf32, #tpu.memory_space<vmem>> -> memref<20424xf32, #tpu.memory_space<vmem>>
        %gather3A_320 = tpu.vector_load_idx %gather3A_319[%add3A_157] : memref<20424xf32, #tpu.memory_space<vmem>>[vector<16xi32>], vector<16xf32>,
        %gather3A_321 = arith.constant 8 : i32
        %gather3A_322 = tpu.memref_slice %arg7[%gather3A_321] : memref<64000xf32, #tpu.memory_space<vmem>> -> memref<63944xf32, #tpu.memory_space<vmem>>
        %gather3A_323 = tpu.vector_load_idx %gather3A_322[%add3A_181] : memref<63944xf32, #tpu.memory_space<vmem>>[vector<16xi32>], vector<16xf32>,
        %sub3A_324 = arith.subf %gather3A_320, %gather3A_323 : vector<16xf32>
        %mul3A_325 = arith.mulf %sub3A_324, %sub3A_324 : vector<16xf32>
        %add3A_326 = arith.addf %add3A_290, %mul3A_325 : vector<16xf32>
        %gather3A_327 = arith.constant 8 : i32
        %gather3A_328 = tpu.memref_slice %arg8[%gather3A_327] : memref<20480xf32, #tpu.memory_space<vmem>> -> memref<20424xf32, #tpu.memory_space<vmem>>
        %gather3A_329 = tpu.vector_load_idx %gather3A_328[%add3A_160] : memref<20424xf32, #tpu.memory_space<vmem>>[vector<16xi32>], vector<16xf32>,
        %gather3A_330 = arith.constant 8 : i32
        %gather3A_331 = tpu.memref_slice %arg7[%gather3A_330] : memref<64000xf32, #tpu.memory_space<vmem>> -> memref<63944xf32, #tpu.memory_space<vmem>>
        %gather3A_332 = tpu.vector_load_idx %gather3A_331[%add3A_184] : memref<63944xf32, #tpu.memory_space<vmem>>[vector<16xi32>], vector<16xf32>,
        %sub3A_333 = arith.subf %gather3A_329, %gather3A_332 : vector<16xf32>
        %mul3A_334 = arith.mulf %sub3A_333, %sub3A_333 : vector<16xf32>
        %add3A_335 = arith.addf %add3A_299, %mul3A_334 : vector<16xf32>
        %gather3A_336 = arith.constant 16 : i32
        %gather3A_337 = tpu.memref_slice %arg8[%gather3A_336] : memref<20480xf32, #tpu.memory_space<vmem>> -> memref<20424xf32, #tpu.memory_space<vmem>>
        %gather3A_338 = tpu.vector_load_idx %gather3A_337[%add3A_139] : memref<20424xf32, #tpu.memory_space<vmem>>[vector<16xi32>], vector<16xf32>,
        %gather3A_339 = arith.constant 16 : i32
        %gather3A_340 = tpu.memref_slice %arg7[%gather3A_339] : memref<64000xf32, #tpu.memory_space<vmem>> -> memref<63944xf32, #tpu.memory_space<vmem>>
        %gather3A_341 = tpu.vector_load_idx %gather3A_340[%add3A_163] : memref<63944xf32, #tpu.memory_space<vmem>>[vector<16xi32>], vector<16xf32>,
        %sub3A_342 = arith.subf %gather3A_338, %gather3A_341 : vector<16xf32>
        %mul3A_343 = arith.mulf %sub3A_342, %sub3A_342 : vector<16xf32>
        %add3A_344 = arith.addf %add3A_308, %mul3A_343 : vector<16xf32>
        %gather3A_345 = arith.constant 16 : i32
        %gather3A_346 = tpu.memref_slice %arg8[%gather3A_345] : memref<20480xf32, #tpu.memory_space<vmem>> -> memref<20424xf32, #tpu.memory_space<vmem>>
        %gather3A_347 = tpu.vector_load_idx %gather3A_346[%add3A_142] : memref<20424xf32, #tpu.memory_space<vmem>>[vector<16xi32>], vector<16xf32>,
        %gather3A_348 = arith.constant 16 : i32
        %gather3A_349 = tpu.memref_slice %arg7[%gather3A_348] : memref<64000xf32, #tpu.memory_space<vmem>> -> memref<63944xf32, #tpu.memory_space<vmem>>
        %gather3A_350 = tpu.vector_load_idx %gather3A_349[%add3A_166] : memref<63944xf32, #tpu.memory_space<vmem>>[vector<16xi32>], vector<16xf32>,
        %sub3A_351 = arith.subf %gather3A_347, %gather3A_350 : vector<16xf32>
        %mul3A_352 = arith.mulf %sub3A_351, %sub3A_351 : vector<16xf32>
        %add3A_353 = arith.addf %add3A_317, %mul3A_352 : vector<16xf32>
        %gather3A_354 = arith.constant 16 : i32
        %gather3A_355 = tpu.memref_slice %arg8[%gather3A_354] : memref<20480xf32, #tpu.memory_space<vmem>> -> memref<20424xf32, #tpu.memory_space<vmem>>
        %gather3A_356 = tpu.vector_load_idx %gather3A_355[%add3A_145] : memref<20424xf32, #tpu.memory_space<vmem>>[vector<16xi32>], vector<16xf32>,
        %gather3A_357 = arith.constant 16 : i32
        %gather3A_358 = tpu.memref_slice %arg7[%gather3A_357] : memref<64000xf32, #tpu.memory_space<vmem>> -> memref<63944xf32, #tpu.memory_space<vmem>>
        %gather3A_359 = tpu.vector_load_idx %gather3A_358[%add3A_169] : memref<63944xf32, #tpu.memory_space<vmem>>[vector<16xi32>], vector<16xf32>,
        %sub3A_360 = arith.subf %gather3A_356, %gather3A_359 : vector<16xf32>
        %mul3A_361 = arith.mulf %sub3A_360, %sub3A_360 : vector<16xf32>
        %add3A_362 = arith.addf %add3A_326, %mul3A_361 : vector<16xf32>
        %gather3A_363 = arith.constant 16 : i32
        %gather3A_364 = tpu.memref_slice %arg8[%gather3A_363] : memref<20480xf32, #tpu.memory_space<vmem>> -> memref<20424xf32, #tpu.memory_space<vmem>>
        %gather3A_365 = tpu.vector_load_idx %gather3A_364[%add3A_148] : memref<20424xf32, #tpu.memory_space<vmem>>[vector<16xi32>], vector<16xf32>,
        %gather3A_366 = arith.constant 16 : i32
        %gather3A_367 = tpu.memref_slice %arg7[%gather3A_366] : memref<64000xf32, #tpu.memory_space<vmem>> -> memref<63944xf32, #tpu.memory_space<vmem>>
        %gather3A_368 = tpu.vector_load_idx %gather3A_367[%add3A_172] : memref<63944xf32, #tpu.memory_space<vmem>>[vector<16xi32>], vector<16xf32>,
        %sub3A_369 = arith.subf %gather3A_365, %gather3A_368 : vector<16xf32>
        %mul3A_370 = arith.mulf %sub3A_369, %sub3A_369 : vector<16xf32>
        %add3A_371 = arith.addf %add3A_335, %mul3A_370 : vector<16xf32>
        %gather3A_372 = arith.constant 16 : i32
        %gather3A_373 = tpu.memref_slice %arg8[%gather3A_372] : memref<20480xf32, #tpu.memory_space<vmem>> -> memref<20424xf32, #tpu.memory_space<vmem>>
        %gather3A_374 = tpu.vector_load_idx %gather3A_373[%add3A_151] : memref<20424xf32, #tpu.memory_space<vmem>>[vector<16xi32>], vector<16xf32>,
        %gather3A_375 = arith.constant 16 : i32
        %gather3A_376 = tpu.memref_slice %arg7[%gather3A_375] : memref<64000xf32, #tpu.memory_space<vmem>> -> memref<63944xf32, #tpu.memory_space<vmem>>
        %gather3A_377 = tpu.vector_load_idx %gather3A_376[%add3A_175] : memref<63944xf32, #tpu.memory_space<vmem>>[vector<16xi32>], vector<16xf32>,
        %sub3A_378 = arith.subf %gather3A_374, %gather3A_377 : vector<16xf32>
        %mul3A_379 = arith.mulf %sub3A_378, %sub3A_378 : vector<16xf32>
        %add3A_380 = arith.addf %add3A_344, %mul3A_379 : vector<16xf32>
        %gather3A_381 = arith.constant 16 : i32
        %gather3A_382 = tpu.memref_slice %arg8[%gather3A_381] : memref<20480xf32, #tpu.memory_space<vmem>> -> memref<20424xf32, #tpu.memory_space<vmem>>
        %gather3A_383 = tpu.vector_load_idx %gather3A_382[%add3A_154] : memref<20424xf32, #tpu.memory_space<vmem>>[vector<16xi32>], vector<16xf32>,
        %gather3A_384 = arith.constant 16 : i32
        %gather3A_385 = tpu.memref_slice %arg7[%gather3A_384] : memref<64000xf32, #tpu.memory_space<vmem>> -> memref<63944xf32, #tpu.memory_space<vmem>>
        %gather3A_386 = tpu.vector_load_idx %gather3A_385[%add3A_178] : memref<63944xf32, #tpu.memory_space<vmem>>[vector<16xi32>], vector<16xf32>,
        %sub3A_387 = arith.subf %gather3A_383, %gather3A_386 : vector<16xf32>
        %mul3A_388 = arith.mulf %sub3A_387, %sub3A_387 : vector<16xf32>
        %add3A_389 = arith.addf %add3A_353, %mul3A_388 : vector<16xf32>
        %gather3A_390 = arith.constant 16 : i32
        %gather3A_391 = tpu.memref_slice %arg8[%gather3A_390] : memref<20480xf32, #tpu.memory_space<vmem>> -> memref<20424xf32, #tpu.memory_space<vmem>>
        %gather3A_392 = tpu.vector_load_idx %gather3A_391[%add3A_157] : memref<20424xf32, #tpu.memory_space<vmem>>[vector<16xi32>], vector<16xf32>,
        %gather3A_393 = arith.constant 16 : i32
        %gather3A_394 = tpu.memref_slice %arg7[%gather3A_393] : memref<64000xf32, #tpu.memory_space<vmem>> -> memref<63944xf32, #tpu.memory_space<vmem>>
        %gather3A_395 = tpu.vector_load_idx %gather3A_394[%add3A_181] : memref<63944xf32, #tpu.memory_space<vmem>>[vector<16xi32>], vector<16xf32>,
        %sub3A_396 = arith.subf %gather3A_392, %gather3A_395 : vector<16xf32>
        %mul3A_397 = arith.mulf %sub3A_396, %sub3A_396 : vector<16xf32>
        %add3A_398 = arith.addf %add3A_362, %mul3A_397 : vector<16xf32>
        %gather3A_399 = arith.constant 16 : i32
        %gather3A_400 = tpu.memref_slice %arg8[%gather3A_399] : memref<20480xf32, #tpu.memory_space<vmem>> -> memref<20424xf32, #tpu.memory_space<vmem>>
        %gather3A_401 = tpu.vector_load_idx %gather3A_400[%add3A_160] : memref<20424xf32, #tpu.memory_space<vmem>>[vector<16xi32>], vector<16xf32>,
        %gather3A_402 = arith.constant 16 : i32
        %gather3A_403 = tpu.memref_slice %arg7[%gather3A_402] : memref<64000xf32, #tpu.memory_space<vmem>> -> memref<63944xf32, #tpu.memory_space<vmem>>
        %gather3A_404 = tpu.vector_load_idx %gather3A_403[%add3A_184] : memref<63944xf32, #tpu.memory_space<vmem>>[vector<16xi32>], vector<16xf32>,
        %sub3A_405 = arith.subf %gather3A_401, %gather3A_404 : vector<16xf32>
        %mul3A_406 = arith.mulf %sub3A_405, %sub3A_405 : vector<16xf32>
        %add3A_407 = arith.addf %add3A_371, %mul3A_406 : vector<16xf32>
        %gather3A_408 = arith.constant 24 : i32
        %gather3A_409 = tpu.memref_slice %arg8[%gather3A_408] : memref<20480xf32, #tpu.memory_space<vmem>> -> memref<20424xf32, #tpu.memory_space<vmem>>
        %gather3A_410 = tpu.vector_load_idx %gather3A_409[%add3A_139] : memref<20424xf32, #tpu.memory_space<vmem>>[vector<16xi32>], vector<16xf32>,
        %gather3A_411 = arith.constant 24 : i32
        %gather3A_412 = tpu.memref_slice %arg7[%gather3A_411] : memref<64000xf32, #tpu.memory_space<vmem>> -> memref<63944xf32, #tpu.memory_space<vmem>>
        %gather3A_413 = tpu.vector_load_idx %gather3A_412[%add3A_163] : memref<63944xf32, #tpu.memory_space<vmem>>[vector<16xi32>], vector<16xf32>,
        %sub3A_414 = arith.subf %gather3A_410, %gather3A_413 : vector<16xf32>
        %mul3A_415 = arith.mulf %sub3A_414, %sub3A_414 : vector<16xf32>
        %add3A_416 = arith.addf %add3A_380, %mul3A_415 : vector<16xf32>
        %gather3A_417 = arith.constant 24 : i32
        %gather3A_418 = tpu.memref_slice %arg8[%gather3A_417] : memref<20480xf32, #tpu.memory_space<vmem>> -> memref<20424xf32, #tpu.memory_space<vmem>>
        %gather3A_419 = tpu.vector_load_idx %gather3A_418[%add3A_142] : memref<20424xf32, #tpu.memory_space<vmem>>[vector<16xi32>], vector<16xf32>,
        %gather3A_420 = arith.constant 24 : i32
        %gather3A_421 = tpu.memref_slice %arg7[%gather3A_420] : memref<64000xf32, #tpu.memory_space<vmem>> -> memref<63944xf32, #tpu.memory_space<vmem>>
        %gather3A_422 = tpu.vector_load_idx %gather3A_421[%add3A_166] : memref<63944xf32, #tpu.memory_space<vmem>>[vector<16xi32>], vector<16xf32>,
        %sub3A_423 = arith.subf %gather3A_419, %gather3A_422 : vector<16xf32>
        %mul3A_424 = arith.mulf %sub3A_423, %sub3A_423 : vector<16xf32>
        %add3A_425 = arith.addf %add3A_389, %mul3A_424 : vector<16xf32>
        %gather3A_426 = arith.constant 24 : i32
        %gather3A_427 = tpu.memref_slice %arg8[%gather3A_426] : memref<20480xf32, #tpu.memory_space<vmem>> -> memref<20424xf32, #tpu.memory_space<vmem>>
        %gather3A_428 = tpu.vector_load_idx %gather3A_427[%add3A_145] : memref<20424xf32, #tpu.memory_space<vmem>>[vector<16xi32>], vector<16xf32>,
        %gather3A_429 = arith.constant 24 : i32
        %gather3A_430 = tpu.memref_slice %arg7[%gather3A_429] : memref<64000xf32, #tpu.memory_space<vmem>> -> memref<63944xf32, #tpu.memory_space<vmem>>
        %gather3A_431 = tpu.vector_load_idx %gather3A_430[%add3A_169] : memref<63944xf32, #tpu.memory_space<vmem>>[vector<16xi32>], vector<16xf32>,
        %sub3A_432 = arith.subf %gather3A_428, %gather3A_431 : vector<16xf32>
        %mul3A_433 = arith.mulf %sub3A_432, %sub3A_432 : vector<16xf32>
        %add3A_434 = arith.addf %add3A_398, %mul3A_433 : vector<16xf32>
        %gather3A_435 = arith.constant 24 : i32
        %gather3A_436 = tpu.memref_slice %arg8[%gather3A_435] : memref<20480xf32, #tpu.memory_space<vmem>> -> memref<20424xf32, #tpu.memory_space<vmem>>
        %gather3A_437 = tpu.vector_load_idx %gather3A_436[%add3A_148] : memref<20424xf32, #tpu.memory_space<vmem>>[vector<16xi32>], vector<16xf32>,
        %gather3A_438 = arith.constant 24 : i32
        %gather3A_439 = tpu.memref_slice %arg7[%gather3A_438] : memref<64000xf32, #tpu.memory_space<vmem>> -> memref<63944xf32, #tpu.memory_space<vmem>>
        %gather3A_440 = tpu.vector_load_idx %gather3A_439[%add3A_172] : memref<63944xf32, #tpu.memory_space<vmem>>[vector<16xi32>], vector<16xf32>,
        %sub3A_441 = arith.subf %gather3A_437, %gather3A_440 : vector<16xf32>
        %mul3A_442 = arith.mulf %sub3A_441, %sub3A_441 : vector<16xf32>
        %add3A_443 = arith.addf %add3A_407, %mul3A_442 : vector<16xf32>
        %gather3A_444 = arith.constant 24 : i32
        %gather3A_445 = tpu.memref_slice %arg8[%gather3A_444] : memref<20480xf32, #tpu.memory_space<vmem>> -> memref<20424xf32, #tpu.memory_space<vmem>>
        %gather3A_446 = tpu.vector_load_idx %gather3A_445[%add3A_151] : memref<20424xf32, #tpu.memory_space<vmem>>[vector<16xi32>], vector<16xf32>,
        %gather3A_447 = arith.constant 24 : i32
        %gather3A_448 = tpu.memref_slice %arg7[%gather3A_447] : memref<64000xf32, #tpu.memory_space<vmem>> -> memref<63944xf32, #tpu.memory_space<vmem>>
        %gather3A_449 = tpu.vector_load_idx %gather3A_448[%add3A_175] : memref<63944xf32, #tpu.memory_space<vmem>>[vector<16xi32>], vector<16xf32>,
        %sub3A_450 = arith.subf %gather3A_446, %gather3A_449 : vector<16xf32>
        %mul3A_451 = arith.mulf %sub3A_450, %sub3A_450 : vector<16xf32>
        %add3A_452 = arith.addf %add3A_416, %mul3A_451 : vector<16xf32>
        %gather3A_453 = arith.constant 24 : i32
        %gather3A_454 = tpu.memref_slice %arg8[%gather3A_453] : memref<20480xf32, #tpu.memory_space<vmem>> -> memref<20424xf32, #tpu.memory_space<vmem>>
        %gather3A_455 = tpu.vector_load_idx %gather3A_454[%add3A_154] : memref<20424xf32, #tpu.memory_space<vmem>>[vector<16xi32>], vector<16xf32>,
        %gather3A_456 = arith.constant 24 : i32
        %gather3A_457 = tpu.memref_slice %arg7[%gather3A_456] : memref<64000xf32, #tpu.memory_space<vmem>> -> memref<63944xf32, #tpu.memory_space<vmem>>
        %gather3A_458 = tpu.vector_load_idx %gather3A_457[%add3A_178] : memref<63944xf32, #tpu.memory_space<vmem>>[vector<16xi32>], vector<16xf32>,
        %sub3A_459 = arith.subf %gather3A_455, %gather3A_458 : vector<16xf32>
        %mul3A_460 = arith.mulf %sub3A_459, %sub3A_459 : vector<16xf32>
        %add3A_461 = arith.addf %add3A_425, %mul3A_460 : vector<16xf32>
        %gather3A_462 = arith.constant 24 : i32
        %gather3A_463 = tpu.memref_slice %arg8[%gather3A_462] : memref<20480xf32, #tpu.memory_space<vmem>> -> memref<20424xf32, #tpu.memory_space<vmem>>
        %gather3A_464 = tpu.vector_load_idx %gather3A_463[%add3A_157] : memref<20424xf32, #tpu.memory_space<vmem>>[vector<16xi32>], vector<16xf32>,
        %gather3A_465 = arith.constant 24 : i32
        %gather3A_466 = tpu.memref_slice %arg7[%gather3A_465] : memref<64000xf32, #tpu.memory_space<vmem>> -> memref<63944xf32, #tpu.memory_space<vmem>>
        %gather3A_467 = tpu.vector_load_idx %gather3A_466[%add3A_181] : memref<63944xf32, #tpu.memory_space<vmem>>[vector<16xi32>], vector<16xf32>,
        %sub3A_468 = arith.subf %gather3A_464, %gather3A_467 : vector<16xf32>
        %mul3A_469 = arith.mulf %sub3A_468, %sub3A_468 : vector<16xf32>
        %add3A_470 = arith.addf %add3A_434, %mul3A_469 : vector<16xf32>
        %gather3A_471 = arith.constant 24 : i32
        %gather3A_472 = tpu.memref_slice %arg8[%gather3A_471] : memref<20480xf32, #tpu.memory_space<vmem>> -> memref<20424xf32, #tpu.memory_space<vmem>>
        %gather3A_473 = tpu.vector_load_idx %gather3A_472[%add3A_160] : memref<20424xf32, #tpu.memory_space<vmem>>[vector<16xi32>], vector<16xf32>,
        %gather3A_474 = arith.constant 24 : i32
        %gather3A_475 = tpu.memref_slice %arg7[%gather3A_474] : memref<64000xf32, #tpu.memory_space<vmem>> -> memref<63944xf32, #tpu.memory_space<vmem>>
        %gather3A_476 = tpu.vector_load_idx %gather3A_475[%add3A_184] : memref<63944xf32, #tpu.memory_space<vmem>>[vector<16xi32>], vector<16xf32>,
        %sub3A_477 = arith.subf %gather3A_473, %gather3A_476 : vector<16xf32>
        %mul3A_478 = arith.mulf %sub3A_477, %sub3A_477 : vector<16xf32>
        %add3A_479 = arith.addf %add3A_443, %mul3A_478 : vector<16xf32>
        %gather3A_480 = arith.constant 32 : i32
        %gather3A_481 = tpu.memref_slice %arg8[%gather3A_480] : memref<20480xf32, #tpu.memory_space<vmem>> -> memref<20424xf32, #tpu.memory_space<vmem>>
        %gather3A_482 = tpu.vector_load_idx %gather3A_481[%add3A_139] : memref<20424xf32, #tpu.memory_space<vmem>>[vector<16xi32>], vector<16xf32>,
        %gather3A_483 = arith.constant 32 : i32
        %gather3A_484 = tpu.memref_slice %arg7[%gather3A_483] : memref<64000xf32, #tpu.memory_space<vmem>> -> memref<63944xf32, #tpu.memory_space<vmem>>
        %gather3A_485 = tpu.vector_load_idx %gather3A_484[%add3A_163] : memref<63944xf32, #tpu.memory_space<vmem>>[vector<16xi32>], vector<16xf32>,
        %sub3A_486 = arith.subf %gather3A_482, %gather3A_485 : vector<16xf32>
        %mul3A_487 = arith.mulf %sub3A_486, %sub3A_486 : vector<16xf32>
        %add3A_488 = arith.addf %add3A_452, %mul3A_487 : vector<16xf32>
        %gather3A_489 = arith.constant 32 : i32
        %gather3A_490 = tpu.memref_slice %arg8[%gather3A_489] : memref<20480xf32, #tpu.memory_space<vmem>> -> memref<20424xf32, #tpu.memory_space<vmem>>
        %gather3A_491 = tpu.vector_load_idx %gather3A_490[%add3A_142] : memref<20424xf32, #tpu.memory_space<vmem>>[vector<16xi32>], vector<16xf32>,
        %gather3A_492 = arith.constant 32 : i32
        %gather3A_493 = tpu.memref_slice %arg7[%gather3A_492] : memref<64000xf32, #tpu.memory_space<vmem>> -> memref<63944xf32, #tpu.memory_space<vmem>>
        %gather3A_494 = tpu.vector_load_idx %gather3A_493[%add3A_166] : memref<63944xf32, #tpu.memory_space<vmem>>[vector<16xi32>], vector<16xf32>,
        %sub3A_495 = arith.subf %gather3A_491, %gather3A_494 : vector<16xf32>
        %mul3A_496 = arith.mulf %sub3A_495, %sub3A_495 : vector<16xf32>
        %add3A_497 = arith.addf %add3A_461, %mul3A_496 : vector<16xf32>
        %gather3A_498 = arith.constant 32 : i32
        %gather3A_499 = tpu.memref_slice %arg8[%gather3A_498] : memref<20480xf32, #tpu.memory_space<vmem>> -> memref<20424xf32, #tpu.memory_space<vmem>>
        %gather3A_500 = tpu.vector_load_idx %gather3A_499[%add3A_145] : memref<20424xf32, #tpu.memory_space<vmem>>[vector<16xi32>], vector<16xf32>,
        %gather3A_501 = arith.constant 32 : i32
        %gather3A_502 = tpu.memref_slice %arg7[%gather3A_501] : memref<64000xf32, #tpu.memory_space<vmem>> -> memref<63944xf32, #tpu.memory_space<vmem>>
        %gather3A_503 = tpu.vector_load_idx %gather3A_502[%add3A_169] : memref<63944xf32, #tpu.memory_space<vmem>>[vector<16xi32>], vector<16xf32>,
        %sub3A_504 = arith.subf %gather3A_500, %gather3A_503 : vector<16xf32>
        %mul3A_505 = arith.mulf %sub3A_504, %sub3A_504 : vector<16xf32>
        %add3A_506 = arith.addf %add3A_470, %mul3A_505 : vector<16xf32>
        %gather3A_507 = arith.constant 32 : i32
        %gather3A_508 = tpu.memref_slice %arg8[%gather3A_507] : memref<20480xf32, #tpu.memory_space<vmem>> -> memref<20424xf32, #tpu.memory_space<vmem>>
        %gather3A_509 = tpu.vector_load_idx %gather3A_508[%add3A_148] : memref<20424xf32, #tpu.memory_space<vmem>>[vector<16xi32>], vector<16xf32>,
        %gather3A_510 = arith.constant 32 : i32
        %gather3A_511 = tpu.memref_slice %arg7[%gather3A_510] : memref<64000xf32, #tpu.memory_space<vmem>> -> memref<63944xf32, #tpu.memory_space<vmem>>
        %gather3A_512 = tpu.vector_load_idx %gather3A_511[%add3A_172] : memref<63944xf32, #tpu.memory_space<vmem>>[vector<16xi32>], vector<16xf32>,
        %sub3A_513 = arith.subf %gather3A_509, %gather3A_512 : vector<16xf32>
        %mul3A_514 = arith.mulf %sub3A_513, %sub3A_513 : vector<16xf32>
        %add3A_515 = arith.addf %add3A_479, %mul3A_514 : vector<16xf32>
        %gather3A_516 = arith.constant 32 : i32
        %gather3A_517 = tpu.memref_slice %arg8[%gather3A_516] : memref<20480xf32, #tpu.memory_space<vmem>> -> memref<20424xf32, #tpu.memory_space<vmem>>
        %gather3A_518 = tpu.vector_load_idx %gather3A_517[%add3A_151] : memref<20424xf32, #tpu.memory_space<vmem>>[vector<16xi32>], vector<16xf32>,
        %gather3A_519 = arith.constant 32 : i32
        %gather3A_520 = tpu.memref_slice %arg7[%gather3A_519] : memref<64000xf32, #tpu.memory_space<vmem>> -> memref<63944xf32, #tpu.memory_space<vmem>>
        %gather3A_521 = tpu.vector_load_idx %gather3A_520[%add3A_175] : memref<63944xf32, #tpu.memory_space<vmem>>[vector<16xi32>], vector<16xf32>,
        %sub3A_522 = arith.subf %gather3A_518, %gather3A_521 : vector<16xf32>
        %mul3A_523 = arith.mulf %sub3A_522, %sub3A_522 : vector<16xf32>
        %add3A_524 = arith.addf %add3A_488, %mul3A_523 : vector<16xf32>
        %gather3A_525 = arith.constant 32 : i32
        %gather3A_526 = tpu.memref_slice %arg8[%gather3A_525] : memref<20480xf32, #tpu.memory_space<vmem>> -> memref<20424xf32, #tpu.memory_space<vmem>>
        %gather3A_527 = tpu.vector_load_idx %gather3A_526[%add3A_154] : memref<20424xf32, #tpu.memory_space<vmem>>[vector<16xi32>], vector<16xf32>,
        %gather3A_528 = arith.constant 32 : i32
        %gather3A_529 = tpu.memref_slice %arg7[%gather3A_528] : memref<64000xf32, #tpu.memory_space<vmem>> -> memref<63944xf32, #tpu.memory_space<vmem>>
        %gather3A_530 = tpu.vector_load_idx %gather3A_529[%add3A_178] : memref<63944xf32, #tpu.memory_space<vmem>>[vector<16xi32>], vector<16xf32>,
        %sub3A_531 = arith.subf %gather3A_527, %gather3A_530 : vector<16xf32>
        %mul3A_532 = arith.mulf %sub3A_531, %sub3A_531 : vector<16xf32>
        %add3A_533 = arith.addf %add3A_497, %mul3A_532 : vector<16xf32>
        %gather3A_534 = arith.constant 32 : i32
        %gather3A_535 = tpu.memref_slice %arg8[%gather3A_534] : memref<20480xf32, #tpu.memory_space<vmem>> -> memref<20424xf32, #tpu.memory_space<vmem>>
        %gather3A_536 = tpu.vector_load_idx %gather3A_535[%add3A_157] : memref<20424xf32, #tpu.memory_space<vmem>>[vector<16xi32>], vector<16xf32>,
        %gather3A_537 = arith.constant 32 : i32
        %gather3A_538 = tpu.memref_slice %arg7[%gather3A_537] : memref<64000xf32, #tpu.memory_space<vmem>> -> memref<63944xf32, #tpu.memory_space<vmem>>
        %gather3A_539 = tpu.vector_load_idx %gather3A_538[%add3A_181] : memref<63944xf32, #tpu.memory_space<vmem>>[vector<16xi32>], vector<16xf32>,
        %sub3A_540 = arith.subf %gather3A_536, %gather3A_539 : vector<16xf32>
        %mul3A_541 = arith.mulf %sub3A_540, %sub3A_540 : vector<16xf32>
        %add3A_542 = arith.addf %add3A_506, %mul3A_541 : vector<16xf32>
        %gather3A_543 = arith.constant 32 : i32
        %gather3A_544 = tpu.memref_slice %arg8[%gather3A_543] : memref<20480xf32, #tpu.memory_space<vmem>> -> memref<20424xf32, #tpu.memory_space<vmem>>
        %gather3A_545 = tpu.vector_load_idx %gather3A_544[%add3A_160] : memref<20424xf32, #tpu.memory_space<vmem>>[vector<16xi32>], vector<16xf32>,
        %gather3A_546 = arith.constant 32 : i32
        %gather3A_547 = tpu.memref_slice %arg7[%gather3A_546] : memref<64000xf32, #tpu.memory_space<vmem>> -> memref<63944xf32, #tpu.memory_space<vmem>>
        %gather3A_548 = tpu.vector_load_idx %gather3A_547[%add3A_184] : memref<63944xf32, #tpu.memory_space<vmem>>[vector<16xi32>], vector<16xf32>,
        %sub3A_549 = arith.subf %gather3A_545, %gather3A_548 : vector<16xf32>
        %mul3A_550 = arith.mulf %sub3A_549, %sub3A_549 : vector<16xf32>
        %add3A_551 = arith.addf %add3A_515, %mul3A_550 : vector<16xf32>
        %gather3A_552 = arith.constant 40 : i32
        %gather3A_553 = tpu.memref_slice %arg8[%gather3A_552] : memref<20480xf32, #tpu.memory_space<vmem>> -> memref<20424xf32, #tpu.memory_space<vmem>>
        %gather3A_554 = tpu.vector_load_idx %gather3A_553[%add3A_139] : memref<20424xf32, #tpu.memory_space<vmem>>[vector<16xi32>], vector<16xf32>,
        %gather3A_555 = arith.constant 40 : i32
        %gather3A_556 = tpu.memref_slice %arg7[%gather3A_555] : memref<64000xf32, #tpu.memory_space<vmem>> -> memref<63944xf32, #tpu.memory_space<vmem>>
        %gather3A_557 = tpu.vector_load_idx %gather3A_556[%add3A_163] : memref<63944xf32, #tpu.memory_space<vmem>>[vector<16xi32>], vector<16xf32>,
        %sub3A_558 = arith.subf %gather3A_554, %gather3A_557 : vector<16xf32>
        %mul3A_559 = arith.mulf %sub3A_558, %sub3A_558 : vector<16xf32>
        %add3A_560 = arith.addf %add3A_524, %mul3A_559 : vector<16xf32>
        %gather3A_561 = arith.constant 40 : i32
        %gather3A_562 = tpu.memref_slice %arg8[%gather3A_561] : memref<20480xf32, #tpu.memory_space<vmem>> -> memref<20424xf32, #tpu.memory_space<vmem>>
        %gather3A_563 = tpu.vector_load_idx %gather3A_562[%add3A_142] : memref<20424xf32, #tpu.memory_space<vmem>>[vector<16xi32>], vector<16xf32>,
        %gather3A_564 = arith.constant 40 : i32
        %gather3A_565 = tpu.memref_slice %arg7[%gather3A_564] : memref<64000xf32, #tpu.memory_space<vmem>> -> memref<63944xf32, #tpu.memory_space<vmem>>
        %gather3A_566 = tpu.vector_load_idx %gather3A_565[%add3A_166] : memref<63944xf32, #tpu.memory_space<vmem>>[vector<16xi32>], vector<16xf32>,
        %sub3A_567 = arith.subf %gather3A_563, %gather3A_566 : vector<16xf32>
        %mul3A_568 = arith.mulf %sub3A_567, %sub3A_567 : vector<16xf32>
        %add3A_569 = arith.addf %add3A_533, %mul3A_568 : vector<16xf32>
        %gather3A_570 = arith.constant 40 : i32
        %gather3A_571 = tpu.memref_slice %arg8[%gather3A_570] : memref<20480xf32, #tpu.memory_space<vmem>> -> memref<20424xf32, #tpu.memory_space<vmem>>
        %gather3A_572 = tpu.vector_load_idx %gather3A_571[%add3A_145] : memref<20424xf32, #tpu.memory_space<vmem>>[vector<16xi32>], vector<16xf32>,
        %gather3A_573 = arith.constant 40 : i32
        %gather3A_574 = tpu.memref_slice %arg7[%gather3A_573] : memref<64000xf32, #tpu.memory_space<vmem>> -> memref<63944xf32, #tpu.memory_space<vmem>>
        %gather3A_575 = tpu.vector_load_idx %gather3A_574[%add3A_169] : memref<63944xf32, #tpu.memory_space<vmem>>[vector<16xi32>], vector<16xf32>,
        %sub3A_576 = arith.subf %gather3A_572, %gather3A_575 : vector<16xf32>
        %mul3A_577 = arith.mulf %sub3A_576, %sub3A_576 : vector<16xf32>
        %add3A_578 = arith.addf %add3A_542, %mul3A_577 : vector<16xf32>
        %gather3A_579 = arith.constant 40 : i32
        %gather3A_580 = tpu.memref_slice %arg8[%gather3A_579] : memref<20480xf32, #tpu.memory_space<vmem>> -> memref<20424xf32, #tpu.memory_space<vmem>>
        %gather3A_581 = tpu.vector_load_idx %gather3A_580[%add3A_148] : memref<20424xf32, #tpu.memory_space<vmem>>[vector<16xi32>], vector<16xf32>,
        %gather3A_582 = arith.constant 40 : i32
        %gather3A_583 = tpu.memref_slice %arg7[%gather3A_582] : memref<64000xf32, #tpu.memory_space<vmem>> -> memref<63944xf32, #tpu.memory_space<vmem>>
        %gather3A_584 = tpu.vector_load_idx %gather3A_583[%add3A_172] : memref<63944xf32, #tpu.memory_space<vmem>>[vector<16xi32>], vector<16xf32>,
        %sub3A_585 = arith.subf %gather3A_581, %gather3A_584 : vector<16xf32>
        %mul3A_586 = arith.mulf %sub3A_585, %sub3A_585 : vector<16xf32>
        %add3A_587 = arith.addf %add3A_551, %mul3A_586 : vector<16xf32>
        %gather3A_588 = arith.constant 40 : i32
        %gather3A_589 = tpu.memref_slice %arg8[%gather3A_588] : memref<20480xf32, #tpu.memory_space<vmem>> -> memref<20424xf32, #tpu.memory_space<vmem>>
        %gather3A_590 = tpu.vector_load_idx %gather3A_589[%add3A_151] : memref<20424xf32, #tpu.memory_space<vmem>>[vector<16xi32>], vector<16xf32>,
        %gather3A_591 = arith.constant 40 : i32
        %gather3A_592 = tpu.memref_slice %arg7[%gather3A_591] : memref<64000xf32, #tpu.memory_space<vmem>> -> memref<63944xf32, #tpu.memory_space<vmem>>
        %gather3A_593 = tpu.vector_load_idx %gather3A_592[%add3A_175] : memref<63944xf32, #tpu.memory_space<vmem>>[vector<16xi32>], vector<16xf32>,
        %sub3A_594 = arith.subf %gather3A_590, %gather3A_593 : vector<16xf32>
        %mul3A_595 = arith.mulf %sub3A_594, %sub3A_594 : vector<16xf32>
        %add3A_596 = arith.addf %add3A_560, %mul3A_595 : vector<16xf32>
        %gather3A_597 = arith.constant 40 : i32
        %gather3A_598 = tpu.memref_slice %arg8[%gather3A_597] : memref<20480xf32, #tpu.memory_space<vmem>> -> memref<20424xf32, #tpu.memory_space<vmem>>
        %gather3A_599 = tpu.vector_load_idx %gather3A_598[%add3A_154] : memref<20424xf32, #tpu.memory_space<vmem>>[vector<16xi32>], vector<16xf32>,
        %gather3A_600 = arith.constant 40 : i32
        %gather3A_601 = tpu.memref_slice %arg7[%gather3A_600] : memref<64000xf32, #tpu.memory_space<vmem>> -> memref<63944xf32, #tpu.memory_space<vmem>>
        %gather3A_602 = tpu.vector_load_idx %gather3A_601[%add3A_178] : memref<63944xf32, #tpu.memory_space<vmem>>[vector<16xi32>], vector<16xf32>,
        %sub3A_603 = arith.subf %gather3A_599, %gather3A_602 : vector<16xf32>
        %mul3A_604 = arith.mulf %sub3A_603, %sub3A_603 : vector<16xf32>
        %add3A_605 = arith.addf %add3A_569, %mul3A_604 : vector<16xf32>
        %gather3A_606 = arith.constant 40 : i32
        %gather3A_607 = tpu.memref_slice %arg8[%gather3A_606] : memref<20480xf32, #tpu.memory_space<vmem>> -> memref<20424xf32, #tpu.memory_space<vmem>>
        %gather3A_608 = tpu.vector_load_idx %gather3A_607[%add3A_157] : memref<20424xf32, #tpu.memory_space<vmem>>[vector<16xi32>], vector<16xf32>,
        %gather3A_609 = arith.constant 40 : i32
        %gather3A_610 = tpu.memref_slice %arg7[%gather3A_609] : memref<64000xf32, #tpu.memory_space<vmem>> -> memref<63944xf32, #tpu.memory_space<vmem>>
        %gather3A_611 = tpu.vector_load_idx %gather3A_610[%add3A_181] : memref<63944xf32, #tpu.memory_space<vmem>>[vector<16xi32>], vector<16xf32>,
        %sub3A_612 = arith.subf %gather3A_608, %gather3A_611 : vector<16xf32>
        %mul3A_613 = arith.mulf %sub3A_612, %sub3A_612 : vector<16xf32>
        %add3A_614 = arith.addf %add3A_578, %mul3A_613 : vector<16xf32>
        %gather3A_615 = arith.constant 40 : i32
        %gather3A_616 = tpu.memref_slice %arg8[%gather3A_615] : memref<20480xf32, #tpu.memory_space<vmem>> -> memref<20424xf32, #tpu.memory_space<vmem>>
        %gather3A_617 = tpu.vector_load_idx %gather3A_616[%add3A_160] : memref<20424xf32, #tpu.memory_space<vmem>>[vector<16xi32>], vector<16xf32>,
        %gather3A_618 = arith.constant 40 : i32
        %gather3A_619 = tpu.memref_slice %arg7[%gather3A_618] : memref<64000xf32, #tpu.memory_space<vmem>> -> memref<63944xf32, #tpu.memory_space<vmem>>
        %gather3A_620 = tpu.vector_load_idx %gather3A_619[%add3A_184] : memref<63944xf32, #tpu.memory_space<vmem>>[vector<16xi32>], vector<16xf32>,
        %sub3A_621 = arith.subf %gather3A_617, %gather3A_620 : vector<16xf32>
        %mul3A_622 = arith.mulf %sub3A_621, %sub3A_621 : vector<16xf32>
        %add3A_623 = arith.addf %add3A_587, %mul3A_622 : vector<16xf32>
        %gather3A_624 = arith.constant 48 : i32
        %gather3A_625 = tpu.memref_slice %arg8[%gather3A_624] : memref<20480xf32, #tpu.memory_space<vmem>> -> memref<20424xf32, #tpu.memory_space<vmem>>
        %gather3A_626 = tpu.vector_load_idx %gather3A_625[%add3A_139] : memref<20424xf32, #tpu.memory_space<vmem>>[vector<16xi32>], vector<16xf32>,
        %gather3A_627 = arith.constant 48 : i32
        %gather3A_628 = tpu.memref_slice %arg7[%gather3A_627] : memref<64000xf32, #tpu.memory_space<vmem>> -> memref<63944xf32, #tpu.memory_space<vmem>>
        %gather3A_629 = tpu.vector_load_idx %gather3A_628[%add3A_163] : memref<63944xf32, #tpu.memory_space<vmem>>[vector<16xi32>], vector<16xf32>,
        %sub3A_630 = arith.subf %gather3A_626, %gather3A_629 : vector<16xf32>
        %mul3A_631 = arith.mulf %sub3A_630, %sub3A_630 : vector<16xf32>
        %add3A_632 = arith.addf %add3A_596, %mul3A_631 : vector<16xf32>
        %gather3A_633 = arith.constant 48 : i32
        %gather3A_634 = tpu.memref_slice %arg8[%gather3A_633] : memref<20480xf32, #tpu.memory_space<vmem>> -> memref<20424xf32, #tpu.memory_space<vmem>>
        %gather3A_635 = tpu.vector_load_idx %gather3A_634[%add3A_142] : memref<20424xf32, #tpu.memory_space<vmem>>[vector<16xi32>], vector<16xf32>,
        %gather3A_636 = arith.constant 48 : i32
        %gather3A_637 = tpu.memref_slice %arg7[%gather3A_636] : memref<64000xf32, #tpu.memory_space<vmem>> -> memref<63944xf32, #tpu.memory_space<vmem>>
        %gather3A_638 = tpu.vector_load_idx %gather3A_637[%add3A_166] : memref<63944xf32, #tpu.memory_space<vmem>>[vector<16xi32>], vector<16xf32>,
        %sub3A_639 = arith.subf %gather3A_635, %gather3A_638 : vector<16xf32>
        %mul3A_640 = arith.mulf %sub3A_639, %sub3A_639 : vector<16xf32>
        %add3A_641 = arith.addf %add3A_605, %mul3A_640 : vector<16xf32>
        %gather3A_642 = arith.constant 48 : i32
        %gather3A_643 = tpu.memref_slice %arg8[%gather3A_642] : memref<20480xf32, #tpu.memory_space<vmem>> -> memref<20424xf32, #tpu.memory_space<vmem>>
        %gather3A_644 = tpu.vector_load_idx %gather3A_643[%add3A_145] : memref<20424xf32, #tpu.memory_space<vmem>>[vector<16xi32>], vector<16xf32>,
        %gather3A_645 = arith.constant 48 : i32
        %gather3A_646 = tpu.memref_slice %arg7[%gather3A_645] : memref<64000xf32, #tpu.memory_space<vmem>> -> memref<63944xf32, #tpu.memory_space<vmem>>
        %gather3A_647 = tpu.vector_load_idx %gather3A_646[%add3A_169] : memref<63944xf32, #tpu.memory_space<vmem>>[vector<16xi32>], vector<16xf32>,
        %sub3A_648 = arith.subf %gather3A_644, %gather3A_647 : vector<16xf32>
        %mul3A_649 = arith.mulf %sub3A_648, %sub3A_648 : vector<16xf32>
        %add3A_650 = arith.addf %add3A_614, %mul3A_649 : vector<16xf32>
        %gather3A_651 = arith.constant 48 : i32
        %gather3A_652 = tpu.memref_slice %arg8[%gather3A_651] : memref<20480xf32, #tpu.memory_space<vmem>> -> memref<20424xf32, #tpu.memory_space<vmem>>
        %gather3A_653 = tpu.vector_load_idx %gather3A_652[%add3A_148] : memref<20424xf32, #tpu.memory_space<vmem>>[vector<16xi32>], vector<16xf32>,
        %gather3A_654 = arith.constant 48 : i32
        %gather3A_655 = tpu.memref_slice %arg7[%gather3A_654] : memref<64000xf32, #tpu.memory_space<vmem>> -> memref<63944xf32, #tpu.memory_space<vmem>>
        %gather3A_656 = tpu.vector_load_idx %gather3A_655[%add3A_172] : memref<63944xf32, #tpu.memory_space<vmem>>[vector<16xi32>], vector<16xf32>,
        %sub3A_657 = arith.subf %gather3A_653, %gather3A_656 : vector<16xf32>
        %mul3A_658 = arith.mulf %sub3A_657, %sub3A_657 : vector<16xf32>
        %add3A_659 = arith.addf %add3A_623, %mul3A_658 : vector<16xf32>
        %gather3A_660 = arith.constant 48 : i32
        %gather3A_661 = tpu.memref_slice %arg8[%gather3A_660] : memref<20480xf32, #tpu.memory_space<vmem>> -> memref<20424xf32, #tpu.memory_space<vmem>>
        %gather3A_662 = tpu.vector_load_idx %gather3A_661[%add3A_151] : memref<20424xf32, #tpu.memory_space<vmem>>[vector<16xi32>], vector<16xf32>,
        %gather3A_663 = arith.constant 48 : i32
        %gather3A_664 = tpu.memref_slice %arg7[%gather3A_663] : memref<64000xf32, #tpu.memory_space<vmem>> -> memref<63944xf32, #tpu.memory_space<vmem>>
        %gather3A_665 = tpu.vector_load_idx %gather3A_664[%add3A_175] : memref<63944xf32, #tpu.memory_space<vmem>>[vector<16xi32>], vector<16xf32>,
        %sub3A_666 = arith.subf %gather3A_662, %gather3A_665 : vector<16xf32>
        %mul3A_667 = arith.mulf %sub3A_666, %sub3A_666 : vector<16xf32>
        %add3A_668 = arith.addf %add3A_632, %mul3A_667 : vector<16xf32>
        %gather3A_669 = arith.constant 48 : i32
        %gather3A_670 = tpu.memref_slice %arg8[%gather3A_669] : memref<20480xf32, #tpu.memory_space<vmem>> -> memref<20424xf32, #tpu.memory_space<vmem>>
        %gather3A_671 = tpu.vector_load_idx %gather3A_670[%add3A_154] : memref<20424xf32, #tpu.memory_space<vmem>>[vector<16xi32>], vector<16xf32>,
        %gather3A_672 = arith.constant 48 : i32
        %gather3A_673 = tpu.memref_slice %arg7[%gather3A_672] : memref<64000xf32, #tpu.memory_space<vmem>> -> memref<63944xf32, #tpu.memory_space<vmem>>
        %gather3A_674 = tpu.vector_load_idx %gather3A_673[%add3A_178] : memref<63944xf32, #tpu.memory_space<vmem>>[vector<16xi32>], vector<16xf32>,
        %sub3A_675 = arith.subf %gather3A_671, %gather3A_674 : vector<16xf32>
        %mul3A_676 = arith.mulf %sub3A_675, %sub3A_675 : vector<16xf32>
        %add3A_677 = arith.addf %add3A_641, %mul3A_676 : vector<16xf32>
        %gather3A_678 = arith.constant 48 : i32
        %gather3A_679 = tpu.memref_slice %arg8[%gather3A_678] : memref<20480xf32, #tpu.memory_space<vmem>> -> memref<20424xf32, #tpu.memory_space<vmem>>
        %gather3A_680 = tpu.vector_load_idx %gather3A_679[%add3A_157] : memref<20424xf32, #tpu.memory_space<vmem>>[vector<16xi32>], vector<16xf32>,
        %gather3A_681 = arith.constant 48 : i32
        %gather3A_682 = tpu.memref_slice %arg7[%gather3A_681] : memref<64000xf32, #tpu.memory_space<vmem>> -> memref<63944xf32, #tpu.memory_space<vmem>>
        %gather3A_683 = tpu.vector_load_idx %gather3A_682[%add3A_181] : memref<63944xf32, #tpu.memory_space<vmem>>[vector<16xi32>], vector<16xf32>,
        %sub3A_684 = arith.subf %gather3A_680, %gather3A_683 : vector<16xf32>
        %mul3A_685 = arith.mulf %sub3A_684, %sub3A_684 : vector<16xf32>
        %add3A_686 = arith.addf %add3A_650, %mul3A_685 : vector<16xf32>
        %gather3A_687 = arith.constant 48 : i32
        %gather3A_688 = tpu.memref_slice %arg8[%gather3A_687] : memref<20480xf32, #tpu.memory_space<vmem>> -> memref<20424xf32, #tpu.memory_space<vmem>>
        %gather3A_689 = tpu.vector_load_idx %gather3A_688[%add3A_160] : memref<20424xf32, #tpu.memory_space<vmem>>[vector<16xi32>], vector<16xf32>,
        %gather3A_690 = arith.constant 48 : i32
        %gather3A_691 = tpu.memref_slice %arg7[%gather3A_690] : memref<64000xf32, #tpu.memory_space<vmem>> -> memref<63944xf32, #tpu.memory_space<vmem>>
        %gather3A_692 = tpu.vector_load_idx %gather3A_691[%add3A_184] : memref<63944xf32, #tpu.memory_space<vmem>>[vector<16xi32>], vector<16xf32>,
        %sub3A_693 = arith.subf %gather3A_689, %gather3A_692 : vector<16xf32>
        %mul3A_694 = arith.mulf %sub3A_693, %sub3A_693 : vector<16xf32>
        %add3A_695 = arith.addf %add3A_659, %mul3A_694 : vector<16xf32>
        %gather3A_696 = arith.constant 56 : i32
        %gather3A_697 = tpu.memref_slice %arg8[%gather3A_696] : memref<20480xf32, #tpu.memory_space<vmem>> -> memref<20424xf32, #tpu.memory_space<vmem>>
        %gather3A_698 = tpu.vector_load_idx %gather3A_697[%add3A_139] : memref<20424xf32, #tpu.memory_space<vmem>>[vector<16xi32>], vector<16xf32>,
        %gather3A_699 = arith.constant 56 : i32
        %gather3A_700 = tpu.memref_slice %arg7[%gather3A_699] : memref<64000xf32, #tpu.memory_space<vmem>> -> memref<63944xf32, #tpu.memory_space<vmem>>
        %gather3A_701 = tpu.vector_load_idx %gather3A_700[%add3A_163] : memref<63944xf32, #tpu.memory_space<vmem>>[vector<16xi32>], vector<16xf32>,
        %sub3A_702 = arith.subf %gather3A_698, %gather3A_701 : vector<16xf32>
        %mul3A_703 = arith.mulf %sub3A_702, %sub3A_702 : vector<16xf32>
        %add3A_704 = arith.addf %add3A_668, %mul3A_703 : vector<16xf32>
        %gather3A_705 = arith.constant 56 : i32
        %gather3A_706 = tpu.memref_slice %arg8[%gather3A_705] : memref<20480xf32, #tpu.memory_space<vmem>> -> memref<20424xf32, #tpu.memory_space<vmem>>
        %gather3A_707 = tpu.vector_load_idx %gather3A_706[%add3A_142] : memref<20424xf32, #tpu.memory_space<vmem>>[vector<16xi32>], vector<16xf32>,
        %gather3A_708 = arith.constant 56 : i32
        %gather3A_709 = tpu.memref_slice %arg7[%gather3A_708] : memref<64000xf32, #tpu.memory_space<vmem>> -> memref<63944xf32, #tpu.memory_space<vmem>>
        %gather3A_710 = tpu.vector_load_idx %gather3A_709[%add3A_166] : memref<63944xf32, #tpu.memory_space<vmem>>[vector<16xi32>], vector<16xf32>,
        %sub3A_711 = arith.subf %gather3A_707, %gather3A_710 : vector<16xf32>
        %mul3A_712 = arith.mulf %sub3A_711, %sub3A_711 : vector<16xf32>
        %add3A_713 = arith.addf %add3A_677, %mul3A_712 : vector<16xf32>
        %gather3A_714 = arith.constant 56 : i32
        %gather3A_715 = tpu.memref_slice %arg8[%gather3A_714] : memref<20480xf32, #tpu.memory_space<vmem>> -> memref<20424xf32, #tpu.memory_space<vmem>>
        %gather3A_716 = tpu.vector_load_idx %gather3A_715[%add3A_145] : memref<20424xf32, #tpu.memory_space<vmem>>[vector<16xi32>], vector<16xf32>,
        %gather3A_717 = arith.constant 56 : i32
        %gather3A_718 = tpu.memref_slice %arg7[%gather3A_717] : memref<64000xf32, #tpu.memory_space<vmem>> -> memref<63944xf32, #tpu.memory_space<vmem>>
        %gather3A_719 = tpu.vector_load_idx %gather3A_718[%add3A_169] : memref<63944xf32, #tpu.memory_space<vmem>>[vector<16xi32>], vector<16xf32>,
        %sub3A_720 = arith.subf %gather3A_716, %gather3A_719 : vector<16xf32>
        %mul3A_721 = arith.mulf %sub3A_720, %sub3A_720 : vector<16xf32>
        %add3A_722 = arith.addf %add3A_686, %mul3A_721 : vector<16xf32>
        %gather3A_723 = arith.constant 56 : i32
        %gather3A_724 = tpu.memref_slice %arg8[%gather3A_723] : memref<20480xf32, #tpu.memory_space<vmem>> -> memref<20424xf32, #tpu.memory_space<vmem>>
        %gather3A_725 = tpu.vector_load_idx %gather3A_724[%add3A_148] : memref<20424xf32, #tpu.memory_space<vmem>>[vector<16xi32>], vector<16xf32>,
        %gather3A_726 = arith.constant 56 : i32
        %gather3A_727 = tpu.memref_slice %arg7[%gather3A_726] : memref<64000xf32, #tpu.memory_space<vmem>> -> memref<63944xf32, #tpu.memory_space<vmem>>
        %gather3A_728 = tpu.vector_load_idx %gather3A_727[%add3A_172] : memref<63944xf32, #tpu.memory_space<vmem>>[vector<16xi32>], vector<16xf32>,
        %sub3A_729 = arith.subf %gather3A_725, %gather3A_728 : vector<16xf32>
        %mul3A_730 = arith.mulf %sub3A_729, %sub3A_729 : vector<16xf32>
        %add3A_731 = arith.addf %add3A_695, %mul3A_730 : vector<16xf32>
        %gather3A_732 = arith.constant 56 : i32
        %gather3A_733 = tpu.memref_slice %arg8[%gather3A_732] : memref<20480xf32, #tpu.memory_space<vmem>> -> memref<20424xf32, #tpu.memory_space<vmem>>
        %gather3A_734 = tpu.vector_load_idx %gather3A_733[%add3A_151] : memref<20424xf32, #tpu.memory_space<vmem>>[vector<16xi32>], vector<16xf32>,
        %gather3A_735 = arith.constant 56 : i32
        %gather3A_736 = tpu.memref_slice %arg7[%gather3A_735] : memref<64000xf32, #tpu.memory_space<vmem>> -> memref<63944xf32, #tpu.memory_space<vmem>>
        %gather3A_737 = tpu.vector_load_idx %gather3A_736[%add3A_175] : memref<63944xf32, #tpu.memory_space<vmem>>[vector<16xi32>], vector<16xf32>,
        %sub3A_738 = arith.subf %gather3A_734, %gather3A_737 : vector<16xf32>
        %mul3A_739 = arith.mulf %sub3A_738, %sub3A_738 : vector<16xf32>
        %add3A_740 = arith.addf %add3A_704, %mul3A_739 : vector<16xf32>
        %gather3A_741 = arith.constant 56 : i32
        %gather3A_742 = tpu.memref_slice %arg8[%gather3A_741] : memref<20480xf32, #tpu.memory_space<vmem>> -> memref<20424xf32, #tpu.memory_space<vmem>>
        %gather3A_743 = tpu.vector_load_idx %gather3A_742[%add3A_154] : memref<20424xf32, #tpu.memory_space<vmem>>[vector<16xi32>], vector<16xf32>,
        %gather3A_744 = arith.constant 56 : i32
        %gather3A_745 = tpu.memref_slice %arg7[%gather3A_744] : memref<64000xf32, #tpu.memory_space<vmem>> -> memref<63944xf32, #tpu.memory_space<vmem>>
        %gather3A_746 = tpu.vector_load_idx %gather3A_745[%add3A_178] : memref<63944xf32, #tpu.memory_space<vmem>>[vector<16xi32>], vector<16xf32>,
        %sub3A_747 = arith.subf %gather3A_743, %gather3A_746 : vector<16xf32>
        %mul3A_748 = arith.mulf %sub3A_747, %sub3A_747 : vector<16xf32>
        %add3A_749 = arith.addf %add3A_713, %mul3A_748 : vector<16xf32>
        %gather3A_750 = arith.constant 56 : i32
        %gather3A_751 = tpu.memref_slice %arg8[%gather3A_750] : memref<20480xf32, #tpu.memory_space<vmem>> -> memref<20424xf32, #tpu.memory_space<vmem>>
        %gather3A_752 = tpu.vector_load_idx %gather3A_751[%add3A_157] : memref<20424xf32, #tpu.memory_space<vmem>>[vector<16xi32>], vector<16xf32>,
        %gather3A_753 = arith.constant 56 : i32
        %gather3A_754 = tpu.memref_slice %arg7[%gather3A_753] : memref<64000xf32, #tpu.memory_space<vmem>> -> memref<63944xf32, #tpu.memory_space<vmem>>
        %gather3A_755 = tpu.vector_load_idx %gather3A_754[%add3A_181] : memref<63944xf32, #tpu.memory_space<vmem>>[vector<16xi32>], vector<16xf32>,
        %sub3A_756 = arith.subf %gather3A_752, %gather3A_755 : vector<16xf32>
        %mul3A_757 = arith.mulf %sub3A_756, %sub3A_756 : vector<16xf32>
        %add3A_758 = arith.addf %add3A_722, %mul3A_757 : vector<16xf32>
        %gather3A_759 = arith.constant 56 : i32
        %gather3A_760 = tpu.memref_slice %arg8[%gather3A_759] : memref<20480xf32, #tpu.memory_space<vmem>> -> memref<20424xf32, #tpu.memory_space<vmem>>
        %gather3A_761 = tpu.vector_load_idx %gather3A_760[%add3A_160] : memref<20424xf32, #tpu.memory_space<vmem>>[vector<16xi32>], vector<16xf32>,
        %gather3A_762 = arith.constant 56 : i32
        %gather3A_763 = tpu.memref_slice %arg7[%gather3A_762] : memref<64000xf32, #tpu.memory_space<vmem>> -> memref<63944xf32, #tpu.memory_space<vmem>>
        %gather3A_764 = tpu.vector_load_idx %gather3A_763[%add3A_184] : memref<63944xf32, #tpu.memory_space<vmem>>[vector<16xi32>], vector<16xf32>,
        %sub3A_765 = arith.subf %gather3A_761, %gather3A_764 : vector<16xf32>
        %mul3A_766 = arith.mulf %sub3A_765, %sub3A_765 : vector<16xf32>
        %add3A_767 = arith.addf %add3A_731, %mul3A_766 : vector<16xf32>
        %add3A_768 = arith.addf %add3A_740, %add3A_749 : vector<16xf32>
        %add3A_769 = arith.addf %add3A_758, %add3A_767 : vector<16xf32>
        %add3A_770 = arith.addf %add3A_768, %add3A_769 : vector<16xf32>
        %bitcast3A = vector.bitcast %add3A_770 : vector<16xf32> to vector<16xi32>
        %shift_right_logical3A = arith.constant 1 : i32
        %shift_right_logical3A_771 = vector.broadcast %shift_right_logical3A : i32 to vector<16xi32>
        %shift_right_logical3A_772 = arith.shrui %bitcast3A, %shift_right_logical3A_771 : vector<16xi32>
        %sub3A_773 = arith.constant 1597463007 : i32
        %sub3A_774 = vector.broadcast %sub3A_773 : i32 to vector<16xi32>
        %sub3A_775 = arith.subi %sub3A_774, %shift_right_logical3A_772 : vector<16xi32>
        %bitcast3A_776 = vector.bitcast %sub3A_775 : vector<16xi32> to vector<16xf32>
        %mul3A_777 = arith.constant 5.000000e-01 : f32
        %mul3A_778 = vector.broadcast %mul3A_777 : f32 to vector<16xf32>
        %mul3A_779 = arith.mulf %mul3A_778, %add3A_770 : vector<16xf32>
        %mul3A_780 = arith.mulf %mul3A_779, %bitcast3A_776 : vector<16xf32>
        %mul3A_781 = arith.mulf %mul3A_780, %bitcast3A_776 : vector<16xf32>
        %sub3A_782 = arith.constant 1.500000e+00 : f32
        %sub3A_783 = vector.broadcast %sub3A_782 : f32 to vector<16xf32>
        %sub3A_784 = arith.subf %sub3A_783, %mul3A_781 : vector<16xf32>
        %mul3A_785 = arith.mulf %bitcast3A_776, %sub3A_784 : vector<16xf32>
        %mul3A_786 = arith.mulf %mul3A_779, %mul3A_785 : vector<16xf32>
        %mul3A_787 = arith.mulf %mul3A_786, %mul3A_785 : vector<16xf32>
        %sub3A_788 = arith.constant 1.500000e+00 : f32
        %sub3A_789 = vector.broadcast %sub3A_788 : f32 to vector<16xf32>
        %sub3A_790 = arith.subf %sub3A_789, %mul3A_787 : vector<16xf32>
        %mul3A_791 = arith.mulf %mul3A_785, %sub3A_790 : vector<16xf32>
        %mul3A_792 = arith.mulf %mul3A_779, %mul3A_791 : vector<16xf32>
        %mul3A_793 = arith.mulf %mul3A_792, %mul3A_791 : vector<16xf32>
        %sub3A_794 = arith.constant 1.500000e+00 : f32
        %sub3A_795 = vector.broadcast %sub3A_794 : f32 to vector<16xf32>
        %sub3A_796 = arith.subf %sub3A_795, %mul3A_793 : vector<16xf32>
        %mul3A_797 = arith.mulf %mul3A_791, %sub3A_796 : vector<16xf32>
        %mul3A_798 = arith.mulf %add3A_770, %mul3A_797 : vector<16xf32>
        tpu.vector_store_idx %arg10[%iota3A, %convert_element_type3A_129], %mul3A_798 {add = true} : memref<16x1024xf32, #tpu.memory_space<vmem>>[vector<16xi32>, vector<16xi32>], vector<16xf32>,
        tpu.vector_store_idx %arg11[%iota3A, %convert_element_type3A_129], %broadcast_in_dim3A_3 {add = true} : memref<16x1024xf32, #tpu.memory_space<vmem>>[vector<16xi32>, vector<16xi32>], vector<16xf32>,
        %mul3A_799 = arith.constant 2 : i32
        %mul3A_800 = arith.muli %mul3A_799, %scan3A_119 : i32
        %add3A_801 = arith.constant 1 : i32
        %add3A_802 = arith.addi %mul3A_800, %add3A_801 : i32
        %mul3A_803 = arith.constant 160 : i32
        %mul3A_804 = arith.muli %select_n3A_82, %mul3A_803 : i32
        %mul3A_805 = arith.constant 16 : i32
        %mul3A_806 = arith.muli %add3A_802, %mul3A_805 : i32
        %add3A_807 = arith.addi %mul3A_804, %mul3A_806 : i32
        %get3A_808 = arith.index_cast %add3A_807 : i32 to index
        %get3A_809 = tpu.vector_load %arg9[%get3A_808] {strides = array<i32>} : memref<320xf32, #tpu.memory_space<vmem>>, vector<16xf32>,
        %convert_element_type3A_810 = arith.fptosi %get3A_809 : vector<16xf32> to vector<16xi32>
        %add3A_811 = vector.broadcast %add3A_807 : i32 to vector<16xi32>
        %add3A_812 = arith.addi %add3A_811, %iota3A : vector<16xi32>
        %shift_left3A_813 = arith.constant 6 : i32
        %shift_left3A_814 = vector.broadcast %shift_left3A_813 : i32 to vector<16xi32>
        %shift_left3A_815 = arith.shli %add3A_812, %shift_left3A_814 : vector<16xi32>
        %shift_left3A_816 = arith.constant 6 : i32
        %shift_left3A_817 = vector.broadcast %shift_left3A_816 : i32 to vector<16xi32>
        %shift_left3A_818 = arith.shli %convert_element_type3A_810, %shift_left3A_817 : vector<16xi32>
        %add3A_819 = arith.constant 0 : i32
        %add3A_820 = vector.broadcast %add3A_819 : i32 to vector<16xi32>
        %add3A_821 = arith.addi %shift_left3A_815, %add3A_820 : vector<16xi32>
        %add3A_822 = arith.constant 1 : i32
        %add3A_823 = vector.broadcast %add3A_822 : i32 to vector<16xi32>
        %add3A_824 = arith.addi %shift_left3A_815, %add3A_823 : vector<16xi32>
        %add3A_825 = arith.constant 2 : i32
        %add3A_826 = vector.broadcast %add3A_825 : i32 to vector<16xi32>
        %add3A_827 = arith.addi %shift_left3A_815, %add3A_826 : vector<16xi32>
        %add3A_828 = arith.constant 3 : i32
        %add3A_829 = vector.broadcast %add3A_828 : i32 to vector<16xi32>
        %add3A_830 = arith.addi %shift_left3A_815, %add3A_829 : vector<16xi32>
        %add3A_831 = arith.constant 4 : i32
        %add3A_832 = vector.broadcast %add3A_831 : i32 to vector<16xi32>
        %add3A_833 = arith.addi %shift_left3A_815, %add3A_832 : vector<16xi32>
        %add3A_834 = arith.constant 5 : i32
        %add3A_835 = vector.broadcast %add3A_834 : i32 to vector<16xi32>
        %add3A_836 = arith.addi %shift_left3A_815, %add3A_835 : vector<16xi32>
        %add3A_837 = arith.constant 6 : i32
        %add3A_838 = vector.broadcast %add3A_837 : i32 to vector<16xi32>
        %add3A_839 = arith.addi %shift_left3A_815, %add3A_838 : vector<16xi32>
        %add3A_840 = arith.constant 7 : i32
        %add3A_841 = vector.broadcast %add3A_840 : i32 to vector<16xi32>
        %add3A_842 = arith.addi %shift_left3A_815, %add3A_841 : vector<16xi32>
        %add3A_843 = arith.constant 0 : i32
        %add3A_844 = vector.broadcast %add3A_843 : i32 to vector<16xi32>
        %add3A_845 = arith.addi %shift_left3A_818, %add3A_844 : vector<16xi32>
        %add3A_846 = arith.constant 1 : i32
        %add3A_847 = vector.broadcast %add3A_846 : i32 to vector<16xi32>
        %add3A_848 = arith.addi %shift_left3A_818, %add3A_847 : vector<16xi32>
        %add3A_849 = arith.constant 2 : i32
        %add3A_850 = vector.broadcast %add3A_849 : i32 to vector<16xi32>
        %add3A_851 = arith.addi %shift_left3A_818, %add3A_850 : vector<16xi32>
        %add3A_852 = arith.constant 3 : i32
        %add3A_853 = vector.broadcast %add3A_852 : i32 to vector<16xi32>
        %add3A_854 = arith.addi %shift_left3A_818, %add3A_853 : vector<16xi32>
        %add3A_855 = arith.constant 4 : i32
        %add3A_856 = vector.broadcast %add3A_855 : i32 to vector<16xi32>
        %add3A_857 = arith.addi %shift_left3A_818, %add3A_856 : vector<16xi32>
        %add3A_858 = arith.constant 5 : i32
        %add3A_859 = vector.broadcast %add3A_858 : i32 to vector<16xi32>
        %add3A_860 = arith.addi %shift_left3A_818, %add3A_859 : vector<16xi32>
        %add3A_861 = arith.constant 6 : i32
        %add3A_862 = vector.broadcast %add3A_861 : i32 to vector<16xi32>
        %add3A_863 = arith.addi %shift_left3A_818, %add3A_862 : vector<16xi32>
        %add3A_864 = arith.constant 7 : i32
        %add3A_865 = vector.broadcast %add3A_864 : i32 to vector<16xi32>
        %add3A_866 = arith.addi %shift_left3A_818, %add3A_865 : vector<16xi32>
        %broadcast_in_dim3A_867 = arith.constant 0.000000e+00 : f32
        %broadcast_in_dim3A_868 = vector.broadcast %broadcast_in_dim3A_867 : f32 to vector<16xf32>
        %broadcast_in_dim3A_869 = arith.constant 0.000000e+00 : f32
        %broadcast_in_dim3A_870 = vector.broadcast %broadcast_in_dim3A_869 : f32 to vector<16xf32>
        %broadcast_in_dim3A_871 = arith.constant 0.000000e+00 : f32
        %broadcast_in_dim3A_872 = vector.broadcast %broadcast_in_dim3A_871 : f32 to vector<16xf32>
        %broadcast_in_dim3A_873 = arith.constant 0.000000e+00 : f32
        %broadcast_in_dim3A_874 = vector.broadcast %broadcast_in_dim3A_873 : f32 to vector<16xf32>
        %gather3A_875 = arith.constant 0 : i32
        %gather3A_876 = tpu.memref_slice %arg8[%gather3A_875] : memref<20480xf32, #tpu.memory_space<vmem>> -> memref<20424xf32, #tpu.memory_space<vmem>>
        %gather3A_877 = tpu.vector_load_idx %gather3A_876[%add3A_821] : memref<20424xf32, #tpu.memory_space<vmem>>[vector<16xi32>], vector<16xf32>,
        %gather3A_878 = arith.constant 0 : i32
        %gather3A_879 = tpu.memref_slice %arg7[%gather3A_878] : memref<64000xf32, #tpu.memory_space<vmem>> -> memref<63944xf32, #tpu.memory_space<vmem>>
        %gather3A_880 = tpu.vector_load_idx %gather3A_879[%add3A_845] : memref<63944xf32, #tpu.memory_space<vmem>>[vector<16xi32>], vector<16xf32>,
        %sub3A_881 = arith.subf %gather3A_877, %gather3A_880 : vector<16xf32>
        %mul3A_882 = arith.mulf %sub3A_881, %sub3A_881 : vector<16xf32>
        %add3A_883 = arith.addf %broadcast_in_dim3A_868, %mul3A_882 : vector<16xf32>
        %gather3A_884 = arith.constant 0 : i32
        %gather3A_885 = tpu.memref_slice %arg8[%gather3A_884] : memref<20480xf32, #tpu.memory_space<vmem>> -> memref<20424xf32, #tpu.memory_space<vmem>>
        %gather3A_886 = tpu.vector_load_idx %gather3A_885[%add3A_824] : memref<20424xf32, #tpu.memory_space<vmem>>[vector<16xi32>], vector<16xf32>,
        %gather3A_887 = arith.constant 0 : i32
        %gather3A_888 = tpu.memref_slice %arg7[%gather3A_887] : memref<64000xf32, #tpu.memory_space<vmem>> -> memref<63944xf32, #tpu.memory_space<vmem>>
        %gather3A_889 = tpu.vector_load_idx %gather3A_888[%add3A_848] : memref<63944xf32, #tpu.memory_space<vmem>>[vector<16xi32>], vector<16xf32>,
        %sub3A_890 = arith.subf %gather3A_886, %gather3A_889 : vector<16xf32>
        %mul3A_891 = arith.mulf %sub3A_890, %sub3A_890 : vector<16xf32>
        %add3A_892 = arith.addf %broadcast_in_dim3A_870, %mul3A_891 : vector<16xf32>
        %gather3A_893 = arith.constant 0 : i32
        %gather3A_894 = tpu.memref_slice %arg8[%gather3A_893] : memref<20480xf32, #tpu.memory_space<vmem>> -> memref<20424xf32, #tpu.memory_space<vmem>>
        %gather3A_895 = tpu.vector_load_idx %gather3A_894[%add3A_827] : memref<20424xf32, #tpu.memory_space<vmem>>[vector<16xi32>], vector<16xf32>,
        %gather3A_896 = arith.constant 0 : i32
        %gather3A_897 = tpu.memref_slice %arg7[%gather3A_896] : memref<64000xf32, #tpu.memory_space<vmem>> -> memref<63944xf32, #tpu.memory_space<vmem>>
        %gather3A_898 = tpu.vector_load_idx %gather3A_897[%add3A_851] : memref<63944xf32, #tpu.memory_space<vmem>>[vector<16xi32>], vector<16xf32>,
        %sub3A_899 = arith.subf %gather3A_895, %gather3A_898 : vector<16xf32>
        %mul3A_900 = arith.mulf %sub3A_899, %sub3A_899 : vector<16xf32>
        %add3A_901 = arith.addf %broadcast_in_dim3A_872, %mul3A_900 : vector<16xf32>
        %gather3A_902 = arith.constant 0 : i32
        %gather3A_903 = tpu.memref_slice %arg8[%gather3A_902] : memref<20480xf32, #tpu.memory_space<vmem>> -> memref<20424xf32, #tpu.memory_space<vmem>>
        %gather3A_904 = tpu.vector_load_idx %gather3A_903[%add3A_830] : memref<20424xf32, #tpu.memory_space<vmem>>[vector<16xi32>], vector<16xf32>,
        %gather3A_905 = arith.constant 0 : i32
        %gather3A_906 = tpu.memref_slice %arg7[%gather3A_905] : memref<64000xf32, #tpu.memory_space<vmem>> -> memref<63944xf32, #tpu.memory_space<vmem>>
        %gather3A_907 = tpu.vector_load_idx %gather3A_906[%add3A_854] : memref<63944xf32, #tpu.memory_space<vmem>>[vector<16xi32>], vector<16xf32>,
        %sub3A_908 = arith.subf %gather3A_904, %gather3A_907 : vector<16xf32>
        %mul3A_909 = arith.mulf %sub3A_908, %sub3A_908 : vector<16xf32>
        %add3A_910 = arith.addf %broadcast_in_dim3A_874, %mul3A_909 : vector<16xf32>
        %gather3A_911 = arith.constant 0 : i32
        %gather3A_912 = tpu.memref_slice %arg8[%gather3A_911] : memref<20480xf32, #tpu.memory_space<vmem>> -> memref<20424xf32, #tpu.memory_space<vmem>>
        %gather3A_913 = tpu.vector_load_idx %gather3A_912[%add3A_833] : memref<20424xf32, #tpu.memory_space<vmem>>[vector<16xi32>], vector<16xf32>,
        %gather3A_914 = arith.constant 0 : i32
        %gather3A_915 = tpu.memref_slice %arg7[%gather3A_914] : memref<64000xf32, #tpu.memory_space<vmem>> -> memref<63944xf32, #tpu.memory_space<vmem>>
        %gather3A_916 = tpu.vector_load_idx %gather3A_915[%add3A_857] : memref<63944xf32, #tpu.memory_space<vmem>>[vector<16xi32>], vector<16xf32>,
        %sub3A_917 = arith.subf %gather3A_913, %gather3A_916 : vector<16xf32>
        %mul3A_918 = arith.mulf %sub3A_917, %sub3A_917 : vector<16xf32>
        %add3A_919 = arith.addf %add3A_883, %mul3A_918 : vector<16xf32>
        %gather3A_920 = arith.constant 0 : i32
        %gather3A_921 = tpu.memref_slice %arg8[%gather3A_920] : memref<20480xf32, #tpu.memory_space<vmem>> -> memref<20424xf32, #tpu.memory_space<vmem>>
        %gather3A_922 = tpu.vector_load_idx %gather3A_921[%add3A_836] : memref<20424xf32, #tpu.memory_space<vmem>>[vector<16xi32>], vector<16xf32>,
        %gather3A_923 = arith.constant 0 : i32
        %gather3A_924 = tpu.memref_slice %arg7[%gather3A_923] : memref<64000xf32, #tpu.memory_space<vmem>> -> memref<63944xf32, #tpu.memory_space<vmem>>
        %gather3A_925 = tpu.vector_load_idx %gather3A_924[%add3A_860] : memref<63944xf32, #tpu.memory_space<vmem>>[vector<16xi32>], vector<16xf32>,
        %sub3A_926 = arith.subf %gather3A_922, %gather3A_925 : vector<16xf32>
        %mul3A_927 = arith.mulf %sub3A_926, %sub3A_926 : vector<16xf32>
        %add3A_928 = arith.addf %add3A_892, %mul3A_927 : vector<16xf32>
        %gather3A_929 = arith.constant 0 : i32
        %gather3A_930 = tpu.memref_slice %arg8[%gather3A_929] : memref<20480xf32, #tpu.memory_space<vmem>> -> memref<20424xf32, #tpu.memory_space<vmem>>
        %gather3A_931 = tpu.vector_load_idx %gather3A_930[%add3A_839] : memref<20424xf32, #tpu.memory_space<vmem>>[vector<16xi32>], vector<16xf32>,
        %gather3A_932 = arith.constant 0 : i32
        %gather3A_933 = tpu.memref_slice %arg7[%gather3A_932] : memref<64000xf32, #tpu.memory_space<vmem>> -> memref<63944xf32, #tpu.memory_space<vmem>>
        %gather3A_934 = tpu.vector_load_idx %gather3A_933[%add3A_863] : memref<63944xf32, #tpu.memory_space<vmem>>[vector<16xi32>], vector<16xf32>,
        %sub3A_935 = arith.subf %gather3A_931, %gather3A_934 : vector<16xf32>
        %mul3A_936 = arith.mulf %sub3A_935, %sub3A_935 : vector<16xf32>
        %add3A_937 = arith.addf %add3A_901, %mul3A_936 : vector<16xf32>
        %gather3A_938 = arith.constant 0 : i32
        %gather3A_939 = tpu.memref_slice %arg8[%gather3A_938] : memref<20480xf32, #tpu.memory_space<vmem>> -> memref<20424xf32, #tpu.memory_space<vmem>>
        %gather3A_940 = tpu.vector_load_idx %gather3A_939[%add3A_842] : memref<20424xf32, #tpu.memory_space<vmem>>[vector<16xi32>], vector<16xf32>,
        %gather3A_941 = arith.constant 0 : i32
        %gather3A_942 = tpu.memref_slice %arg7[%gather3A_941] : memref<64000xf32, #tpu.memory_space<vmem>> -> memref<63944xf32, #tpu.memory_space<vmem>>
        %gather3A_943 = tpu.vector_load_idx %gather3A_942[%add3A_866] : memref<63944xf32, #tpu.memory_space<vmem>>[vector<16xi32>], vector<16xf32>,
        %sub3A_944 = arith.subf %gather3A_940, %gather3A_943 : vector<16xf32>
        %mul3A_945 = arith.mulf %sub3A_944, %sub3A_944 : vector<16xf32>
        %add3A_946 = arith.addf %add3A_910, %mul3A_945 : vector<16xf32>
        %gather3A_947 = arith.constant 8 : i32
        %gather3A_948 = tpu.memref_slice %arg8[%gather3A_947] : memref<20480xf32, #tpu.memory_space<vmem>> -> memref<20424xf32, #tpu.memory_space<vmem>>
        %gather3A_949 = tpu.vector_load_idx %gather3A_948[%add3A_821] : memref<20424xf32, #tpu.memory_space<vmem>>[vector<16xi32>], vector<16xf32>,
        %gather3A_950 = arith.constant 8 : i32
        %gather3A_951 = tpu.memref_slice %arg7[%gather3A_950] : memref<64000xf32, #tpu.memory_space<vmem>> -> memref<63944xf32, #tpu.memory_space<vmem>>
        %gather3A_952 = tpu.vector_load_idx %gather3A_951[%add3A_845] : memref<63944xf32, #tpu.memory_space<vmem>>[vector<16xi32>], vector<16xf32>,
        %sub3A_953 = arith.subf %gather3A_949, %gather3A_952 : vector<16xf32>
        %mul3A_954 = arith.mulf %sub3A_953, %sub3A_953 : vector<16xf32>
        %add3A_955 = arith.addf %add3A_919, %mul3A_954 : vector<16xf32>
        %gather3A_956 = arith.constant 8 : i32
        %gather3A_957 = tpu.memref_slice %arg8[%gather3A_956] : memref<20480xf32, #tpu.memory_space<vmem>> -> memref<20424xf32, #tpu.memory_space<vmem>>
        %gather3A_958 = tpu.vector_load_idx %gather3A_957[%add3A_824] : memref<20424xf32, #tpu.memory_space<vmem>>[vector<16xi32>], vector<16xf32>,
        %gather3A_959 = arith.constant 8 : i32
        %gather3A_960 = tpu.memref_slice %arg7[%gather3A_959] : memref<64000xf32, #tpu.memory_space<vmem>> -> memref<63944xf32, #tpu.memory_space<vmem>>
        %gather3A_961 = tpu.vector_load_idx %gather3A_960[%add3A_848] : memref<63944xf32, #tpu.memory_space<vmem>>[vector<16xi32>], vector<16xf32>,
        %sub3A_962 = arith.subf %gather3A_958, %gather3A_961 : vector<16xf32>
        %mul3A_963 = arith.mulf %sub3A_962, %sub3A_962 : vector<16xf32>
        %add3A_964 = arith.addf %add3A_928, %mul3A_963 : vector<16xf32>
        %gather3A_965 = arith.constant 8 : i32
        %gather3A_966 = tpu.memref_slice %arg8[%gather3A_965] : memref<20480xf32, #tpu.memory_space<vmem>> -> memref<20424xf32, #tpu.memory_space<vmem>>
        %gather3A_967 = tpu.vector_load_idx %gather3A_966[%add3A_827] : memref<20424xf32, #tpu.memory_space<vmem>>[vector<16xi32>], vector<16xf32>,
        %gather3A_968 = arith.constant 8 : i32
        %gather3A_969 = tpu.memref_slice %arg7[%gather3A_968] : memref<64000xf32, #tpu.memory_space<vmem>> -> memref<63944xf32, #tpu.memory_space<vmem>>
        %gather3A_970 = tpu.vector_load_idx %gather3A_969[%add3A_851] : memref<63944xf32, #tpu.memory_space<vmem>>[vector<16xi32>], vector<16xf32>,
        %sub3A_971 = arith.subf %gather3A_967, %gather3A_970 : vector<16xf32>
        %mul3A_972 = arith.mulf %sub3A_971, %sub3A_971 : vector<16xf32>
        %add3A_973 = arith.addf %add3A_937, %mul3A_972 : vector<16xf32>
        %gather3A_974 = arith.constant 8 : i32
        %gather3A_975 = tpu.memref_slice %arg8[%gather3A_974] : memref<20480xf32, #tpu.memory_space<vmem>> -> memref<20424xf32, #tpu.memory_space<vmem>>
        %gather3A_976 = tpu.vector_load_idx %gather3A_975[%add3A_830] : memref<20424xf32, #tpu.memory_space<vmem>>[vector<16xi32>], vector<16xf32>,
        %gather3A_977 = arith.constant 8 : i32
        %gather3A_978 = tpu.memref_slice %arg7[%gather3A_977] : memref<64000xf32, #tpu.memory_space<vmem>> -> memref<63944xf32, #tpu.memory_space<vmem>>
        %gather3A_979 = tpu.vector_load_idx %gather3A_978[%add3A_854] : memref<63944xf32, #tpu.memory_space<vmem>>[vector<16xi32>], vector<16xf32>,
        %sub3A_980 = arith.subf %gather3A_976, %gather3A_979 : vector<16xf32>
        %mul3A_981 = arith.mulf %sub3A_980, %sub3A_980 : vector<16xf32>
        %add3A_982 = arith.addf %add3A_946, %mul3A_981 : vector<16xf32>
        %gather3A_983 = arith.constant 8 : i32
        %gather3A_984 = tpu.memref_slice %arg8[%gather3A_983] : memref<20480xf32, #tpu.memory_space<vmem>> -> memref<20424xf32, #tpu.memory_space<vmem>>
        %gather3A_985 = tpu.vector_load_idx %gather3A_984[%add3A_833] : memref<20424xf32, #tpu.memory_space<vmem>>[vector<16xi32>], vector<16xf32>,
        %gather3A_986 = arith.constant 8 : i32
        %gather3A_987 = tpu.memref_slice %arg7[%gather3A_986] : memref<64000xf32, #tpu.memory_space<vmem>> -> memref<63944xf32, #tpu.memory_space<vmem>>
        %gather3A_988 = tpu.vector_load_idx %gather3A_987[%add3A_857] : memref<63944xf32, #tpu.memory_space<vmem>>[vector<16xi32>], vector<16xf32>,
        %sub3A_989 = arith.subf %gather3A_985, %gather3A_988 : vector<16xf32>
        %mul3A_990 = arith.mulf %sub3A_989, %sub3A_989 : vector<16xf32>
        %add3A_991 = arith.addf %add3A_955, %mul3A_990 : vector<16xf32>
        %gather3A_992 = arith.constant 8 : i32
        %gather3A_993 = tpu.memref_slice %arg8[%gather3A_992] : memref<20480xf32, #tpu.memory_space<vmem>> -> memref<20424xf32, #tpu.memory_space<vmem>>
        %gather3A_994 = tpu.vector_load_idx %gather3A_993[%add3A_836] : memref<20424xf32, #tpu.memory_space<vmem>>[vector<16xi32>], vector<16xf32>,
        %gather3A_995 = arith.constant 8 : i32
        %gather3A_996 = tpu.memref_slice %arg7[%gather3A_995] : memref<64000xf32, #tpu.memory_space<vmem>> -> memref<63944xf32, #tpu.memory_space<vmem>>
        %gather3A_997 = tpu.vector_load_idx %gather3A_996[%add3A_860] : memref<63944xf32, #tpu.memory_space<vmem>>[vector<16xi32>], vector<16xf32>,
        %sub3A_998 = arith.subf %gather3A_994, %gather3A_997 : vector<16xf32>
        %mul3A_999 = arith.mulf %sub3A_998, %sub3A_998 : vector<16xf32>
        %add3A_1000 = arith.addf %add3A_964, %mul3A_999 : vector<16xf32>
        %gather3A_1001 = arith.constant 8 : i32
        %gather3A_1002 = tpu.memref_slice %arg8[%gather3A_1001] : memref<20480xf32, #tpu.memory_space<vmem>> -> memref<20424xf32, #tpu.memory_space<vmem>>
        %gather3A_1003 = tpu.vector_load_idx %gather3A_1002[%add3A_839] : memref<20424xf32, #tpu.memory_space<vmem>>[vector<16xi32>], vector<16xf32>,
        %gather3A_1004 = arith.constant 8 : i32
        %gather3A_1005 = tpu.memref_slice %arg7[%gather3A_1004] : memref<64000xf32, #tpu.memory_space<vmem>> -> memref<63944xf32, #tpu.memory_space<vmem>>
        %gather3A_1006 = tpu.vector_load_idx %gather3A_1005[%add3A_863] : memref<63944xf32, #tpu.memory_space<vmem>>[vector<16xi32>], vector<16xf32>,
        %sub3A_1007 = arith.subf %gather3A_1003, %gather3A_1006 : vector<16xf32>
        %mul3A_1008 = arith.mulf %sub3A_1007, %sub3A_1007 : vector<16xf32>
        %add3A_1009 = arith.addf %add3A_973, %mul3A_1008 : vector<16xf32>
        %gather3A_1010 = arith.constant 8 : i32
        %gather3A_1011 = tpu.memref_slice %arg8[%gather3A_1010] : memref<20480xf32, #tpu.memory_space<vmem>> -> memref<20424xf32, #tpu.memory_space<vmem>>
        %gather3A_1012 = tpu.vector_load_idx %gather3A_1011[%add3A_842] : memref<20424xf32, #tpu.memory_space<vmem>>[vector<16xi32>], vector<16xf32>,
        %gather3A_1013 = arith.constant 8 : i32
        %gather3A_1014 = tpu.memref_slice %arg7[%gather3A_1013] : memref<64000xf32, #tpu.memory_space<vmem>> -> memref<63944xf32, #tpu.memory_space<vmem>>
        %gather3A_1015 = tpu.vector_load_idx %gather3A_1014[%add3A_866] : memref<63944xf32, #tpu.memory_space<vmem>>[vector<16xi32>], vector<16xf32>,
        %sub3A_1016 = arith.subf %gather3A_1012, %gather3A_1015 : vector<16xf32>
        %mul3A_1017 = arith.mulf %sub3A_1016, %sub3A_1016 : vector<16xf32>
        %add3A_1018 = arith.addf %add3A_982, %mul3A_1017 : vector<16xf32>
        %gather3A_1019 = arith.constant 16 : i32
        %gather3A_1020 = tpu.memref_slice %arg8[%gather3A_1019] : memref<20480xf32, #tpu.memory_space<vmem>> -> memref<20424xf32, #tpu.memory_space<vmem>>
        %gather3A_1021 = tpu.vector_load_idx %gather3A_1020[%add3A_821] : memref<20424xf32, #tpu.memory_space<vmem>>[vector<16xi32>], vector<16xf32>,
        %gather3A_1022 = arith.constant 16 : i32
        %gather3A_1023 = tpu.memref_slice %arg7[%gather3A_1022] : memref<64000xf32, #tpu.memory_space<vmem>> -> memref<63944xf32, #tpu.memory_space<vmem>>
        %gather3A_1024 = tpu.vector_load_idx %gather3A_1023[%add3A_845] : memref<63944xf32, #tpu.memory_space<vmem>>[vector<16xi32>], vector<16xf32>,
        %sub3A_1025 = arith.subf %gather3A_1021, %gather3A_1024 : vector<16xf32>
        %mul3A_1026 = arith.mulf %sub3A_1025, %sub3A_1025 : vector<16xf32>
        %add3A_1027 = arith.addf %add3A_991, %mul3A_1026 : vector<16xf32>
        %gather3A_1028 = arith.constant 16 : i32
        %gather3A_1029 = tpu.memref_slice %arg8[%gather3A_1028] : memref<20480xf32, #tpu.memory_space<vmem>> -> memref<20424xf32, #tpu.memory_space<vmem>>
        %gather3A_1030 = tpu.vector_load_idx %gather3A_1029[%add3A_824] : memref<20424xf32, #tpu.memory_space<vmem>>[vector<16xi32>], vector<16xf32>,
        %gather3A_1031 = arith.constant 16 : i32
        %gather3A_1032 = tpu.memref_slice %arg7[%gather3A_1031] : memref<64000xf32, #tpu.memory_space<vmem>> -> memref<63944xf32, #tpu.memory_space<vmem>>
        %gather3A_1033 = tpu.vector_load_idx %gather3A_1032[%add3A_848] : memref<63944xf32, #tpu.memory_space<vmem>>[vector<16xi32>], vector<16xf32>,
        %sub3A_1034 = arith.subf %gather3A_1030, %gather3A_1033 : vector<16xf32>
        %mul3A_1035 = arith.mulf %sub3A_1034, %sub3A_1034 : vector<16xf32>
        %add3A_1036 = arith.addf %add3A_1000, %mul3A_1035 : vector<16xf32>
        %gather3A_1037 = arith.constant 16 : i32
        %gather3A_1038 = tpu.memref_slice %arg8[%gather3A_1037] : memref<20480xf32, #tpu.memory_space<vmem>> -> memref<20424xf32, #tpu.memory_space<vmem>>
        %gather3A_1039 = tpu.vector_load_idx %gather3A_1038[%add3A_827] : memref<20424xf32, #tpu.memory_space<vmem>>[vector<16xi32>], vector<16xf32>,
        %gather3A_1040 = arith.constant 16 : i32
        %gather3A_1041 = tpu.memref_slice %arg7[%gather3A_1040] : memref<64000xf32, #tpu.memory_space<vmem>> -> memref<63944xf32, #tpu.memory_space<vmem>>
        %gather3A_1042 = tpu.vector_load_idx %gather3A_1041[%add3A_851] : memref<63944xf32, #tpu.memory_space<vmem>>[vector<16xi32>], vector<16xf32>,
        %sub3A_1043 = arith.subf %gather3A_1039, %gather3A_1042 : vector<16xf32>
        %mul3A_1044 = arith.mulf %sub3A_1043, %sub3A_1043 : vector<16xf32>
        %add3A_1045 = arith.addf %add3A_1009, %mul3A_1044 : vector<16xf32>
        %gather3A_1046 = arith.constant 16 : i32
        %gather3A_1047 = tpu.memref_slice %arg8[%gather3A_1046] : memref<20480xf32, #tpu.memory_space<vmem>> -> memref<20424xf32, #tpu.memory_space<vmem>>
        %gather3A_1048 = tpu.vector_load_idx %gather3A_1047[%add3A_830] : memref<20424xf32, #tpu.memory_space<vmem>>[vector<16xi32>], vector<16xf32>,
        %gather3A_1049 = arith.constant 16 : i32
        %gather3A_1050 = tpu.memref_slice %arg7[%gather3A_1049] : memref<64000xf32, #tpu.memory_space<vmem>> -> memref<63944xf32, #tpu.memory_space<vmem>>
        %gather3A_1051 = tpu.vector_load_idx %gather3A_1050[%add3A_854] : memref<63944xf32, #tpu.memory_space<vmem>>[vector<16xi32>], vector<16xf32>,
        %sub3A_1052 = arith.subf %gather3A_1048, %gather3A_1051 : vector<16xf32>
        %mul3A_1053 = arith.mulf %sub3A_1052, %sub3A_1052 : vector<16xf32>
        %add3A_1054 = arith.addf %add3A_1018, %mul3A_1053 : vector<16xf32>
        %gather3A_1055 = arith.constant 16 : i32
        %gather3A_1056 = tpu.memref_slice %arg8[%gather3A_1055] : memref<20480xf32, #tpu.memory_space<vmem>> -> memref<20424xf32, #tpu.memory_space<vmem>>
        %gather3A_1057 = tpu.vector_load_idx %gather3A_1056[%add3A_833] : memref<20424xf32, #tpu.memory_space<vmem>>[vector<16xi32>], vector<16xf32>,
        %gather3A_1058 = arith.constant 16 : i32
        %gather3A_1059 = tpu.memref_slice %arg7[%gather3A_1058] : memref<64000xf32, #tpu.memory_space<vmem>> -> memref<63944xf32, #tpu.memory_space<vmem>>
        %gather3A_1060 = tpu.vector_load_idx %gather3A_1059[%add3A_857] : memref<63944xf32, #tpu.memory_space<vmem>>[vector<16xi32>], vector<16xf32>,
        %sub3A_1061 = arith.subf %gather3A_1057, %gather3A_1060 : vector<16xf32>
        %mul3A_1062 = arith.mulf %sub3A_1061, %sub3A_1061 : vector<16xf32>
        %add3A_1063 = arith.addf %add3A_1027, %mul3A_1062 : vector<16xf32>
        %gather3A_1064 = arith.constant 16 : i32
        %gather3A_1065 = tpu.memref_slice %arg8[%gather3A_1064] : memref<20480xf32, #tpu.memory_space<vmem>> -> memref<20424xf32, #tpu.memory_space<vmem>>
        %gather3A_1066 = tpu.vector_load_idx %gather3A_1065[%add3A_836] : memref<20424xf32, #tpu.memory_space<vmem>>[vector<16xi32>], vector<16xf32>,
        %gather3A_1067 = arith.constant 16 : i32
        %gather3A_1068 = tpu.memref_slice %arg7[%gather3A_1067] : memref<64000xf32, #tpu.memory_space<vmem>> -> memref<63944xf32, #tpu.memory_space<vmem>>
        %gather3A_1069 = tpu.vector_load_idx %gather3A_1068[%add3A_860] : memref<63944xf32, #tpu.memory_space<vmem>>[vector<16xi32>], vector<16xf32>,
        %sub3A_1070 = arith.subf %gather3A_1066, %gather3A_1069 : vector<16xf32>
        %mul3A_1071 = arith.mulf %sub3A_1070, %sub3A_1070 : vector<16xf32>
        %add3A_1072 = arith.addf %add3A_1036, %mul3A_1071 : vector<16xf32>
        %gather3A_1073 = arith.constant 16 : i32
        %gather3A_1074 = tpu.memref_slice %arg8[%gather3A_1073] : memref<20480xf32, #tpu.memory_space<vmem>> -> memref<20424xf32, #tpu.memory_space<vmem>>
        %gather3A_1075 = tpu.vector_load_idx %gather3A_1074[%add3A_839] : memref<20424xf32, #tpu.memory_space<vmem>>[vector<16xi32>], vector<16xf32>,
        %gather3A_1076 = arith.constant 16 : i32
        %gather3A_1077 = tpu.memref_slice %arg7[%gather3A_1076] : memref<64000xf32, #tpu.memory_space<vmem>> -> memref<63944xf32, #tpu.memory_space<vmem>>
        %gather3A_1078 = tpu.vector_load_idx %gather3A_1077[%add3A_863] : memref<63944xf32, #tpu.memory_space<vmem>>[vector<16xi32>], vector<16xf32>,
        %sub3A_1079 = arith.subf %gather3A_1075, %gather3A_1078 : vector<16xf32>
        %mul3A_1080 = arith.mulf %sub3A_1079, %sub3A_1079 : vector<16xf32>
        %add3A_1081 = arith.addf %add3A_1045, %mul3A_1080 : vector<16xf32>
        %gather3A_1082 = arith.constant 16 : i32
        %gather3A_1083 = tpu.memref_slice %arg8[%gather3A_1082] : memref<20480xf32, #tpu.memory_space<vmem>> -> memref<20424xf32, #tpu.memory_space<vmem>>
        %gather3A_1084 = tpu.vector_load_idx %gather3A_1083[%add3A_842] : memref<20424xf32, #tpu.memory_space<vmem>>[vector<16xi32>], vector<16xf32>,
        %gather3A_1085 = arith.constant 16 : i32
        %gather3A_1086 = tpu.memref_slice %arg7[%gather3A_1085] : memref<64000xf32, #tpu.memory_space<vmem>> -> memref<63944xf32, #tpu.memory_space<vmem>>
        %gather3A_1087 = tpu.vector_load_idx %gather3A_1086[%add3A_866] : memref<63944xf32, #tpu.memory_space<vmem>>[vector<16xi32>], vector<16xf32>,
        %sub3A_1088 = arith.subf %gather3A_1084, %gather3A_1087 : vector<16xf32>
        %mul3A_1089 = arith.mulf %sub3A_1088, %sub3A_1088 : vector<16xf32>
        %add3A_1090 = arith.addf %add3A_1054, %mul3A_1089 : vector<16xf32>
        %gather3A_1091 = arith.constant 24 : i32
        %gather3A_1092 = tpu.memref_slice %arg8[%gather3A_1091] : memref<20480xf32, #tpu.memory_space<vmem>> -> memref<20424xf32, #tpu.memory_space<vmem>>
        %gather3A_1093 = tpu.vector_load_idx %gather3A_1092[%add3A_821] : memref<20424xf32, #tpu.memory_space<vmem>>[vector<16xi32>], vector<16xf32>,
        %gather3A_1094 = arith.constant 24 : i32
        %gather3A_1095 = tpu.memref_slice %arg7[%gather3A_1094] : memref<64000xf32, #tpu.memory_space<vmem>> -> memref<63944xf32, #tpu.memory_space<vmem>>
        %gather3A_1096 = tpu.vector_load_idx %gather3A_1095[%add3A_845] : memref<63944xf32, #tpu.memory_space<vmem>>[vector<16xi32>], vector<16xf32>,
        %sub3A_1097 = arith.subf %gather3A_1093, %gather3A_1096 : vector<16xf32>
        %mul3A_1098 = arith.mulf %sub3A_1097, %sub3A_1097 : vector<16xf32>
        %add3A_1099 = arith.addf %add3A_1063, %mul3A_1098 : vector<16xf32>
        %gather3A_1100 = arith.constant 24 : i32
        %gather3A_1101 = tpu.memref_slice %arg8[%gather3A_1100] : memref<20480xf32, #tpu.memory_space<vmem>> -> memref<20424xf32, #tpu.memory_space<vmem>>
        %gather3A_1102 = tpu.vector_load_idx %gather3A_1101[%add3A_824] : memref<20424xf32, #tpu.memory_space<vmem>>[vector<16xi32>], vector<16xf32>,
        %gather3A_1103 = arith.constant 24 : i32
        %gather3A_1104 = tpu.memref_slice %arg7[%gather3A_1103] : memref<64000xf32, #tpu.memory_space<vmem>> -> memref<63944xf32, #tpu.memory_space<vmem>>
        %gather3A_1105 = tpu.vector_load_idx %gather3A_1104[%add3A_848] : memref<63944xf32, #tpu.memory_space<vmem>>[vector<16xi32>], vector<16xf32>,
        %sub3A_1106 = arith.subf %gather3A_1102, %gather3A_1105 : vector<16xf32>
        %mul3A_1107 = arith.mulf %sub3A_1106, %sub3A_1106 : vector<16xf32>
        %add3A_1108 = arith.addf %add3A_1072, %mul3A_1107 : vector<16xf32>
        %gather3A_1109 = arith.constant 24 : i32
        %gather3A_1110 = tpu.memref_slice %arg8[%gather3A_1109] : memref<20480xf32, #tpu.memory_space<vmem>> -> memref<20424xf32, #tpu.memory_space<vmem>>
        %gather3A_1111 = tpu.vector_load_idx %gather3A_1110[%add3A_827] : memref<20424xf32, #tpu.memory_space<vmem>>[vector<16xi32>], vector<16xf32>,
        %gather3A_1112 = arith.constant 24 : i32
        %gather3A_1113 = tpu.memref_slice %arg7[%gather3A_1112] : memref<64000xf32, #tpu.memory_space<vmem>> -> memref<63944xf32, #tpu.memory_space<vmem>>
        %gather3A_1114 = tpu.vector_load_idx %gather3A_1113[%add3A_851] : memref<63944xf32, #tpu.memory_space<vmem>>[vector<16xi32>], vector<16xf32>,
        %sub3A_1115 = arith.subf %gather3A_1111, %gather3A_1114 : vector<16xf32>
        %mul3A_1116 = arith.mulf %sub3A_1115, %sub3A_1115 : vector<16xf32>
        %add3A_1117 = arith.addf %add3A_1081, %mul3A_1116 : vector<16xf32>
        %gather3A_1118 = arith.constant 24 : i32
        %gather3A_1119 = tpu.memref_slice %arg8[%gather3A_1118] : memref<20480xf32, #tpu.memory_space<vmem>> -> memref<20424xf32, #tpu.memory_space<vmem>>
        %gather3A_1120 = tpu.vector_load_idx %gather3A_1119[%add3A_830] : memref<20424xf32, #tpu.memory_space<vmem>>[vector<16xi32>], vector<16xf32>,
        %gather3A_1121 = arith.constant 24 : i32
        %gather3A_1122 = tpu.memref_slice %arg7[%gather3A_1121] : memref<64000xf32, #tpu.memory_space<vmem>> -> memref<63944xf32, #tpu.memory_space<vmem>>
        %gather3A_1123 = tpu.vector_load_idx %gather3A_1122[%add3A_854] : memref<63944xf32, #tpu.memory_space<vmem>>[vector<16xi32>], vector<16xf32>,
        %sub3A_1124 = arith.subf %gather3A_1120, %gather3A_1123 : vector<16xf32>
        %mul3A_1125 = arith.mulf %sub3A_1124, %sub3A_1124 : vector<16xf32>
        %add3A_1126 = arith.addf %add3A_1090, %mul3A_1125 : vector<16xf32>
        %gather3A_1127 = arith.constant 24 : i32
        %gather3A_1128 = tpu.memref_slice %arg8[%gather3A_1127] : memref<20480xf32, #tpu.memory_space<vmem>> -> memref<20424xf32, #tpu.memory_space<vmem>>
        %gather3A_1129 = tpu.vector_load_idx %gather3A_1128[%add3A_833] : memref<20424xf32, #tpu.memory_space<vmem>>[vector<16xi32>], vector<16xf32>,
        %gather3A_1130 = arith.constant 24 : i32
        %gather3A_1131 = tpu.memref_slice %arg7[%gather3A_1130] : memref<64000xf32, #tpu.memory_space<vmem>> -> memref<63944xf32, #tpu.memory_space<vmem>>
        %gather3A_1132 = tpu.vector_load_idx %gather3A_1131[%add3A_857] : memref<63944xf32, #tpu.memory_space<vmem>>[vector<16xi32>], vector<16xf32>,
        %sub3A_1133 = arith.subf %gather3A_1129, %gather3A_1132 : vector<16xf32>
        %mul3A_1134 = arith.mulf %sub3A_1133, %sub3A_1133 : vector<16xf32>
        %add3A_1135 = arith.addf %add3A_1099, %mul3A_1134 : vector<16xf32>
        %gather3A_1136 = arith.constant 24 : i32
        %gather3A_1137 = tpu.memref_slice %arg8[%gather3A_1136] : memref<20480xf32, #tpu.memory_space<vmem>> -> memref<20424xf32, #tpu.memory_space<vmem>>
        %gather3A_1138 = tpu.vector_load_idx %gather3A_1137[%add3A_836] : memref<20424xf32, #tpu.memory_space<vmem>>[vector<16xi32>], vector<16xf32>,
        %gather3A_1139 = arith.constant 24 : i32
        %gather3A_1140 = tpu.memref_slice %arg7[%gather3A_1139] : memref<64000xf32, #tpu.memory_space<vmem>> -> memref<63944xf32, #tpu.memory_space<vmem>>
        %gather3A_1141 = tpu.vector_load_idx %gather3A_1140[%add3A_860] : memref<63944xf32, #tpu.memory_space<vmem>>[vector<16xi32>], vector<16xf32>,
        %sub3A_1142 = arith.subf %gather3A_1138, %gather3A_1141 : vector<16xf32>
        %mul3A_1143 = arith.mulf %sub3A_1142, %sub3A_1142 : vector<16xf32>
        %add3A_1144 = arith.addf %add3A_1108, %mul3A_1143 : vector<16xf32>
        %gather3A_1145 = arith.constant 24 : i32
        %gather3A_1146 = tpu.memref_slice %arg8[%gather3A_1145] : memref<20480xf32, #tpu.memory_space<vmem>> -> memref<20424xf32, #tpu.memory_space<vmem>>
        %gather3A_1147 = tpu.vector_load_idx %gather3A_1146[%add3A_839] : memref<20424xf32, #tpu.memory_space<vmem>>[vector<16xi32>], vector<16xf32>,
        %gather3A_1148 = arith.constant 24 : i32
        %gather3A_1149 = tpu.memref_slice %arg7[%gather3A_1148] : memref<64000xf32, #tpu.memory_space<vmem>> -> memref<63944xf32, #tpu.memory_space<vmem>>
        %gather3A_1150 = tpu.vector_load_idx %gather3A_1149[%add3A_863] : memref<63944xf32, #tpu.memory_space<vmem>>[vector<16xi32>], vector<16xf32>,
        %sub3A_1151 = arith.subf %gather3A_1147, %gather3A_1150 : vector<16xf32>
        %mul3A_1152 = arith.mulf %sub3A_1151, %sub3A_1151 : vector<16xf32>
        %add3A_1153 = arith.addf %add3A_1117, %mul3A_1152 : vector<16xf32>
        %gather3A_1154 = arith.constant 24 : i32
        %gather3A_1155 = tpu.memref_slice %arg8[%gather3A_1154] : memref<20480xf32, #tpu.memory_space<vmem>> -> memref<20424xf32, #tpu.memory_space<vmem>>
        %gather3A_1156 = tpu.vector_load_idx %gather3A_1155[%add3A_842] : memref<20424xf32, #tpu.memory_space<vmem>>[vector<16xi32>], vector<16xf32>,
        %gather3A_1157 = arith.constant 24 : i32
        %gather3A_1158 = tpu.memref_slice %arg7[%gather3A_1157] : memref<64000xf32, #tpu.memory_space<vmem>> -> memref<63944xf32, #tpu.memory_space<vmem>>
        %gather3A_1159 = tpu.vector_load_idx %gather3A_1158[%add3A_866] : memref<63944xf32, #tpu.memory_space<vmem>>[vector<16xi32>], vector<16xf32>,
        %sub3A_1160 = arith.subf %gather3A_1156, %gather3A_1159 : vector<16xf32>
        %mul3A_1161 = arith.mulf %sub3A_1160, %sub3A_1160 : vector<16xf32>
        %add3A_1162 = arith.addf %add3A_1126, %mul3A_1161 : vector<16xf32>
        %gather3A_1163 = arith.constant 32 : i32
        %gather3A_1164 = tpu.memref_slice %arg8[%gather3A_1163] : memref<20480xf32, #tpu.memory_space<vmem>> -> memref<20424xf32, #tpu.memory_space<vmem>>
        %gather3A_1165 = tpu.vector_load_idx %gather3A_1164[%add3A_821] : memref<20424xf32, #tpu.memory_space<vmem>>[vector<16xi32>], vector<16xf32>,
        %gather3A_1166 = arith.constant 32 : i32
        %gather3A_1167 = tpu.memref_slice %arg7[%gather3A_1166] : memref<64000xf32, #tpu.memory_space<vmem>> -> memref<63944xf32, #tpu.memory_space<vmem>>
        %gather3A_1168 = tpu.vector_load_idx %gather3A_1167[%add3A_845] : memref<63944xf32, #tpu.memory_space<vmem>>[vector<16xi32>], vector<16xf32>,
        %sub3A_1169 = arith.subf %gather3A_1165, %gather3A_1168 : vector<16xf32>
        %mul3A_1170 = arith.mulf %sub3A_1169, %sub3A_1169 : vector<16xf32>
        %add3A_1171 = arith.addf %add3A_1135, %mul3A_1170 : vector<16xf32>
        %gather3A_1172 = arith.constant 32 : i32
        %gather3A_1173 = tpu.memref_slice %arg8[%gather3A_1172] : memref<20480xf32, #tpu.memory_space<vmem>> -> memref<20424xf32, #tpu.memory_space<vmem>>
        %gather3A_1174 = tpu.vector_load_idx %gather3A_1173[%add3A_824] : memref<20424xf32, #tpu.memory_space<vmem>>[vector<16xi32>], vector<16xf32>,
        %gather3A_1175 = arith.constant 32 : i32
        %gather3A_1176 = tpu.memref_slice %arg7[%gather3A_1175] : memref<64000xf32, #tpu.memory_space<vmem>> -> memref<63944xf32, #tpu.memory_space<vmem>>
        %gather3A_1177 = tpu.vector_load_idx %gather3A_1176[%add3A_848] : memref<63944xf32, #tpu.memory_space<vmem>>[vector<16xi32>], vector<16xf32>,
        %sub3A_1178 = arith.subf %gather3A_1174, %gather3A_1177 : vector<16xf32>
        %mul3A_1179 = arith.mulf %sub3A_1178, %sub3A_1178 : vector<16xf32>
        %add3A_1180 = arith.addf %add3A_1144, %mul3A_1179 : vector<16xf32>
        %gather3A_1181 = arith.constant 32 : i32
        %gather3A_1182 = tpu.memref_slice %arg8[%gather3A_1181] : memref<20480xf32, #tpu.memory_space<vmem>> -> memref<20424xf32, #tpu.memory_space<vmem>>
        %gather3A_1183 = tpu.vector_load_idx %gather3A_1182[%add3A_827] : memref<20424xf32, #tpu.memory_space<vmem>>[vector<16xi32>], vector<16xf32>,
        %gather3A_1184 = arith.constant 32 : i32
        %gather3A_1185 = tpu.memref_slice %arg7[%gather3A_1184] : memref<64000xf32, #tpu.memory_space<vmem>> -> memref<63944xf32, #tpu.memory_space<vmem>>
        %gather3A_1186 = tpu.vector_load_idx %gather3A_1185[%add3A_851] : memref<63944xf32, #tpu.memory_space<vmem>>[vector<16xi32>], vector<16xf32>,
        %sub3A_1187 = arith.subf %gather3A_1183, %gather3A_1186 : vector<16xf32>
        %mul3A_1188 = arith.mulf %sub3A_1187, %sub3A_1187 : vector<16xf32>
        %add3A_1189 = arith.addf %add3A_1153, %mul3A_1188 : vector<16xf32>
        %gather3A_1190 = arith.constant 32 : i32
        %gather3A_1191 = tpu.memref_slice %arg8[%gather3A_1190] : memref<20480xf32, #tpu.memory_space<vmem>> -> memref<20424xf32, #tpu.memory_space<vmem>>
        %gather3A_1192 = tpu.vector_load_idx %gather3A_1191[%add3A_830] : memref<20424xf32, #tpu.memory_space<vmem>>[vector<16xi32>], vector<16xf32>,
        %gather3A_1193 = arith.constant 32 : i32
        %gather3A_1194 = tpu.memref_slice %arg7[%gather3A_1193] : memref<64000xf32, #tpu.memory_space<vmem>> -> memref<63944xf32, #tpu.memory_space<vmem>>
        %gather3A_1195 = tpu.vector_load_idx %gather3A_1194[%add3A_854] : memref<63944xf32, #tpu.memory_space<vmem>>[vector<16xi32>], vector<16xf32>,
        %sub3A_1196 = arith.subf %gather3A_1192, %gather3A_1195 : vector<16xf32>
        %mul3A_1197 = arith.mulf %sub3A_1196, %sub3A_1196 : vector<16xf32>
        %add3A_1198 = arith.addf %add3A_1162, %mul3A_1197 : vector<16xf32>
        %gather3A_1199 = arith.constant 32 : i32
        %gather3A_1200 = tpu.memref_slice %arg8[%gather3A_1199] : memref<20480xf32, #tpu.memory_space<vmem>> -> memref<20424xf32, #tpu.memory_space<vmem>>
        %gather3A_1201 = tpu.vector_load_idx %gather3A_1200[%add3A_833] : memref<20424xf32, #tpu.memory_space<vmem>>[vector<16xi32>], vector<16xf32>,
        %gather3A_1202 = arith.constant 32 : i32
        %gather3A_1203 = tpu.memref_slice %arg7[%gather3A_1202] : memref<64000xf32, #tpu.memory_space<vmem>> -> memref<63944xf32, #tpu.memory_space<vmem>>
        %gather3A_1204 = tpu.vector_load_idx %gather3A_1203[%add3A_857] : memref<63944xf32, #tpu.memory_space<vmem>>[vector<16xi32>], vector<16xf32>,
        %sub3A_1205 = arith.subf %gather3A_1201, %gather3A_1204 : vector<16xf32>
        %mul3A_1206 = arith.mulf %sub3A_1205, %sub3A_1205 : vector<16xf32>
        %add3A_1207 = arith.addf %add3A_1171, %mul3A_1206 : vector<16xf32>
        %gather3A_1208 = arith.constant 32 : i32
        %gather3A_1209 = tpu.memref_slice %arg8[%gather3A_1208] : memref<20480xf32, #tpu.memory_space<vmem>> -> memref<20424xf32, #tpu.memory_space<vmem>>
        %gather3A_1210 = tpu.vector_load_idx %gather3A_1209[%add3A_836] : memref<20424xf32, #tpu.memory_space<vmem>>[vector<16xi32>], vector<16xf32>,
        %gather3A_1211 = arith.constant 32 : i32
        %gather3A_1212 = tpu.memref_slice %arg7[%gather3A_1211] : memref<64000xf32, #tpu.memory_space<vmem>> -> memref<63944xf32, #tpu.memory_space<vmem>>
        %gather3A_1213 = tpu.vector_load_idx %gather3A_1212[%add3A_860] : memref<63944xf32, #tpu.memory_space<vmem>>[vector<16xi32>], vector<16xf32>,
        %sub3A_1214 = arith.subf %gather3A_1210, %gather3A_1213 : vector<16xf32>
        %mul3A_1215 = arith.mulf %sub3A_1214, %sub3A_1214 : vector<16xf32>
        %add3A_1216 = arith.addf %add3A_1180, %mul3A_1215 : vector<16xf32>
        %gather3A_1217 = arith.constant 32 : i32
        %gather3A_1218 = tpu.memref_slice %arg8[%gather3A_1217] : memref<20480xf32, #tpu.memory_space<vmem>> -> memref<20424xf32, #tpu.memory_space<vmem>>
        %gather3A_1219 = tpu.vector_load_idx %gather3A_1218[%add3A_839] : memref<20424xf32, #tpu.memory_space<vmem>>[vector<16xi32>], vector<16xf32>,
        %gather3A_1220 = arith.constant 32 : i32
        %gather3A_1221 = tpu.memref_slice %arg7[%gather3A_1220] : memref<64000xf32, #tpu.memory_space<vmem>> -> memref<63944xf32, #tpu.memory_space<vmem>>
        %gather3A_1222 = tpu.vector_load_idx %gather3A_1221[%add3A_863] : memref<63944xf32, #tpu.memory_space<vmem>>[vector<16xi32>], vector<16xf32>,
        %sub3A_1223 = arith.subf %gather3A_1219, %gather3A_1222 : vector<16xf32>
        %mul3A_1224 = arith.mulf %sub3A_1223, %sub3A_1223 : vector<16xf32>
        %add3A_1225 = arith.addf %add3A_1189, %mul3A_1224 : vector<16xf32>
        %gather3A_1226 = arith.constant 32 : i32
        %gather3A_1227 = tpu.memref_slice %arg8[%gather3A_1226] : memref<20480xf32, #tpu.memory_space<vmem>> -> memref<20424xf32, #tpu.memory_space<vmem>>
        %gather3A_1228 = tpu.vector_load_idx %gather3A_1227[%add3A_842] : memref<20424xf32, #tpu.memory_space<vmem>>[vector<16xi32>], vector<16xf32>,
        %gather3A_1229 = arith.constant 32 : i32
        %gather3A_1230 = tpu.memref_slice %arg7[%gather3A_1229] : memref<64000xf32, #tpu.memory_space<vmem>> -> memref<63944xf32, #tpu.memory_space<vmem>>
        %gather3A_1231 = tpu.vector_load_idx %gather3A_1230[%add3A_866] : memref<63944xf32, #tpu.memory_space<vmem>>[vector<16xi32>], vector<16xf32>,
        %sub3A_1232 = arith.subf %gather3A_1228, %gather3A_1231 : vector<16xf32>
        %mul3A_1233 = arith.mulf %sub3A_1232, %sub3A_1232 : vector<16xf32>
        %add3A_1234 = arith.addf %add3A_1198, %mul3A_1233 : vector<16xf32>
        %gather3A_1235 = arith.constant 40 : i32
        %gather3A_1236 = tpu.memref_slice %arg8[%gather3A_1235] : memref<20480xf32, #tpu.memory_space<vmem>> -> memref<20424xf32, #tpu.memory_space<vmem>>
        %gather3A_1237 = tpu.vector_load_idx %gather3A_1236[%add3A_821] : memref<20424xf32, #tpu.memory_space<vmem>>[vector<16xi32>], vector<16xf32>,
        %gather3A_1238 = arith.constant 40 : i32
        %gather3A_1239 = tpu.memref_slice %arg7[%gather3A_1238] : memref<64000xf32, #tpu.memory_space<vmem>> -> memref<63944xf32, #tpu.memory_space<vmem>>
        %gather3A_1240 = tpu.vector_load_idx %gather3A_1239[%add3A_845] : memref<63944xf32, #tpu.memory_space<vmem>>[vector<16xi32>], vector<16xf32>,
        %sub3A_1241 = arith.subf %gather3A_1237, %gather3A_1240 : vector<16xf32>
        %mul3A_1242 = arith.mulf %sub3A_1241, %sub3A_1241 : vector<16xf32>
        %add3A_1243 = arith.addf %add3A_1207, %mul3A_1242 : vector<16xf32>
        %gather3A_1244 = arith.constant 40 : i32
        %gather3A_1245 = tpu.memref_slice %arg8[%gather3A_1244] : memref<20480xf32, #tpu.memory_space<vmem>> -> memref<20424xf32, #tpu.memory_space<vmem>>
        %gather3A_1246 = tpu.vector_load_idx %gather3A_1245[%add3A_824] : memref<20424xf32, #tpu.memory_space<vmem>>[vector<16xi32>], vector<16xf32>,
        %gather3A_1247 = arith.constant 40 : i32
        %gather3A_1248 = tpu.memref_slice %arg7[%gather3A_1247] : memref<64000xf32, #tpu.memory_space<vmem>> -> memref<63944xf32, #tpu.memory_space<vmem>>
        %gather3A_1249 = tpu.vector_load_idx %gather3A_1248[%add3A_848] : memref<63944xf32, #tpu.memory_space<vmem>>[vector<16xi32>], vector<16xf32>,
        %sub3A_1250 = arith.subf %gather3A_1246, %gather3A_1249 : vector<16xf32>
        %mul3A_1251 = arith.mulf %sub3A_1250, %sub3A_1250 : vector<16xf32>
        %add3A_1252 = arith.addf %add3A_1216, %mul3A_1251 : vector<16xf32>
        %gather3A_1253 = arith.constant 40 : i32
        %gather3A_1254 = tpu.memref_slice %arg8[%gather3A_1253] : memref<20480xf32, #tpu.memory_space<vmem>> -> memref<20424xf32, #tpu.memory_space<vmem>>
        %gather3A_1255 = tpu.vector_load_idx %gather3A_1254[%add3A_827] : memref<20424xf32, #tpu.memory_space<vmem>>[vector<16xi32>], vector<16xf32>,
        %gather3A_1256 = arith.constant 40 : i32
        %gather3A_1257 = tpu.memref_slice %arg7[%gather3A_1256] : memref<64000xf32, #tpu.memory_space<vmem>> -> memref<63944xf32, #tpu.memory_space<vmem>>
        %gather3A_1258 = tpu.vector_load_idx %gather3A_1257[%add3A_851] : memref<63944xf32, #tpu.memory_space<vmem>>[vector<16xi32>], vector<16xf32>,
        %sub3A_1259 = arith.subf %gather3A_1255, %gather3A_1258 : vector<16xf32>
        %mul3A_1260 = arith.mulf %sub3A_1259, %sub3A_1259 : vector<16xf32>
        %add3A_1261 = arith.addf %add3A_1225, %mul3A_1260 : vector<16xf32>
        %gather3A_1262 = arith.constant 40 : i32
        %gather3A_1263 = tpu.memref_slice %arg8[%gather3A_1262] : memref<20480xf32, #tpu.memory_space<vmem>> -> memref<20424xf32, #tpu.memory_space<vmem>>
        %gather3A_1264 = tpu.vector_load_idx %gather3A_1263[%add3A_830] : memref<20424xf32, #tpu.memory_space<vmem>>[vector<16xi32>], vector<16xf32>,
        %gather3A_1265 = arith.constant 40 : i32
        %gather3A_1266 = tpu.memref_slice %arg7[%gather3A_1265] : memref<64000xf32, #tpu.memory_space<vmem>> -> memref<63944xf32, #tpu.memory_space<vmem>>
        %gather3A_1267 = tpu.vector_load_idx %gather3A_1266[%add3A_854] : memref<63944xf32, #tpu.memory_space<vmem>>[vector<16xi32>], vector<16xf32>,
        %sub3A_1268 = arith.subf %gather3A_1264, %gather3A_1267 : vector<16xf32>
        %mul3A_1269 = arith.mulf %sub3A_1268, %sub3A_1268 : vector<16xf32>
        %add3A_1270 = arith.addf %add3A_1234, %mul3A_1269 : vector<16xf32>
        %gather3A_1271 = arith.constant 40 : i32
        %gather3A_1272 = tpu.memref_slice %arg8[%gather3A_1271] : memref<20480xf32, #tpu.memory_space<vmem>> -> memref<20424xf32, #tpu.memory_space<vmem>>
        %gather3A_1273 = tpu.vector_load_idx %gather3A_1272[%add3A_833] : memref<20424xf32, #tpu.memory_space<vmem>>[vector<16xi32>], vector<16xf32>,
        %gather3A_1274 = arith.constant 40 : i32
        %gather3A_1275 = tpu.memref_slice %arg7[%gather3A_1274] : memref<64000xf32, #tpu.memory_space<vmem>> -> memref<63944xf32, #tpu.memory_space<vmem>>
        %gather3A_1276 = tpu.vector_load_idx %gather3A_1275[%add3A_857] : memref<63944xf32, #tpu.memory_space<vmem>>[vector<16xi32>], vector<16xf32>,
        %sub3A_1277 = arith.subf %gather3A_1273, %gather3A_1276 : vector<16xf32>
        %mul3A_1278 = arith.mulf %sub3A_1277, %sub3A_1277 : vector<16xf32>
        %add3A_1279 = arith.addf %add3A_1243, %mul3A_1278 : vector<16xf32>
        %gather3A_1280 = arith.constant 40 : i32
        %gather3A_1281 = tpu.memref_slice %arg8[%gather3A_1280] : memref<20480xf32, #tpu.memory_space<vmem>> -> memref<20424xf32, #tpu.memory_space<vmem>>
        %gather3A_1282 = tpu.vector_load_idx %gather3A_1281[%add3A_836] : memref<20424xf32, #tpu.memory_space<vmem>>[vector<16xi32>], vector<16xf32>,
        %gather3A_1283 = arith.constant 40 : i32
        %gather3A_1284 = tpu.memref_slice %arg7[%gather3A_1283] : memref<64000xf32, #tpu.memory_space<vmem>> -> memref<63944xf32, #tpu.memory_space<vmem>>
        %gather3A_1285 = tpu.vector_load_idx %gather3A_1284[%add3A_860] : memref<63944xf32, #tpu.memory_space<vmem>>[vector<16xi32>], vector<16xf32>,
        %sub3A_1286 = arith.subf %gather3A_1282, %gather3A_1285 : vector<16xf32>
        %mul3A_1287 = arith.mulf %sub3A_1286, %sub3A_1286 : vector<16xf32>
        %add3A_1288 = arith.addf %add3A_1252, %mul3A_1287 : vector<16xf32>
        %gather3A_1289 = arith.constant 40 : i32
        %gather3A_1290 = tpu.memref_slice %arg8[%gather3A_1289] : memref<20480xf32, #tpu.memory_space<vmem>> -> memref<20424xf32, #tpu.memory_space<vmem>>
        %gather3A_1291 = tpu.vector_load_idx %gather3A_1290[%add3A_839] : memref<20424xf32, #tpu.memory_space<vmem>>[vector<16xi32>], vector<16xf32>,
        %gather3A_1292 = arith.constant 40 : i32
        %gather3A_1293 = tpu.memref_slice %arg7[%gather3A_1292] : memref<64000xf32, #tpu.memory_space<vmem>> -> memref<63944xf32, #tpu.memory_space<vmem>>
        %gather3A_1294 = tpu.vector_load_idx %gather3A_1293[%add3A_863] : memref<63944xf32, #tpu.memory_space<vmem>>[vector<16xi32>], vector<16xf32>,
        %sub3A_1295 = arith.subf %gather3A_1291, %gather3A_1294 : vector<16xf32>
        %mul3A_1296 = arith.mulf %sub3A_1295, %sub3A_1295 : vector<16xf32>
        %add3A_1297 = arith.addf %add3A_1261, %mul3A_1296 : vector<16xf32>
        %gather3A_1298 = arith.constant 40 : i32
        %gather3A_1299 = tpu.memref_slice %arg8[%gather3A_1298] : memref<20480xf32, #tpu.memory_space<vmem>> -> memref<20424xf32, #tpu.memory_space<vmem>>
        %gather3A_1300 = tpu.vector_load_idx %gather3A_1299[%add3A_842] : memref<20424xf32, #tpu.memory_space<vmem>>[vector<16xi32>], vector<16xf32>,
        %gather3A_1301 = arith.constant 40 : i32
        %gather3A_1302 = tpu.memref_slice %arg7[%gather3A_1301] : memref<64000xf32, #tpu.memory_space<vmem>> -> memref<63944xf32, #tpu.memory_space<vmem>>
        %gather3A_1303 = tpu.vector_load_idx %gather3A_1302[%add3A_866] : memref<63944xf32, #tpu.memory_space<vmem>>[vector<16xi32>], vector<16xf32>,
        %sub3A_1304 = arith.subf %gather3A_1300, %gather3A_1303 : vector<16xf32>
        %mul3A_1305 = arith.mulf %sub3A_1304, %sub3A_1304 : vector<16xf32>
        %add3A_1306 = arith.addf %add3A_1270, %mul3A_1305 : vector<16xf32>
        %gather3A_1307 = arith.constant 48 : i32
        %gather3A_1308 = tpu.memref_slice %arg8[%gather3A_1307] : memref<20480xf32, #tpu.memory_space<vmem>> -> memref<20424xf32, #tpu.memory_space<vmem>>
        %gather3A_1309 = tpu.vector_load_idx %gather3A_1308[%add3A_821] : memref<20424xf32, #tpu.memory_space<vmem>>[vector<16xi32>], vector<16xf32>,
        %gather3A_1310 = arith.constant 48 : i32
        %gather3A_1311 = tpu.memref_slice %arg7[%gather3A_1310] : memref<64000xf32, #tpu.memory_space<vmem>> -> memref<63944xf32, #tpu.memory_space<vmem>>
        %gather3A_1312 = tpu.vector_load_idx %gather3A_1311[%add3A_845] : memref<63944xf32, #tpu.memory_space<vmem>>[vector<16xi32>], vector<16xf32>,
        %sub3A_1313 = arith.subf %gather3A_1309, %gather3A_1312 : vector<16xf32>
        %mul3A_1314 = arith.mulf %sub3A_1313, %sub3A_1313 : vector<16xf32>
        %add3A_1315 = arith.addf %add3A_1279, %mul3A_1314 : vector<16xf32>
        %gather3A_1316 = arith.constant 48 : i32
        %gather3A_1317 = tpu.memref_slice %arg8[%gather3A_1316] : memref<20480xf32, #tpu.memory_space<vmem>> -> memref<20424xf32, #tpu.memory_space<vmem>>
        %gather3A_1318 = tpu.vector_load_idx %gather3A_1317[%add3A_824] : memref<20424xf32, #tpu.memory_space<vmem>>[vector<16xi32>], vector<16xf32>,
        %gather3A_1319 = arith.constant 48 : i32
        %gather3A_1320 = tpu.memref_slice %arg7[%gather3A_1319] : memref<64000xf32, #tpu.memory_space<vmem>> -> memref<63944xf32, #tpu.memory_space<vmem>>
        %gather3A_1321 = tpu.vector_load_idx %gather3A_1320[%add3A_848] : memref<63944xf32, #tpu.memory_space<vmem>>[vector<16xi32>], vector<16xf32>,
        %sub3A_1322 = arith.subf %gather3A_1318, %gather3A_1321 : vector<16xf32>
        %mul3A_1323 = arith.mulf %sub3A_1322, %sub3A_1322 : vector<16xf32>
        %add3A_1324 = arith.addf %add3A_1288, %mul3A_1323 : vector<16xf32>
        %gather3A_1325 = arith.constant 48 : i32
        %gather3A_1326 = tpu.memref_slice %arg8[%gather3A_1325] : memref<20480xf32, #tpu.memory_space<vmem>> -> memref<20424xf32, #tpu.memory_space<vmem>>
        %gather3A_1327 = tpu.vector_load_idx %gather3A_1326[%add3A_827] : memref<20424xf32, #tpu.memory_space<vmem>>[vector<16xi32>], vector<16xf32>,
        %gather3A_1328 = arith.constant 48 : i32
        %gather3A_1329 = tpu.memref_slice %arg7[%gather3A_1328] : memref<64000xf32, #tpu.memory_space<vmem>> -> memref<63944xf32, #tpu.memory_space<vmem>>
        %gather3A_1330 = tpu.vector_load_idx %gather3A_1329[%add3A_851] : memref<63944xf32, #tpu.memory_space<vmem>>[vector<16xi32>], vector<16xf32>,
        %sub3A_1331 = arith.subf %gather3A_1327, %gather3A_1330 : vector<16xf32>
        %mul3A_1332 = arith.mulf %sub3A_1331, %sub3A_1331 : vector<16xf32>
        %add3A_1333 = arith.addf %add3A_1297, %mul3A_1332 : vector<16xf32>
        %gather3A_1334 = arith.constant 48 : i32
        %gather3A_1335 = tpu.memref_slice %arg8[%gather3A_1334] : memref<20480xf32, #tpu.memory_space<vmem>> -> memref<20424xf32, #tpu.memory_space<vmem>>
        %gather3A_1336 = tpu.vector_load_idx %gather3A_1335[%add3A_830] : memref<20424xf32, #tpu.memory_space<vmem>>[vector<16xi32>], vector<16xf32>,
        %gather3A_1337 = arith.constant 48 : i32
        %gather3A_1338 = tpu.memref_slice %arg7[%gather3A_1337] : memref<64000xf32, #tpu.memory_space<vmem>> -> memref<63944xf32, #tpu.memory_space<vmem>>
        %gather3A_1339 = tpu.vector_load_idx %gather3A_1338[%add3A_854] : memref<63944xf32, #tpu.memory_space<vmem>>[vector<16xi32>], vector<16xf32>,
        %sub3A_1340 = arith.subf %gather3A_1336, %gather3A_1339 : vector<16xf32>
        %mul3A_1341 = arith.mulf %sub3A_1340, %sub3A_1340 : vector<16xf32>
        %add3A_1342 = arith.addf %add3A_1306, %mul3A_1341 : vector<16xf32>
        %gather3A_1343 = arith.constant 48 : i32
        %gather3A_1344 = tpu.memref_slice %arg8[%gather3A_1343] : memref<20480xf32, #tpu.memory_space<vmem>> -> memref<20424xf32, #tpu.memory_space<vmem>>
        %gather3A_1345 = tpu.vector_load_idx %gather3A_1344[%add3A_833] : memref<20424xf32, #tpu.memory_space<vmem>>[vector<16xi32>], vector<16xf32>,
        %gather3A_1346 = arith.constant 48 : i32
        %gather3A_1347 = tpu.memref_slice %arg7[%gather3A_1346] : memref<64000xf32, #tpu.memory_space<vmem>> -> memref<63944xf32, #tpu.memory_space<vmem>>
        %gather3A_1348 = tpu.vector_load_idx %gather3A_1347[%add3A_857] : memref<63944xf32, #tpu.memory_space<vmem>>[vector<16xi32>], vector<16xf32>,
        %sub3A_1349 = arith.subf %gather3A_1345, %gather3A_1348 : vector<16xf32>
        %mul3A_1350 = arith.mulf %sub3A_1349, %sub3A_1349 : vector<16xf32>
        %add3A_1351 = arith.addf %add3A_1315, %mul3A_1350 : vector<16xf32>
        %gather3A_1352 = arith.constant 48 : i32
        %gather3A_1353 = tpu.memref_slice %arg8[%gather3A_1352] : memref<20480xf32, #tpu.memory_space<vmem>> -> memref<20424xf32, #tpu.memory_space<vmem>>
        %gather3A_1354 = tpu.vector_load_idx %gather3A_1353[%add3A_836] : memref<20424xf32, #tpu.memory_space<vmem>>[vector<16xi32>], vector<16xf32>,
        %gather3A_1355 = arith.constant 48 : i32
        %gather3A_1356 = tpu.memref_slice %arg7[%gather3A_1355] : memref<64000xf32, #tpu.memory_space<vmem>> -> memref<63944xf32, #tpu.memory_space<vmem>>
        %gather3A_1357 = tpu.vector_load_idx %gather3A_1356[%add3A_860] : memref<63944xf32, #tpu.memory_space<vmem>>[vector<16xi32>], vector<16xf32>,
        %sub3A_1358 = arith.subf %gather3A_1354, %gather3A_1357 : vector<16xf32>
        %mul3A_1359 = arith.mulf %sub3A_1358, %sub3A_1358 : vector<16xf32>
        %add3A_1360 = arith.addf %add3A_1324, %mul3A_1359 : vector<16xf32>
        %gather3A_1361 = arith.constant 48 : i32
        %gather3A_1362 = tpu.memref_slice %arg8[%gather3A_1361] : memref<20480xf32, #tpu.memory_space<vmem>> -> memref<20424xf32, #tpu.memory_space<vmem>>
        %gather3A_1363 = tpu.vector_load_idx %gather3A_1362[%add3A_839] : memref<20424xf32, #tpu.memory_space<vmem>>[vector<16xi32>], vector<16xf32>,
        %gather3A_1364 = arith.constant 48 : i32
        %gather3A_1365 = tpu.memref_slice %arg7[%gather3A_1364] : memref<64000xf32, #tpu.memory_space<vmem>> -> memref<63944xf32, #tpu.memory_space<vmem>>
        %gather3A_1366 = tpu.vector_load_idx %gather3A_1365[%add3A_863] : memref<63944xf32, #tpu.memory_space<vmem>>[vector<16xi32>], vector<16xf32>,
        %sub3A_1367 = arith.subf %gather3A_1363, %gather3A_1366 : vector<16xf32>
        %mul3A_1368 = arith.mulf %sub3A_1367, %sub3A_1367 : vector<16xf32>
        %add3A_1369 = arith.addf %add3A_1333, %mul3A_1368 : vector<16xf32>
        %gather3A_1370 = arith.constant 48 : i32
        %gather3A_1371 = tpu.memref_slice %arg8[%gather3A_1370] : memref<20480xf32, #tpu.memory_space<vmem>> -> memref<20424xf32, #tpu.memory_space<vmem>>
        %gather3A_1372 = tpu.vector_load_idx %gather3A_1371[%add3A_842] : memref<20424xf32, #tpu.memory_space<vmem>>[vector<16xi32>], vector<16xf32>,
        %gather3A_1373 = arith.constant 48 : i32
        %gather3A_1374 = tpu.memref_slice %arg7[%gather3A_1373] : memref<64000xf32, #tpu.memory_space<vmem>> -> memref<63944xf32, #tpu.memory_space<vmem>>
        %gather3A_1375 = tpu.vector_load_idx %gather3A_1374[%add3A_866] : memref<63944xf32, #tpu.memory_space<vmem>>[vector<16xi32>], vector<16xf32>,
        %sub3A_1376 = arith.subf %gather3A_1372, %gather3A_1375 : vector<16xf32>
        %mul3A_1377 = arith.mulf %sub3A_1376, %sub3A_1376 : vector<16xf32>
        %add3A_1378 = arith.addf %add3A_1342, %mul3A_1377 : vector<16xf32>
        %gather3A_1379 = arith.constant 56 : i32
        %gather3A_1380 = tpu.memref_slice %arg8[%gather3A_1379] : memref<20480xf32, #tpu.memory_space<vmem>> -> memref<20424xf32, #tpu.memory_space<vmem>>
        %gather3A_1381 = tpu.vector_load_idx %gather3A_1380[%add3A_821] : memref<20424xf32, #tpu.memory_space<vmem>>[vector<16xi32>], vector<16xf32>,
        %gather3A_1382 = arith.constant 56 : i32
        %gather3A_1383 = tpu.memref_slice %arg7[%gather3A_1382] : memref<64000xf32, #tpu.memory_space<vmem>> -> memref<63944xf32, #tpu.memory_space<vmem>>
        %gather3A_1384 = tpu.vector_load_idx %gather3A_1383[%add3A_845] : memref<63944xf32, #tpu.memory_space<vmem>>[vector<16xi32>], vector<16xf32>,
        %sub3A_1385 = arith.subf %gather3A_1381, %gather3A_1384 : vector<16xf32>
        %mul3A_1386 = arith.mulf %sub3A_1385, %sub3A_1385 : vector<16xf32>
        %add3A_1387 = arith.addf %add3A_1351, %mul3A_1386 : vector<16xf32>
        %gather3A_1388 = arith.constant 56 : i32
        %gather3A_1389 = tpu.memref_slice %arg8[%gather3A_1388] : memref<20480xf32, #tpu.memory_space<vmem>> -> memref<20424xf32, #tpu.memory_space<vmem>>
        %gather3A_1390 = tpu.vector_load_idx %gather3A_1389[%add3A_824] : memref<20424xf32, #tpu.memory_space<vmem>>[vector<16xi32>], vector<16xf32>,
        %gather3A_1391 = arith.constant 56 : i32
        %gather3A_1392 = tpu.memref_slice %arg7[%gather3A_1391] : memref<64000xf32, #tpu.memory_space<vmem>> -> memref<63944xf32, #tpu.memory_space<vmem>>
        %gather3A_1393 = tpu.vector_load_idx %gather3A_1392[%add3A_848] : memref<63944xf32, #tpu.memory_space<vmem>>[vector<16xi32>], vector<16xf32>,
        %sub3A_1394 = arith.subf %gather3A_1390, %gather3A_1393 : vector<16xf32>
        %mul3A_1395 = arith.mulf %sub3A_1394, %sub3A_1394 : vector<16xf32>
        %add3A_1396 = arith.addf %add3A_1360, %mul3A_1395 : vector<16xf32>
        %gather3A_1397 = arith.constant 56 : i32
        %gather3A_1398 = tpu.memref_slice %arg8[%gather3A_1397] : memref<20480xf32, #tpu.memory_space<vmem>> -> memref<20424xf32, #tpu.memory_space<vmem>>
        %gather3A_1399 = tpu.vector_load_idx %gather3A_1398[%add3A_827] : memref<20424xf32, #tpu.memory_space<vmem>>[vector<16xi32>], vector<16xf32>,
        %gather3A_1400 = arith.constant 56 : i32
        %gather3A_1401 = tpu.memref_slice %arg7[%gather3A_1400] : memref<64000xf32, #tpu.memory_space<vmem>> -> memref<63944xf32, #tpu.memory_space<vmem>>
        %gather3A_1402 = tpu.vector_load_idx %gather3A_1401[%add3A_851] : memref<63944xf32, #tpu.memory_space<vmem>>[vector<16xi32>], vector<16xf32>,
        %sub3A_1403 = arith.subf %gather3A_1399, %gather3A_1402 : vector<16xf32>
        %mul3A_1404 = arith.mulf %sub3A_1403, %sub3A_1403 : vector<16xf32>
        %add3A_1405 = arith.addf %add3A_1369, %mul3A_1404 : vector<16xf32>
        %gather3A_1406 = arith.constant 56 : i32
        %gather3A_1407 = tpu.memref_slice %arg8[%gather3A_1406] : memref<20480xf32, #tpu.memory_space<vmem>> -> memref<20424xf32, #tpu.memory_space<vmem>>
        %gather3A_1408 = tpu.vector_load_idx %gather3A_1407[%add3A_830] : memref<20424xf32, #tpu.memory_space<vmem>>[vector<16xi32>], vector<16xf32>,
        %gather3A_1409 = arith.constant 56 : i32
        %gather3A_1410 = tpu.memref_slice %arg7[%gather3A_1409] : memref<64000xf32, #tpu.memory_space<vmem>> -> memref<63944xf32, #tpu.memory_space<vmem>>
        %gather3A_1411 = tpu.vector_load_idx %gather3A_1410[%add3A_854] : memref<63944xf32, #tpu.memory_space<vmem>>[vector<16xi32>], vector<16xf32>,
        %sub3A_1412 = arith.subf %gather3A_1408, %gather3A_1411 : vector<16xf32>
        %mul3A_1413 = arith.mulf %sub3A_1412, %sub3A_1412 : vector<16xf32>
        %add3A_1414 = arith.addf %add3A_1378, %mul3A_1413 : vector<16xf32>
        %gather3A_1415 = arith.constant 56 : i32
        %gather3A_1416 = tpu.memref_slice %arg8[%gather3A_1415] : memref<20480xf32, #tpu.memory_space<vmem>> -> memref<20424xf32, #tpu.memory_space<vmem>>
        %gather3A_1417 = tpu.vector_load_idx %gather3A_1416[%add3A_833] : memref<20424xf32, #tpu.memory_space<vmem>>[vector<16xi32>], vector<16xf32>,
        %gather3A_1418 = arith.constant 56 : i32
        %gather3A_1419 = tpu.memref_slice %arg7[%gather3A_1418] : memref<64000xf32, #tpu.memory_space<vmem>> -> memref<63944xf32, #tpu.memory_space<vmem>>
        %gather3A_1420 = tpu.vector_load_idx %gather3A_1419[%add3A_857] : memref<63944xf32, #tpu.memory_space<vmem>>[vector<16xi32>], vector<16xf32>,
        %sub3A_1421 = arith.subf %gather3A_1417, %gather3A_1420 : vector<16xf32>
        %mul3A_1422 = arith.mulf %sub3A_1421, %sub3A_1421 : vector<16xf32>
        %add3A_1423 = arith.addf %add3A_1387, %mul3A_1422 : vector<16xf32>
        %gather3A_1424 = arith.constant 56 : i32
        %gather3A_1425 = tpu.memref_slice %arg8[%gather3A_1424] : memref<20480xf32, #tpu.memory_space<vmem>> -> memref<20424xf32, #tpu.memory_space<vmem>>
        %gather3A_1426 = tpu.vector_load_idx %gather3A_1425[%add3A_836] : memref<20424xf32, #tpu.memory_space<vmem>>[vector<16xi32>], vector<16xf32>,
        %gather3A_1427 = arith.constant 56 : i32
        %gather3A_1428 = tpu.memref_slice %arg7[%gather3A_1427] : memref<64000xf32, #tpu.memory_space<vmem>> -> memref<63944xf32, #tpu.memory_space<vmem>>
        %gather3A_1429 = tpu.vector_load_idx %gather3A_1428[%add3A_860] : memref<63944xf32, #tpu.memory_space<vmem>>[vector<16xi32>], vector<16xf32>,
        %sub3A_1430 = arith.subf %gather3A_1426, %gather3A_1429 : vector<16xf32>
        %mul3A_1431 = arith.mulf %sub3A_1430, %sub3A_1430 : vector<16xf32>
        %add3A_1432 = arith.addf %add3A_1396, %mul3A_1431 : vector<16xf32>
        %gather3A_1433 = arith.constant 56 : i32
        %gather3A_1434 = tpu.memref_slice %arg8[%gather3A_1433] : memref<20480xf32, #tpu.memory_space<vmem>> -> memref<20424xf32, #tpu.memory_space<vmem>>
        %gather3A_1435 = tpu.vector_load_idx %gather3A_1434[%add3A_839] : memref<20424xf32, #tpu.memory_space<vmem>>[vector<16xi32>], vector<16xf32>,
        %gather3A_1436 = arith.constant 56 : i32
        %gather3A_1437 = tpu.memref_slice %arg7[%gather3A_1436] : memref<64000xf32, #tpu.memory_space<vmem>> -> memref<63944xf32, #tpu.memory_space<vmem>>
        %gather3A_1438 = tpu.vector_load_idx %gather3A_1437[%add3A_863] : memref<63944xf32, #tpu.memory_space<vmem>>[vector<16xi32>], vector<16xf32>,
        %sub3A_1439 = arith.subf %gather3A_1435, %gather3A_1438 : vector<16xf32>
        %mul3A_1440 = arith.mulf %sub3A_1439, %sub3A_1439 : vector<16xf32>
        %add3A_1441 = arith.addf %add3A_1405, %mul3A_1440 : vector<16xf32>
        %gather3A_1442 = arith.constant 56 : i32
        %gather3A_1443 = tpu.memref_slice %arg8[%gather3A_1442] : memref<20480xf32, #tpu.memory_space<vmem>> -> memref<20424xf32, #tpu.memory_space<vmem>>
        %gather3A_1444 = tpu.vector_load_idx %gather3A_1443[%add3A_842] : memref<20424xf32, #tpu.memory_space<vmem>>[vector<16xi32>], vector<16xf32>,
        %gather3A_1445 = arith.constant 56 : i32
        %gather3A_1446 = tpu.memref_slice %arg7[%gather3A_1445] : memref<64000xf32, #tpu.memory_space<vmem>> -> memref<63944xf32, #tpu.memory_space<vmem>>
        %gather3A_1447 = tpu.vector_load_idx %gather3A_1446[%add3A_866] : memref<63944xf32, #tpu.memory_space<vmem>>[vector<16xi32>], vector<16xf32>,
        %sub3A_1448 = arith.subf %gather3A_1444, %gather3A_1447 : vector<16xf32>
        %mul3A_1449 = arith.mulf %sub3A_1448, %sub3A_1448 : vector<16xf32>
        %add3A_1450 = arith.addf %add3A_1414, %mul3A_1449 : vector<16xf32>
        %add3A_1451 = arith.addf %add3A_1423, %add3A_1432 : vector<16xf32>
        %add3A_1452 = arith.addf %add3A_1441, %add3A_1450 : vector<16xf32>
        %add3A_1453 = arith.addf %add3A_1451, %add3A_1452 : vector<16xf32>
        %bitcast3A_1454 = vector.bitcast %add3A_1453 : vector<16xf32> to vector<16xi32>
        %shift_right_logical3A_1455 = arith.constant 1 : i32
        %shift_right_logical3A_1456 = vector.broadcast %shift_right_logical3A_1455 : i32 to vector<16xi32>
        %shift_right_logical3A_1457 = arith.shrui %bitcast3A_1454, %shift_right_logical3A_1456 : vector<16xi32>
        %sub3A_1458 = arith.constant 1597463007 : i32
        %sub3A_1459 = vector.broadcast %sub3A_1458 : i32 to vector<16xi32>
        %sub3A_1460 = arith.subi %sub3A_1459, %shift_right_logical3A_1457 : vector<16xi32>
        %bitcast3A_1461 = vector.bitcast %sub3A_1460 : vector<16xi32> to vector<16xf32>
        %mul3A_1462 = arith.constant 5.000000e-01 : f32
        %mul3A_1463 = vector.broadcast %mul3A_1462 : f32 to vector<16xf32>
        %mul3A_1464 = arith.mulf %mul3A_1463, %add3A_1453 : vector<16xf32>
        %mul3A_1465 = arith.mulf %mul3A_1464, %bitcast3A_1461 : vector<16xf32>
        %mul3A_1466 = arith.mulf %mul3A_1465, %bitcast3A_1461 : vector<16xf32>
        %sub3A_1467 = arith.constant 1.500000e+00 : f32
        %sub3A_1468 = vector.broadcast %sub3A_1467 : f32 to vector<16xf32>
        %sub3A_1469 = arith.subf %sub3A_1468, %mul3A_1466 : vector<16xf32>
        %mul3A_1470 = arith.mulf %bitcast3A_1461, %sub3A_1469 : vector<16xf32>
        %mul3A_1471 = arith.mulf %mul3A_1464, %mul3A_1470 : vector<16xf32>
        %mul3A_1472 = arith.mulf %mul3A_1471, %mul3A_1470 : vector<16xf32>
        %sub3A_1473 = arith.constant 1.500000e+00 : f32
        %sub3A_1474 = vector.broadcast %sub3A_1473 : f32 to vector<16xf32>
        %sub3A_1475 = arith.subf %sub3A_1474, %mul3A_1472 : vector<16xf32>
        %mul3A_1476 = arith.mulf %mul3A_1470, %sub3A_1475 : vector<16xf32>
        %mul3A_1477 = arith.mulf %mul3A_1464, %mul3A_1476 : vector<16xf32>
        %mul3A_1478 = arith.mulf %mul3A_1477, %mul3A_1476 : vector<16xf32>
        %sub3A_1479 = arith.constant 1.500000e+00 : f32
        %sub3A_1480 = vector.broadcast %sub3A_1479 : f32 to vector<16xf32>
        %sub3A_1481 = arith.subf %sub3A_1480, %mul3A_1478 : vector<16xf32>
        %mul3A_1482 = arith.mulf %mul3A_1476, %sub3A_1481 : vector<16xf32>
        %mul3A_1483 = arith.mulf %add3A_1453, %mul3A_1482 : vector<16xf32>
        tpu.vector_store_idx %arg10[%iota3A, %convert_element_type3A_810], %mul3A_1483 {add = true} : memref<16x1024xf32, #tpu.memory_space<vmem>>[vector<16xi32>, vector<16xi32>], vector<16xf32>,
        tpu.vector_store_idx %arg11[%iota3A, %convert_element_type3A_810], %broadcast_in_dim3A_3 {add = true} : memref<16x1024xf32, #tpu.memory_space<vmem>>[vector<16xi32>, vector<16xi32>], vector<16xf32>,
        %scan3A_1484 = arith.constant 0 : i32
        scf.yield %scan3A_1484 : i32
      }
      %scan3A_117 = arith.constant 5 : i32
      %while3A_118 = arith.constant 0 : i32
      scf.yield %while3A_118 : i32
    }
    %scan3A_60 = arith.constant 0 : i32
    %scan3A_61 = arith.constant 0 : i32
    %scan3A_62 = arith.constant 64 : i32
    %scan3A_63 = arith.addi %scan3A_61, %scan3A_62 : i32
    %scan3A_64 = arith.constant 1 : i32
    %scan3A_65 = scf.for %scan3A_67 = %scan3A_61 to %scan3A_63 step %scan3A_64 iter_args(%scan3A_68 = %scan3A_60) -> (i32)  : i32 {
      %broadcast_in_dim3A_69 = arith.constant 0.000000e+00 : f32
      %broadcast_in_dim3A_70 = vector.broadcast %broadcast_in_dim3A_69 : f32 to vector<16xf32>
      %broadcast_in_dim3A_71 = arith.constant 0.000000e+00 : f32
      %broadcast_in_dim3A_72 = vector.broadcast %broadcast_in_dim3A_71 : f32 to vector<16xf32>
      %mul3A_73 = arith.constant 16 : i32
      %mul3A_74 = arith.muli %scan3A_67, %mul3A_73 : i32
      %get3A = arith.constant 0 : i32
      %get3A_75 = arith.index_cast %get3A : i32 to index
      %get3A_76 = arith.index_cast %mul3A_74 : i32 to index
      %get3A_77 = tpu.vector_load %arg10[%get3A_75, %get3A_76] {strides = array<i32>} : memref<16x1024xf32, #tpu.memory_space<vmem>>, vector<16xf32>,
      %add3A_78 = arith.addf %broadcast_in_dim3A_70, %get3A_77 : vector<16xf32>
      %mul3A_79 = arith.constant 16 : i32
      %mul3A_80 = arith.muli %scan3A_67, %mul3A_79 : i32
      %get3A_81 = arith.constant 0 : i32
      %get3A_82 = arith.index_cast %get3A_81 : i32 to index
      %get3A_83 = arith.index_cast %mul3A_80 : i32 to index
      %get3A_84 = tpu.vector_load %arg11[%get3A_82, %get3A_83] {strides = array<i32>} : memref<16x1024xf32, #tpu.memory_space<vmem>>, vector<16xf32>,
      %add3A_85 = arith.addf %broadcast_in_dim3A_72, %get3A_84 : vector<16xf32>
      %mul3A_86 = arith.constant 16 : i32
      %mul3A_87 = arith.muli %scan3A_67, %mul3A_86 : i32
      %get3A_88 = arith.constant 1 : i32
      %get3A_89 = arith.index_cast %get3A_88 : i32 to index
      %get3A_90 = arith.index_cast %mul3A_87 : i32 to index
      %get3A_91 = tpu.vector_load %arg10[%get3A_89, %get3A_90] {strides = array<i32>} : memref<16x1024xf32, #tpu.memory_space<vmem>>, vector<16xf32>,
      %add3A_92 = arith.addf %add3A_78, %get3A_91 : vector<16xf32>
      %mul3A_93 = arith.constant 16 : i32
      %mul3A_94 = arith.muli %scan3A_67, %mul3A_93 : i32
      %get3A_95 = arith.constant 1 : i32
      %get3A_96 = arith.index_cast %get3A_95 : i32 to index
      %get3A_97 = arith.index_cast %mul3A_94 : i32 to index
      %get3A_98 = tpu.vector_load %arg11[%get3A_96, %get3A_97] {strides = array<i32>} : memref<16x1024xf32, #tpu.memory_space<vmem>>, vector<16xf32>,
      %add3A_99 = arith.addf %add3A_85, %get3A_98 : vector<16xf32>
      %mul3A_100 = arith.constant 16 : i32
      %mul3A_101 = arith.muli %scan3A_67, %mul3A_100 : i32
      %get3A_102 = arith.constant 2 : i32
      %get3A_103 = arith.index_cast %get3A_102 : i32 to index
      %get3A_104 = arith.index_cast %mul3A_101 : i32 to index
      %get3A_105 = tpu.vector_load %arg10[%get3A_103, %get3A_104] {strides = array<i32>} : memref<16x1024xf32, #tpu.memory_space<vmem>>, vector<16xf32>,
      %add3A_106 = arith.addf %add3A_92, %get3A_105 : vector<16xf32>
      %mul3A_107 = arith.constant 16 : i32
      %mul3A_108 = arith.muli %scan3A_67, %mul3A_107 : i32
      %get3A_109 = arith.constant 2 : i32
      %get3A_110 = arith.index_cast %get3A_109 : i32 to index
      %get3A_111 = arith.index_cast %mul3A_108 : i32 to index
      %get3A_112 = tpu.vector_load %arg11[%get3A_110, %get3A_111] {strides = array<i32>} : memref<16x1024xf32, #tpu.memory_space<vmem>>, vector<16xf32>,
      %add3A_113 = arith.addf %add3A_99, %get3A_112 : vector<16xf32>
      %mul3A_114 = arith.constant 16 : i32
      %mul3A_115 = arith.muli %scan3A_67, %mul3A_114 : i32
      %get3A_116 = arith.constant 3 : i32
      %get3A_117 = arith.index_cast %get3A_116 : i32 to index
      %get3A_118 = arith.index_cast %mul3A_115 : i32 to index
      %get3A_119 = tpu.vector_load %arg10[%get3A_117, %get3A_118] {strides = array<i32>} : memref<16x1024xf32, #tpu.memory_space<vmem>>, vector<16xf32>,
      %add3A_120 = arith.addf %add3A_106, %get3A_119 : vector<16xf32>
      %mul3A_121 = arith.constant 16 : i32
      %mul3A_122 = arith.muli %scan3A_67, %mul3A_121 : i32
      %get3A_123 = arith.constant 3 : i32
      %get3A_124 = arith.index_cast %get3A_123 : i32 to index
      %get3A_125 = arith.index_cast %mul3A_122 : i32 to index
      %get3A_126 = tpu.vector_load %arg11[%get3A_124, %get3A_125] {strides = array<i32>} : memref<16x1024xf32, #tpu.memory_space<vmem>>, vector<16xf32>,
      %add3A_127 = arith.addf %add3A_113, %get3A_126 : vector<16xf32>
      %mul3A_128 = arith.constant 16 : i32
      %mul3A_129 = arith.muli %scan3A_67, %mul3A_128 : i32
      %get3A_130 = arith.constant 4 : i32
      %get3A_131 = arith.index_cast %get3A_130 : i32 to index
      %get3A_132 = arith.index_cast %mul3A_129 : i32 to index
      %get3A_133 = tpu.vector_load %arg10[%get3A_131, %get3A_132] {strides = array<i32>} : memref<16x1024xf32, #tpu.memory_space<vmem>>, vector<16xf32>,
      %add3A_134 = arith.addf %add3A_120, %get3A_133 : vector<16xf32>
      %mul3A_135 = arith.constant 16 : i32
      %mul3A_136 = arith.muli %scan3A_67, %mul3A_135 : i32
      %get3A_137 = arith.constant 4 : i32
      %get3A_138 = arith.index_cast %get3A_137 : i32 to index
      %get3A_139 = arith.index_cast %mul3A_136 : i32 to index
      %get3A_140 = tpu.vector_load %arg11[%get3A_138, %get3A_139] {strides = array<i32>} : memref<16x1024xf32, #tpu.memory_space<vmem>>, vector<16xf32>,
      %add3A_141 = arith.addf %add3A_127, %get3A_140 : vector<16xf32>
      %mul3A_142 = arith.constant 16 : i32
      %mul3A_143 = arith.muli %scan3A_67, %mul3A_142 : i32
      %get3A_144 = arith.constant 5 : i32
      %get3A_145 = arith.index_cast %get3A_144 : i32 to index
      %get3A_146 = arith.index_cast %mul3A_143 : i32 to index
      %get3A_147 = tpu.vector_load %arg10[%get3A_145, %get3A_146] {strides = array<i32>} : memref<16x1024xf32, #tpu.memory_space<vmem>>, vector<16xf32>,
      %add3A_148 = arith.addf %add3A_134, %get3A_147 : vector<16xf32>
      %mul3A_149 = arith.constant 16 : i32
      %mul3A_150 = arith.muli %scan3A_67, %mul3A_149 : i32
      %get3A_151 = arith.constant 5 : i32
      %get3A_152 = arith.index_cast %get3A_151 : i32 to index
      %get3A_153 = arith.index_cast %mul3A_150 : i32 to index
      %get3A_154 = tpu.vector_load %arg11[%get3A_152, %get3A_153] {strides = array<i32>} : memref<16x1024xf32, #tpu.memory_space<vmem>>, vector<16xf32>,
      %add3A_155 = arith.addf %add3A_141, %get3A_154 : vector<16xf32>
      %mul3A_156 = arith.constant 16 : i32
      %mul3A_157 = arith.muli %scan3A_67, %mul3A_156 : i32
      %get3A_158 = arith.constant 6 : i32
      %get3A_159 = arith.index_cast %get3A_158 : i32 to index
      %get3A_160 = arith.index_cast %mul3A_157 : i32 to index
      %get3A_161 = tpu.vector_load %arg10[%get3A_159, %get3A_160] {strides = array<i32>} : memref<16x1024xf32, #tpu.memory_space<vmem>>, vector<16xf32>,
      %add3A_162 = arith.addf %add3A_148, %get3A_161 : vector<16xf32>
      %mul3A_163 = arith.constant 16 : i32
      %mul3A_164 = arith.muli %scan3A_67, %mul3A_163 : i32
      %get3A_165 = arith.constant 6 : i32
      %get3A_166 = arith.index_cast %get3A_165 : i32 to index
      %get3A_167 = arith.index_cast %mul3A_164 : i32 to index
      %get3A_168 = tpu.vector_load %arg11[%get3A_166, %get3A_167] {strides = array<i32>} : memref<16x1024xf32, #tpu.memory_space<vmem>>, vector<16xf32>,
      %add3A_169 = arith.addf %add3A_155, %get3A_168 : vector<16xf32>
      %mul3A_170 = arith.constant 16 : i32
      %mul3A_171 = arith.muli %scan3A_67, %mul3A_170 : i32
      %get3A_172 = arith.constant 7 : i32
      %get3A_173 = arith.index_cast %get3A_172 : i32 to index
      %get3A_174 = arith.index_cast %mul3A_171 : i32 to index
      %get3A_175 = tpu.vector_load %arg10[%get3A_173, %get3A_174] {strides = array<i32>} : memref<16x1024xf32, #tpu.memory_space<vmem>>, vector<16xf32>,
      %add3A_176 = arith.addf %add3A_162, %get3A_175 : vector<16xf32>
      %mul3A_177 = arith.constant 16 : i32
      %mul3A_178 = arith.muli %scan3A_67, %mul3A_177 : i32
      %get3A_179 = arith.constant 7 : i32
      %get3A_180 = arith.index_cast %get3A_179 : i32 to index
      %get3A_181 = arith.index_cast %mul3A_178 : i32 to index
      %get3A_182 = tpu.vector_load %arg11[%get3A_180, %get3A_181] {strides = array<i32>} : memref<16x1024xf32, #tpu.memory_space<vmem>>, vector<16xf32>,
      %add3A_183 = arith.addf %add3A_169, %get3A_182 : vector<16xf32>
      %mul3A_184 = arith.constant 16 : i32
      %mul3A_185 = arith.muli %scan3A_67, %mul3A_184 : i32
      %get3A_186 = arith.constant 8 : i32
      %get3A_187 = arith.index_cast %get3A_186 : i32 to index
      %get3A_188 = arith.index_cast %mul3A_185 : i32 to index
      %get3A_189 = tpu.vector_load %arg10[%get3A_187, %get3A_188] {strides = array<i32>} : memref<16x1024xf32, #tpu.memory_space<vmem>>, vector<16xf32>,
      %add3A_190 = arith.addf %add3A_176, %get3A_189 : vector<16xf32>
      %mul3A_191 = arith.constant 16 : i32
      %mul3A_192 = arith.muli %scan3A_67, %mul3A_191 : i32
      %get3A_193 = arith.constant 8 : i32
      %get3A_194 = arith.index_cast %get3A_193 : i32 to index
      %get3A_195 = arith.index_cast %mul3A_192 : i32 to index
      %get3A_196 = tpu.vector_load %arg11[%get3A_194, %get3A_195] {strides = array<i32>} : memref<16x1024xf32, #tpu.memory_space<vmem>>, vector<16xf32>,
      %add3A_197 = arith.addf %add3A_183, %get3A_196 : vector<16xf32>
      %mul3A_198 = arith.constant 16 : i32
      %mul3A_199 = arith.muli %scan3A_67, %mul3A_198 : i32
      %get3A_200 = arith.constant 9 : i32
      %get3A_201 = arith.index_cast %get3A_200 : i32 to index
      %get3A_202 = arith.index_cast %mul3A_199 : i32 to index
      %get3A_203 = tpu.vector_load %arg10[%get3A_201, %get3A_202] {strides = array<i32>} : memref<16x1024xf32, #tpu.memory_space<vmem>>, vector<16xf32>,
      %add3A_204 = arith.addf %add3A_190, %get3A_203 : vector<16xf32>
      %mul3A_205 = arith.constant 16 : i32
      %mul3A_206 = arith.muli %scan3A_67, %mul3A_205 : i32
      %get3A_207 = arith.constant 9 : i32
      %get3A_208 = arith.index_cast %get3A_207 : i32 to index
      %get3A_209 = arith.index_cast %mul3A_206 : i32 to index
      %get3A_210 = tpu.vector_load %arg11[%get3A_208, %get3A_209] {strides = array<i32>} : memref<16x1024xf32, #tpu.memory_space<vmem>>, vector<16xf32>,
      %add3A_211 = arith.addf %add3A_197, %get3A_210 : vector<16xf32>
      %mul3A_212 = arith.constant 16 : i32
      %mul3A_213 = arith.muli %scan3A_67, %mul3A_212 : i32
      %get3A_214 = arith.constant 10 : i32
      %get3A_215 = arith.index_cast %get3A_214 : i32 to index
      %get3A_216 = arith.index_cast %mul3A_213 : i32 to index
      %get3A_217 = tpu.vector_load %arg10[%get3A_215, %get3A_216] {strides = array<i32>} : memref<16x1024xf32, #tpu.memory_space<vmem>>, vector<16xf32>,
      %add3A_218 = arith.addf %add3A_204, %get3A_217 : vector<16xf32>
      %mul3A_219 = arith.constant 16 : i32
      %mul3A_220 = arith.muli %scan3A_67, %mul3A_219 : i32
      %get3A_221 = arith.constant 10 : i32
      %get3A_222 = arith.index_cast %get3A_221 : i32 to index
      %get3A_223 = arith.index_cast %mul3A_220 : i32 to index
      %get3A_224 = tpu.vector_load %arg11[%get3A_222, %get3A_223] {strides = array<i32>} : memref<16x1024xf32, #tpu.memory_space<vmem>>, vector<16xf32>,
      %add3A_225 = arith.addf %add3A_211, %get3A_224 : vector<16xf32>
      %mul3A_226 = arith.constant 16 : i32
      %mul3A_227 = arith.muli %scan3A_67, %mul3A_226 : i32
      %get3A_228 = arith.constant 11 : i32
      %get3A_229 = arith.index_cast %get3A_228 : i32 to index
      %get3A_230 = arith.index_cast %mul3A_227 : i32 to index
      %get3A_231 = tpu.vector_load %arg10[%get3A_229, %get3A_230] {strides = array<i32>} : memref<16x1024xf32, #tpu.memory_space<vmem>>, vector<16xf32>,
      %add3A_232 = arith.addf %add3A_218, %get3A_231 : vector<16xf32>
      %mul3A_233 = arith.constant 16 : i32
      %mul3A_234 = arith.muli %scan3A_67, %mul3A_233 : i32
      %get3A_235 = arith.constant 11 : i32
      %get3A_236 = arith.index_cast %get3A_235 : i32 to index
      %get3A_237 = arith.index_cast %mul3A_234 : i32 to index
      %get3A_238 = tpu.vector_load %arg11[%get3A_236, %get3A_237] {strides = array<i32>} : memref<16x1024xf32, #tpu.memory_space<vmem>>, vector<16xf32>,
      %add3A_239 = arith.addf %add3A_225, %get3A_238 : vector<16xf32>
      %mul3A_240 = arith.constant 16 : i32
      %mul3A_241 = arith.muli %scan3A_67, %mul3A_240 : i32
      %get3A_242 = arith.constant 12 : i32
      %get3A_243 = arith.index_cast %get3A_242 : i32 to index
      %get3A_244 = arith.index_cast %mul3A_241 : i32 to index
      %get3A_245 = tpu.vector_load %arg10[%get3A_243, %get3A_244] {strides = array<i32>} : memref<16x1024xf32, #tpu.memory_space<vmem>>, vector<16xf32>,
      %add3A_246 = arith.addf %add3A_232, %get3A_245 : vector<16xf32>
      %mul3A_247 = arith.constant 16 : i32
      %mul3A_248 = arith.muli %scan3A_67, %mul3A_247 : i32
      %get3A_249 = arith.constant 12 : i32
      %get3A_250 = arith.index_cast %get3A_249 : i32 to index
      %get3A_251 = arith.index_cast %mul3A_248 : i32 to index
      %get3A_252 = tpu.vector_load %arg11[%get3A_250, %get3A_251] {strides = array<i32>} : memref<16x1024xf32, #tpu.memory_space<vmem>>, vector<16xf32>,
      %add3A_253 = arith.addf %add3A_239, %get3A_252 : vector<16xf32>
      %mul3A_254 = arith.constant 16 : i32
      %mul3A_255 = arith.muli %scan3A_67, %mul3A_254 : i32
      %get3A_256 = arith.constant 13 : i32
      %get3A_257 = arith.index_cast %get3A_256 : i32 to index
      %get3A_258 = arith.index_cast %mul3A_255 : i32 to index
      %get3A_259 = tpu.vector_load %arg10[%get3A_257, %get3A_258] {strides = array<i32>} : memref<16x1024xf32, #tpu.memory_space<vmem>>, vector<16xf32>,
      %add3A_260 = arith.addf %add3A_246, %get3A_259 : vector<16xf32>
      %mul3A_261 = arith.constant 16 : i32
      %mul3A_262 = arith.muli %scan3A_67, %mul3A_261 : i32
      %get3A_263 = arith.constant 13 : i32
      %get3A_264 = arith.index_cast %get3A_263 : i32 to index
      %get3A_265 = arith.index_cast %mul3A_262 : i32 to index
      %get3A_266 = tpu.vector_load %arg11[%get3A_264, %get3A_265] {strides = array<i32>} : memref<16x1024xf32, #tpu.memory_space<vmem>>, vector<16xf32>,
      %add3A_267 = arith.addf %add3A_253, %get3A_266 : vector<16xf32>
      %mul3A_268 = arith.constant 16 : i32
      %mul3A_269 = arith.muli %scan3A_67, %mul3A_268 : i32
      %get3A_270 = arith.constant 14 : i32
      %get3A_271 = arith.index_cast %get3A_270 : i32 to index
      %get3A_272 = arith.index_cast %mul3A_269 : i32 to index
      %get3A_273 = tpu.vector_load %arg10[%get3A_271, %get3A_272] {strides = array<i32>} : memref<16x1024xf32, #tpu.memory_space<vmem>>, vector<16xf32>,
      %add3A_274 = arith.addf %add3A_260, %get3A_273 : vector<16xf32>
      %mul3A_275 = arith.constant 16 : i32
      %mul3A_276 = arith.muli %scan3A_67, %mul3A_275 : i32
      %get3A_277 = arith.constant 14 : i32
      %get3A_278 = arith.index_cast %get3A_277 : i32 to index
      %get3A_279 = arith.index_cast %mul3A_276 : i32 to index
      %get3A_280 = tpu.vector_load %arg11[%get3A_278, %get3A_279] {strides = array<i32>} : memref<16x1024xf32, #tpu.memory_space<vmem>>, vector<16xf32>,
      %add3A_281 = arith.addf %add3A_267, %get3A_280 : vector<16xf32>
      %mul3A_282 = arith.constant 16 : i32
      %mul3A_283 = arith.muli %scan3A_67, %mul3A_282 : i32
      %get3A_284 = arith.constant 15 : i32
      %get3A_285 = arith.index_cast %get3A_284 : i32 to index
      %get3A_286 = arith.index_cast %mul3A_283 : i32 to index
      %get3A_287 = tpu.vector_load %arg10[%get3A_285, %get3A_286] {strides = array<i32>} : memref<16x1024xf32, #tpu.memory_space<vmem>>, vector<16xf32>,
      %add3A_288 = arith.addf %add3A_274, %get3A_287 : vector<16xf32>
      %mul3A_289 = arith.constant 16 : i32
      %mul3A_290 = arith.muli %scan3A_67, %mul3A_289 : i32
      %get3A_291 = arith.constant 15 : i32
      %get3A_292 = arith.index_cast %get3A_291 : i32 to index
      %get3A_293 = arith.index_cast %mul3A_290 : i32 to index
      %get3A_294 = tpu.vector_load %arg11[%get3A_292, %get3A_293] {strides = array<i32>} : memref<16x1024xf32, #tpu.memory_space<vmem>>, vector<16xf32>,
      %add3A_295 = arith.addf %add3A_281, %get3A_294 : vector<16xf32>
      %mul3A_296 = arith.constant 16 : i32
      %mul3A_297 = arith.muli %scan3A_67, %mul3A_296 : i32
      %swap3A = arith.index_cast %mul3A_297 : i32 to index
      %swap3A_298 = tpu.vector_load %arg12[%swap3A] {strides = array<i32>} : memref<1024xf32, #tpu.memory_space<vmem>>, vector<16xf32>,
      tpu.vector_store %arg12[%swap3A], %add3A_288 {strides = array<i32>} : memref<1024xf32, #tpu.memory_space<vmem>>, vector<16xf32>,
      %mul3A_299 = arith.constant 16 : i32
      %mul3A_300 = arith.muli %scan3A_67, %mul3A_299 : i32
      %swap3A_301 = arith.index_cast %mul3A_300 : i32 to index
      %swap3A_302 = tpu.vector_load %arg13[%swap3A_301] {strides = array<i32>} : memref<1024xf32, #tpu.memory_space<vmem>>, vector<16xf32>,
      tpu.vector_store %arg13[%swap3A_301], %add3A_295 {strides = array<i32>} : memref<1024xf32, #tpu.memory_space<vmem>>, vector<16xf32>,
      %scan3A_303 = arith.constant 0 : i32
      scf.yield %scan3A_303 : i32
    }
    %scan3A_66 = arith.constant 64 : i32
    "tpu.region"() ({
      %run_scoped3A = tpu.sem_alloc : memref<!tpu.dma_semaphore, #tpu.memory_space<semaphore_mem>>
      %dma_start3A_67 = arith.constant 0 : i32
      %dma_start3A_68 = tpu.memref_slice %arg5[%add3A, %dma_start3A_67] : memref<32x1024xf32, #tpu.memory_space<hbm>> -> memref<1x1024xf32, #tpu.memory_space<hbm>>
      %dma_start3A_69 = tpu.memref_squeeze %dma_start3A_68 : memref<1x1024xf32, #tpu.memory_space<hbm>> -> memref<1024xf32, #tpu.memory_space<hbm>>
      %dma_start3A_70 = arith.constant 0 : i32
      %dma_start3A_71 = tpu.memref_slice %arg5[%add3A, %dma_start3A_70] : memref<32x1024xf32, #tpu.memory_space<hbm>> -> memref<1x1024xf32, #tpu.memory_space<hbm>>
      %dma_start3A_72 = tpu.memref_squeeze %dma_start3A_71 : memref<1x1024xf32, #tpu.memory_space<hbm>> -> memref<1024xf32, #tpu.memory_space<hbm>>
      tpu.enqueue_dma source(%arg12 : memref<1024xf32, #tpu.memory_space<vmem>>) target(%dma_start3A_72 : memref<1024xf32, #tpu.memory_space<hbm>>) target_semaphore(%run_scoped3A : memref<!tpu.dma_semaphore, #tpu.memory_space<semaphore_mem>>)
      %dma_wait3A = arith.constant 0 : i32
      %dma_wait3A_73 = tpu.memref_slice %arg5[%add3A, %dma_wait3A] : memref<32x1024xf32, #tpu.memory_space<hbm>> -> memref<1x1024xf32, #tpu.memory_space<hbm>>
      %dma_wait3A_74 = tpu.memref_squeeze %dma_wait3A_73 : memref<1x1024xf32, #tpu.memory_space<hbm>> -> memref<1024xf32, #tpu.memory_space<hbm>>
      %dma_wait3A_75 = arith.constant 0 : i32
      %dma_wait3A_76 = tpu.memref_slice %arg5[%add3A, %dma_wait3A_75] : memref<32x1024xf32, #tpu.memory_space<hbm>> -> memref<1x1024xf32, #tpu.memory_space<hbm>>
      %dma_wait3A_77 = tpu.memref_squeeze %dma_wait3A_76 : memref<1x1024xf32, #tpu.memory_space<hbm>> -> memref<1024xf32, #tpu.memory_space<hbm>>
      tpu.wait_dma2 semaphore(%run_scoped3A : memref<!tpu.dma_semaphore, #tpu.memory_space<semaphore_mem>>) src(%arg12 : memref<1024xf32, #tpu.memory_space<vmem>>) dst(%dma_wait3A_77 : memref<1024xf32, #tpu.memory_space<hbm>>)
      tpu.yield
    }) : () -> ()
    "tpu.region"() ({
      %run_scoped3A = tpu.sem_alloc : memref<!tpu.dma_semaphore, #tpu.memory_space<semaphore_mem>>
      %dma_start3A_67 = arith.constant 0 : i32
      %dma_start3A_68 = tpu.memref_slice %arg6[%add3A, %dma_start3A_67] : memref<32x1024xf32, #tpu.memory_space<hbm>> -> memref<1x1024xf32, #tpu.memory_space<hbm>>
      %dma_start3A_69 = tpu.memref_squeeze %dma_start3A_68 : memref<1x1024xf32, #tpu.memory_space<hbm>> -> memref<1024xf32, #tpu.memory_space<hbm>>
      %dma_start3A_70 = arith.constant 0 : i32
      %dma_start3A_71 = tpu.memref_slice %arg6[%add3A, %dma_start3A_70] : memref<32x1024xf32, #tpu.memory_space<hbm>> -> memref<1x1024xf32, #tpu.memory_space<hbm>>
      %dma_start3A_72 = tpu.memref_squeeze %dma_start3A_71 : memref<1x1024xf32, #tpu.memory_space<hbm>> -> memref<1024xf32, #tpu.memory_space<hbm>>
      tpu.enqueue_dma source(%arg13 : memref<1024xf32, #tpu.memory_space<vmem>>) target(%dma_start3A_72 : memref<1024xf32, #tpu.memory_space<hbm>>) target_semaphore(%run_scoped3A : memref<!tpu.dma_semaphore, #tpu.memory_space<semaphore_mem>>)
      %dma_wait3A = arith.constant 0 : i32
      %dma_wait3A_73 = tpu.memref_slice %arg6[%add3A, %dma_wait3A] : memref<32x1024xf32, #tpu.memory_space<hbm>> -> memref<1x1024xf32, #tpu.memory_space<hbm>>
      %dma_wait3A_74 = tpu.memref_squeeze %dma_wait3A_73 : memref<1x1024xf32, #tpu.memory_space<hbm>> -> memref<1024xf32, #tpu.memory_space<hbm>>
      %dma_wait3A_75 = arith.constant 0 : i32
      %dma_wait3A_76 = tpu.memref_slice %arg6[%add3A, %dma_wait3A_75] : memref<32x1024xf32, #tpu.memory_space<hbm>> -> memref<1x1024xf32, #tpu.memory_space<hbm>>
      %dma_wait3A_77 = tpu.memref_squeeze %dma_wait3A_76 : memref<1x1024xf32, #tpu.memory_space<hbm>> -> memref<1024xf32, #tpu.memory_space<hbm>>
      tpu.wait_dma2 semaphore(%run_scoped3A : memref<!tpu.dma_semaphore, #tpu.memory_space<semaphore_mem>>) src(%arg13 : memref<1024xf32, #tpu.memory_space<vmem>>) dst(%dma_wait3A_77 : memref<1024xf32, #tpu.memory_space<hbm>>)
      tpu.yield
    }) : () -> ()
    return
  }
}

module attributes {stable_mosaic.version = 14 : i64} {
  func.func @body(%arg0: memref<32x1024xf32, #tpu.memory_space<vmem>>, %arg1: memref<32x1024xf32, #tpu.memory_space<vmem>>, %arg2: memref<1x1xf32, #tpu.memory_space<smem>>) attributes {dimension_semantics = [], scalar_prefetch = 0 : i64, scratch_operands = 0 : i64, tpu.core_type = #tpu.core_type<tc>} {
    %get3A = arith.constant 0 : index
    %get3A_0 = arith.constant 0 : index
    %get3A_1 = vector.load %arg0[%get3A, %get3A_0] : memref<32x1024xf32, #tpu.memory_space<vmem>>, vector<32x1024xf32>
    %reduce_sum3A = arith.constant dense<0.000000e+00> : vector<1024xf32>
    %reduce_sum3A_2 = vector.multi_reduction <add>, %get3A_1, %reduce_sum3A [0] : vector<32x1024xf32> to vector<1024xf32>
    %get3A_3 = arith.constant 0 : index
    %get3A_4 = arith.constant 0 : index
    %get3A_5 = vector.load %arg1[%get3A_3, %get3A_4] : memref<32x1024xf32, #tpu.memory_space<vmem>>, vector<32x1024xf32>
    %reduce_sum3A_6 = arith.constant dense<0.000000e+00> : vector<1024xf32>
    %reduce_sum3A_7 = vector.multi_reduction <add>, %get3A_5, %reduce_sum3A_6 [0] : vector<32x1024xf32> to vector<1024xf32>
    %gt3A = arith.constant 0.000000e+00 : f32
    %gt3A_8 = vector.broadcast %gt3A : f32 to vector<1024xf32>
    %gt3A_9 = arith.cmpf ogt, %reduce_sum3A_7, %gt3A_8 : vector<1024xf32>
    %div3A = arith.divf %reduce_sum3A_2, %reduce_sum3A_7 : vector<1024xf32>
    %jit3A = arith.constant 0.000000e+00 : f32
    %broadcast_in_dim3A = vector.broadcast %jit3A : f32 to vector<1024xf32>
    %select_n3A = arith.select %gt3A_9, %div3A, %broadcast_in_dim3A : vector<1024xi1>, vector<1024xf32>
    %reduce_sum3A_10 = vector.shape_cast %select_n3A : vector<1024xf32> to vector<1x1024xf32>
    %reduce_sum3A_11 = arith.constant dense<0.000000e+00> : vector<1xf32>
    %reduce_sum3A_12 = vector.multi_reduction <add>, %reduce_sum3A_10, %reduce_sum3A_11 [1] : vector<1x1024xf32> to vector<1xf32>
    %reduce_sum3A_13 = vector.shape_cast %reduce_sum3A_12 : vector<1xf32> to vector<1x1xf32>
    %reduce_sum3A_14 = vector.extract %reduce_sum3A_13[0, 0] : f32 from vector<1x1xf32>
    %swap3A = arith.constant 0 : index
    %swap3A_15 = arith.constant 0 : index
    %swap3A_16 = memref.load %arg2[%swap3A, %swap3A_15] : memref<1x1xf32, #tpu.memory_space<smem>>
    memref.store %reduce_sum3A_14, %arg2[%swap3A, %swap3A_15] : memref<1x1xf32, #tpu.memory_space<smem>>
    return
  }
}

</mosaic_0001>

<sc_bundles>
// kernel: kernel.4.cloned.1.call-start
scs
__scs_entry_jumppad:
0x0: {  	(pc) =	sbr.rel $0x88, $3  }
0x1: {  	(tag) =	ssettag $0x0;
	lr =	simm.s32 $0x1  }
0x2: {  	[smem:$0x3F9E] =	sst lr;
	_ =	strace $0xD0000000  }
0x3: {  	_ = 	snop  }
0x4: {  	_ = 	snop  }
0x5: {  	_ = 	snop  }
0x6: {  	_ = 	snop  }
0x7: {  	_ = 	snop  }
__scs_overlays_trampoline_lowered:
0x8: {  	[smem:$0x3FAD] =	sst s0  }
0x9: {  	[smem:$0x3FAE] =	sst s1  }
0xa: {  	[smem:$0x3FAF] =	sst s2  }
0xb: {  	[smem:$0x3FB0] =	sst s3  }
0xc: {  	[smem:$0x3FB1] =	sst s4  }
0xd: {  	[smem:$0x3FB2] =	sst s5  }
0xe: {  	[smem:$0x3FB3] =	sst s6  }
0xf: {  	[smem:$0x3FB4] =	sst s7  }
0x10: {  	[smem:$0x3FB5] =	sst s8  }
0x11: {  	[smem:$0x3FB6] =	sst s9;
	s0 =	simm.s32 @!p0 $0x0  }
0x12: {  	s1 =	sld [smem:$0x3F9C];
	s0 =	simm.s32 @p0 $0x1  }
0x13: {  	[smem:$0x3FB7] =	sst s0;
	s0 =	simm.s32 @!p1 $0x0  }
0x14: {  	s2 =	sld [smem:$0x3F9B];
	s0 =	simm.s32 @p1 $0x1  }
0x15: {  	[smem:$0x3FB8] =	sst s0;
	s0 =	simm.s32 @!p2 $0x0  }
0x16: {  	s3 =	sld [smem:$0x3FDB];
	s0 =	simm.s32 @p2 $0x1  }
0x17: {  	s4 =	simm.s32 $0x1BF5;
	[smem:$0x3FBA] =	sst s0  }
0x18: {  	s0 =	sld [smem:$0x3F9D];
	_ =	swait.ge [sflag:s4], $0x0  }
0x19: {  	s7 =	sld [smem:$0x3F9E]  }
0x1a: {  	s8 =	sadd.s32 $0xFFFFE003, lr  }
0x1b: {  	s9 =	sadd.s32 $0xFFFFFEF7, lr;
	s5 =	simm.s32 $0xFFFFFFFF;
	p2 =	slt.u32 s8, $0xFFFFF086  }
0x1c: {  	p1 =	slt.u32 s9, $0xF7A;
	s5 =	simm.s32 @!p2 $0x0  }
0x1d: {  	s5 =	simm.s32 @p1 $0x1;
	p0 =	seq.s32 s7, s2  }
0x1e: {  	s7 =	smul.u32 @!p0 $0xF7A, s2;
	p2 =	seq.s32 @!p0 s5, $0x0  }
0x1f: {  	s9 =	smul.u32 $0xF7A, s1;
	s8 =	simm.s32 @!p0 $0x1BF5;
	p2 =	por !p2, p0  }
0x20: {  	[sflag:s8] =	ssyncset.s32 @!p0 $0xFFFFF086;
	s6 =	sadd.s32 @!p0 s3, s7;
	s7 =	simm.s32 @!p0 $0x108  }
0x21: {  	s3 =	sadd.s32 s3, s9;
	s6 =	sadd.s32 @!p0 $0x88, s6;
	s7 =	simm.s32 @p2 $0x1082  }
0x22: {  	[simem:s7], [sflag:s8] =	dma.local @!p0 [hbm:s6], $0xF7A  }
0x23: {  	s9 =	sor.u32 $0xD0000000, s2;
	s6 =	simm.s32 $0x108;
	_ =	swait.ge @!p0 [sflag:s8], $0x0  }
0x24: {  	s3 =	sadd.s32 $0x88, s3;
	s6 =	simm.s32 @!p1 $0x1082;
	[sflag:s4] =	ssyncset.s32 $0xFFFFF086  }
0x25: {  	[simem:s6], [sflag:s4] =	dma.local [hbm:s3], $0xF7A  }
0x26: {  	[smem:$0x3F9E] =	sst s1;
	(tag) =	ssettag s2;
	_ =	strace s9  }
0x27: {  	s1 =	sld [smem:$0x3FAE]  }
0x28: {  	s2 =	sld [smem:$0x3FAF]  }
0x29: {  	s4 =	sld [smem:$0x3FB1]  }
0x2a: {  	p0 =	seq.s32 s5, $0x0;
	s5 =	sld [smem:$0x3FB2]  }
0x2b: {  	s6 =	sld [smem:$0x3FB3]  }
0x2c: {  	s7 =	sld [smem:$0x3FB4]  }
0x2d: {  	s3 =	simm.s32 $0x108;
	s8 =	sld [smem:$0x3FB5]  }
0x2e: {  	s3 =	simm.s32 @!p0 $0x1082;
	s9 =	sld [smem:$0x3FB6]  }
0x2f: {  	lr =	sadd.s32 s0, s3;
	s0 =	sld [smem:$0x3FAD]  }
0x30: {  	s3 =	sld [smem:$0x3FB0]  }
0x31: {  	[smem:$0x3FB9] =	sst s10  }
0x32: {  	s10 =	sld [smem:$0x3FB7];
	_ =	sdelay $0x3  }
0x33: {  	p0 =	seq.s32 s10, $0x1;
	s10 =	sld [smem:$0x3FB9];
	_ =	sdelay $0x3  }
0x34: {  	[smem:$0x3FB9] =	sst s10  }
0x35: {  	s10 =	sld [smem:$0x3FB8];
	_ =	sdelay $0x3  }
0x36: {  	p1 =	seq.s32 s10, $0x1;
	s10 =	sld [smem:$0x3FB9];
	_ =	sdelay $0x3  }
0x37: {  	[smem:$0x3FB9] =	sst s10  }
0x38: {  	s10 =	sld [smem:$0x3FBA]  }
0x39: {  	_ = 	snop;
	(pc) =	sbr.ind lr, $3  }
0x3a: {  	_ = 	snop  }
0x3b: {  	_ = 	snop  }
0x3c: {  	p2 =	seq.s32 s10, $0x1;
	s10 =	sld [smem:$0x3FB9]  }
0x3d: {  	_ =	shalt  }
0x3e: {  	_ =	shalt  }
0x3f: {  	_ =	shalt  }
0x40: {  	_ =	shalt  }
0x41: {  	_ =	shalt  }
0x42: {  	_ =	shalt  }
0x43: {  	_ =	shalt  }
0x44: {  	_ =	shalt  }
0x45: {  	_ =	shalt  }
0x46: {  	_ =	shalt  }
0x47: {  	_ =	shalt  }
0x48: {  	_ =	shalt  }
0x49: {  	_ =	shalt  }
0x4a: {  	_ =	shalt  }
0x4b: {  	_ =	shalt  }
0x4c: {  	_ =	shalt  }
0x4d: {  	_ =	shalt  }
0x4e: {  	_ =	shalt  }
0x4f: {  	_ =	shalt  }
0x50: {  	_ =	shalt  }
0x51: {  	_ =	shalt  }
0x52: {  	_ =	shalt  }
0x53: {  	_ =	shalt  }
0x54: {  	_ =	shalt  }
0x55: {  	_ =	shalt  }
0x56: {  	_ =	shalt  }
0x57: {  	_ =	shalt  }
0x58: {  	_ =	shalt  }
0x59: {  	_ =	shalt  }
0x5a: {  	_ =	shalt  }
0x5b: {  	_ =	shalt  }
0x5c: {  	_ =	shalt  }
0x5d: {  	_ =	shalt  }
0x5e: {  	_ =	shalt  }
0x5f: {  	_ =	shalt  }
0x60: {  	_ =	shalt  }
0x61: {  	_ =	shalt  }
0x62: {  	_ =	shalt  }
0x63: {  	_ =	shalt  }
0x64: {  	_ =	shalt  }
0x65: {  	_ =	shalt  }
0x66: {  	_ =	shalt  }
0x67: {  	_ =	shalt  }
0x68: {  	_ =	shalt  }
0x69: {  	_ =	shalt  }
0x6a: {  	_ =	shalt  }
0x6b: {  	_ =	shalt  }
0x6c: {  	_ =	shalt  }
0x6d: {  	_ =	shalt  }
0x6e: {  	_ =	shalt  }
0x6f: {  	_ =	shalt  }
0x70: {  	_ =	shalt  }
0x71: {  	_ =	shalt  }
0x72: {  	_ =	shalt  }
0x73: {  	_ =	shalt  }
0x74: {  	_ =	shalt  }
0x75: {  	_ =	shalt  }
0x76: {  	_ =	shalt  }
0x77: {  	_ =	shalt  }
0x78: {  	_ =	shalt  }
0x79: {  	_ =	shalt  }
0x7a: {  	_ =	shalt  }
0x7b: {  	_ =	shalt  }
0x7c: {  	_ =	shalt  }
0x7d: {  	_ =	shalt  }
0x7e: {  	_ =	shalt  }
0x7f: {  	_ =	shalt  }
0x80: {  	_ =	shalt  }
0x81: {  	_ =	shalt  }
0x82: {  	_ =	shalt  }
0x83: {  	_ =	shalt  }
0x84: {  	_ =	shalt  }
0x85: {  	_ =	shalt  }
0x86: {  	_ =	shalt  }
0x87: {  	_ =	shalt  }
.Lfunc_end0:
.L_simem_size_0:
called_computation_lowered:
.L_overlay_start_0:
0x88: {  	s2 =	sld [smem:$0x3FD9]  }
0x89: {  	s3 =	sld [smem:$0x3FFE];
	_ =	sdelay $0x1  }
0x8a: {  	s1 =	srdreg.scid  }
0x8b: {  	s0 =	sand.u32 $0x1, s1  }
0x8c: {  	s17 =	sshll.u32 s0, $0xA;
	s2 =	sadd.s32 s3, s2  }
0x8d: {  	s2 =	sadd.s32 s2, s17  }
0x8e: {  	[smem:$0x3FC5] =	sst s2  }
0x8f: {  	_ = 	snop  }
0x90: {  	s2 =	sld [smem:$0x3FC8];
	(tm) =	ssettm $0x1  }
0x91: {  	s18 =	sld [smem:$0x3FFB];
	_ =	sdelay $0x3  }
0x92: {  	_ =	strace s18  }
0x93: {  	s3 =	sld [smem:$0x3FFC];
	_ =	sdelay $0x3  }
0x94: {  	_ =	strace s3  }
0x95: {  	s3 =	sld [smem:$0x3FFD];
	_ =	sdelay $0x3  }
0x96: {  	_ =	strace s3  }
0x97: {  	_ =	strace $0x8FFFFFFF  }
0x98: {  	s19 =	sld [smem:$0x3FDB];
	_ =	sdelay $0x1  }
0x99: {  	s4 =	simm.s32 $_scs_section_size  }
0x9a: {  	s5 =	simm.s32 $_size__tile_overlayer_lowered;
	s6 =	simm.s32 $_tile_overlayer_lowered  }
0x9b: {  	s22 =	simm.s32 $0x1BFF;
	s21 =	sshll.u32 s6, $0x1;
	s3 =	sadd.s32 s4, s19  }
0x9c: {  	s7 =	simm.s32 $0x0;
	s20 =	sshll.u32 s5, $0x1;
	s5 =	sadd.s32 s21, s3  }
0x9d: {  	[timem:s7], [sflag:s22] =	dma.local [hbm:s5], s20  }
0x9e: {  	_ =	swait.ge [sflag:s22], s20  }
0x9f: {  	s4 =	ssub.s32 $0x0, s20;
	[sflag:s22] =	ssyncset.done $0x0  }
0xa0: {  	[sflag:s22] =	ssyncadd.s32 s4;
	_ =	sdelay $0x1  }
0xa1: {  	s23 =	simm.s32 $0x1B8B  }
0xa2: {  	_ =	swait.ge [sflag:s23], $0x1  }
0xa3: {  	[sflag:s23] =	ssyncset.done $0x0  }
0xa4: {  	s25 =	simm.s32 $0x1B8E;
	s24 =	sld [smem:$0x3FFE];
	[sflag:s23] =	ssyncadd.s32 $0xFFFFFFFF  }
0xa5: {  	s26 =	simm.s32 $execute0_lowered;
	[smem:$0x3FD2] =	sst s25  }
0xa6: {  	s5 =	sshll.u32 s26, $0x1;
	_ =	strace $0x80000046;
	[dreg:$0x1] =	wrdreg $0xFFFFFFFF  }
0xa7: {  	s28 =	simm.s32 $_size_execute0_lowered;
	s3 =	sadd.s32 s3, s5;
	[dreg:$0x0] =	wrdreg $0x0  }
0xa8: {  	s5 =	sshll.u32 s28, $0x1;
	[dreg:$0x2] =	wrdreg s3  }
0xa9: {  	[dreg:$0x3] =	wrdreg s5  }
0xaa: {  	[dreg:$0x4] =	wrdreg $0xC0  }
0xab: {  	_ =	task [dreg:s7], $0x5FFFF  }
0xac: {  	[dreg:$0x1] =	wrdreg $0xFFFFFFFF  }
0xad: {  	[dreg:$0x0] =	wrdreg $0x60  }
0xae: {  	[dreg:$0x2] =	wrdreg s24  }
0xaf: {  	[dreg:$0x3] =	wrdreg s2  }
0xb0: {  	[dreg:$0x4] =	wrdreg $0x9  }
0xb1: {  	_ =	task.clear_ibuf [dreg:s7], $0x5FFFF;
	_ =	strace $0x90000046  }
0xb2: {  	s29 =	simm.s32 $0x9;
	_ =	strace $0x80000048  }
0xb3: {  	_ =	swait.ge [sflag:s29], $0x1  }
0xb4: {  	[sflag:s29] =	ssyncadd.s32 $0xFFFFFFFF  }
0xb5: {  	_ =	strace $0x90000048  }
0xb6: {  	_ =	sfence  }
0xb7: {  	s30 =	sld [smem:$0x0];
	_ =	sdelay $0x2  }
0xb8: {  	s31 =	sshll.u32 s1, $0xD;
	s1 =	sshrl.u32 s1, $0x2  }
0xb9: {  	s3 =	sand.u32 $0x4000, s31;
	s1 =	sadd.s32 s1, s30  }
0xba: {  	s0 =	sor.u32 s3, s0;
	s1 =	sshll.u32 s1, $0x11  }
0xbb: {  	s0 =	sor.u32 s1, s0  }
0xbc: {  	s0 =	sadd.s32 $0x8F2B, s0  }
0xbd: {  	[sflag:s0] =	ssyncadd.remote.s32 $0x1  }
0xbe: {  	_ =	sfence.sel $0xFFFF  }
0xbf: {  	[dreg:$0x0] =	wrdreg $0xFFFFFFFF;
	(pc) =	sbr.abs _section_cstart, $3  }
0xc0: {  	[dreg:$0x1] =	wrdreg $0xFFFFFFFF  }
0xc1: {  	_ =	task.clear_ibuf [dreg:s7], $0x2FFFF;
	_ =	strace $0x9FFFFFFF  }
0xc2: {  	(tm) =	ssettm $0x7FFFFFFF  }
0xc3: {  	_ =	shalt  }
tec
execute0_lowered:
.L_overlay_start_1:
0x0: {  	(tag) =	ssettag $0x1  }
0x1: {  	s0 =	rddreg [dreg:$0x0]  }
0x2: {  	s1 =	rddreg [dreg:$0x1];
	s3 =	simm.s32 $0x0  }
0x3: {  	s2 =	srdreg.scid;
	s4 =	stileid.u32;
	s13 =	simm.s32 $0x3  }
0x4: {  	s14 =	simm.s32 $0xFA00;
	s16 =	simm.s32 $0xFA08;
	s17 =	simm.s32 $0x8  }
0x5: {  	s18 =	simm.s32 $0xFA10;
	s19 =	simm.s32 $0x10;
	s20 =	simm.s32 $0xFA18  }
0x6: {  	s21 =	simm.s32 $0x18;
	s22 =	simm.s32 $0xFA20;
	s28 =	simm.s32 $0x30  }
0x7: {  	s29 =	simm.s32 $0xFA38;
	s30 =	simm.s32 $0x38;
	[smem:$0x7FF] =	sst s3  }
0x8: {  	s2 =	sand.u32 $0x1, s2;
	s5 =	sshll.u32 s4, $0x1;
	s6 =	sadd.s32 $0xA00, s0  }
0x9: {  	_ =	strace $0x80000047;
	[dreg:$0x3] =	wrdreg s6;
	s6 =	sor.u32 s2, s5  }
0xa: {  	s31 =	simm.s32 $0x14B40;
	s4 =	sadd.s32 $0xF42E00, s0;
	s8 =	smul.u32 $0x500, s6  }
0xb: {  	s2 =	ssub.s32 $0x2, s2;
	s5 =	sshll.u32 s6, $0x7;
	s10 =	smul.u32 $0x14, s6  }
0xc: {  	s7 =	sshrl.u32 s2, $0x1;
	s9 =	ssub.s32 $0x1889, s6;
	s23 =	sadd.s32 s4, s8  }
0xd: {  	s0 =	sadd.s32 s5, s0;
	s24 =	sadd.s32 s1, s10;
	[dreg:$0x4] =	wrdreg s23  }
0xe: {  	v2 =	vlaneseq.u32;
	s2 =	ssub.s32 s2, s7;
	s25 =	sadd.s32 $0x3A00, s0;
	[dreg:$0x5] =	wrdreg s24  }
0xf: {  	v11 =	vmul.u32 $0x40, v2;
	s7 =	sshrl.u32 s9, $0x5;
	s0 =	sadd.s32 $0x2A00, s0;
	[dreg:$0x6] =	wrdreg s25  }
0x10: {  	v12 =	vmul.u32 $0x400, v2;
	s26 =	smax.u32 s2, $0x1;
	s2 =	simm.s32 $0x0;
	[dreg:$0x7] =	wrdreg s0  }
0x11: {  	[tilespmem:$0x1FFE0] =	vst v11;
	[dreg:$0x8] =	wrdreg s26;
	s23 =	simm.s32 $0x20;
	s24 =	simm.s32 $0xFA28  }
0x12: {  	v0 =	vimm.f32 $0.0e+00;
	[tilespmem:$0x1FFF0] =	vst v12;
	s25 =	simm.s32 $0x28;
	s26 =	simm.s32 $0xFA30;
	s0 =	simm.s32 $0x18B40  }
.LBB2_1:
0x13: {  	s5 =	simm.s32 $0xFFFFFC00;
	s8 =	simm.s32 $0xFFFFF040  }
.LBB2_2:
0x14: {  	p0 =	sne.s32 s8, $0xFFFFFFC0;
	[tilespmem:s5+$0x1CB40] =	vst v0  }
0x15: {  	[tilespmem:s5+$0x14F40] =	vst v0  }
0x16: {  	[tilespmem:s5+$0x18F40] =	vst v0  }
0x17: {  	[tilespmem:s5+$0x15340] =	vst v0  }
0x18: {  	[tilespmem:s5+$0x19340] =	vst v0  }
0x19: {  	[tilespmem:s5+$0x15740] =	vst v0  }
0x1a: {  	[tilespmem:s5+$0x19740] =	vst v0  }
0x1b: {  	[tilespmem:s5+$0x15B40] =	vst v0  }
0x1c: {  	[tilespmem:s5+$0x19B40] =	vst v0  }
0x1d: {  	[tilespmem:s5+$0x15F40] =	vst v0  }
0x1e: {  	[tilespmem:s5+$0x19F40] =	vst v0  }
0x1f: {  	[tilespmem:s5+$0x16340] =	vst v0  }
0x20: {  	[tilespmem:s5+$0x1A340] =	vst v0  }
0x21: {  	[tilespmem:s5+$0x16740] =	vst v0  }
0x22: {  	[tilespmem:s5+$0x1A740] =	vst v0  }
0x23: {  	[tilespmem:s5+$0x16B40] =	vst v0  }
0x24: {  	[tilespmem:s5+$0x1AB40] =	vst v0  }
0x25: {  	[tilespmem:s5+$0x16F40] =	vst v0  }
0x26: {  	[tilespmem:s5+$0x1AF40] =	vst v0  }
0x27: {  	[tilespmem:s5+$0x17340] =	vst v0  }
0x28: {  	[tilespmem:s5+$0x1B340] =	vst v0  }
0x29: {  	[tilespmem:s5+$0x17740] =	vst v0  }
0x2a: {  	[tilespmem:s5+$0x1B740] =	vst v0  }
0x2b: {  	[tilespmem:s5+$0x17B40] =	vst v0  }
0x2c: {  	[tilespmem:s5+$0x1BB40] =	vst v0  }
0x2d: {  	[tilespmem:s5+$0x17F40] =	vst v0  }
0x2e: {  	[tilespmem:s5+$0x1BF40] =	vst v0  }
.Ltmp0:
0x2f: {  	[tilespmem:s5+$0x18340] =	vst v0;
	(pc) =	sbr.rel @p0 .LBB2_2-.Ltmp0, $4  }
0x30: {  	[tilespmem:s5+$0x1C340] =	vst v0  }
0x31: {  	[tilespmem:s5+$0x18740] =	vst v0  }
0x32: {  	[tilespmem:s5+$0x1C740] =	vst v0  }
0x33: {  	[tilespmem:s5+$0x18B40] =	vst v0;
	s5 =	sshra.s32 s8, $0x2;
	s8 =	sadd.s32 $0x40, s8  }
0x34: {  	[tilespmem:s5+$0x1CB40] =	vst v0  }
0x35: {  	[tilespmem:s5+$0x14F40] =	vst v0  }
0x36: {  	[tilespmem:s5+$0x18F40] =	vst v0  }
0x37: {  	[tilespmem:s5+$0x15340] =	vst v0  }
0x38: {  	[tilespmem:s5+$0x19340] =	vst v0  }
0x39: {  	[tilespmem:s5+$0x15740] =	vst v0  }
0x3a: {  	[tilespmem:s5+$0x19740] =	vst v0  }
0x3b: {  	[tilespmem:s5+$0x15B40] =	vst v0  }
0x3c: {  	[tilespmem:s5+$0x19B40] =	vst v0  }
0x3d: {  	[tilespmem:s5+$0x15F40] =	vst v0  }
0x3e: {  	[tilespmem:s5+$0x19F40] =	vst v0  }
0x3f: {  	[tilespmem:s5+$0x16340] =	vst v0  }
0x40: {  	[tilespmem:s5+$0x1A340] =	vst v0  }
0x41: {  	[tilespmem:s5+$0x16740] =	vst v0  }
0x42: {  	[tilespmem:s5+$0x1A740] =	vst v0  }
0x43: {  	[tilespmem:s5+$0x16B40] =	vst v0  }
0x44: {  	[tilespmem:s5+$0x1AB40] =	vst v0  }
0x45: {  	[tilespmem:s5+$0x16F40] =	vst v0  }
0x46: {  	[tilespmem:s5+$0x1AF40] =	vst v0  }
0x47: {  	[tilespmem:s5+$0x17340] =	vst v0  }
0x48: {  	[tilespmem:s5+$0x1B340] =	vst v0  }
0x49: {  	[tilespmem:s5+$0x17740] =	vst v0  }
0x4a: {  	[tilespmem:s5+$0x1B740] =	vst v0  }
0x4b: {  	[tilespmem:s5+$0x17B40] =	vst v0  }
0x4c: {  	[tilespmem:s5+$0x1BB40] =	vst v0  }
0x4d: {  	[tilespmem:s5+$0x17F40] =	vst v0  }
0x4e: {  	[tilespmem:s5+$0x1BF40] =	vst v0  }
0x4f: {  	[tilespmem:s5+$0x18340] =	vst v0  }
0x50: {  	[tilespmem:s5+$0x1C340] =	vst v0  }
0x51: {  	[tilespmem:s5+$0x18740] =	vst v0  }
0x52: {  	[tilespmem:s5+$0x1C740] =	vst v0  }
0x53: {  	[tilespmem:s5+$0x18B40] =	vst v0;
	s15 =	simm.s32 $0x0;
	s10 =	rddreg [dreg:$0x3]  }
0x54: {  	[tilespmem:s15], [sflag:$0x3] =	stream.linear.gather [hbm4b:s10+s15], $0xFA00, $0x38;
	[tilespmem:$0x1D340] =	vst v63  }
0x55: {  	_ =	swait.ge [sflag:s13], $0xFA00  }
0x56: {  	[sflag:s13] =	ssyncset.done $0x0  }
0x57: {  	s11 =	rddreg [dreg:$0x4];
	[sflag:s13] =	ssyncadd.s32 $0xFFFF0600  }
0x58: {  	[tilespmem:s14], [sflag:$0x1] =	stream.linear.gather [hbm4b:s11+s15], $0x2800, $0x38;
	[tilespmem:$0x1D340] =	vst v63  }
0x59: {  	s8 =	simm.s32 $0x14A00;
	p0 =	por $0x0, $0x0;
	s12 =	rddreg [dreg:$0x5]  }
0x5a: {  	[tilespmem:s8], [sflag:$0x1] =	stream.linear.gather [hbm4b:s12+s15], $0xA0, $0x38;
	[tilespmem:$0x1D340] =	vst v63  }
.LBB2_5:
0x5b: {  	s5 =	sand.u32 $0x1, s15  }
0x5c: {  	p1 =	seq.s32 s5, $0x1  }
0x5d: {  	s8 =	simm.s32 @!p1 $0x1  }
0x5e: {  	_ =	swait.ge @!p1 [sflag:s8], $0x2800  }
0x5f: {  	[sflag:s8] =	ssyncset.done @!p1 $0x0  }
0x60: {  	[sflag:s8] =	ssyncadd.s32 @!p1 $0xFFFFD800  }
0x61: {  	_ =	swait.ge @!p1 [sflag:s8], $0xA0  }
0x62: {  	p4 =	seq.s32 s5, $0x0;
	[sflag:s8] =	ssyncset.done @!p1 $0x0  }
0x63: {  	s15 =	sadd.s32 $0x1, s15;
	[sflag:s8] =	ssyncadd.s32 @!p1 $0xFFFFFF60;
	s8 =	simm.s32 @!p4 $0x2  }
0x64: {  	p2 =	sge.u32 s15, s7;
	_ =	swait.ge @!p4 [sflag:s8], $0x2800  }
0x65: {  	s9 =	sshll.u32 s15, $0x5;
	p3 =	sne.s32 @!p2 s5, $0x0;
	[sflag:s8] =	ssyncset.done @!p4 $0x0  }
0x66: {  	s5 =	sor.u32 s6, s9;
	p3 =	por p3, p2;
	[sflag:s8] =	ssyncadd.s32 @!p4 $0xFFFFD800  }
0x67: {  	s9 =	smul.u32 @!p3 $0x2800, s5;
	_ =	swait.ge @!p4 [sflag:s8], $0xA0  }
0x68: {  	[sflag:s8] =	ssyncset.done @!p4 $0x0  }
0x69: {  	[sflag:s8] =	ssyncadd.s32 @!p4 $0xFFFFFF60;
	s8 =	sshrl.u32 @!p3 s9, $0x3  }
0x6a: {  	s10 =	simm.s32 @!p3 $0x12200;
	s9 =	simm.s32 @!p3 $0x0;
	s8 =	sadd.s32 @!p3 s4, s8  }
0x6b: {  	[tilespmem:s10], [sflag:$0x2] =	stream.linear.gather @!p3 [hbm4b:s8+s9], $0x2800, $0x38;
	[tilespmem:$0x1D340] =	vst v63  }
0x6c: {  	p1 =	por !p1, !p1;
	s8 =	smul.u32 @!p3 $0xA0, s5  }
0x6d: {  	s11 =	simm.s32 @!p3 $0x14AA0;
	p1 =	por p2, p1  }
0x6e: {  	s12 =	smul.u32 @!p1 $0x2800, s5;
	s10 =	simm.s32 $0x1;
	s8 =	sshrl.u32 @!p3 s8, $0x3  }
0x6f: {  	s5 =	smul.u32 @!p1 $0xA0, s5;
	s10 =	simm.s32 @!p0 $0x0;
	s8 =	sadd.s32 @!p3 s1, s8  }
0x70: {  	[tilespmem:s11], [sflag:$0x2] =	stream.linear.gather @!p3 [hbm4b:s8+s9], $0xA0, $0x38;
	[tilespmem:$0x1D340] =	vst v63  }
0x71: {  	s5 =	sshrl.u32 @!p1 s5, $0x3;
	s8 =	sshrl.u32 @!p1 s12, $0x3;
	s9 =	smul.u32 $0x280, s10  }
0x72: {  	s11 =	simm.s32 @!p1 $0x0;
	s12 =	simm.s32 @!p1 $0xFA00;
	s8 =	sadd.s32 @!p1 s4, s8  }
0x73: {  	[tilespmem:s12], [sflag:$0x1] =	stream.linear.gather @!p1 [hbm4b:s8+s11], $0x2800, $0x38;
	[tilespmem:$0x1D340] =	vst v63  }
0x74: {  	s5 =	sadd.s32 @!p1 s1, s5;
	s9 =	sshrl.u32 s9, $0x2  }
0x75: {  	s12 =	smul.u32 $0xA0, s10;
	s10 =	simm.s32 @!p1 $0x14A00;
	s8 =	sor.u32 $0x14A00, s9  }
0x76: {  	[tilespmem:s10], [sflag:$0x1] =	stream.linear.gather @!p1 [hbm4b:s5+s11], $0xA0, $0x38;
	v0 =	vmov s8;
	[tilespmem:$0x1D340] =	vst v63  }
0x77: {  	s5 =	sor.u32 $0x10, s12;
	s8 =	simm.s32 $0x0;
	[tilespmem:$0x1FFD0] =	vst v0  }
.LBB2_6:
0x78: {  	v0 =	vld [tilespmem:$0x1FFD0]  }
0x79: {  	s10 =	sadd.s32 $0xFFFFFFF0, s5  }
0x7a: {  	v6 =	vmov s10  }
0x7b: {  	v6 =	vshll.u32 v6, $0x6  }
0x7c: {  	v21 =	vor.u32 v11, v6;
	_ =	sdelay $0x2  }
0x7d: {  	s9 =	sshra.s32 s8, $0x2;
	v19 =	vor.u32 $0x1, v21  }
0x7e: {  	v17 =	vor.u32 $0x2, v21;
	v5 =	vld.idx.msk [tilespmem:v0+s9+$0x0 ss:$0x1], $0xffff  }
0x7f: {  	v15 =	vor.u32 $0x3, v21;
	v22 =	vld.idx.msk [tilespmem:v21+s14+$0x0], $0xffff  }
0x80: {  	v13 =	vor.u32 $0x4, v21;
	v38 =	vld.idx.msk [tilespmem:v21+s16+$0x0], $0xffff  }
0x81: {  	v11 =	vor.u32 $0x5, v21;
	v54 =	vld.idx.msk [tilespmem:v21+s18+$0x0], $0xffff  }
0x82: {  	v9 =	vor.u32 $0x6, v21;
	v24 =	vld.idx.msk [tilespmem:v19+s14+$0x0], $0xffff  }
0x83: {  	v7 =	vor.u32 $0x7, v21;
	v26 =	vld.idx.msk [tilespmem:v17+s14+$0x0], $0xffff  }
0x84: {  	v28 =	vld.idx.msk [tilespmem:v15+s14+$0x0], $0xffff  }
0x85: {  	v30 =	vld.idx.msk [tilespmem:v13+s14+$0x0], $0xffff  }
0x86: {  	v32 =	vld.idx.msk [tilespmem:v11+s14+$0x0], $0xffff  }
0x87: {  	v34 =	vld.idx.msk [tilespmem:v9+s14+$0x0], $0xffff  }
0x88: {  	v36 =	vld.idx.msk [tilespmem:v7+s14+$0x0], $0xffff  }
0x89: {  	v40 =	vld.idx.msk [tilespmem:v19+s16+$0x0], $0xffff  }
0x8a: {  	v42 =	vld.idx.msk [tilespmem:v17+s16+$0x0], $0xffff  }
0x8b: {  	v44 =	vld.idx.msk [tilespmem:v15+s16+$0x0], $0xffff  }
0x8c: {  	v46 =	vld.idx.msk [tilespmem:v13+s16+$0x0], $0xffff  }
0x8d: {  	v48 =	vld.idx.msk [tilespmem:v11+s16+$0x0], $0xffff  }
0x8e: {  	v50 =	vld.idx.msk [tilespmem:v9+s16+$0x0], $0xffff  }
0x8f: {  	v52 =	vld.idx.msk [tilespmem:v7+s16+$0x0], $0xffff  }
0x90: {  	v56 =	vld.idx.msk [tilespmem:v19+s18+$0x0], $0xffff;
	v5 =	vtrunc.f32 v5  }
0x91: {  	v58 =	vld.idx.msk [tilespmem:v17+s18+$0x0], $0xffff;
	v63 =	vcvt.f32.s32 v5  }
0x92: {  	v60 =	vld.idx.msk [tilespmem:v15+s18+$0x0], $0xffff  }
0x93: {  	v62 =	vld.idx.msk [tilespmem:v13+s18+$0x0], $0xffff;
	v20 =	vshll.u32 v63, $0x6  }
0x94: {  	v3 =	vld.idx.msk [tilespmem:v11+s18+$0x0], $0xffff  }
0x95: {  	v2 =	vld.idx.msk [tilespmem:v9+s18+$0x0], $0xffff  }
0x96: {  	v0 =	vld.idx.msk [tilespmem:v17+s20+$0x0], $0xffff;
	v18 =	vor.u32 $0x1, v20  }
0x97: {  	v5 =	vld.idx.msk [tilespmem:v7+s18+$0x0], $0xffff;
	v16 =	vor.u32 $0x2, v20  }
0x98: {  	v23 =	vld.idx.msk [tilespmem:v20+s3+$0x0], $0xffff  }
0x99: {  	v14 =	vor.u32 $0x3, v20;
	v39 =	vld.idx.msk [tilespmem:v20+s17+$0x0], $0xffff  }
0x9a: {  	v12 =	vor.u32 $0x4, v20;
	v55 =	vld.idx.msk [tilespmem:v20+s19+$0x0], $0xffff  }
0x9b: {  	v10 =	vor.u32 $0x5, v20;
	v25 =	vld.idx.msk [tilespmem:v18+s3+$0x0], $0xffff  }
0x9c: {  	[tilespmem:$0x1FDE0] =	vst v0;
	v0 =	vld.idx.msk [tilespmem:v16+s21+$0x0], $0xffff  }
0x9d: {  	v8 =	vor.u32 $0x6, v20;
	v27 =	vld.idx.msk [tilespmem:v16+s3+$0x0], $0xffff  }
0x9e: {  	v6 =	vor.u32 $0x7, v20;
	v29 =	vld.idx.msk [tilespmem:v14+s3+$0x0], $0xffff  }
0x9f: {  	v31 =	vld.idx.msk [tilespmem:v12+s3+$0x0], $0xffff  }
0xa0: {  	v33 =	vld.idx.msk [tilespmem:v10+s3+$0x0], $0xffff  }
0xa1: {  	[tilespmem:$0x1FDF0] =	vst v0;
	v0 =	vld.idx.msk [tilespmem:v15+s20+$0x0], $0xffff  }
0xa2: {  	v35 =	vld.idx.msk [tilespmem:v8+s3+$0x0], $0xffff  }
0xa3: {  	v37 =	vld.idx.msk [tilespmem:v6+s3+$0x0], $0xffff  }
0xa4: {  	v41 =	vld.idx.msk [tilespmem:v18+s17+$0x0], $0xffff  }
0xa5: {  	v43 =	vld.idx.msk [tilespmem:v16+s17+$0x0], $0xffff  }
0xa6: {  	[tilespmem:$0x1FE00] =	vst v0;
	v0 =	vld.idx.msk [tilespmem:v14+s21+$0x0], $0xffff  }
0xa7: {  	v45 =	vld.idx.msk [tilespmem:v14+s17+$0x0], $0xffff  }
0xa8: {  	v47 =	vld.idx.msk [tilespmem:v12+s17+$0x0], $0xffff  }
0xa9: {  	v49 =	vld.idx.msk [tilespmem:v10+s17+$0x0], $0xffff  }
0xaa: {  	v51 =	vld.idx.msk [tilespmem:v8+s17+$0x0], $0xffff  }
0xab: {  	[tilespmem:$0x1FE10] =	vst v0;
	v0 =	vld.idx.msk [tilespmem:v13+s20+$0x0], $0xffff  }
0xac: {  	v53 =	vld.idx.msk [tilespmem:v6+s17+$0x0], $0xffff  }
0xad: {  	v57 =	vld.idx.msk [tilespmem:v18+s19+$0x0], $0xffff  }
0xae: {  	v59 =	vld.idx.msk [tilespmem:v16+s19+$0x0], $0xffff  }
0xaf: {  	v61 =	vld.idx.msk [tilespmem:v14+s19+$0x0], $0xffff  }
0xb0: {  	[tilespmem:$0x1FE20] =	vst v0;
	v0 =	vld.idx.msk [tilespmem:v12+s21+$0x0], $0xffff  }
0xb1: {  	[tilespmem:$0x1FD90] =	vst v5;
	v5 =	vld.idx.msk [tilespmem:v6+s19+$0x0], $0xffff  }
0xb2: {  	[tilespmem:$0x1FEA0] =	vst v63;
	v63 =	vld.idx.msk [tilespmem:v12+s19+$0x0], $0xffff  }
0xb3: {  	v1 =	vld.idx.msk [tilespmem:v10+s19+$0x0], $0xffff  }
0xb4: {  	v4 =	vld.idx.msk [tilespmem:v8+s19+$0x0], $0xffff  }
0xb5: {  	[tilespmem:$0x1FE30] =	vst v0;
	v0 =	vld.idx.msk [tilespmem:v11+s20+$0x0], $0xffff  }
0xb6: {  	[tilespmem:$0x1FDA0] =	vst v5;
	v5 =	vld.idx.msk [tilespmem:v21+s20+$0x0], $0xffff  }
0xb7: {  	v22 =	vsub.f32 v22, v23;
	v23 =	vsub.f32 v24, v25;
	v24 =	vld.idx.msk [tilespmem:v21+s22+$0x0], $0xffff  }
0xb8: {  	v25 =	vsub.f32 v26, v27;
	v27 =	vld.idx.msk [tilespmem:v20+s23+$0x0], $0xffff  }
0xb9: {  	v26 =	vsub.f32 v28, v29;
	v28 =	vsub.f32 v30, v31;
	v30 =	vld.idx.msk [tilespmem:v19+s22+$0x0], $0xffff  }
0xba: {  	[tilespmem:$0x1FE40] =	vst v0;
	v0 =	vld.idx.msk [tilespmem:v10+s21+$0x0], $0xffff  }
0xbb: {  	v31 =	vsub.f32 v34, v35;
	v34 =	vld.idx.msk [tilespmem:v17+s22+$0x0], $0xffff  }
0xbc: {  	v35 =	vsub.f32 v38, v39;
	v38 =	vld.idx.msk [tilespmem:v15+s22+$0x0], $0xffff  }
0xbd: {  	v45 =	vsub.f32 v44, v45;
	v44 =	vld.idx.msk [tilespmem:v9+s22+$0x0], $0xffff  }
0xbe: {  	v39 =	vsub.f32 v46, v47;
	v47 =	vld.idx.msk [tilespmem:v17+s24+$0x0], $0xffff  }
0xbf: {  	[tilespmem:$0x1FE50] =	vst v0;
	v0 =	vld.idx.msk [tilespmem:v9+s20+$0x0], $0xffff  }
0xc0: {  	v2 =	vsub.f32 v2, v4;
	v4 =	vld.idx.msk [tilespmem:v14+s25+$0x0], $0xffff  }
0xc1: {  	v56 =	vsub.f32 v56, v57;
	v57 =	vsub.f32 v58, v59;
	v46 =	vld.idx.msk [tilespmem:v12+s25+$0x0], $0xffff  }
0xc2: {  	[tilespmem:$0x1FDB0] =	vst v5;
	v5 =	vld.idx.msk [tilespmem:v20+s21+$0x0], $0xffff  }
0xc3: {  	v58 =	vsub.f32 v60, v61;
	v60 =	vmul.f32 v57, v57;
	v57 =	vld [tilespmem:$0x1FDE0]  }
0xc4: {  	v22 =	vmul.f32 v22, v22;
	v28 =	vmul.f32 v28, v28;
	[tilespmem:$0x1FE60] =	vst v0;
	v0 =	vld.idx.msk [tilespmem:v8+s21+$0x0], $0xffff  }
0xc5: {  	v25 =	vmul.f32 v25, v25;
	v61 =	vmul.f32 v58, v58;
	v58 =	vld [tilespmem:$0x1FDF0]  }
0xc6: {  	v31 =	vmul.f32 v31, v31;
	v22 =	vadd.f32 v28, v22;
	v28 =	vsub.f32 v42, v43;
	v43 =	vld.idx.msk [tilespmem:v7+s22+$0x0], $0xffff  }
0xc7: {  	[tilespmem:$0x1FDC0] =	vst v5;
	v5 =	vld.idx.msk [tilespmem:v19+s20+$0x0], $0xffff  }
0xc8: {  	v25 =	vadd.f32 v31, v25;
	v31 =	vmul.f32 v45, v45;
	v45 =	vld.idx.msk [tilespmem:v20+s25+$0x0], $0xffff  }
0xc9: {  	[tilespmem:$0x1FE70] =	vst v0;
	v0 =	vld.idx.msk [tilespmem:v7+s20+$0x0], $0xffff  }
0xca: {  	v24 =	vsub.f32 v24, v27;
	v27 =	vld.idx.msk [tilespmem:v20+s28+$0x0], $0xffff  }
0xcb: {  	v20 =	vld.idx.msk [tilespmem:v20+s30+$0x0], $0xffff  }
0xcc: {  	[tilespmem:$0x1FDD0] =	vst v5;
	v5 =	vld.idx.msk [tilespmem:v18+s21+$0x0], $0xffff  }
0xcd: {  	v42 =	vmul.f32 v56, v56;
	v56 =	vld [tilespmem:$0x1FDD0]  }
0xce: {  	v59 =	vsub.f32 v62, v63;
	[tilespmem:$0x1FE80] =	vst v0;
	v0 =	vld.idx.msk [tilespmem:v6+s21+$0x0], $0xffff  }
0xcf: {  	v55 =	vsub.f32 v54, v55;
	v28 =	vmul.f32 v28, v28;
	v54 =	vld [tilespmem:$0x1FDB0]  }
0xd0: {  	v62 =	vmul.f32 v59, v59;
	v59 =	vld [tilespmem:$0x1FE00]  }
0xd1: {  	v25 =	vadd.f32 v28, v25;
	v28 =	vld.idx.msk [tilespmem:v6+s23+$0x0], $0xffff  }
0xd2: {  	v5 =	vsub.f32 v56, v5;
	v56 =	vld [tilespmem:$0x1FE40]  }
0xd3: {  	[tilespmem:$0x1FE90] =	vst v0;
	v0 =	vsub.f32 v32, v33;
	v32 =	vld.idx.msk [tilespmem:v18+s23+$0x0], $0xffff  }
0xd4: {  	v23 =	vmul.f32 v23, v23;
	v33 =	vsub.f32 v36, v37;
	v36 =	vld.idx.msk [tilespmem:v16+s23+$0x0], $0xffff  }
0xd5: {  	v26 =	vmul.f32 v26, v26;
	v37 =	vld.idx.msk [tilespmem:v11+s22+$0x0], $0xffff;
	v29 =	vmul.f32 v0, v0  }
0xd6: {  	v0 =	vsub.f32 v40, v41;
	v33 =	vmul.f32 v33, v33;
	v40 =	vmul.f32 v35, v35;
	v35 =	vld.idx.msk [tilespmem:v12+s23+$0x0], $0xffff  }
0xd7: {  	v23 =	vadd.f32 v29, v23;
	v29 =	vld.idx.msk [tilespmem:v14+s23+$0x0], $0xffff  }
0xd8: {  	v26 =	vadd.f32 v33, v26;
	v33 =	vld.idx.msk [tilespmem:v13+s22+$0x0], $0xffff  }
0xd9: {  	v41 =	vmul.f32 v0, v0;
	v22 =	vadd.f32 v40, v22;
	v0 =	vsub.f32 v48, v49;
	v40 =	vld.idx.msk [tilespmem:v8+s23+$0x0], $0xffff  }
0xda: {  	v48 =	vsub.f32 v50, v51;
	v50 =	vmul.f32 v39, v39;
	v39 =	vmul.f32 v55, v55;
	v55 =	vld [tilespmem:$0x1FDC0]  }
0xdb: {  	v30 =	vsub.f32 v30, v32;
	v32 =	vld.idx.msk [tilespmem:v19+s26+$0x0], $0xffff  }
0xdc: {  	v23 =	vadd.f32 v41, v23;
	v41 =	vld.idx.msk [tilespmem:v10+s23+$0x0], $0xffff  }
0xdd: {  	v26 =	vadd.f32 v31, v26;
	v31 =	vld.idx.msk [tilespmem:v21+s24+$0x0], $0xffff  }
0xde: {  	v49 =	vsub.f32 v52, v53;
	v52 =	vmul.f32 v48, v48;
	v48 =	vld.idx.msk [tilespmem:v19+s24+$0x0], $0xffff  }
0xdf: {  	v22 =	vadd.f32 v50, v22;
	v50 =	vld.idx.msk [tilespmem:v18+s25+$0x0], $0xffff  }
0xe0: {  	v53 =	vmul.f32 v49, v49;
	v49 =	vsub.f32 v57, v58;
	v57 =	vld [tilespmem:$0x1FE50]  }
0xe1: {  	v58 =	vld [tilespmem:$0x1FE60]  }
0xe2: {  	v19 =	vld.idx.msk [tilespmem:v19+s29+$0x0], $0xffff  }
0xe3: {  	v25 =	vadd.f32 v52, v25;
	v52 =	vld [tilespmem:$0x1FD90]  }
0xe4: {  	v26 =	vadd.f32 v53, v26;
	v53 =	vld [tilespmem:$0x1FDA0]  }
0xe5: {  	v51 =	vmul.f32 v0, v0;
	v22 =	vadd.f32 v39, v22;
	v39 =	vsub.f32 v54, v55;
	v54 =	vld [tilespmem:$0x1FE20]  }
0xe6: {  	v55 =	vld [tilespmem:$0x1FE30]  }
0xe7: {  	v23 =	vadd.f32 v51, v23;
	v29 =	vsub.f32 v38, v29;
	v38 =	vld.idx.msk [tilespmem:v13+s26+$0x0], $0xffff  }
0xe8: {  	v33 =	vsub.f32 v33, v35;
	v35 =	vld.idx.msk [tilespmem:v12+s28+$0x0], $0xffff  }
0xe9: {  	v23 =	vadd.f32 v42, v23;
	v42 =	vld.idx.msk [tilespmem:v16+s25+$0x0], $0xffff  }
0xea: {  	v63 =	vadd.f32 v61, v26;
	v26 =	vld.idx.msk [tilespmem:v15+s24+$0x0], $0xffff  }
0xeb: {  	v1 =	vsub.f32 v3, v1;
	v3 =	vadd.f32 v60, v25;
	v60 =	vld [tilespmem:$0x1FE10]  }
0xec: {  	v61 =	vmul.f32 v39, v39;
	v39 =	vld.idx.msk [tilespmem:v10+s25+$0x0], $0xffff  }
0xed: {  	v22 =	vadd.f32 v62, v22;
	v62 =	vmul.f32 v49, v49;
	v49 =	vsub.f32 v56, v57;
	v56 =	vld.idx.msk [tilespmem:v21+s26+$0x0], $0xffff  }
0xee: {  	v1 =	vmul.f32 v1, v1;
	v57 =	vld.idx.msk [tilespmem:v8+s28+$0x0], $0xffff  }
0xef: {  	v21 =	vld.idx.msk [tilespmem:v21+s29+$0x0], $0xffff  }
0xf0: {  	v2 =	vmul.f32 v2, v2;
	v1 =	vadd.f32 v1, v23;
	v23 =	vld.idx.msk [tilespmem:v13+s24+$0x0], $0xffff  }
0xf1: {  	v0 =	vsub.f32 v52, v53;
	v52 =	vld.idx.msk [tilespmem:v11+s24+$0x0], $0xffff  }
0xf2: {  	v2 =	vadd.f32 v2, v3;
	v3 =	vadd.f32 v61, v22;
	v22 =	vld.idx.msk [tilespmem:v7+s24+$0x0], $0xffff  }
0xf3: {  	v28 =	vsub.f32 v43, v28;
	v5 =	vmul.f32 v5, v5;
	v53 =	vld.idx.msk [tilespmem:v6+s25+$0x0], $0xffff  }
0xf4: {  	v61 =	vld [tilespmem:$0x1FE90]  }
0xf5: {  	v24 =	vmul.f32 v24, v24;
	v28 =	vmul.f32 v28, v28;
	v1 =	vadd.f32 v5, v1;
	v5 =	vld.idx.msk [tilespmem:v8+s25+$0x0], $0xffff  }
0xf6: {  	v30 =	vmul.f32 v30, v30;
	v2 =	vadd.f32 v62, v2;
	v62 =	vsub.f32 v34, v36;
	v36 =	vld.idx.msk [tilespmem:v14+s28+$0x0], $0xffff  }
0xf7: {  	v40 =	vsub.f32 v44, v40;
	v49 =	vmul.f32 v49, v49;
	v25 =	vsub.f32 v54, v55;
	v14 =	vld.idx.msk [tilespmem:v14+s30+$0x0], $0xffff  }
0xf8: {  	v29 =	vmul.f32 v29, v29;
	v0 =	vmul.f32 v0, v0;
	v51 =	vsub.f32 v59, v60;
	v59 =	vld [tilespmem:$0x1FE70]  }
0xf9: {  	v60 =	vld [tilespmem:$0x1FE80];
	v4 =	vsub.f32 v26, v4;
	v25 =	vmul.f32 v25, v25;
	v1 =	vadd.f32 v49, v1  }
0xfa: {  	v20 =	vsub.f32 v21, v20;
	v0 =	vadd.f32 v0, v63;
	v63 =	vmul.f32 v51, v51;
	v51 =	vld.idx.msk [tilespmem:v9+s24+$0x0], $0xffff  }
0xfb: {  	v44 =	vmul.f32 v40, v40;
	v23 =	vsub.f32 v23, v46;
	v3 =	vadd.f32 v25, v3;
	v25 =	vld.idx.msk [tilespmem:v18+s28+$0x0], $0xffff  }
0xfc: {  	v4 =	vmul.f32 v4, v4;
	v1 =	vadd.f32 v30, v1;
	v30 =	vld.idx.msk [tilespmem:v15+s26+$0x0], $0xffff;
	v39 =	vsub.f32 v52, v39  }
0xfd: {  	v18 =	vld.idx.msk [tilespmem:v18+s30+$0x0], $0xffff;
	v0 =	vadd.f32 v63, v0;
	v63 =	vsub.f32 v37, v41;
	v41 =	vmul.f32 v33, v33  }
0xfe: {  	v15 =	vld.idx.msk [tilespmem:v15+s29+$0x0], $0xffff;
	v23 =	vmul.f32 v23, v23;
	v54 =	vsub.f32 v58, v59;
	v55 =	vsub.f32 v60, v61  }
0xff: {  	v3 =	vadd.f32 v24, v3;
	v24 =	vmul.f32 v62, v62;
	v58 =	vsub.f32 v47, v42;
	v59 =	vld.idx.msk [tilespmem:v7+s26+$0x0], $0xffff  }
0x100: {  	v60 =	vld.idx.msk [tilespmem:v6+s28+$0x0], $0xffff;
	v62 =	vsub.f32 v22, v53;
	v43 =	vmul.f32 v63, v63;
	v63 =	vsub.f32 v56, v27  }
0x101: {  	v7 =	vld.idx.msk [tilespmem:v7+s29+$0x0], $0xffff;
	v54 =	vmul.f32 v54, v54;
	v3 =	vadd.f32 v41, v3;
	v5 =	vsub.f32 v51, v5  }
0x102: {  	v6 =	vld.idx.msk [tilespmem:v6+s30+$0x0], $0xffff;
	v55 =	vmul.f32 v55, v55;
	v1 =	vadd.f32 v43, v1;
	v18 =	vsub.f32 v19, v18  }
0x103: {  	v13 =	vld.idx.msk [tilespmem:v13+s29+$0x0], $0xffff;
	v61 =	vmul.f32 v39, v39;
	v51 =	vsub.f32 v15, v14;
	v2 =	vadd.f32 v54, v2  }
0x104: {  	v34 =	vld.idx.msk [tilespmem:v16+s28+$0x0], $0xffff;
	v40 =	vmul.f32 v58, v58;
	v0 =	vadd.f32 v55, v0;
	v54 =	vsub.f32 v31, v45  }
0x105: {  	v49 =	vld.idx.msk [tilespmem:v17+s26+$0x0], $0xffff;
	v55 =	vsub.f32 v48, v50;
	v5 =	vmul.f32 v5, v5;
	v2 =	vadd.f32 v24, v2  }
0x106: {  	v16 =	vld.idx.msk [tilespmem:v16+s30+$0x0], $0xffff;
	v47 =	vsub.f32 v59, v60;
	v0 =	vadd.f32 v29, v0;
	v29 =	vmul.f32 v54, v54  }
0x107: {  	v37 =	vld.idx.msk [tilespmem:v11+s26+$0x0], $0xffff;
	v6 =	vsub.f32 v7, v6;
	v31 =	vmul.f32 v55, v55;
	v2 =	vadd.f32 v44, v2  }
0x108: {  	v50 =	vmul.f32 v18, v18;
	v24 =	vld.idx.msk [tilespmem:v10+s28+$0x0], $0xffff;
	v0 =	vadd.f32 v28, v0;
	v3 =	vadd.f32 v29, v3  }
0x109: {  	v43 =	vld.idx.msk [tilespmem:v12+s30+$0x0], $0xffff;
	v6 =	vmul.f32 v6, v6;
	v1 =	vadd.f32 v31, v1;
	v31 =	vsub.f32 v32, v25  }
0x10a: {  	v28 =	vld.idx.msk [tilespmem:v9+s26+$0x0], $0xffff;
	v32 =	vsub.f32 v49, v34;
	v34 =	vsub.f32 v30, v36;
	v36 =	vmul.f32 v63, v63  }
0x10b: {  	v44 =	vld.idx.msk [tilespmem:v11+s29+$0x0], $0xffff;
	v11 =	vsub.f32 v38, v35;
	v49 =	vmul.f32 v47, v47;
	v2 =	vadd.f32 v40, v2  }
0x10c: {  	v10 =	vld.idx.msk [tilespmem:v10+s30+$0x0], $0xffff;
	v0 =	vadd.f32 v4, v0;
	v3 =	vadd.f32 v23, v3;
	v4 =	vmul.f32 v62, v62  }
0x10d: {  	v8 =	vld.idx.msk [tilespmem:v8+s30+$0x0], $0xffff;
	v1 =	vadd.f32 v61, v1;
	v39 =	vmul.f32 v31, v31;
	v45 =	vsub.f32 v37, v24  }
0x10e: {  	v17 =	vld.idx.msk [tilespmem:v17+s29+$0x0], $0xffff;
	v40 =	vmul.f32 v32, v32;
	v2 =	vadd.f32 v5, v2;
	v0 =	vadd.f32 v4, v0  }
0x10f: {  	v9 =	vld.idx.msk [tilespmem:v9+s29+$0x0], $0xffff;
	v11 =	vmul.f32 v11, v11;
	v3 =	vadd.f32 v36, v3;
	v1 =	vadd.f32 v39, v1  }
0x110: {  	v42 =	vmul.f32 v34, v34;
	v5 =	vsub.f32 v13, v43;
	v46 =	vsub.f32 v28, v57  }
0x111: {  	v4 =	vsub.f32 v44, v10;
	v3 =	vadd.f32 v11, v3;
	v11 =	vmul.f32 v20, v20  }
0x112: {  	v12 =	vmul.f32 v45, v45;
	v2 =	vadd.f32 v40, v2;
	v0 =	vadd.f32 v42, v0  }
0x113: {  	v48 =	vmul.f32 v46, v46;
	v3 =	vadd.f32 v11, v3;
	v11 =	vsub.f32 v17, v16  }
0x114: {  	v10 =	vmul.f32 v51, v51;
	v8 =	vsub.f32 v9, v8;
	v1 =	vadd.f32 v12, v1  }
0x115: {  	v0 =	vadd.f32 v49, v0;
	v2 =	vadd.f32 v48, v2;
	v11 =	vmul.f32 v11, v11  }
0x116: {  	v5 =	vmul.f32 v5, v5;
	v4 =	vmul.f32 v4, v4;
	v1 =	vadd.f32 v50, v1  }
0x117: {  	v52 =	vmul.f32 v8, v8;
	v0 =	vadd.f32 v10, v0;
	v2 =	vadd.f32 v11, v2  }
0x118: {  	v3 =	vadd.f32 v5, v3;
	v1 =	vadd.f32 v4, v1  }
0x119: {  	v0 =	vadd.f32 v6, v0;
	v2 =	vadd.f32 v52, v2;
	_ =	sdelay $0x1  }
0x11a: {  	v1 =	vadd.f32 v1, v3;
	v0 =	vadd.f32 v0, v2;
	_ =	sdelay $0x1  }
0x11b: {  	v0 =	vadd.f32 v0, v1;
	_ =	sdelay $0x1  }
0x11c: {  	v1 =	vshrl.u32 v0, $0x1;
	v53 =	vmul.f32 $5.000000000e-01, v0  }
0x11d: {  	v1 =	vsub.s32 $0x5F3759DF, v1  }
0x11e: {  	v54 =	vmul.f32 v1, v53;
	_ =	sdelay $0x1  }
0x11f: {  	v3 =	vmul.f32 v1, v54;
	_ =	sdelay $0x1  }
0x120: {  	v3 =	vsub.f32 $1.500000000e+00, v3;
	_ =	sdelay $0x1  }
0x121: {  	v1 =	vmul.f32 v1, v3;
	_ =	sdelay $0x1  }
0x122: {  	v3 =	vmul.f32 v1, v53;
	_ =	sdelay $0x1  }
0x123: {  	v3 =	vmul.f32 v3, v1;
	_ =	sdelay $0x1  }
0x124: {  	v3 =	vsub.f32 $1.500000000e+00, v3;
	_ =	sdelay $0x1  }
0x125: {  	v1 =	vmul.f32 v3, v1  }
0x126: {  	v56 =	vld [tilespmem:$0x1FEA0]  }
0x127: {  	v55 =	vld [tilespmem:$0x1FFF0];
	v2 =	vmul.f32 v1, v53;
	_ =	sdelay $0x1  }
0x128: {  	v62 =	vld [tilespmem:$0x1FFE0];
	v2 =	vmul.f32 v2, v1;
	_ =	sdelay $0x1  }
0x129: {  	v58 =	vld [tilespmem:$0x1FFD0];
	v2 =	vsub.f32 $1.500000000e+00, v2  }
0x12a: {  	v59 =	vmov s5;
	v3 =	vadd.s32 v55, v56  }
0x12b: {  	v61 =	vshll.u32 v59, $0x6;
	v1 =	vmul.f32 v2, v1  }
0x12c: {  	v21 =	vor.u32 v62, v61  }
0x12d: {  	v19 =	vor.u32 $0x1, v21;
	v0 =	vmul.f32 v1, v0  }
0x12e: {  	v17 =	vor.u32 $0x2, v21  }
0x12f: {  	v57 =	vimm.f32 $1.000000000e+00;
	v15 =	vor.u32 $0x3, v21;
	[tilespmem:v3+s31+$0x0] =	vst.idx.add.f32.msk $0xffff, v0  }
0x130: {  	v13 =	vor.u32 $0x4, v21;
	[tilespmem:v3+s0+$0x0] =	vst.idx.add.f32.msk $0xffff, v57  }
0x131: {  	v11 =	vor.u32 $0x5, v21;
	v0 =	vld.idx.msk [tilespmem:v58+s9+$0x10 ss:$0x1], $0xffff  }
0x132: {  	v9 =	vor.u32 $0x6, v21;
	v2 =	vld.idx.msk [tilespmem:v19+s14+$0x0], $0xffff  }
0x133: {  	v7 =	vor.u32 $0x7, v21;
	v4 =	vld.idx.msk [tilespmem:v17+s14+$0x0], $0xffff  }
0x134: {  	v23 =	vld.idx.msk [tilespmem:v15+s14+$0x0], $0xffff  }
0x135: {  	v25 =	vld.idx.msk [tilespmem:v13+s14+$0x0], $0xffff  }
0x136: {  	v27 =	vld.idx.msk [tilespmem:v11+s14+$0x0], $0xffff  }
0x137: {  	v29 =	vld.idx.msk [tilespmem:v9+s14+$0x0], $0xffff  }
0x138: {  	v31 =	vld.idx.msk [tilespmem:v7+s14+$0x0], $0xffff  }
0x139: {  	v33 =	vld.idx.msk [tilespmem:v21+s16+$0x0], $0xffff  }
0x13a: {  	v35 =	vld.idx.msk [tilespmem:v19+s16+$0x0], $0xffff  }
0x13b: {  	v37 =	vld.idx.msk [tilespmem:v17+s16+$0x0], $0xffff  }
0x13c: {  	v39 =	vld.idx.msk [tilespmem:v15+s16+$0x0], $0xffff  }
0x13d: {  	v41 =	vld.idx.msk [tilespmem:v13+s16+$0x0], $0xffff  }
0x13e: {  	v43 =	vld.idx.msk [tilespmem:v11+s16+$0x0], $0xffff;
	v0 =	vtrunc.f32 v0  }
0x13f: {  	v45 =	vld.idx.msk [tilespmem:v9+s16+$0x0], $0xffff;
	v60 =	vcvt.f32.s32 v0  }
0x140: {  	v47 =	vld.idx.msk [tilespmem:v7+s16+$0x0], $0xffff  }
0x141: {  	v49 =	vld.idx.msk [tilespmem:v21+s18+$0x0], $0xffff;
	v20 =	vshll.u32 v60, $0x6  }
0x142: {  	v5 =	vld.idx.msk [tilespmem:v19+s20+$0x0], $0xffff;
	v18 =	vor.u32 $0x1, v20  }
0x143: {  	v51 =	vld.idx.msk [tilespmem:v19+s18+$0x0], $0xffff  }
0x144: {  	v53 =	vld.idx.msk [tilespmem:v17+s18+$0x0], $0xffff  }
0x145: {  	v55 =	vld.idx.msk [tilespmem:v15+s18+$0x0], $0xffff  }
0x146: {  	v57 =	vld.idx.msk [tilespmem:v13+s18+$0x0], $0xffff  }
0x147: {  	[tilespmem:$0x1FEE0] =	vst v5;
	v5 =	vld.idx.msk [tilespmem:v18+s21+$0x0], $0xffff  }
0x148: {  	v59 =	vld.idx.msk [tilespmem:v11+s18+$0x0], $0xffff  }
0x149: {  	v61 =	vld.idx.msk [tilespmem:v9+s18+$0x0], $0xffff  }
0x14a: {  	v63 =	vld.idx.msk [tilespmem:v7+s18+$0x0], $0xffff  }
0x14b: {  	v0 =	vld.idx.msk [tilespmem:v21+s14+$0x0], $0xffff  }
0x14c: {  	v16 =	vor.u32 $0x2, v20;
	[tilespmem:$0x1FEF0] =	vst v5;
	v5 =	vld.idx.msk [tilespmem:v17+s20+$0x0], $0xffff  }
0x14d: {  	v1 =	vld.idx.msk [tilespmem:v20+s3+$0x0], $0xffff  }
0x14e: {  	v14 =	vor.u32 $0x3, v20;
	v34 =	vld.idx.msk [tilespmem:v20+s17+$0x0], $0xffff  }
0x14f: {  	v12 =	vor.u32 $0x4, v20;
	v50 =	vld.idx.msk [tilespmem:v20+s19+$0x0], $0xffff  }
0x150: {  	v10 =	vor.u32 $0x5, v20;
	v3 =	vld.idx.msk [tilespmem:v18+s3+$0x0], $0xffff  }
0x151: {  	[tilespmem:$0x1FF00] =	vst v5;
	v5 =	vld.idx.msk [tilespmem:v16+s21+$0x0], $0xffff  }
0x152: {  	v8 =	vor.u32 $0x6, v20;
	v22 =	vld.idx.msk [tilespmem:v16+s3+$0x0], $0xffff  }
0x153: {  	v6 =	vor.u32 $0x7, v20;
	v24 =	vld.idx.msk [tilespmem:v14+s3+$0x0], $0xffff  }
0x154: {  	v26 =	vld.idx.msk [tilespmem:v12+s3+$0x0], $0xffff  }
0x155: {  	v28 =	vld.idx.msk [tilespmem:v10+s3+$0x0], $0xffff  }
0x156: {  	[tilespmem:$0x1FF10] =	vst v5;
	v5 =	vld.idx.msk [tilespmem:v15+s20+$0x0], $0xffff  }
0x157: {  	v30 =	vld.idx.msk [tilespmem:v8+s3+$0x0], $0xffff  }
0x158: {  	v32 =	vld.idx.msk [tilespmem:v6+s3+$0x0], $0xffff  }
0x159: {  	v36 =	vld.idx.msk [tilespmem:v18+s17+$0x0], $0xffff  }
0x15a: {  	v38 =	vld.idx.msk [tilespmem:v16+s17+$0x0], $0xffff  }
0x15b: {  	[tilespmem:$0x1FF20] =	vst v5;
	v5 =	vld.idx.msk [tilespmem:v14+s21+$0x0], $0xffff  }
0x15c: {  	v40 =	vld.idx.msk [tilespmem:v14+s17+$0x0], $0xffff  }
0x15d: {  	v42 =	vld.idx.msk [tilespmem:v12+s17+$0x0], $0xffff  }
0x15e: {  	v44 =	vld.idx.msk [tilespmem:v10+s17+$0x0], $0xffff  }
0x15f: {  	v46 =	vld.idx.msk [tilespmem:v8+s17+$0x0], $0xffff  }
0x160: {  	[tilespmem:$0x1FF30] =	vst v5;
	v5 =	vld.idx.msk [tilespmem:v13+s20+$0x0], $0xffff  }
0x161: {  	v48 =	vld.idx.msk [tilespmem:v6+s17+$0x0], $0xffff  }
0x162: {  	v52 =	vld.idx.msk [tilespmem:v18+s19+$0x0], $0xffff  }
0x163: {  	v54 =	vld.idx.msk [tilespmem:v16+s19+$0x0], $0xffff  }
0x164: {  	v56 =	vld.idx.msk [tilespmem:v14+s19+$0x0], $0xffff  }
0x165: {  	[tilespmem:$0x1FF40] =	vst v5;
	v5 =	vld.idx.msk [tilespmem:v12+s21+$0x0], $0xffff  }
0x166: {  	[tilespmem:$0x1FEB0] =	vst v63;
	v63 =	vld.idx.msk [tilespmem:v6+s19+$0x0], $0xffff  }
0x167: {  	v58 =	vld.idx.msk [tilespmem:v12+s19+$0x0], $0xffff  }
0x168: {  	[tilespmem:$0x1FFC0] =	vst v60;
	v60 =	vld.idx.msk [tilespmem:v10+s19+$0x0], $0xffff  }
0x169: {  	v62 =	vld.idx.msk [tilespmem:v8+s19+$0x0], $0xffff  }
0x16a: {  	[tilespmem:$0x1FF50] =	vst v5;
	v5 =	vld.idx.msk [tilespmem:v11+s20+$0x0], $0xffff  }
0x16b: {  	[tilespmem:$0x1FEC0] =	vst v63;
	v63 =	vld.idx.msk [tilespmem:v21+s20+$0x0], $0xffff  }
0x16c: {  	v0 =	vsub.f32 v0, v1;
	v1 =	vsub.f32 v2, v3;
	v2 =	vld.idx.msk [tilespmem:v21+s22+$0x0], $0xffff  }
0x16d: {  	v3 =	vsub.f32 v4, v22;
	v22 =	vld.idx.msk [tilespmem:v20+s23+$0x0], $0xffff  }
0x16e: {  	v4 =	vsub.f32 v23, v24;
	v23 =	vsub.f32 v25, v26;
	v25 =	vld.idx.msk [tilespmem:v19+s22+$0x0], $0xffff  }
0x16f: {  	[tilespmem:$0x1FF60] =	vst v5;
	v5 =	vld.idx.msk [tilespmem:v10+s21+$0x0], $0xffff  }
0x170: {  	v24 =	vsub.f32 v27, v28;
	v27 =	vld.idx.msk [tilespmem:v18+s23+$0x0], $0xffff  }
0x171: {  	v26 =	vsub.f32 v29, v30;
	v29 =	vld.idx.msk [tilespmem:v17+s22+$0x0], $0xffff  }
0x172: {  	v28 =	vsub.f32 v31, v32;
	v31 =	vld.idx.msk [tilespmem:v16+s23+$0x0], $0xffff  }
0x173: {  	v30 =	vld.idx.msk [tilespmem:v12+s23+$0x0], $0xffff  }
0x174: {  	[tilespmem:$0x1FF70] =	vst v5;
	v5 =	vld.idx.msk [tilespmem:v9+s20+$0x0], $0xffff  }
0x175: {  	v32 =	vld.idx.msk [tilespmem:v11+s22+$0x0], $0xffff  }
0x176: {  	v40 =	vsub.f32 v39, v40;
	v39 =	vld.idx.msk [tilespmem:v9+s22+$0x0], $0xffff  }
0x177: {  	v50 =	vsub.f32 v49, v50;
	v49 =	vsub.f32 v57, v58;
	v57 =	vld [tilespmem:$0x1FEE0]  }
0x178: {  	v38 =	vsub.f32 v37, v38;
	v58 =	vld [tilespmem:$0x1FEF0];
	v1 =	vmul.f32 v1, v1  }
0x179: {  	v4 =	vmul.f32 v4, v4;
	v24 =	vmul.f32 v24, v24;
	[tilespmem:$0x1FF80] =	vst v5;
	v5 =	vld.idx.msk [tilespmem:v8+s21+$0x0], $0xffff  }
0x17a: {  	v52 =	vsub.f32 v51, v52;
	v28 =	vmul.f32 v28, v28;
	v51 =	vmul.f32 v49, v49;
	v49 =	vld.idx.msk [tilespmem:v12+s25+$0x0], $0xffff  }
0x17b: {  	v0 =	vmul.f32 v0, v0;
	v23 =	vmul.f32 v23, v23;
	v1 =	vadd.f32 v24, v1;
	v24 =	vld.idx.msk [tilespmem:v14+s23+$0x0], $0xffff  }
0x17c: {  	v3 =	vmul.f32 v3, v3;
	v4 =	vadd.f32 v28, v4;
	v28 =	vld.idx.msk [tilespmem:v13+s22+$0x0], $0xffff  }
0x17d: {  	v26 =	vmul.f32 v26, v26;
	v0 =	vadd.f32 v23, v0;
	v23 =	vmul.f32 v38, v38;
	v38 =	vld.idx.msk [tilespmem:v7+s22+$0x0], $0xffff  }
0x17e: {  	[tilespmem:$0x1FF90] =	vst v5;
	v5 =	vld.idx.msk [tilespmem:v7+s20+$0x0], $0xffff  }
0x17f: {  	v3 =	vadd.f32 v26, v3;
	v26 =	vmul.f32 v40, v40;
	v40 =	vld.idx.msk [tilespmem:v20+s25+$0x0], $0xffff  }
0x180: {  	[tilespmem:$0x1FED0] =	vst v63;
	v63 =	vld.idx.msk [tilespmem:v20+s21+$0x0], $0xffff  }
0x181: {  	v36 =	vsub.f32 v35, v36;
	v2 =	vsub.f32 v2, v22;
	v22 =	vld.idx.msk [tilespmem:v20+s28+$0x0], $0xffff  }
0x182: {  	v25 =	vsub.f32 v25, v27;
	v27 =	vld.idx.msk [tilespmem:v19+s26+$0x0], $0xffff  }
0x183: {  	v36 =	vmul.f32 v36, v36;
	[tilespmem:$0x1FFA0] =	vst v5;
	v5 =	vld.idx.msk [tilespmem:v6+s21+$0x0], $0xffff  }
0x184: {  	v20 =	vld.idx.msk [tilespmem:v20+s30+$0x0], $0xffff  }
0x185: {  	v1 =	vadd.f32 v36, v1;
	v36 =	vld.idx.msk [tilespmem:v10+s23+$0x0], $0xffff  }
0x186: {  	v3 =	vadd.f32 v23, v3;
	v23 =	vld.idx.msk [tilespmem:v6+s23+$0x0], $0xffff  }
0x187: {  	v4 =	vadd.f32 v26, v4;
	v26 =	vld.idx.msk [tilespmem:v21+s24+$0x0], $0xffff;
	v28 =	vsub.f32 v28, v30  }
0x188: {  	v30 =	vld.idx.msk [tilespmem:v12+s28+$0x0], $0xffff;
	[tilespmem:$0x1FFB0] =	vst v5;
	v5 =	vsub.f32 v33, v34;
	v34 =	vsub.f32 v41, v42  }
0x189: {  	v12 =	vld.idx.msk [tilespmem:v12+s30+$0x0], $0xffff;
	v42 =	vsub.f32 v43, v44;
	v43 =	vsub.f32 v45, v46  }
0x18a: {  	v33 =	vld.idx.msk [tilespmem:v15+s22+$0x0], $0xffff;
	v44 =	vsub.f32 v47, v48  }
0x18b: {  	v47 =	vmul.f32 v43, v43;
	v43 =	vld.idx.msk [tilespmem:v19+s24+$0x0], $0xffff  }
0x18c: {  	v48 =	vmul.f32 v44, v44;
	v44 =	vld.idx.msk [tilespmem:v14+s25+$0x0], $0xffff  }
0x18d: {  	v35 =	vmul.f32 v5, v5;
	v5 =	vsub.f32 v53, v54;
	v54 =	vld [tilespmem:$0x1FEB0]  }
0x18e: {  	v45 =	vmul.f32 v34, v34;
	v34 =	vmul.f32 v50, v50;
	v50 =	vsub.f32 v59, v60;
	v59 =	vld [tilespmem:$0x1FF00]  }
0x18f: {  	v60 =	vld [tilespmem:$0x1FF10]  }
0x190: {  	v53 =	vsub.f32 v61, v62;
	v61 =	vld [tilespmem:$0x1FF20]  }
0x191: {  	v62 =	vld [tilespmem:$0x1FF30]  }
0x192: {  	v19 =	vld.idx.msk [tilespmem:v19+s29+$0x0], $0xffff  }
0x193: {  	v0 =	vadd.f32 v35, v0;
	v35 =	vld.idx.msk [tilespmem:v8+s23+$0x0], $0xffff  }
0x194: {  	v3 =	vadd.f32 v47, v3;
	v47 =	vld.idx.msk [tilespmem:v17+s24+$0x0], $0xffff  }
0x195: {  	v46 =	vmul.f32 v42, v42;
	v4 =	vadd.f32 v48, v4;
	v48 =	vsub.f32 v55, v56;
	v55 =	vld [tilespmem:$0x1FEC0]  }
0x196: {  	v56 =	vld [tilespmem:$0x1FED0]  }
0x197: {  	v37 =	vmul.f32 v52, v52;
	v1 =	vadd.f32 v46, v1;
	v24 =	vsub.f32 v33, v24;
	v33 =	vld.idx.msk [tilespmem:v13+s26+$0x0], $0xffff  }
0x198: {  	v41 =	vmul.f32 v5, v5;
	v0 =	vadd.f32 v45, v0;
	v45 =	vld.idx.msk [tilespmem:v18+s25+$0x0], $0xffff  }
0x199: {  	v1 =	vadd.f32 v37, v1;
	v37 =	vld.idx.msk [tilespmem:v16+s25+$0x0], $0xffff  }
0x19a: {  	v3 =	vadd.f32 v41, v3;
	v41 =	vld.idx.msk [tilespmem:v13+s24+$0x0], $0xffff  }
0x19b: {  	v42 =	vmul.f32 v48, v48;
	v48 =	vsub.f32 v57, v58;
	v57 =	vld [tilespmem:$0x1FF40]  }
0x19c: {  	v58 =	vld [tilespmem:$0x1FF50]  }
0x19d: {  	v13 =	vld.idx.msk [tilespmem:v13+s29+$0x0], $0xffff  }
0x19e: {  	v52 =	vmul.f32 v50, v50;
	v50 =	vsub.f32 v59, v60;
	v59 =	vld [tilespmem:$0x1FF60]  }
0x19f: {  	v60 =	vld [tilespmem:$0x1FF70]  }
0x1a0: {  	v4 =	vadd.f32 v42, v4;
	v42 =	vld.idx.msk [tilespmem:v15+s24+$0x0], $0xffff  }
0x1a1: {  	v1 =	vadd.f32 v52, v1;
	v52 =	vld.idx.msk [tilespmem:v11+s24+$0x0], $0xffff  }
0x1a2: {  	v0 =	vadd.f32 v34, v0;
	v34 =	vmul.f32 v53, v53;
	v53 =	vld.idx.msk [tilespmem:v6+s25+$0x0], $0xffff  }
0x1a3: {  	v5 =	vsub.f32 v54, v55;
	v54 =	vmul.f32 v48, v48;
	v48 =	vld.idx.msk [tilespmem:v10+s25+$0x0], $0xffff  }
0x1a4: {  	v3 =	vadd.f32 v34, v3;
	v34 =	vld.idx.msk [tilespmem:v8+s25+$0x0], $0xffff  }
0x1a5: {  	v0 =	vadd.f32 v51, v0;
	v51 =	vsub.f32 v61, v62;
	v61 =	vld [tilespmem:$0x1FF80]  }
0x1a6: {  	v46 =	vsub.f32 v56, v63;
	v55 =	vmul.f32 v50, v50;
	v62 =	vld [tilespmem:$0x1FF90]  }
0x1a7: {  	v5 =	vmul.f32 v5, v5;
	v56 =	vmul.f32 v51, v51;
	v51 =	vld.idx.msk [tilespmem:v9+s24+$0x0], $0xffff  }
0x1a8: {  	v63 =	vmul.f32 v46, v46;
	v46 =	vsub.f32 v57, v58;
	v50 =	vsub.f32 v59, v60;
	v60 =	vld [tilespmem:$0x1FFB0]  }
0x1a9: {  	v4 =	vadd.f32 v5, v4;
	v5 =	vld.idx.msk [tilespmem:v7+s24+$0x0], $0xffff  }
0x1aa: {  	v0 =	vadd.f32 v63, v0;
	v63 =	vld [tilespmem:$0x1FFA0];
	v46 =	vmul.f32 v46, v46  }
0x1ab: {  	v23 =	vsub.f32 v38, v23;
	v4 =	vadd.f32 v56, v4;
	v56 =	vld.idx.msk [tilespmem:v21+s26+$0x0], $0xffff  }
0x1ac: {  	v1 =	vadd.f32 v54, v1;
	v0 =	vadd.f32 v46, v0;
	v46 =	vld.idx.msk [tilespmem:v18+s28+$0x0], $0xffff  }
0x1ad: {  	v2 =	vmul.f32 v2, v2;
	v54 =	vsub.f32 v61, v62;
	v61 =	vsub.f32 v29, v31;
	v29 =	vld.idx.msk [tilespmem:v16+s28+$0x0], $0xffff  }
0x1ae: {  	v25 =	vmul.f32 v25, v25;
	v23 =	vmul.f32 v23, v23;
	v58 =	vsub.f32 v47, v37;
	v31 =	vld.idx.msk [tilespmem:v14+s28+$0x0], $0xffff  }
0x1af: {  	v12 =	vsub.f32 v13, v12;
	v50 =	vmul.f32 v50, v50;
	v62 =	vsub.f32 v32, v36;
	v32 =	vld.idx.msk [tilespmem:v11+s26+$0x0], $0xffff  }
0x1b0: {  	v24 =	vmul.f32 v24, v24;
	v3 =	vadd.f32 v55, v3;
	v59 =	vsub.f32 v42, v44;
	v21 =	vld.idx.msk [tilespmem:v21+s29+$0x0], $0xffff  }
0x1b1: {  	v18 =	vld.idx.msk [tilespmem:v18+s30+$0x0], $0xffff;
	v1 =	vadd.f32 v50, v1;
	v54 =	vmul.f32 v54, v54;
	v0 =	vadd.f32 v2, v0  }
0x1b2: {  	v16 =	vld.idx.msk [tilespmem:v16+s30+$0x0], $0xffff;
	v2 =	vmul.f32 v61, v61;
	v61 =	vsub.f32 v41, v49;
	v55 =	vsub.f32 v63, v60  }
0x1b3: {  	v36 =	vmul.f32 v28, v28;
	v50 =	vld.idx.msk [tilespmem:v17+s26+$0x0], $0xffff;
	v1 =	vadd.f32 v25, v1;
	v63 =	vsub.f32 v39, v35  }
0x1b4: {  	v38 =	vmul.f32 v62, v62;
	v62 =	vld.idx.msk [tilespmem:v6+s28+$0x0], $0xffff;
	v5 =	vsub.f32 v5, v53;
	v3 =	vadd.f32 v54, v3  }
0x1b5: {  	v6 =	vld.idx.msk [tilespmem:v6+s30+$0x0], $0xffff;
	v35 =	vmul.f32 v58, v58;
	v0 =	vadd.f32 v36, v0;
	v54 =	vsub.f32 v26, v40  }
0x1b6: {  	v25 =	vld.idx.msk [tilespmem:v15+s26+$0x0], $0xffff;
	v39 =	vmul.f32 v63, v63;
	v1 =	vadd.f32 v38, v1;
	v63 =	vsub.f32 v52, v48  }
0x1b7: {  	v60 =	vld.idx.msk [tilespmem:v7+s26+$0x0], $0xffff;
	v36 =	vmul.f32 v59, v59;
	v22 =	vsub.f32 v56, v22;
	v44 =	vsub.f32 v27, v46  }
0x1b8: {  	v55 =	vmul.f32 v55, v55;
	v48 =	vld.idx.msk [tilespmem:v11+s29+$0x0], $0xffff;
	v11 =	vsub.f32 v33, v30;
	v20 =	vsub.f32 v21, v20  }
0x1b9: {  	v7 =	vld.idx.msk [tilespmem:v7+s29+$0x0], $0xffff;
	v41 =	vmul.f32 v61, v61;
	v18 =	vsub.f32 v19, v18;
	v2 =	vadd.f32 v2, v3  }
0x1ba: {  	v17 =	vld.idx.msk [tilespmem:v17+s29+$0x0], $0xffff;
	v5 =	vmul.f32 v5, v5;
	v4 =	vadd.f32 v55, v4;
	v55 =	vsub.f32 v43, v45  }
0x1bb: {  	v56 =	vmul.f32 v12, v12;
	v43 =	vsub.f32 v51, v34;
	v45 =	vsub.f32 v50, v29  }
0x1bc: {  	v3 =	vld.idx.msk [tilespmem:v10+s28+$0x0], $0xffff;
	v42 =	vmul.f32 v63, v63;
	v2 =	vadd.f32 v39, v2;
	v25 =	vsub.f32 v25, v31  }
0x1bd: {  	v22 =	vmul.f32 v22, v22;
	v50 =	vsub.f32 v60, v62;
	v4 =	vadd.f32 v24, v4  }
0x1be: {  	v57 =	vld.idx.msk [tilespmem:v8+s28+$0x0], $0xffff;
	v6 =	vsub.f32 v7, v6;
	v24 =	vmul.f32 v54, v54;
	v26 =	vmul.f32 v55, v55  }
0x1bf: {  	v8 =	vld.idx.msk [tilespmem:v8+s30+$0x0], $0xffff;
	v46 =	vmul.f32 v44, v44;
	v54 =	vsub.f32 v17, v16;
	v4 =	vadd.f32 v23, v4  }
0x1c0: {  	v11 =	vmul.f32 v11, v11;
	v23 =	vld.idx.msk [tilespmem:v9+s26+$0x0], $0xffff;
	v0 =	vadd.f32 v24, v0;
	v1 =	vadd.f32 v26, v1  }
0x1c1: {  	v14 =	vld.idx.msk [tilespmem:v14+s30+$0x0], $0xffff;
	v2 =	vadd.f32 v35, v2;
	v24 =	vmul.f32 v43, v43;
	v3 =	vsub.f32 v32, v3  }
0x1c2: {  	v15 =	vld.idx.msk [tilespmem:v15+s29+$0x0], $0xffff;
	v53 =	vmul.f32 v20, v20;
	v0 =	vadd.f32 v41, v0;
	v1 =	vadd.f32 v42, v1  }
0x1c3: {  	v10 =	vld.idx.msk [tilespmem:v10+s30+$0x0], $0xffff;
	v47 =	vmul.f32 v45, v45;
	v4 =	vadd.f32 v36, v4;
	v2 =	vadd.f32 v24, v2  }
0x1c4: {  	v9 =	vld.idx.msk [tilespmem:v9+s29+$0x0], $0xffff;
	v3 =	vmul.f32 v3, v3;
	v0 =	vadd.f32 v22, v0;
	v1 =	vadd.f32 v46, v1  }
0x1c5: {  	v25 =	vmul.f32 v25, v25;
	v4 =	vadd.f32 v5, v4;
	v49 =	vsub.f32 v23, v57  }
0x1c6: {  	v0 =	vadd.f32 v11, v0;
	v1 =	vadd.f32 v3, v1;
	v11 =	vmul.f32 v18, v18  }
0x1c7: {  	v52 =	vmul.f32 v50, v50;
	v2 =	vadd.f32 v47, v2;
	v4 =	vadd.f32 v25, v4  }
0x1c8: {  	v51 =	vmul.f32 v49, v49;
	v1 =	vadd.f32 v11, v1;
	v11 =	vsub.f32 v15, v14  }
0x1c9: {  	v5 =	vsub.f32 v48, v10;
	v8 =	vsub.f32 v9, v8;
	v3 =	vmul.f32 v54, v54  }
0x1ca: {  	v4 =	vadd.f32 v52, v4;
	v2 =	vadd.f32 v51, v2;
	v10 =	vmul.f32 v11, v11  }
0x1cb: {  	v6 =	vmul.f32 v6, v6;
	v5 =	vmul.f32 v5, v5;
	v0 =	vadd.f32 v53, v0  }
0x1cc: {  	v58 =	vmul.f32 v8, v8;
	v2 =	vadd.f32 v3, v2;
	v4 =	vadd.f32 v10, v4  }
0x1cd: {  	v0 =	vadd.f32 v56, v0;
	v1 =	vadd.f32 v5, v1  }
0x1ce: {  	v2 =	vadd.f32 v58, v2;
	v59 =	vadd.f32 v6, v4;
	_ =	sdelay $0x1  }
0x1cf: {  	v0 =	vadd.f32 v1, v0;
	v60 =	vadd.f32 v59, v2;
	_ =	sdelay $0x1  }
0x1d0: {  	v0 =	vadd.f32 v60, v0;
	_ =	sdelay $0x1  }
0x1d1: {  	v1 =	vshrl.u32 v0, $0x1;
	v61 =	vmul.f32 $5.000000000e-01, v0  }
0x1d2: {  	v1 =	vsub.s32 $0x5F3759DF, v1  }
0x1d3: {  	v62 =	vmul.f32 v1, v61;
	_ =	sdelay $0x1  }
0x1d4: {  	v3 =	vmul.f32 v1, v62;
	_ =	sdelay $0x1  }
0x1d5: {  	v3 =	vsub.f32 $1.500000000e+00, v3;
	_ =	sdelay $0x1  }
0x1d6: {  	v1 =	vmul.f32 v1, v3;
	_ =	sdelay $0x1  }
0x1d7: {  	v3 =	vmul.f32 v1, v61;
	_ =	sdelay $0x1  }
0x1d8: {  	v3 =	vmul.f32 v3, v1;
	_ =	sdelay $0x1  }
0x1d9: {  	v3 =	vsub.f32 $1.500000000e+00, v3;
	_ =	sdelay $0x1  }
0x1da: {  	v1 =	vmul.f32 v3, v1  }
0x1db: {  	v63 =	vld [tilespmem:$0x1FFC0]  }
0x1dc: {  	v57 =	vld [tilespmem:$0x1FFF0];
	v2 =	vmul.f32 v1, v61;
	_ =	sdelay $0x1  }
0x1dd: {  	v2 =	vmul.f32 v2, v1;
	_ =	sdelay $0x1  }
0x1de: {  	v2 =	vsub.f32 $1.500000000e+00, v2  }
0x1df: {  	v3 =	vadd.s32 v57, v63  }
0x1e0: {  	p1 =	seq.s32 s8, $0x200;
	v1 =	vmul.f32 v2, v1  }
.Ltmp1:
0x1e1: {  	_ = 	snop;
	(pc) =	sbr.rel @!p1 .LBB2_6-.Ltmp1, $4  }
0x1e2: {  	v0 =	vmul.f32 v1, v0  }
0x1e3: {  	v11 =	vld [tilespmem:$0x1FFE0]  }
0x1e4: {  	v55 =	vimm.f32 $1.000000000e+00;
	[tilespmem:v3+s31+$0x0] =	vst.idx.add.f32.msk $0xffff, v0  }
0x1e5: {  	s8 =	sadd.s32 $0x80, s8;
	s5 =	sadd.s32 $0x20, s5;
	[tilespmem:v3+s0+$0x0] =	vst.idx.add.f32.msk $0xffff, v55  }
0x1e6: {  	p1 =	seq.s32 s15, s7  }
.Ltmp2:
0x1e7: {  	_ = 	snop;
	(pc) =	sbr.rel @!p1 .LBB2_5-.Ltmp2, $2  }
0x1e8: {  	_ =	sdelay $0x2  }
0x1e9: {  	p0 =	por !p0, !p0  }
0x1ea: {  	s5 =	simm.s32 $0x0  }
0x1eb: {  	v0 =	vld [tilespmem:s5+$0x18B40]  }
0x1ec: {  	v1 =	vld [tilespmem:s5+$0x14B40]  }
0x1ed: {  	v2 =	vld [tilespmem:s5+$0x18F40]  }
0x1ee: {  	v3 =	vld [tilespmem:s5+$0x14F40]  }
0x1ef: {  	v4 =	vld [tilespmem:s5+$0x19340]  }
0x1f0: {  	v5 =	vld [tilespmem:s5+$0x15340];
	v0 =	vadd.f32 $0.0e+00, v0  }
0x1f1: {  	v6 =	vld [tilespmem:s5+$0x19740];
	v1 =	vadd.f32 $0.0e+00, v1  }
0x1f2: {  	v60 =	vld [tilespmem:s5+$0x15740];
	v0 =	vadd.f32 v2, v0  }
0x1f3: {  	v7 =	vld [tilespmem:s5+$0x19B40];
	v1 =	vadd.f32 v3, v1  }
0x1f4: {  	v3 =	vld [tilespmem:s5+$0x15B40];
	v0 =	vadd.f32 v4, v0  }
0x1f5: {  	v4 =	vld [tilespmem:s5+$0x19F40];
	v1 =	vadd.f32 v5, v1  }
0x1f6: {  	v5 =	vld [tilespmem:s5+$0x15F40];
	v0 =	vadd.f32 v6, v0  }
0x1f7: {  	v6 =	vld [tilespmem:s5+$0x1A340];
	v1 =	vadd.f32 v60, v1  }
0x1f8: {  	v61 =	vld [tilespmem:s5+$0x16340];
	v0 =	vadd.f32 v7, v0  }
0x1f9: {  	v7 =	vld [tilespmem:s5+$0x1A740];
	v1 =	vadd.f32 v3, v1  }
0x1fa: {  	v3 =	vld [tilespmem:s5+$0x16740];
	v0 =	vadd.f32 v4, v0  }
0x1fb: {  	v4 =	vld [tilespmem:s5+$0x1AB40];
	v1 =	vadd.f32 v5, v1  }
0x1fc: {  	v5 =	vld [tilespmem:s5+$0x16B40];
	v0 =	vadd.f32 v6, v0  }
0x1fd: {  	v6 =	vld [tilespmem:s5+$0x1AF40];
	v1 =	vadd.f32 v61, v1  }
0x1fe: {  	v62 =	vld [tilespmem:s5+$0x16F40];
	v0 =	vadd.f32 v7, v0  }
0x1ff: {  	v7 =	vld [tilespmem:s5+$0x1B340];
	v1 =	vadd.f32 v3, v1  }
0x200: {  	v3 =	vld [tilespmem:s5+$0x17340];
	v0 =	vadd.f32 v4, v0  }
0x201: {  	v4 =	vld [tilespmem:s5+$0x1B740];
	v1 =	vadd.f32 v5, v1  }
0x202: {  	v0 =	vadd.f32 v6, v0;
	v6 =	vld [tilespmem:s5+$0x17740]  }
0x203: {  	v8 =	vld [tilespmem:s5+$0x1BB40];
	v1 =	vadd.f32 v62, v1  }
0x204: {  	v63 =	vld [tilespmem:s5+$0x17B40];
	v0 =	vadd.f32 v7, v0  }
0x205: {  	v10 =	vld [tilespmem:s5+$0x1BF40];
	v1 =	vadd.f32 v3, v1  }
0x206: {  	v0 =	vadd.f32 v4, v0;
	v4 =	vld [tilespmem:s5+$0x17F40]  }
0x207: {  	v5 =	vld [tilespmem:s5+$0x1C340];
	v1 =	vadd.f32 v6, v1  }
0x208: {  	v6 =	vld [tilespmem:s5+$0x18340];
	v0 =	vadd.f32 v8, v0  }
0x209: {  	v7 =	vld [tilespmem:s5+$0x1C740];
	v9 =	vadd.f32 v63, v1  }
0x20a: {  	s8 =	simm.s32 $0x10;
	s9 =	simm.s32 $0x80;
	v8 =	vld [tilespmem:s5+$0x18740];
	v10 =	vadd.f32 v10, v0  }
.LBB2_8:
0x20b: {  	p0 =	sne.s32 s9, $0xFC0;
	v0 =	vld [tilespmem:s8+$0x18B40];
	v1 =	vadd.f32 v4, v9  }
0x20c: {  	v2 =	vld [tilespmem:s8+$0x14B40];
	v3 =	vadd.f32 v5, v10  }
0x20d: {  	v4 =	vld [tilespmem:s8+$0x18F40];
	v1 =	vadd.f32 v6, v1  }
0x20e: {  	v5 =	vld [tilespmem:s8+$0x14F40];
	v3 =	vadd.f32 v7, v3  }
0x20f: {  	v6 =	vld [tilespmem:s8+$0x19340];
	v1 =	vadd.f32 v8, v1  }
0x210: {  	v0 =	vadd.f32 $0.0e+00, v0;
	v7 =	vld [tilespmem:s8+$0x15340];
	[tilespmem:s5+$0x1CF40] =	vst v3  }
0x211: {  	v2 =	vadd.f32 $0.0e+00, v2;
	v3 =	vld [tilespmem:s8+$0x19740];
	[tilespmem:s5+$0x1CB40] =	vst v1;
	s5 =	smov.u32 s8  }
0x212: {  	v0 =	vadd.f32 v4, v0;
	v1 =	vld [tilespmem:s5+$0x15740]  }
0x213: {  	v2 =	vadd.f32 v5, v2;
	v4 =	vld [tilespmem:s5+$0x19B40]  }
0x214: {  	v0 =	vadd.f32 v6, v0;
	v5 =	vld [tilespmem:s5+$0x15B40]  }
0x215: {  	v2 =	vadd.f32 v7, v2;
	v6 =	vld [tilespmem:s5+$0x19F40]  }
0x216: {  	v0 =	vadd.f32 v3, v0;
	v3 =	vld [tilespmem:s5+$0x15F40]  }
0x217: {  	v1 =	vadd.f32 v1, v2;
	v2 =	vld [tilespmem:s5+$0x1A340]  }
0x218: {  	v0 =	vadd.f32 v4, v0;
	v4 =	vld [tilespmem:s5+$0x16340]  }
0x219: {  	v1 =	vadd.f32 v5, v1;
	v5 =	vld [tilespmem:s5+$0x1A740]  }
0x21a: {  	v0 =	vadd.f32 v6, v0;
	v6 =	vld [tilespmem:s5+$0x16740]  }
0x21b: {  	v1 =	vadd.f32 v3, v1;
	v3 =	vld [tilespmem:s5+$0x1AB40]  }
0x21c: {  	v0 =	vadd.f32 v2, v0;
	v2 =	vld [tilespmem:s5+$0x16B40]  }
0x21d: {  	v1 =	vadd.f32 v4, v1;
	v4 =	vld [tilespmem:s5+$0x1AF40]  }
0x21e: {  	v0 =	vadd.f32 v5, v0;
	v5 =	vld [tilespmem:s5+$0x16F40]  }
0x21f: {  	v1 =	vadd.f32 v6, v1;
	v6 =	vld [tilespmem:s5+$0x1B340]  }
0x220: {  	v0 =	vadd.f32 v3, v0;
	v3 =	vld [tilespmem:s5+$0x17340]  }
0x221: {  	v1 =	vadd.f32 v2, v1;
	v2 =	vld [tilespmem:s5+$0x1B740]  }
0x222: {  	v0 =	vadd.f32 v4, v0;
	v7 =	vld [tilespmem:s5+$0x17740]  }
0x223: {  	v1 =	vadd.f32 v5, v1;
	v8 =	vld [tilespmem:s5+$0x1BB40]  }
0x224: {  	v0 =	vadd.f32 v6, v0;
	v9 =	vld [tilespmem:s5+$0x17B40]  }
0x225: {  	v1 =	vadd.f32 v3, v1;
	v3 =	vld [tilespmem:s5+$0x1BF40]  }
.Ltmp3:
0x226: {  	v0 =	vadd.f32 v2, v0;
	v4 =	vld [tilespmem:s5+$0x17F40];
	(pc) =	sbr.rel @p0 .LBB2_8-.Ltmp3, $4  }
0x227: {  	v1 =	vadd.f32 v7, v1;
	v5 =	vld [tilespmem:s5+$0x1C340]  }
0x228: {  	v0 =	vadd.f32 v8, v0;
	v6 =	vld [tilespmem:s5+$0x18340]  }
0x229: {  	v9 =	vadd.f32 v9, v1;
	v7 =	vld [tilespmem:s5+$0x1C740]  }
0x22a: {  	s8 =	sshra.s32 s9, $0x2;
	s9 =	sadd.s32 $0x40, s9;
	v10 =	vadd.f32 v3, v0;
	v8 =	vld [tilespmem:s5+$0x18740]  }
0x22b: {  	v0 =	vld [tilespmem:s8+$0x18B40];
	v2 =	vadd.f32 v4, v9  }
0x22c: {  	v1 =	vld [tilespmem:s8+$0x14B40];
	v3 =	vadd.f32 v5, v10  }
0x22d: {  	v45 =	vld [tilespmem:s8+$0x18F40];
	v2 =	vadd.f32 v6, v2  }
0x22e: {  	v46 =	vld [tilespmem:s8+$0x14F40];
	v3 =	vadd.f32 v7, v3  }
0x22f: {  	v47 =	vld [tilespmem:s8+$0x19340];
	v2 =	vadd.f32 v8, v2  }
0x230: {  	v48 =	vld [tilespmem:s8+$0x15340];
	[tilespmem:s5+$0x1CF40] =	vst v3;
	v0 =	vadd.f32 $0.0e+00, v0  }
0x231: {  	v1 =	vadd.f32 $0.0e+00, v1;
	v3 =	vld [tilespmem:s8+$0x19740];
	[tilespmem:s5+$0x1CB40] =	vst v2  }
0x232: {  	v0 =	vadd.f32 v45, v0;
	v2 =	vld [tilespmem:s8+$0x15740]  }
0x233: {  	v1 =	vadd.f32 v46, v1;
	v49 =	vld [tilespmem:s8+$0x19B40]  }
0x234: {  	v50 =	vld [tilespmem:s8+$0x15B40];
	v0 =	vadd.f32 v47, v0  }
0x235: {  	v51 =	vld [tilespmem:s8+$0x19F40];
	v1 =	vadd.f32 v48, v1  }
0x236: {  	v0 =	vadd.f32 v3, v0;
	v3 =	vld [tilespmem:s8+$0x15F40]  }
0x237: {  	v1 =	vadd.f32 v2, v1;
	v2 =	vld [tilespmem:s8+$0x1A340]  }
0x238: {  	v52 =	vld [tilespmem:s8+$0x16340];
	v0 =	vadd.f32 v49, v0  }
0x239: {  	v53 =	vld [tilespmem:s8+$0x1A740];
	v1 =	vadd.f32 v50, v1  }
0x23a: {  	v54 =	vld [tilespmem:s8+$0x16740];
	v0 =	vadd.f32 v51, v0  }
0x23b: {  	v1 =	vadd.f32 v3, v1;
	v3 =	vld [tilespmem:s8+$0x1AB40]  }
0x23c: {  	v0 =	vadd.f32 v2, v0;
	v2 =	vld [tilespmem:s8+$0x16B40]  }
0x23d: {  	v55 =	vld [tilespmem:s8+$0x1AF40];
	v1 =	vadd.f32 v52, v1  }
0x23e: {  	v56 =	vld [tilespmem:s8+$0x16F40];
	v0 =	vadd.f32 v53, v0  }
0x23f: {  	v57 =	vld [tilespmem:s8+$0x1B340];
	v1 =	vadd.f32 v54, v1  }
0x240: {  	v0 =	vadd.f32 v3, v0;
	v3 =	vld [tilespmem:s8+$0x17340]  }
0x241: {  	v1 =	vadd.f32 v2, v1;
	v2 =	vld [tilespmem:s8+$0x1B740]  }
0x242: {  	v58 =	vld [tilespmem:s8+$0x17740];
	v0 =	vadd.f32 v55, v0  }
0x243: {  	v59 =	vld [tilespmem:s8+$0x1BB40];
	v1 =	vadd.f32 v56, v1  }
0x244: {  	v60 =	vld [tilespmem:s8+$0x17B40];
	v0 =	vadd.f32 v57, v0  }
0x245: {  	v1 =	vadd.f32 v3, v1;
	v3 =	vld [tilespmem:s8+$0x1BF40]  }
0x246: {  	v0 =	vadd.f32 v2, v0;
	v2 =	vld [tilespmem:s8+$0x17F40]  }
0x247: {  	v61 =	vld [tilespmem:s8+$0x1C340];
	v1 =	vadd.f32 v58, v1  }
0x248: {  	v62 =	vld [tilespmem:s8+$0x18340];
	v0 =	vadd.f32 v59, v0  }
0x249: {  	v63 =	vld [tilespmem:s8+$0x1C740];
	v1 =	vadd.f32 v60, v1  }
0x24a: {  	v0 =	vadd.f32 v3, v0;
	v3 =	vld [tilespmem:s8+$0x18740]  }
0x24b: {  	v1 =	vadd.f32 v2, v1  }
0x24c: {  	v0 =	vadd.f32 v61, v0  }
0x24d: {  	v1 =	vadd.f32 v62, v1  }
0x24e: {  	v0 =	vadd.f32 v63, v0  }
0x24f: {  	v1 =	vadd.f32 v3, v1  }
0x250: {  	[tilespmem:s8+$0x1CF40] =	vst v0  }
0x251: {  	s9 =	rddreg [dreg:$0x6];
	s10 =	simm.s32 $0x1CB40;
	[tilespmem:s8+$0x1CB40] =	vst v1  }
0x252: {  	[hbm4b:s9+s3] =	stream.linear.scatter [tilespmem:s10], [sflag:$0x3], $0x400, $0x38;
	[tilespmem:$0x1D340] =	vst v63  }
0x253: {  	_ =	swait.ge [sflag:s13], $0x400  }
0x254: {  	[sflag:s13] =	ssyncset.done $0x0  }
0x255: {  	s12 =	simm.s32 $0x1CF40;
	s11 =	rddreg [dreg:$0x7];
	[sflag:s13] =	ssyncadd.s32 $0xFFFFFC00  }
0x256: {  	[hbm4b:s11+s3] =	stream.linear.scatter [tilespmem:s12], [sflag:$0x3], $0x400, $0x38;
	[tilespmem:$0x1D340] =	vst v63  }
0x257: {  	_ =	swait.ge [sflag:s13], $0x400  }
0x258: {  	s2 =	sadd.s32 $0x1, s2;
	s15 =	rddreg [dreg:$0x8]  }
0x259: {  	p0 =	sne.s32 s2, s15  }
.Ltmp4:
0x25a: {  	_ = 	snop;
	(pc) =	sbr.rel @p0 .LBB2_1-.Ltmp4, $3  }
0x25b: {  	_ =	sdelay $0x1  }
0x25c: {  	[sflag:s13] =	ssyncset.done $0x0  }
0x25d: {  	v0 =	vimm.f32 $0.0e+00;
	[sflag:s13] =	ssyncadd.s32 $0xFFFFFC00  }
0x25e: {  	_ =	sfence.sel $0x180000  }
0x25f: {  	[bflag:$0x0] =	sbarrier.arrive $0xFFFF  }
0x260: {  	_ =	strace $0x90000047  }
0x261: {  	s0 =	stileid.u32;
	[bflag:$0x2] =	sbarrier.arrive $0xFFFF  }
0x262: {  	p0 =	sne.s32 s0, $0x0;
	s0 =	rddreg [dreg:$0x2]  }
0x263: {  	s0 =	sadd.s32 @!p0 $0x100000, s0  }
0x264: {  	[sflag:s0] =	ssyncadd.tile.s32 @!p0 $0x1;
	_ =	shalt  }
.Lfunc_end2:
_tile_overlayer_lowered:
.L_overlay_start_2:
0x265: {  	(tag) =	ssettag $0x2  }
0x266: {  	s0 =	rddreg [dreg:$0x0];
	s2 =	stileid.u32  }
0x267: {  	s1 =	rddreg [dreg:$0x1];
	p0 =	sne.s32 s2, $0x0  }
0x268: {  	s3 =	rddreg [dreg:$0x2];
	[bflag:$0x3] =	sbarrier.arrive $0xFFFF;
	s2 =	simm.s32 @!p0 $0x1C03  }
0x269: {  	[timem:s3], [sflag:s2] =	dma.local @!p0 [hbm:s0], s1  }
0x26a: {  	s0 =	simm.s32 @!p0 $0x3  }
0x26b: {  	_ =	swait.ge @!p0 [sflag:s0], s1  }
0x26c: {  	s1 =	ssub.s32 @!p0 $0x0, s1;
	[sflag:s0] =	ssyncset.done @!p0 $0x0  }
0x26d: {  	[sflag:s0] =	ssyncadd.s32 @!p0 s1  }
0x26e: {  	[bflag:$0x3] =	sbarrier.arrive $0xFFFF  }
0x26f: {  	_ =	shalt  }

</sc_bundles>
